<compile_context>
chip_gen: v7x
topology: tpu7x:2x2x1
jax: 0.10.2.dev20260603
libtpu: 0.0.44.dev20260713+nightly
codegen_flags: <defaults>
</compile_context>

<pallas_src>
import functools

import jax
import jax.numpy as jnp
from jax import lax
from jax.experimental import pallas as pl
from jax.experimental.pallas import tpu as pltpu
from jax.experimental.pallas import tpu_sc as plsc

NC = 2
NS = 16
NW = NC * NS
K = 128
K2 = 64
FAST_CORE = 0
FAST_FRAC = 7


def _deg_hist_sc(dst2d, zeros1, ones, n_pad, ncw):
    rt = n_pad // NS
    kd = 8
    mesh = plsc.VectorSubcoreMesh(core_axis_name="c", subcore_axis_name="s")

    @functools.partial(
        pl.kernel, mesh=mesh,
        out_type=jax.ShapeDtypeStruct((NC * n_pad,), jnp.float32),
        scratch_types=[
            pltpu.VMEM((ncw, K), jnp.int32),
            pltpu.VMEM((K,), jnp.float32),
            pltpu.VMEM((rt,), jnp.float32),
            pltpu.VMEM_SHARED((n_pad,), jnp.float32),
            pltpu.SemaphoreType.DMA,
        ],
    )
    def k(dst_hbm, z_hbm, ones_hbm, out_hbm, dstv, ones_v, buf_v, acc_sh, sem):
        c = lax.axis_index("c")
        s = lax.axis_index("s")
        w = s * NC + c
        pltpu.sync_copy(z_hbm, buf_v)
        pltpu.sync_copy(buf_v, acc_sh.at[pl.ds(s * rt, rt)])
        pltpu.sync_copy(ones_hbm, ones_v)
        pltpu.sync_copy(dst_hbm.at[pl.ds(w * ncw, ncw)], dstv)
        plsc.subcore_barrier()

        def body(jj, carry):
            for b in range(kd):
                pltpu.async_copy(ones_v, acc_sh.at[dstv.at[jj * kd + b]],
                                 sem, add=True)
            for b in range(kd):
                pltpu.make_async_copy(ones_v, acc_sh.at[dstv.at[0]], sem).wait()
            return carry

        lax.fori_loop(0, ncw // kd, body, 0)
        plsc.subcore_barrier()
        pltpu.sync_copy(acc_sh.at[pl.ds(s * rt, rt)], buf_v)
        pltpu.sync_copy(buf_v, out_hbm.at[pl.ds(c * n_pad + s * rt, rt)])

    return k(dst2d, zeros1, ones)


def _segsum_sc(src2d, dst2d, y, zeros2, n_pad, d, nchunks):
    rt = n_pad // NS
    per_pair = nchunks // NS
    ncw2 = per_pair // 8
    nout2 = ncw2 // 4
    ncw_fast = FAST_FRAC * ncw2
    ncw_slow = (8 - FAST_FRAC) * ncw2
    mesh = plsc.VectorSubcoreMesh(core_axis_name="c", subcore_axis_name="s")

    @functools.partial(
        pl.kernel, mesh=mesh,
        out_type=jax.ShapeDtypeStruct((NC * n_pad, d), jnp.float32),
        scratch_types=[
            pltpu.VMEM((ncw2, K2), jnp.int32),
            pltpu.VMEM((ncw2, K2), jnp.int32),
            pltpu.VMEM((K2, d), jnp.float32),
            pltpu.VMEM((K2, d), jnp.float32),
            pltpu.VMEM((K2, d), jnp.float32),
            pltpu.VMEM((K2, d), jnp.float32),
            pltpu.VMEM_SHARED((n_pad, d), jnp.float32),
            pltpu.SemaphoreType.DMA,
            pltpu.SemaphoreType.DMA,
            pltpu.SemaphoreType.DMA,
            pltpu.SemaphoreType.DMA,
            pltpu.SemaphoreType.DMA,
            pltpu.SemaphoreType.DMA,
            pltpu.SemaphoreType.DMA,
            pltpu.SemaphoreType.DMA,
        ],
    )
    def k(src_hbm, dst_hbm, y_hbm, z_hbm, out_hbm, srcv, dstv,
          r0, r1, r2, r3, acc_sh, g0, g1, g2, g3, s0, s1, s2, s3):
        rows = (r0, r1, r2, r3)
        gsem = (g0, g1, g2, g3)
        ssem = (s0, s1, s2, s3)
        c = lax.axis_index("c")
        s = lax.axis_index("s")
        is_fast = c == FAST_CORE
        my_nphase = jnp.where(is_fast, FAST_FRAC, 8 - FAST_FRAC)
        base = jnp.where(is_fast, s * ncw_fast,
                         NS * ncw_fast + s * ncw_slow)

        pltpu.sync_copy(z_hbm, r0)
        for jz in range(rt // K2):
            pltpu.sync_copy(r0, acc_sh.at[pl.ds(s * rt + jz * K2, K2)])
        plsc.subcore_barrier()

        for h in range(max(FAST_FRAC, 8 - FAST_FRAC)):

            @pl.when(h < my_nphase)
            def _():
                hb = base + h * ncw2
                pltpu.sync_copy(src_hbm.at[pl.ds(hb, ncw2)], srcv)
                pltpu.sync_copy(dst_hbm.at[pl.ds(hb, ncw2)], dstv)
                pltpu.async_copy(y_hbm.at[srcv.at[0]], r0, g0)
                pltpu.async_copy(y_hbm.at[srcv.at[1]], r1, g1)

                def body(jj, carry):
                    for b in range(4):
                        j = jj * 4 + b
                        nb = (b + 2) % 4
                        pltpu.make_async_copy(y_hbm.at[srcv.at[0]], rows[b],
                                              gsem[b]).wait()
                        pltpu.async_copy(rows[b], acc_sh.at[dstv.at[j]],
                                         ssem[b], add=True)
                        if b < 2:
                            @pl.when(jj > 0)
                            def _():
                                pltpu.make_async_copy(
                                    rows[nb], acc_sh.at[dstv.at[0]],
                                    ssem[nb]).wait()
                            pltpu.async_copy(y_hbm.at[srcv.at[j + 2]],
                                             rows[nb], gsem[nb])
                        else:
                            @pl.when(jj < nout2 - 1)
                            def _():
                                pltpu.make_async_copy(
                                    rows[nb], acc_sh.at[dstv.at[0]],
                                    ssem[nb]).wait()
                                pltpu.async_copy(y_hbm.at[srcv.at[j + 2]],
                                                 rows[nb], gsem[nb])
                    return carry

                lax.fori_loop(0, nout2, body, 0)
                pltpu.make_async_copy(r0, acc_sh.at[dstv.at[0]], s0).wait()
                pltpu.make_async_copy(r1, acc_sh.at[dstv.at[0]], s1).wait()
                pltpu.make_async_copy(r2, acc_sh.at[dstv.at[0]], s2).wait()
                pltpu.make_async_copy(r3, acc_sh.at[dstv.at[0]], s3).wait()

        plsc.subcore_barrier()

        for jz in range(rt // K2):
            pltpu.sync_copy(acc_sh.at[pl.ds(s * rt + jz * K2, K2)], r0)
            pltpu.sync_copy(
                r0, out_hbm.at[pl.ds(c * n_pad + s * rt + jz * K2, K2)])

    return k(src2d, dst2d, y, zeros2)


def _y_tc(onehot, w_mat, p0, p1, n, d, rows):

    def body(x_ref, w_ref, p0_ref, p1_ref, y_ref):
        xw = jnp.dot(x_ref[...], w_ref[...], preferred_element_type=jnp.float32)
        dinv = lax.rsqrt(p0_ref[...] + p1_ref[...] + 1.0)
        y_ref[...] = xw * dinv

    return pl.pallas_call(
        body,
        grid=(n // rows,),
        in_specs=[
            pl.BlockSpec((rows, d), lambda i: (i, 0)),
            pl.BlockSpec((d, d), lambda i: (0, 0)),
            pl.BlockSpec((rows, 1), lambda i: (i, 0)),
            pl.BlockSpec((rows, 1), lambda i: (i, 0)),
        ],
        out_specs=pl.BlockSpec((rows, d), lambda i: (i, 0)),
        out_shape=jax.ShapeDtypeStruct((n, d), jnp.float32),
    )(onehot, w_mat, p0, p1)


def _finish_tc(a0, a1, y, p0, p1, bias, n, d, rows):

    def body(a0_ref, a1_ref, y_ref, p0_ref, p1_ref, b_ref, o_ref):
        dinv = lax.rsqrt(p0_ref[...] + p1_ref[...] + 1.0)
        z = (a0_ref[...] + a1_ref[...] + y_ref[...]) * dinv + b_ref[...]
        z = jnp.maximum(z, 0.0)
        m = jnp.max(z, axis=1, keepdims=True)
        ez = jnp.exp(z - m)
        o_ref[...] = ez / jnp.sum(ez, axis=1, keepdims=True)

    return pl.pallas_call(
        body,
        grid=(n // rows,),
        in_specs=[
            pl.BlockSpec((rows, d), lambda i: (i, 0)),
            pl.BlockSpec((rows, d), lambda i: (i, 0)),
            pl.BlockSpec((rows, d), lambda i: (i, 0)),
            pl.BlockSpec((rows, 1), lambda i: (i, 0)),
            pl.BlockSpec((rows, 1), lambda i: (i, 0)),
            pl.BlockSpec((1, d), lambda i: (0, 0)),
        ],
        out_specs=pl.BlockSpec((rows, d), lambda i: (i, 0)),
        out_shape=jax.ShapeDtypeStruct((n, d), jnp.float32),
    )(a0, a1, y, p0, p1, bias)


def kernel(onehot, edge_index, W, b):
    n, d = onehot.shape
    e = edge_index.shape[1]
    n_pad = -(-n // (NW * 8)) * NW * 8
    ncw_deg = -(-(-(-e // (NW * K))) // 8) * 8
    ncw_seg = ncw_deg * (K // K2)
    e_pad = NW * ncw_deg * K
    src = edge_index[0]
    dst = edge_index[1]
    src_p = jnp.concatenate([src, jnp.zeros((e_pad - e,), jnp.int32)])
    dst_p = jnp.concatenate([dst, jnp.full((e_pad - e,), n_pad - 1, jnp.int32)])

    zeros1 = jnp.zeros((n_pad // NS,), jnp.float32)
    zeros2 = jnp.zeros((K2, d), jnp.float32)
    ones = jnp.ones((K,), jnp.float32)

    degp = _deg_hist_sc(dst_p.reshape(NW * ncw_deg, K), zeros1, ones,
                        n_pad, ncw_deg)
    p0 = degp[:n][:, None]
    p1 = degp[n_pad:n_pad + n][:, None]
    y = _y_tc(onehot, W, p0, p1, n, d, rows=1000)
    accp = _segsum_sc(src_p.reshape(NW * ncw_seg, K2),
                      dst_p.reshape(NW * ncw_seg, K2),
                      y, zeros2, n_pad, d, NW * ncw_seg)
    return _finish_tc(accp[:n], accp[n_pad:n_pad + n], y, p0, p1,
                      b.reshape(1, d), n, d, rows=1000)

# --- scband reference (transcript-rebuilt; emitter-appended) ---
"""Pipeline reference for scband-gcn-influence-52003464020718 (READ-ONLY COPY).

The authoritative reference and input builder live on the scoring server;
editing this copy changes nothing except your own understanding.
"""

import jax, jax.numpy as jnp
import numpy as np

N = 10000
E = 320000
D = 128
GCN_LAYERS = 4


def setup_inputs(seed: int = 0) -> dict:
    key = jax.random.key(seed)
    k1, k2, k3 = jax.random.split(key, 3)
    onehot = jax.random.normal(k1, (N, D), dtype=jnp.float32)
    edge_index = jax.random.randint(k2, (2, E), 0, N, dtype=jnp.int32)
    # GCNConv learned parameters (glorot-style init for weight, zeros for bias)
    W = jax.random.normal(k3, (D, D), dtype=jnp.float32) * (1.0 / np.sqrt(D))
    b = jnp.zeros((D,), dtype=jnp.float32)
    return {"onehot": onehot, "edge_index": edge_index, "W": W, "b": b}


def gcn_conv(x, edge_index, W, b):
    # PyG GCNConv with default add_self_loops=True, normalize=True:
    # out = D^{-1/2} (A + I) D^{-1/2} X W + b
    src = edge_index[0]
    dst = edge_index[1]
    loop = jnp.arange(N, dtype=src.dtype)
    src = jnp.concatenate([src, loop])
    dst = jnp.concatenate([dst, loop])
    deg = jnp.zeros((N,), dtype=jnp.float32).at[dst].add(1.0)
    dinv = jax.lax.rsqrt(jnp.maximum(deg, 1e-12))
    norm = dinv[src] * dinv[dst]
    xw = x @ W
    msg = xw[src] * norm[:, None]
    out = jnp.zeros((N, D), dtype=jnp.float32).at[dst].add(msg)
    return out + b


def reference(onehot, edge_index, W, b):
    # Faithful to the original forward: every iteration re-applies the SAME
    # GCNConv to `onehot` (not to x), so the loop output equals one application.
    x = onehot
    for _ in range(GCN_LAYERS):
        x = jax.nn.relu(gcn_conv(onehot, edge_index, W, b))
    return jax.nn.softmax(x, axis=1)

if __name__ == "__main__":
    import jax
    _d = setup_inputs()
    print(jax.jit(kernel)(*tuple(_d.values())))

</pallas_src>

<mosaic_0001>
#map = affine_map<(d0, d1) -> (0, 0)>
#map1 = affine_map<(d0, d1) -> (0)>
module attributes {stable_mosaic.version = 14 : i64} {
  func.func @k(%arg0: i32, %arg1: i32, %arg2: memref<2560x128xi32, #tpu.memory_space<hbm>>, %arg3: memref<640xf32, #tpu.memory_space<hbm>>, %arg4: memref<128xf32, #tpu.memory_space<hbm>>, %arg5: memref<20480xf32, #tpu.memory_space<hbm>>, %arg6: memref<80x128xi32, #tpu.memory_space<vmem>>, %arg7: memref<128xf32, #tpu.memory_space<vmem>>, %arg8: memref<640xf32, #tpu.memory_space<vmem>>, %arg9: memref<10240xf32, #tpu.memory_space<vmem_shared>>, %arg10: memref<!tpu.dma_semaphore, #tpu.memory_space<semaphore_mem>>) attributes {dimension_semantics = [#tpu.dimension_semantics<core_parallel>, #tpu.dimension_semantics<subcore_parallel>], iteration_bounds = array<i64: 2, 16>, scalar_prefetch = 0 : i64, scratch_operands = 5 : i64, tpu.core_type = #tpu.core_type<sc_vector_subcore>, window_params = [{transform_indices = #map}, {transform_indices = #map1}, {transform_indices = #map1}, {transform_indices = #map1}]} {
    %mul3A = arith.constant 2 : i32
    %mul3A_0 = arith.muli %arg1, %mul3A : i32
    %add3A = arith.addi %mul3A_0, %arg0 : i32
    "tpu.region"() ({
      %run_scoped3A = tpu.sem_alloc : memref<!tpu.dma_semaphore, #tpu.memory_space<semaphore_mem>>
      tpu.enqueue_dma source(%arg3 : memref<640xf32, #tpu.memory_space<hbm>>) target(%arg8 : memref<640xf32, #tpu.memory_space<vmem>>) target_semaphore(%run_scoped3A : memref<!tpu.dma_semaphore, #tpu.memory_space<semaphore_mem>>)
      tpu.wait_dma2 semaphore(%run_scoped3A : memref<!tpu.dma_semaphore, #tpu.memory_space<semaphore_mem>>) src(%arg3 : memref<640xf32, #tpu.memory_space<hbm>>) dst(%arg8 : memref<640xf32, #tpu.memory_space<vmem>>)
      tpu.yield
    }) : () -> ()
    %mul3A_1 = arith.constant 640 : i32
    %mul3A_2 = arith.muli %arg1, %mul3A_1 : i32
    "tpu.region"() ({
      %run_scoped3A = tpu.sem_alloc : memref<!tpu.dma_semaphore, #tpu.memory_space<semaphore_mem>>
      %dma_start3A = tpu.memref_slice %arg9[%mul3A_2] : memref<10240xf32, #tpu.memory_space<vmem_shared>> -> memref<640xf32, #tpu.memory_space<vmem_shared>>
      %dma_start3A_18 = tpu.memref_slice %arg9[%mul3A_2] : memref<10240xf32, #tpu.memory_space<vmem_shared>> -> memref<640xf32, #tpu.memory_space<vmem_shared>>
      tpu.enqueue_dma source(%arg8 : memref<640xf32, #tpu.memory_space<vmem>>) target(%dma_start3A_18 : memref<640xf32, #tpu.memory_space<vmem_shared>>) target_semaphore(%run_scoped3A : memref<!tpu.dma_semaphore, #tpu.memory_space<semaphore_mem>>)
      %dma_wait3A = tpu.memref_slice %arg9[%mul3A_2] : memref<10240xf32, #tpu.memory_space<vmem_shared>> -> memref<640xf32, #tpu.memory_space<vmem_shared>>
      %dma_wait3A_19 = tpu.memref_slice %arg9[%mul3A_2] : memref<10240xf32, #tpu.memory_space<vmem_shared>> -> memref<640xf32, #tpu.memory_space<vmem_shared>>
      tpu.wait_dma2 semaphore(%run_scoped3A : memref<!tpu.dma_semaphore, #tpu.memory_space<semaphore_mem>>) src(%arg8 : memref<640xf32, #tpu.memory_space<vmem>>) dst(%dma_wait3A_19 : memref<640xf32, #tpu.memory_space<vmem_shared>>)
      tpu.yield
    }) : () -> ()
    "tpu.region"() ({
      %run_scoped3A = tpu.sem_alloc : memref<!tpu.dma_semaphore, #tpu.memory_space<semaphore_mem>>
      tpu.enqueue_dma source(%arg4 : memref<128xf32, #tpu.memory_space<hbm>>) target(%arg7 : memref<128xf32, #tpu.memory_space<vmem>>) target_semaphore(%run_scoped3A : memref<!tpu.dma_semaphore, #tpu.memory_space<semaphore_mem>>)
      tpu.wait_dma2 semaphore(%run_scoped3A : memref<!tpu.dma_semaphore, #tpu.memory_space<semaphore_mem>>) src(%arg4 : memref<128xf32, #tpu.memory_space<hbm>>) dst(%arg7 : memref<128xf32, #tpu.memory_space<vmem>>)
      tpu.yield
    }) : () -> ()
    %mul3A_3 = arith.constant 80 : i32
    %mul3A_4 = arith.muli %add3A, %mul3A_3 : i32
    "tpu.region"() ({
      %run_scoped3A = tpu.sem_alloc : memref<!tpu.dma_semaphore, #tpu.memory_space<semaphore_mem>>
      %dma_start3A = arith.constant 0 : i32
      %dma_start3A_18 = tpu.memref_slice %arg2[%mul3A_4, %dma_start3A] : memref<2560x128xi32, #tpu.memory_space<hbm>> -> memref<80x128xi32, #tpu.memory_space<hbm>>
      %dma_start3A_19 = arith.constant 0 : i32
      %dma_start3A_20 = tpu.memref_slice %arg2[%mul3A_4, %dma_start3A_19] : memref<2560x128xi32, #tpu.memory_space<hbm>> -> memref<80x128xi32, #tpu.memory_space<hbm>>
      tpu.enqueue_dma source(%dma_start3A_20 : memref<80x128xi32, #tpu.memory_space<hbm>>) target(%arg6 : memref<80x128xi32, #tpu.memory_space<vmem>>) target_semaphore(%run_scoped3A : memref<!tpu.dma_semaphore, #tpu.memory_space<semaphore_mem>>)
      %dma_wait3A = arith.constant 0 : i32
      %dma_wait3A_21 = tpu.memref_slice %arg2[%mul3A_4, %dma_wait3A] : memref<2560x128xi32, #tpu.memory_space<hbm>> -> memref<80x128xi32, #tpu.memory_space<hbm>>
      %dma_wait3A_22 = arith.constant 0 : i32
      %dma_wait3A_23 = tpu.memref_slice %arg2[%mul3A_4, %dma_wait3A_22] : memref<2560x128xi32, #tpu.memory_space<hbm>> -> memref<80x128xi32, #tpu.memory_space<hbm>>
      tpu.wait_dma2 semaphore(%run_scoped3A : memref<!tpu.dma_semaphore, #tpu.memory_space<semaphore_mem>>) src(%dma_wait3A_23 : memref<80x128xi32, #tpu.memory_space<hbm>>) dst(%arg6 : memref<80x128xi32, #tpu.memory_space<vmem>>)
      tpu.yield
    }) : () -> ()
    %barrier3A = arith.constant 0 : index
    tpu.barrier barrier_id(%barrier3A)
    %scan3A = arith.constant 0 : i32
    %scan3A_5 = arith.constant 0 : i32
    %scan3A_6 = arith.constant 10 : i32
    %scan3A_7 = arith.addi %scan3A_5, %scan3A_6 : i32
    %scan3A_8 = arith.constant 1 : i32
    scf.for %scan3A_18 = %scan3A_5 to %scan3A_7 step %scan3A_8  : i32 {
      %mul3A_19 = arith.constant 8 : i32
      %mul3A_20 = arith.muli %scan3A_18, %mul3A_19 : i32
      %add3A_21 = arith.constant 0 : i32
      %add3A_22 = arith.addi %mul3A_20, %add3A_21 : i32
      %dma_start3A = arith.constant 0 : i32
      %dma_start3A_23 = tpu.memref_slice %arg6[%add3A_22, %dma_start3A] : memref<80x128xi32, #tpu.memory_space<vmem>> -> memref<1x128xi32, #tpu.memory_space<vmem>>
      %dma_start3A_24 = tpu.memref_squeeze %dma_start3A_23 : memref<1x128xi32, #tpu.memory_space<vmem>> -> memref<128xi32, #tpu.memory_space<vmem>>
      %dma_start3A_25 = arith.constant 0 : i32
      %dma_start3A_26 = tpu.memref_slice %arg9[%dma_start3A_25] : memref<10240xf32, #tpu.memory_space<vmem_shared>> -> memref<10240xf32, #tpu.memory_space<vmem_shared>>
      tpu.enqueue_indirect_dma source(%arg7 : memref<128xf32, #tpu.memory_space<vmem>>) target(%dma_start3A_26 : memref<10240xf32, #tpu.memory_space<vmem_shared>>) offsets(%dma_start3A_24 : memref<128xi32, #tpu.memory_space<vmem>>) semaphore(%arg10 : memref<!tpu.dma_semaphore, #tpu.memory_space<semaphore_mem>>) {add = true}
      %mul3A_27 = arith.constant 8 : i32
      %mul3A_28 = arith.muli %scan3A_18, %mul3A_27 : i32
      %add3A_29 = arith.constant 1 : i32
      %add3A_30 = arith.addi %mul3A_28, %add3A_29 : i32
      %dma_start3A_31 = arith.constant 0 : i32
      %dma_start3A_32 = tpu.memref_slice %arg6[%add3A_30, %dma_start3A_31] : memref<80x128xi32, #tpu.memory_space<vmem>> -> memref<1x128xi32, #tpu.memory_space<vmem>>
      %dma_start3A_33 = tpu.memref_squeeze %dma_start3A_32 : memref<1x128xi32, #tpu.memory_space<vmem>> -> memref<128xi32, #tpu.memory_space<vmem>>
      %dma_start3A_34 = arith.constant 0 : i32
      %dma_start3A_35 = tpu.memref_slice %arg9[%dma_start3A_34] : memref<10240xf32, #tpu.memory_space<vmem_shared>> -> memref<10240xf32, #tpu.memory_space<vmem_shared>>
      tpu.enqueue_indirect_dma source(%arg7 : memref<128xf32, #tpu.memory_space<vmem>>) target(%dma_start3A_35 : memref<10240xf32, #tpu.memory_space<vmem_shared>>) offsets(%dma_start3A_33 : memref<128xi32, #tpu.memory_space<vmem>>) semaphore(%arg10 : memref<!tpu.dma_semaphore, #tpu.memory_space<semaphore_mem>>) {add = true}
      %mul3A_36 = arith.constant 8 : i32
      %mul3A_37 = arith.muli %scan3A_18, %mul3A_36 : i32
      %add3A_38 = arith.constant 2 : i32
      %add3A_39 = arith.addi %mul3A_37, %add3A_38 : i32
      %dma_start3A_40 = arith.constant 0 : i32
      %dma_start3A_41 = tpu.memref_slice %arg6[%add3A_39, %dma_start3A_40] : memref<80x128xi32, #tpu.memory_space<vmem>> -> memref<1x128xi32, #tpu.memory_space<vmem>>
      %dma_start3A_42 = tpu.memref_squeeze %dma_start3A_41 : memref<1x128xi32, #tpu.memory_space<vmem>> -> memref<128xi32, #tpu.memory_space<vmem>>
      %dma_start3A_43 = arith.constant 0 : i32
      %dma_start3A_44 = tpu.memref_slice %arg9[%dma_start3A_43] : memref<10240xf32, #tpu.memory_space<vmem_shared>> -> memref<10240xf32, #tpu.memory_space<vmem_shared>>
      tpu.enqueue_indirect_dma source(%arg7 : memref<128xf32, #tpu.memory_space<vmem>>) target(%dma_start3A_44 : memref<10240xf32, #tpu.memory_space<vmem_shared>>) offsets(%dma_start3A_42 : memref<128xi32, #tpu.memory_space<vmem>>) semaphore(%arg10 : memref<!tpu.dma_semaphore, #tpu.memory_space<semaphore_mem>>) {add = true}
      %mul3A_45 = arith.constant 8 : i32
      %mul3A_46 = arith.muli %scan3A_18, %mul3A_45 : i32
      %add3A_47 = arith.constant 3 : i32
      %add3A_48 = arith.addi %mul3A_46, %add3A_47 : i32
      %dma_start3A_49 = arith.constant 0 : i32
      %dma_start3A_50 = tpu.memref_slice %arg6[%add3A_48, %dma_start3A_49] : memref<80x128xi32, #tpu.memory_space<vmem>> -> memref<1x128xi32, #tpu.memory_space<vmem>>
      %dma_start3A_51 = tpu.memref_squeeze %dma_start3A_50 : memref<1x128xi32, #tpu.memory_space<vmem>> -> memref<128xi32, #tpu.memory_space<vmem>>
      %dma_start3A_52 = arith.constant 0 : i32
      %dma_start3A_53 = tpu.memref_slice %arg9[%dma_start3A_52] : memref<10240xf32, #tpu.memory_space<vmem_shared>> -> memref<10240xf32, #tpu.memory_space<vmem_shared>>
      tpu.enqueue_indirect_dma source(%arg7 : memref<128xf32, #tpu.memory_space<vmem>>) target(%dma_start3A_53 : memref<10240xf32, #tpu.memory_space<vmem_shared>>) offsets(%dma_start3A_51 : memref<128xi32, #tpu.memory_space<vmem>>) semaphore(%arg10 : memref<!tpu.dma_semaphore, #tpu.memory_space<semaphore_mem>>) {add = true}
      %mul3A_54 = arith.constant 8 : i32
      %mul3A_55 = arith.muli %scan3A_18, %mul3A_54 : i32
      %add3A_56 = arith.constant 4 : i32
      %add3A_57 = arith.addi %mul3A_55, %add3A_56 : i32
      %dma_start3A_58 = arith.constant 0 : i32
      %dma_start3A_59 = tpu.memref_slice %arg6[%add3A_57, %dma_start3A_58] : memref<80x128xi32, #tpu.memory_space<vmem>> -> memref<1x128xi32, #tpu.memory_space<vmem>>
      %dma_start3A_60 = tpu.memref_squeeze %dma_start3A_59 : memref<1x128xi32, #tpu.memory_space<vmem>> -> memref<128xi32, #tpu.memory_space<vmem>>
      %dma_start3A_61 = arith.constant 0 : i32
      %dma_start3A_62 = tpu.memref_slice %arg9[%dma_start3A_61] : memref<10240xf32, #tpu.memory_space<vmem_shared>> -> memref<10240xf32, #tpu.memory_space<vmem_shared>>
      tpu.enqueue_indirect_dma source(%arg7 : memref<128xf32, #tpu.memory_space<vmem>>) target(%dma_start3A_62 : memref<10240xf32, #tpu.memory_space<vmem_shared>>) offsets(%dma_start3A_60 : memref<128xi32, #tpu.memory_space<vmem>>) semaphore(%arg10 : memref<!tpu.dma_semaphore, #tpu.memory_space<semaphore_mem>>) {add = true}
      %mul3A_63 = arith.constant 8 : i32
      %mul3A_64 = arith.muli %scan3A_18, %mul3A_63 : i32
      %add3A_65 = arith.constant 5 : i32
      %add3A_66 = arith.addi %mul3A_64, %add3A_65 : i32
      %dma_start3A_67 = arith.constant 0 : i32
      %dma_start3A_68 = tpu.memref_slice %arg6[%add3A_66, %dma_start3A_67] : memref<80x128xi32, #tpu.memory_space<vmem>> -> memref<1x128xi32, #tpu.memory_space<vmem>>
      %dma_start3A_69 = tpu.memref_squeeze %dma_start3A_68 : memref<1x128xi32, #tpu.memory_space<vmem>> -> memref<128xi32, #tpu.memory_space<vmem>>
      %dma_start3A_70 = arith.constant 0 : i32
      %dma_start3A_71 = tpu.memref_slice %arg9[%dma_start3A_70] : memref<10240xf32, #tpu.memory_space<vmem_shared>> -> memref<10240xf32, #tpu.memory_space<vmem_shared>>
      tpu.enqueue_indirect_dma source(%arg7 : memref<128xf32, #tpu.memory_space<vmem>>) target(%dma_start3A_71 : memref<10240xf32, #tpu.memory_space<vmem_shared>>) offsets(%dma_start3A_69 : memref<128xi32, #tpu.memory_space<vmem>>) semaphore(%arg10 : memref<!tpu.dma_semaphore, #tpu.memory_space<semaphore_mem>>) {add = true}
      %mul3A_72 = arith.constant 8 : i32
      %mul3A_73 = arith.muli %scan3A_18, %mul3A_72 : i32
      %add3A_74 = arith.constant 6 : i32
      %add3A_75 = arith.addi %mul3A_73, %add3A_74 : i32
      %dma_start3A_76 = arith.constant 0 : i32
      %dma_start3A_77 = tpu.memref_slice %arg6[%add3A_75, %dma_start3A_76] : memref<80x128xi32, #tpu.memory_space<vmem>> -> memref<1x128xi32, #tpu.memory_space<vmem>>
      %dma_start3A_78 = tpu.memref_squeeze %dma_start3A_77 : memref<1x128xi32, #tpu.memory_space<vmem>> -> memref<128xi32, #tpu.memory_space<vmem>>
      %dma_start3A_79 = arith.constant 0 : i32
      %dma_start3A_80 = tpu.memref_slice %arg9[%dma_start3A_79] : memref<10240xf32, #tpu.memory_space<vmem_shared>> -> memref<10240xf32, #tpu.memory_space<vmem_shared>>
      tpu.enqueue_indirect_dma source(%arg7 : memref<128xf32, #tpu.memory_space<vmem>>) target(%dma_start3A_80 : memref<10240xf32, #tpu.memory_space<vmem_shared>>) offsets(%dma_start3A_78 : memref<128xi32, #tpu.memory_space<vmem>>) semaphore(%arg10 : memref<!tpu.dma_semaphore, #tpu.memory_space<semaphore_mem>>) {add = true}
      %mul3A_81 = arith.constant 8 : i32
      %mul3A_82 = arith.muli %scan3A_18, %mul3A_81 : i32
      %add3A_83 = arith.constant 7 : i32
      %add3A_84 = arith.addi %mul3A_82, %add3A_83 : i32
      %dma_start3A_85 = arith.constant 0 : i32
      %dma_start3A_86 = tpu.memref_slice %arg6[%add3A_84, %dma_start3A_85] : memref<80x128xi32, #tpu.memory_space<vmem>> -> memref<1x128xi32, #tpu.memory_space<vmem>>
      %dma_start3A_87 = tpu.memref_squeeze %dma_start3A_86 : memref<1x128xi32, #tpu.memory_space<vmem>> -> memref<128xi32, #tpu.memory_space<vmem>>
      %dma_start3A_88 = arith.constant 0 : i32
      %dma_start3A_89 = tpu.memref_slice %arg9[%dma_start3A_88] : memref<10240xf32, #tpu.memory_space<vmem_shared>> -> memref<10240xf32, #tpu.memory_space<vmem_shared>>
      tpu.enqueue_indirect_dma source(%arg7 : memref<128xf32, #tpu.memory_space<vmem>>) target(%dma_start3A_89 : memref<10240xf32, #tpu.memory_space<vmem_shared>>) offsets(%dma_start3A_87 : memref<128xi32, #tpu.memory_space<vmem>>) semaphore(%arg10 : memref<!tpu.dma_semaphore, #tpu.memory_space<semaphore_mem>>) {add = true}
      %dma_wait3A = arith.constant 0 : i32
      %dma_wait3A_90 = arith.constant 0 : i32
      %dma_wait3A_91 = tpu.memref_slice %arg6[%dma_wait3A, %dma_wait3A_90] : memref<80x128xi32, #tpu.memory_space<vmem>> -> memref<1x128xi32, #tpu.memory_space<vmem>>
      %dma_wait3A_92 = tpu.memref_squeeze %dma_wait3A_91 : memref<1x128xi32, #tpu.memory_space<vmem>> -> memref<128xi32, #tpu.memory_space<vmem>>
      %dma_wait3A_93 = arith.constant 0 : i32
      %dma_wait3A_94 = tpu.memref_slice %arg9[%dma_wait3A_93] : memref<10240xf32, #tpu.memory_space<vmem_shared>> -> memref<10240xf32, #tpu.memory_space<vmem_shared>>
      tpu.wait_indirect_dma semaphore(%arg10 : memref<!tpu.dma_semaphore, #tpu.memory_space<semaphore_mem>>) src(%arg7 : memref<128xf32, #tpu.memory_space<vmem>>) dst(%dma_wait3A_94 : memref<10240xf32, #tpu.memory_space<vmem_shared>>)
      %dma_wait3A_95 = arith.constant 0 : i32
      %dma_wait3A_96 = arith.constant 0 : i32
      %dma_wait3A_97 = tpu.memref_slice %arg6[%dma_wait3A_95, %dma_wait3A_96] : memref<80x128xi32, #tpu.memory_space<vmem>> -> memref<1x128xi32, #tpu.memory_space<vmem>>
      %dma_wait3A_98 = tpu.memref_squeeze %dma_wait3A_97 : memref<1x128xi32, #tpu.memory_space<vmem>> -> memref<128xi32, #tpu.memory_space<vmem>>
      %dma_wait3A_99 = arith.constant 0 : i32
      %dma_wait3A_100 = tpu.memref_slice %arg9[%dma_wait3A_99] : memref<10240xf32, #tpu.memory_space<vmem_shared>> -> memref<10240xf32, #tpu.memory_space<vmem_shared>>
      tpu.wait_indirect_dma semaphore(%arg10 : memref<!tpu.dma_semaphore, #tpu.memory_space<semaphore_mem>>) src(%arg7 : memref<128xf32, #tpu.memory_space<vmem>>) dst(%dma_wait3A_100 : memref<10240xf32, #tpu.memory_space<vmem_shared>>)
      %dma_wait3A_101 = arith.constant 0 : i32
      %dma_wait3A_102 = arith.constant 0 : i32
      %dma_wait3A_103 = tpu.memref_slice %arg6[%dma_wait3A_101, %dma_wait3A_102] : memref<80x128xi32, #tpu.memory_space<vmem>> -> memref<1x128xi32, #tpu.memory_space<vmem>>
      %dma_wait3A_104 = tpu.memref_squeeze %dma_wait3A_103 : memref<1x128xi32, #tpu.memory_space<vmem>> -> memref<128xi32, #tpu.memory_space<vmem>>
      %dma_wait3A_105 = arith.constant 0 : i32
      %dma_wait3A_106 = tpu.memref_slice %arg9[%dma_wait3A_105] : memref<10240xf32, #tpu.memory_space<vmem_shared>> -> memref<10240xf32, #tpu.memory_space<vmem_shared>>
      tpu.wait_indirect_dma semaphore(%arg10 : memref<!tpu.dma_semaphore, #tpu.memory_space<semaphore_mem>>) src(%arg7 : memref<128xf32, #tpu.memory_space<vmem>>) dst(%dma_wait3A_106 : memref<10240xf32, #tpu.memory_space<vmem_shared>>)
      %dma_wait3A_107 = arith.constant 0 : i32
      %dma_wait3A_108 = arith.constant 0 : i32
      %dma_wait3A_109 = tpu.memref_slice %arg6[%dma_wait3A_107, %dma_wait3A_108] : memref<80x128xi32, #tpu.memory_space<vmem>> -> memref<1x128xi32, #tpu.memory_space<vmem>>
      %dma_wait3A_110 = tpu.memref_squeeze %dma_wait3A_109 : memref<1x128xi32, #tpu.memory_space<vmem>> -> memref<128xi32, #tpu.memory_space<vmem>>
      %dma_wait3A_111 = arith.constant 0 : i32
      %dma_wait3A_112 = tpu.memref_slice %arg9[%dma_wait3A_111] : memref<10240xf32, #tpu.memory_space<vmem_shared>> -> memref<10240xf32, #tpu.memory_space<vmem_shared>>
      tpu.wait_indirect_dma semaphore(%arg10 : memref<!tpu.dma_semaphore, #tpu.memory_space<semaphore_mem>>) src(%arg7 : memref<128xf32, #tpu.memory_space<vmem>>) dst(%dma_wait3A_112 : memref<10240xf32, #tpu.memory_space<vmem_shared>>)
      %dma_wait3A_113 = arith.constant 0 : i32
      %dma_wait3A_114 = arith.constant 0 : i32
      %dma_wait3A_115 = tpu.memref_slice %arg6[%dma_wait3A_113, %dma_wait3A_114] : memref<80x128xi32, #tpu.memory_space<vmem>> -> memref<1x128xi32, #tpu.memory_space<vmem>>
      %dma_wait3A_116 = tpu.memref_squeeze %dma_wait3A_115 : memref<1x128xi32, #tpu.memory_space<vmem>> -> memref<128xi32, #tpu.memory_space<vmem>>
      %dma_wait3A_117 = arith.constant 0 : i32
      %dma_wait3A_118 = tpu.memref_slice %arg9[%dma_wait3A_117] : memref<10240xf32, #tpu.memory_space<vmem_shared>> -> memref<10240xf32, #tpu.memory_space<vmem_shared>>
      tpu.wait_indirect_dma semaphore(%arg10 : memref<!tpu.dma_semaphore, #tpu.memory_space<semaphore_mem>>) src(%arg7 : memref<128xf32, #tpu.memory_space<vmem>>) dst(%dma_wait3A_118 : memref<10240xf32, #tpu.memory_space<vmem_shared>>)
      %dma_wait3A_119 = arith.constant 0 : i32
      %dma_wait3A_120 = arith.constant 0 : i32
      %dma_wait3A_121 = tpu.memref_slice %arg6[%dma_wait3A_119, %dma_wait3A_120] : memref<80x128xi32, #tpu.memory_space<vmem>> -> memref<1x128xi32, #tpu.memory_space<vmem>>
      %dma_wait3A_122 = tpu.memref_squeeze %dma_wait3A_121 : memref<1x128xi32, #tpu.memory_space<vmem>> -> memref<128xi32, #tpu.memory_space<vmem>>
      %dma_wait3A_123 = arith.constant 0 : i32
      %dma_wait3A_124 = tpu.memref_slice %arg9[%dma_wait3A_123] : memref<10240xf32, #tpu.memory_space<vmem_shared>> -> memref<10240xf32, #tpu.memory_space<vmem_shared>>
      tpu.wait_indirect_dma semaphore(%arg10 : memref<!tpu.dma_semaphore, #tpu.memory_space<semaphore_mem>>) src(%arg7 : memref<128xf32, #tpu.memory_space<vmem>>) dst(%dma_wait3A_124 : memref<10240xf32, #tpu.memory_space<vmem_shared>>)
      %dma_wait3A_125 = arith.constant 0 : i32
      %dma_wait3A_126 = arith.constant 0 : i32
      %dma_wait3A_127 = tpu.memref_slice %arg6[%dma_wait3A_125, %dma_wait3A_126] : memref<80x128xi32, #tpu.memory_space<vmem>> -> memref<1x128xi32, #tpu.memory_space<vmem>>
      %dma_wait3A_128 = tpu.memref_squeeze %dma_wait3A_127 : memref<1x128xi32, #tpu.memory_space<vmem>> -> memref<128xi32, #tpu.memory_space<vmem>>
      %dma_wait3A_129 = arith.constant 0 : i32
      %dma_wait3A_130 = tpu.memref_slice %arg9[%dma_wait3A_129] : memref<10240xf32, #tpu.memory_space<vmem_shared>> -> memref<10240xf32, #tpu.memory_space<vmem_shared>>
      tpu.wait_indirect_dma semaphore(%arg10 : memref<!tpu.dma_semaphore, #tpu.memory_space<semaphore_mem>>) src(%arg7 : memref<128xf32, #tpu.memory_space<vmem>>) dst(%dma_wait3A_130 : memref<10240xf32, #tpu.memory_space<vmem_shared>>)
      %dma_wait3A_131 = arith.constant 0 : i32
      %dma_wait3A_132 = arith.constant 0 : i32
      %dma_wait3A_133 = tpu.memref_slice %arg6[%dma_wait3A_131, %dma_wait3A_132] : memref<80x128xi32, #tpu.memory_space<vmem>> -> memref<1x128xi32, #tpu.memory_space<vmem>>
      %dma_wait3A_134 = tpu.memref_squeeze %dma_wait3A_133 : memref<1x128xi32, #tpu.memory_space<vmem>> -> memref<128xi32, #tpu.memory_space<vmem>>
      %dma_wait3A_135 = arith.constant 0 : i32
      %dma_wait3A_136 = tpu.memref_slice %arg9[%dma_wait3A_135] : memref<10240xf32, #tpu.memory_space<vmem_shared>> -> memref<10240xf32, #tpu.memory_space<vmem_shared>>
      tpu.wait_indirect_dma semaphore(%arg10 : memref<!tpu.dma_semaphore, #tpu.memory_space<semaphore_mem>>) src(%arg7 : memref<128xf32, #tpu.memory_space<vmem>>) dst(%dma_wait3A_136 : memref<10240xf32, #tpu.memory_space<vmem_shared>>)
    }
    %scan3A_9 = arith.constant 10 : i32
    %barrier3A_10 = arith.constant 0 : index
    tpu.barrier barrier_id(%barrier3A_10)
    %mul3A_11 = arith.constant 640 : i32
    %mul3A_12 = arith.muli %arg1, %mul3A_11 : i32
    "tpu.region"() ({
      %run_scoped3A = tpu.sem_alloc : memref<!tpu.dma_semaphore, #tpu.memory_space<semaphore_mem>>
      %dma_start3A = tpu.memref_slice %arg9[%mul3A_12] : memref<10240xf32, #tpu.memory_space<vmem_shared>> -> memref<640xf32, #tpu.memory_space<vmem_shared>>
      %dma_start3A_18 = tpu.memref_slice %arg9[%mul3A_12] : memref<10240xf32, #tpu.memory_space<vmem_shared>> -> memref<640xf32, #tpu.memory_space<vmem_shared>>
      tpu.enqueue_dma source(%dma_start3A_18 : memref<640xf32, #tpu.memory_space<vmem_shared>>) target(%arg8 : memref<640xf32, #tpu.memory_space<vmem>>) target_semaphore(%run_scoped3A : memref<!tpu.dma_semaphore, #tpu.memory_space<semaphore_mem>>)
      %dma_wait3A = tpu.memref_slice %arg9[%mul3A_12] : memref<10240xf32, #tpu.memory_space<vmem_shared>> -> memref<640xf32, #tpu.memory_space<vmem_shared>>
      %dma_wait3A_19 = tpu.memref_slice %arg9[%mul3A_12] : memref<10240xf32, #tpu.memory_space<vmem_shared>> -> memref<640xf32, #tpu.memory_space<vmem_shared>>
      tpu.wait_dma2 semaphore(%run_scoped3A : memref<!tpu.dma_semaphore, #tpu.memory_space<semaphore_mem>>) src(%dma_wait3A_19 : memref<640xf32, #tpu.memory_space<vmem_shared>>) dst(%arg8 : memref<640xf32, #tpu.memory_space<vmem>>)
      tpu.yield
    }) : () -> ()
    %mul3A_13 = arith.constant 10240 : i32
    %mul3A_14 = arith.muli %arg0, %mul3A_13 : i32
    %mul3A_15 = arith.constant 640 : i32
    %mul3A_16 = arith.muli %arg1, %mul3A_15 : i32
    %add3A_17 = arith.addi %mul3A_14, %mul3A_16 : i32
    "tpu.region"() ({
      %run_scoped3A = tpu.sem_alloc : memref<!tpu.dma_semaphore, #tpu.memory_space<semaphore_mem>>
      %dma_start3A = tpu.memref_slice %arg5[%add3A_17] : memref<20480xf32, #tpu.memory_space<hbm>> -> memref<640xf32, #tpu.memory_space<hbm>>
      %dma_start3A_18 = tpu.memref_slice %arg5[%add3A_17] : memref<20480xf32, #tpu.memory_space<hbm>> -> memref<640xf32, #tpu.memory_space<hbm>>
      tpu.enqueue_dma source(%arg8 : memref<640xf32, #tpu.memory_space<vmem>>) target(%dma_start3A_18 : memref<640xf32, #tpu.memory_space<hbm>>) target_semaphore(%run_scoped3A : memref<!tpu.dma_semaphore, #tpu.memory_space<semaphore_mem>>)
      %dma_wait3A = tpu.memref_slice %arg5[%add3A_17] : memref<20480xf32, #tpu.memory_space<hbm>> -> memref<640xf32, #tpu.memory_space<hbm>>
      %dma_wait3A_19 = tpu.memref_slice %arg5[%add3A_17] : memref<20480xf32, #tpu.memory_space<hbm>> -> memref<640xf32, #tpu.memory_space<hbm>>
      tpu.wait_dma2 semaphore(%run_scoped3A : memref<!tpu.dma_semaphore, #tpu.memory_space<semaphore_mem>>) src(%arg8 : memref<640xf32, #tpu.memory_space<vmem>>) dst(%dma_wait3A_19 : memref<640xf32, #tpu.memory_space<hbm>>)
      tpu.yield
    }) : () -> ()
    return
  }
}

#map = affine_map<(d0, d1) -> (0, 0)>
module attributes {stable_mosaic.version = 14 : i64} {
  func.func @k(%arg0: i32, %arg1: i32, %arg2: memref<5120x64xi32, #tpu.memory_space<hbm>>, %arg3: memref<5120x64xi32, #tpu.memory_space<hbm>>, %arg4: memref<10000x128xf32, #tpu.memory_space<hbm>>, %arg5: memref<64x128xf32, #tpu.memory_space<hbm>>, %arg6: memref<20480x128xf32, #tpu.memory_space<hbm>>, %arg7: memref<40x64xi32, #tpu.memory_space<vmem>>, %arg8: memref<40x64xi32, #tpu.memory_space<vmem>>, %arg9: memref<64x128xf32, #tpu.memory_space<vmem>>, %arg10: memref<64x128xf32, #tpu.memory_space<vmem>>, %arg11: memref<64x128xf32, #tpu.memory_space<vmem>>, %arg12: memref<64x128xf32, #tpu.memory_space<vmem>>, %arg13: memref<10240x128xf32, #tpu.memory_space<vmem_shared>>, %arg14: memref<!tpu.dma_semaphore, #tpu.memory_space<semaphore_mem>>, %arg15: memref<!tpu.dma_semaphore, #tpu.memory_space<semaphore_mem>>, %arg16: memref<!tpu.dma_semaphore, #tpu.memory_space<semaphore_mem>>, %arg17: memref<!tpu.dma_semaphore, #tpu.memory_space<semaphore_mem>>, %arg18: memref<!tpu.dma_semaphore, #tpu.memory_space<semaphore_mem>>, %arg19: memref<!tpu.dma_semaphore, #tpu.memory_space<semaphore_mem>>, %arg20: memref<!tpu.dma_semaphore, #tpu.memory_space<semaphore_mem>>, %arg21: memref<!tpu.dma_semaphore, #tpu.memory_space<semaphore_mem>>) attributes {dimension_semantics = [#tpu.dimension_semantics<core_parallel>, #tpu.dimension_semantics<subcore_parallel>], iteration_bounds = array<i64: 2, 16>, scalar_prefetch = 0 : i64, scratch_operands = 15 : i64, tpu.core_type = #tpu.core_type<sc_vector_subcore>, window_params = [{transform_indices = #map}, {transform_indices = #map}, {transform_indices = #map}, {transform_indices = #map}, {transform_indices = #map}]} {
    %eq3A = arith.constant 0 : i32
    %eq3A_0 = arith.cmpi eq, %arg0, %eq3A : i32
    %jit3A = arith.constant 7 : i32
    %jit3A_1 = arith.constant 1 : i32
    %select_n3A = arith.select %eq3A_0, %jit3A, %jit3A_1 : i32
    %mul3A = arith.constant 280 : i32
    %mul3A_2 = arith.muli %arg1, %mul3A : i32
    %mul3A_3 = arith.constant 40 : i32
    %mul3A_4 = arith.muli %arg1, %mul3A_3 : i32
    %add3A = arith.constant 4480 : i32
    %add3A_5 = arith.addi %add3A, %mul3A_4 : i32
    %select_n3A_6 = arith.select %eq3A_0, %mul3A_2, %add3A_5 : i32
    "tpu.region"() ({
      %run_scoped3A = tpu.sem_alloc : memref<!tpu.dma_semaphore, #tpu.memory_space<semaphore_mem>>
      tpu.enqueue_dma source(%arg5 : memref<64x128xf32, #tpu.memory_space<hbm>>) target(%arg9 : memref<64x128xf32, #tpu.memory_space<vmem>>) target_semaphore(%run_scoped3A : memref<!tpu.dma_semaphore, #tpu.memory_space<semaphore_mem>>)
      tpu.wait_dma2 semaphore(%run_scoped3A : memref<!tpu.dma_semaphore, #tpu.memory_space<semaphore_mem>>) src(%arg5 : memref<64x128xf32, #tpu.memory_space<hbm>>) dst(%arg9 : memref<64x128xf32, #tpu.memory_space<vmem>>)
      tpu.yield
    }) : () -> ()
    %mul3A_7 = arith.constant 640 : i32
    %mul3A_8 = arith.muli %arg1, %mul3A_7 : i32
    %add3A_9 = arith.constant 0 : i32
    %add3A_10 = arith.addi %mul3A_8, %add3A_9 : i32
    "tpu.region"() ({
      %run_scoped3A = tpu.sem_alloc : memref<!tpu.dma_semaphore, #tpu.memory_space<semaphore_mem>>
      %dma_start3A = arith.constant 0 : i32
      %dma_start3A_190 = tpu.memref_slice %arg13[%add3A_10, %dma_start3A] : memref<10240x128xf32, #tpu.memory_space<vmem_shared>> -> memref<64x128xf32, #tpu.memory_space<vmem_shared>>
      %dma_start3A_191 = arith.constant 0 : i32
      %dma_start3A_192 = tpu.memref_slice %arg13[%add3A_10, %dma_start3A_191] : memref<10240x128xf32, #tpu.memory_space<vmem_shared>> -> memref<64x128xf32, #tpu.memory_space<vmem_shared>>
      tpu.enqueue_dma source(%arg9 : memref<64x128xf32, #tpu.memory_space<vmem>>) target(%dma_start3A_192 : memref<64x128xf32, #tpu.memory_space<vmem_shared>>) target_semaphore(%run_scoped3A : memref<!tpu.dma_semaphore, #tpu.memory_space<semaphore_mem>>)
      %dma_wait3A = arith.constant 0 : i32
      %dma_wait3A_193 = tpu.memref_slice %arg13[%add3A_10, %dma_wait3A] : memref<10240x128xf32, #tpu.memory_space<vmem_shared>> -> memref<64x128xf32, #tpu.memory_space<vmem_shared>>
      %dma_wait3A_194 = arith.constant 0 : i32
      %dma_wait3A_195 = tpu.memref_slice %arg13[%add3A_10, %dma_wait3A_194] : memref<10240x128xf32, #tpu.memory_space<vmem_shared>> -> memref<64x128xf32, #tpu.memory_space<vmem_shared>>
      tpu.wait_dma2 semaphore(%run_scoped3A : memref<!tpu.dma_semaphore, #tpu.memory_space<semaphore_mem>>) src(%arg9 : memref<64x128xf32, #tpu.memory_space<vmem>>) dst(%dma_wait3A_195 : memref<64x128xf32, #tpu.memory_space<vmem_shared>>)
      tpu.yield
    }) : () -> ()
    %mul3A_11 = arith.constant 640 : i32
    %mul3A_12 = arith.muli %arg1, %mul3A_11 : i32
    %add3A_13 = arith.constant 64 : i32
    %add3A_14 = arith.addi %mul3A_12, %add3A_13 : i32
    "tpu.region"() ({
      %run_scoped3A = tpu.sem_alloc : memref<!tpu.dma_semaphore, #tpu.memory_space<semaphore_mem>>
      %dma_start3A = arith.constant 0 : i32
      %dma_start3A_190 = tpu.memref_slice %arg13[%add3A_14, %dma_start3A] : memref<10240x128xf32, #tpu.memory_space<vmem_shared>> -> memref<64x128xf32, #tpu.memory_space<vmem_shared>>
      %dma_start3A_191 = arith.constant 0 : i32
      %dma_start3A_192 = tpu.memref_slice %arg13[%add3A_14, %dma_start3A_191] : memref<10240x128xf32, #tpu.memory_space<vmem_shared>> -> memref<64x128xf32, #tpu.memory_space<vmem_shared>>
      tpu.enqueue_dma source(%arg9 : memref<64x128xf32, #tpu.memory_space<vmem>>) target(%dma_start3A_192 : memref<64x128xf32, #tpu.memory_space<vmem_shared>>) target_semaphore(%run_scoped3A : memref<!tpu.dma_semaphore, #tpu.memory_space<semaphore_mem>>)
      %dma_wait3A = arith.constant 0 : i32
      %dma_wait3A_193 = tpu.memref_slice %arg13[%add3A_14, %dma_wait3A] : memref<10240x128xf32, #tpu.memory_space<vmem_shared>> -> memref<64x128xf32, #tpu.memory_space<vmem_shared>>
      %dma_wait3A_194 = arith.constant 0 : i32
      %dma_wait3A_195 = tpu.memref_slice %arg13[%add3A_14, %dma_wait3A_194] : memref<10240x128xf32, #tpu.memory_space<vmem_shared>> -> memref<64x128xf32, #tpu.memory_space<vmem_shared>>
      tpu.wait_dma2 semaphore(%run_scoped3A : memref<!tpu.dma_semaphore, #tpu.memory_space<semaphore_mem>>) src(%arg9 : memref<64x128xf32, #tpu.memory_space<vmem>>) dst(%dma_wait3A_195 : memref<64x128xf32, #tpu.memory_space<vmem_shared>>)
      tpu.yield
    }) : () -> ()
    %mul3A_15 = arith.constant 640 : i32
    %mul3A_16 = arith.muli %arg1, %mul3A_15 : i32
    %add3A_17 = arith.constant 128 : i32
    %add3A_18 = arith.addi %mul3A_16, %add3A_17 : i32
    "tpu.region"() ({
      %run_scoped3A = tpu.sem_alloc : memref<!tpu.dma_semaphore, #tpu.memory_space<semaphore_mem>>
      %dma_start3A = arith.constant 0 : i32
      %dma_start3A_190 = tpu.memref_slice %arg13[%add3A_18, %dma_start3A] : memref<10240x128xf32, #tpu.memory_space<vmem_shared>> -> memref<64x128xf32, #tpu.memory_space<vmem_shared>>
      %dma_start3A_191 = arith.constant 0 : i32
      %dma_start3A_192 = tpu.memref_slice %arg13[%add3A_18, %dma_start3A_191] : memref<10240x128xf32, #tpu.memory_space<vmem_shared>> -> memref<64x128xf32, #tpu.memory_space<vmem_shared>>
      tpu.enqueue_dma source(%arg9 : memref<64x128xf32, #tpu.memory_space<vmem>>) target(%dma_start3A_192 : memref<64x128xf32, #tpu.memory_space<vmem_shared>>) target_semaphore(%run_scoped3A : memref<!tpu.dma_semaphore, #tpu.memory_space<semaphore_mem>>)
      %dma_wait3A = arith.constant 0 : i32
      %dma_wait3A_193 = tpu.memref_slice %arg13[%add3A_18, %dma_wait3A] : memref<10240x128xf32, #tpu.memory_space<vmem_shared>> -> memref<64x128xf32, #tpu.memory_space<vmem_shared>>
      %dma_wait3A_194 = arith.constant 0 : i32
      %dma_wait3A_195 = tpu.memref_slice %arg13[%add3A_18, %dma_wait3A_194] : memref<10240x128xf32, #tpu.memory_space<vmem_shared>> -> memref<64x128xf32, #tpu.memory_space<vmem_shared>>
      tpu.wait_dma2 semaphore(%run_scoped3A : memref<!tpu.dma_semaphore, #tpu.memory_space<semaphore_mem>>) src(%arg9 : memref<64x128xf32, #tpu.memory_space<vmem>>) dst(%dma_wait3A_195 : memref<64x128xf32, #tpu.memory_space<vmem_shared>>)
      tpu.yield
    }) : () -> ()
    %mul3A_19 = arith.constant 640 : i32
    %mul3A_20 = arith.muli %arg1, %mul3A_19 : i32
    %add3A_21 = arith.constant 192 : i32
    %add3A_22 = arith.addi %mul3A_20, %add3A_21 : i32
    "tpu.region"() ({
      %run_scoped3A = tpu.sem_alloc : memref<!tpu.dma_semaphore, #tpu.memory_space<semaphore_mem>>
      %dma_start3A = arith.constant 0 : i32
      %dma_start3A_190 = tpu.memref_slice %arg13[%add3A_22, %dma_start3A] : memref<10240x128xf32, #tpu.memory_space<vmem_shared>> -> memref<64x128xf32, #tpu.memory_space<vmem_shared>>
      %dma_start3A_191 = arith.constant 0 : i32
      %dma_start3A_192 = tpu.memref_slice %arg13[%add3A_22, %dma_start3A_191] : memref<10240x128xf32, #tpu.memory_space<vmem_shared>> -> memref<64x128xf32, #tpu.memory_space<vmem_shared>>
      tpu.enqueue_dma source(%arg9 : memref<64x128xf32, #tpu.memory_space<vmem>>) target(%dma_start3A_192 : memref<64x128xf32, #tpu.memory_space<vmem_shared>>) target_semaphore(%run_scoped3A : memref<!tpu.dma_semaphore, #tpu.memory_space<semaphore_mem>>)
      %dma_wait3A = arith.constant 0 : i32
      %dma_wait3A_193 = tpu.memref_slice %arg13[%add3A_22, %dma_wait3A] : memref<10240x128xf32, #tpu.memory_space<vmem_shared>> -> memref<64x128xf32, #tpu.memory_space<vmem_shared>>
      %dma_wait3A_194 = arith.constant 0 : i32
      %dma_wait3A_195 = tpu.memref_slice %arg13[%add3A_22, %dma_wait3A_194] : memref<10240x128xf32, #tpu.memory_space<vmem_shared>> -> memref<64x128xf32, #tpu.memory_space<vmem_shared>>
      tpu.wait_dma2 semaphore(%run_scoped3A : memref<!tpu.dma_semaphore, #tpu.memory_space<semaphore_mem>>) src(%arg9 : memref<64x128xf32, #tpu.memory_space<vmem>>) dst(%dma_wait3A_195 : memref<64x128xf32, #tpu.memory_space<vmem_shared>>)
      tpu.yield
    }) : () -> ()
    %mul3A_23 = arith.constant 640 : i32
    %mul3A_24 = arith.muli %arg1, %mul3A_23 : i32
    %add3A_25 = arith.constant 256 : i32
    %add3A_26 = arith.addi %mul3A_24, %add3A_25 : i32
    "tpu.region"() ({
      %run_scoped3A = tpu.sem_alloc : memref<!tpu.dma_semaphore, #tpu.memory_space<semaphore_mem>>
      %dma_start3A = arith.constant 0 : i32
      %dma_start3A_190 = tpu.memref_slice %arg13[%add3A_26, %dma_start3A] : memref<10240x128xf32, #tpu.memory_space<vmem_shared>> -> memref<64x128xf32, #tpu.memory_space<vmem_shared>>
      %dma_start3A_191 = arith.constant 0 : i32
      %dma_start3A_192 = tpu.memref_slice %arg13[%add3A_26, %dma_start3A_191] : memref<10240x128xf32, #tpu.memory_space<vmem_shared>> -> memref<64x128xf32, #tpu.memory_space<vmem_shared>>
      tpu.enqueue_dma source(%arg9 : memref<64x128xf32, #tpu.memory_space<vmem>>) target(%dma_start3A_192 : memref<64x128xf32, #tpu.memory_space<vmem_shared>>) target_semaphore(%run_scoped3A : memref<!tpu.dma_semaphore, #tpu.memory_space<semaphore_mem>>)
      %dma_wait3A = arith.constant 0 : i32
      %dma_wait3A_193 = tpu.memref_slice %arg13[%add3A_26, %dma_wait3A] : memref<10240x128xf32, #tpu.memory_space<vmem_shared>> -> memref<64x128xf32, #tpu.memory_space<vmem_shared>>
      %dma_wait3A_194 = arith.constant 0 : i32
      %dma_wait3A_195 = tpu.memref_slice %arg13[%add3A_26, %dma_wait3A_194] : memref<10240x128xf32, #tpu.memory_space<vmem_shared>> -> memref<64x128xf32, #tpu.memory_space<vmem_shared>>
      tpu.wait_dma2 semaphore(%run_scoped3A : memref<!tpu.dma_semaphore, #tpu.memory_space<semaphore_mem>>) src(%arg9 : memref<64x128xf32, #tpu.memory_space<vmem>>) dst(%dma_wait3A_195 : memref<64x128xf32, #tpu.memory_space<vmem_shared>>)
      tpu.yield
    }) : () -> ()
    %mul3A_27 = arith.constant 640 : i32
    %mul3A_28 = arith.muli %arg1, %mul3A_27 : i32
    %add3A_29 = arith.constant 320 : i32
    %add3A_30 = arith.addi %mul3A_28, %add3A_29 : i32
    "tpu.region"() ({
      %run_scoped3A = tpu.sem_alloc : memref<!tpu.dma_semaphore, #tpu.memory_space<semaphore_mem>>
      %dma_start3A = arith.constant 0 : i32
      %dma_start3A_190 = tpu.memref_slice %arg13[%add3A_30, %dma_start3A] : memref<10240x128xf32, #tpu.memory_space<vmem_shared>> -> memref<64x128xf32, #tpu.memory_space<vmem_shared>>
      %dma_start3A_191 = arith.constant 0 : i32
      %dma_start3A_192 = tpu.memref_slice %arg13[%add3A_30, %dma_start3A_191] : memref<10240x128xf32, #tpu.memory_space<vmem_shared>> -> memref<64x128xf32, #tpu.memory_space<vmem_shared>>
      tpu.enqueue_dma source(%arg9 : memref<64x128xf32, #tpu.memory_space<vmem>>) target(%dma_start3A_192 : memref<64x128xf32, #tpu.memory_space<vmem_shared>>) target_semaphore(%run_scoped3A : memref<!tpu.dma_semaphore, #tpu.memory_space<semaphore_mem>>)
      %dma_wait3A = arith.constant 0 : i32
      %dma_wait3A_193 = tpu.memref_slice %arg13[%add3A_30, %dma_wait3A] : memref<10240x128xf32, #tpu.memory_space<vmem_shared>> -> memref<64x128xf32, #tpu.memory_space<vmem_shared>>
      %dma_wait3A_194 = arith.constant 0 : i32
      %dma_wait3A_195 = tpu.memref_slice %arg13[%add3A_30, %dma_wait3A_194] : memref<10240x128xf32, #tpu.memory_space<vmem_shared>> -> memref<64x128xf32, #tpu.memory_space<vmem_shared>>
      tpu.wait_dma2 semaphore(%run_scoped3A : memref<!tpu.dma_semaphore, #tpu.memory_space<semaphore_mem>>) src(%arg9 : memref<64x128xf32, #tpu.memory_space<vmem>>) dst(%dma_wait3A_195 : memref<64x128xf32, #tpu.memory_space<vmem_shared>>)
      tpu.yield
    }) : () -> ()
    %mul3A_31 = arith.constant 640 : i32
    %mul3A_32 = arith.muli %arg1, %mul3A_31 : i32
    %add3A_33 = arith.constant 384 : i32
    %add3A_34 = arith.addi %mul3A_32, %add3A_33 : i32
    "tpu.region"() ({
      %run_scoped3A = tpu.sem_alloc : memref<!tpu.dma_semaphore, #tpu.memory_space<semaphore_mem>>
      %dma_start3A = arith.constant 0 : i32
      %dma_start3A_190 = tpu.memref_slice %arg13[%add3A_34, %dma_start3A] : memref<10240x128xf32, #tpu.memory_space<vmem_shared>> -> memref<64x128xf32, #tpu.memory_space<vmem_shared>>
      %dma_start3A_191 = arith.constant 0 : i32
      %dma_start3A_192 = tpu.memref_slice %arg13[%add3A_34, %dma_start3A_191] : memref<10240x128xf32, #tpu.memory_space<vmem_shared>> -> memref<64x128xf32, #tpu.memory_space<vmem_shared>>
      tpu.enqueue_dma source(%arg9 : memref<64x128xf32, #tpu.memory_space<vmem>>) target(%dma_start3A_192 : memref<64x128xf32, #tpu.memory_space<vmem_shared>>) target_semaphore(%run_scoped3A : memref<!tpu.dma_semaphore, #tpu.memory_space<semaphore_mem>>)
      %dma_wait3A = arith.constant 0 : i32
      %dma_wait3A_193 = tpu.memref_slice %arg13[%add3A_34, %dma_wait3A] : memref<10240x128xf32, #tpu.memory_space<vmem_shared>> -> memref<64x128xf32, #tpu.memory_space<vmem_shared>>
      %dma_wait3A_194 = arith.constant 0 : i32
      %dma_wait3A_195 = tpu.memref_slice %arg13[%add3A_34, %dma_wait3A_194] : memref<10240x128xf32, #tpu.memory_space<vmem_shared>> -> memref<64x128xf32, #tpu.memory_space<vmem_shared>>
      tpu.wait_dma2 semaphore(%run_scoped3A : memref<!tpu.dma_semaphore, #tpu.memory_space<semaphore_mem>>) src(%arg9 : memref<64x128xf32, #tpu.memory_space<vmem>>) dst(%dma_wait3A_195 : memref<64x128xf32, #tpu.memory_space<vmem_shared>>)
      tpu.yield
    }) : () -> ()
    %mul3A_35 = arith.constant 640 : i32
    %mul3A_36 = arith.muli %arg1, %mul3A_35 : i32
    %add3A_37 = arith.constant 448 : i32
    %add3A_38 = arith.addi %mul3A_36, %add3A_37 : i32
    "tpu.region"() ({
      %run_scoped3A = tpu.sem_alloc : memref<!tpu.dma_semaphore, #tpu.memory_space<semaphore_mem>>
      %dma_start3A = arith.constant 0 : i32
      %dma_start3A_190 = tpu.memref_slice %arg13[%add3A_38, %dma_start3A] : memref<10240x128xf32, #tpu.memory_space<vmem_shared>> -> memref<64x128xf32, #tpu.memory_space<vmem_shared>>
      %dma_start3A_191 = arith.constant 0 : i32
      %dma_start3A_192 = tpu.memref_slice %arg13[%add3A_38, %dma_start3A_191] : memref<10240x128xf32, #tpu.memory_space<vmem_shared>> -> memref<64x128xf32, #tpu.memory_space<vmem_shared>>
      tpu.enqueue_dma source(%arg9 : memref<64x128xf32, #tpu.memory_space<vmem>>) target(%dma_start3A_192 : memref<64x128xf32, #tpu.memory_space<vmem_shared>>) target_semaphore(%run_scoped3A : memref<!tpu.dma_semaphore, #tpu.memory_space<semaphore_mem>>)
      %dma_wait3A = arith.constant 0 : i32
      %dma_wait3A_193 = tpu.memref_slice %arg13[%add3A_38, %dma_wait3A] : memref<10240x128xf32, #tpu.memory_space<vmem_shared>> -> memref<64x128xf32, #tpu.memory_space<vmem_shared>>
      %dma_wait3A_194 = arith.constant 0 : i32
      %dma_wait3A_195 = tpu.memref_slice %arg13[%add3A_38, %dma_wait3A_194] : memref<10240x128xf32, #tpu.memory_space<vmem_shared>> -> memref<64x128xf32, #tpu.memory_space<vmem_shared>>
      tpu.wait_dma2 semaphore(%run_scoped3A : memref<!tpu.dma_semaphore, #tpu.memory_space<semaphore_mem>>) src(%arg9 : memref<64x128xf32, #tpu.memory_space<vmem>>) dst(%dma_wait3A_195 : memref<64x128xf32, #tpu.memory_space<vmem_shared>>)
      tpu.yield
    }) : () -> ()
    %mul3A_39 = arith.constant 640 : i32
    %mul3A_40 = arith.muli %arg1, %mul3A_39 : i32
    %add3A_41 = arith.constant 512 : i32
    %add3A_42 = arith.addi %mul3A_40, %add3A_41 : i32
    "tpu.region"() ({
      %run_scoped3A = tpu.sem_alloc : memref<!tpu.dma_semaphore, #tpu.memory_space<semaphore_mem>>
      %dma_start3A = arith.constant 0 : i32
      %dma_start3A_190 = tpu.memref_slice %arg13[%add3A_42, %dma_start3A] : memref<10240x128xf32, #tpu.memory_space<vmem_shared>> -> memref<64x128xf32, #tpu.memory_space<vmem_shared>>
      %dma_start3A_191 = arith.constant 0 : i32
      %dma_start3A_192 = tpu.memref_slice %arg13[%add3A_42, %dma_start3A_191] : memref<10240x128xf32, #tpu.memory_space<vmem_shared>> -> memref<64x128xf32, #tpu.memory_space<vmem_shared>>
      tpu.enqueue_dma source(%arg9 : memref<64x128xf32, #tpu.memory_space<vmem>>) target(%dma_start3A_192 : memref<64x128xf32, #tpu.memory_space<vmem_shared>>) target_semaphore(%run_scoped3A : memref<!tpu.dma_semaphore, #tpu.memory_space<semaphore_mem>>)
      %dma_wait3A = arith.constant 0 : i32
      %dma_wait3A_193 = tpu.memref_slice %arg13[%add3A_42, %dma_wait3A] : memref<10240x128xf32, #tpu.memory_space<vmem_shared>> -> memref<64x128xf32, #tpu.memory_space<vmem_shared>>
      %dma_wait3A_194 = arith.constant 0 : i32
      %dma_wait3A_195 = tpu.memref_slice %arg13[%add3A_42, %dma_wait3A_194] : memref<10240x128xf32, #tpu.memory_space<vmem_shared>> -> memref<64x128xf32, #tpu.memory_space<vmem_shared>>
      tpu.wait_dma2 semaphore(%run_scoped3A : memref<!tpu.dma_semaphore, #tpu.memory_space<semaphore_mem>>) src(%arg9 : memref<64x128xf32, #tpu.memory_space<vmem>>) dst(%dma_wait3A_195 : memref<64x128xf32, #tpu.memory_space<vmem_shared>>)
      tpu.yield
    }) : () -> ()
    %mul3A_43 = arith.constant 640 : i32
    %mul3A_44 = arith.muli %arg1, %mul3A_43 : i32
    %add3A_45 = arith.constant 576 : i32
    %add3A_46 = arith.addi %mul3A_44, %add3A_45 : i32
    "tpu.region"() ({
      %run_scoped3A = tpu.sem_alloc : memref<!tpu.dma_semaphore, #tpu.memory_space<semaphore_mem>>
      %dma_start3A = arith.constant 0 : i32
      %dma_start3A_190 = tpu.memref_slice %arg13[%add3A_46, %dma_start3A] : memref<10240x128xf32, #tpu.memory_space<vmem_shared>> -> memref<64x128xf32, #tpu.memory_space<vmem_shared>>
      %dma_start3A_191 = arith.constant 0 : i32
      %dma_start3A_192 = tpu.memref_slice %arg13[%add3A_46, %dma_start3A_191] : memref<10240x128xf32, #tpu.memory_space<vmem_shared>> -> memref<64x128xf32, #tpu.memory_space<vmem_shared>>
      tpu.enqueue_dma source(%arg9 : memref<64x128xf32, #tpu.memory_space<vmem>>) target(%dma_start3A_192 : memref<64x128xf32, #tpu.memory_space<vmem_shared>>) target_semaphore(%run_scoped3A : memref<!tpu.dma_semaphore, #tpu.memory_space<semaphore_mem>>)
      %dma_wait3A = arith.constant 0 : i32
      %dma_wait3A_193 = tpu.memref_slice %arg13[%add3A_46, %dma_wait3A] : memref<10240x128xf32, #tpu.memory_space<vmem_shared>> -> memref<64x128xf32, #tpu.memory_space<vmem_shared>>
      %dma_wait3A_194 = arith.constant 0 : i32
      %dma_wait3A_195 = tpu.memref_slice %arg13[%add3A_46, %dma_wait3A_194] : memref<10240x128xf32, #tpu.memory_space<vmem_shared>> -> memref<64x128xf32, #tpu.memory_space<vmem_shared>>
      tpu.wait_dma2 semaphore(%run_scoped3A : memref<!tpu.dma_semaphore, #tpu.memory_space<semaphore_mem>>) src(%arg9 : memref<64x128xf32, #tpu.memory_space<vmem>>) dst(%dma_wait3A_195 : memref<64x128xf32, #tpu.memory_space<vmem_shared>>)
      tpu.yield
    }) : () -> ()
    %barrier3A = arith.constant 0 : index
    tpu.barrier barrier_id(%barrier3A)
    %gt3A = arith.constant 0 : i32
    %gt3A_47 = arith.cmpi sgt, %select_n3A, %gt3A : i32
    %convert_element_type3A = arith.extui %gt3A_47 : i1 to i32
    %cond3A = arith.constant 0 : i32
    %cond3A_48 = arith.cmpi ne, %convert_element_type3A, %cond3A : i32
    scf.if %cond3A_48 {
      %add3A_190 = arith.constant 0 : i32
      %add3A_191 = arith.addi %select_n3A_6, %add3A_190 : i32
      "tpu.region"() ({
        %run_scoped3A = tpu.sem_alloc : memref<!tpu.dma_semaphore, #tpu.memory_space<semaphore_mem>>
        %dma_start3A_237 = arith.constant 0 : i32
        %dma_start3A_238 = tpu.memref_slice %arg2[%add3A_191, %dma_start3A_237] : memref<5120x64xi32, #tpu.memory_space<hbm>> -> memref<40x64xi32, #tpu.memory_space<hbm>>
        %dma_start3A_239 = arith.constant 0 : i32
        %dma_start3A_240 = tpu.memref_slice %arg2[%add3A_191, %dma_start3A_239] : memref<5120x64xi32, #tpu.memory_space<hbm>> -> memref<40x64xi32, #tpu.memory_space<hbm>>
        tpu.enqueue_dma source(%dma_start3A_240 : memref<40x64xi32, #tpu.memory_space<hbm>>) target(%arg7 : memref<40x64xi32, #tpu.memory_space<vmem>>) target_semaphore(%run_scoped3A : memref<!tpu.dma_semaphore, #tpu.memory_space<semaphore_mem>>)
        %dma_wait3A_241 = arith.constant 0 : i32
        %dma_wait3A_242 = tpu.memref_slice %arg2[%add3A_191, %dma_wait3A_241] : memref<5120x64xi32, #tpu.memory_space<hbm>> -> memref<40x64xi32, #tpu.memory_space<hbm>>
        %dma_wait3A_243 = arith.constant 0 : i32
        %dma_wait3A_244 = tpu.memref_slice %arg2[%add3A_191, %dma_wait3A_243] : memref<5120x64xi32, #tpu.memory_space<hbm>> -> memref<40x64xi32, #tpu.memory_space<hbm>>
        tpu.wait_dma2 semaphore(%run_scoped3A : memref<!tpu.dma_semaphore, #tpu.memory_space<semaphore_mem>>) src(%dma_wait3A_244 : memref<40x64xi32, #tpu.memory_space<hbm>>) dst(%arg7 : memref<40x64xi32, #tpu.memory_space<vmem>>)
        tpu.yield
      }) : () -> ()
      "tpu.region"() ({
        %run_scoped3A = tpu.sem_alloc : memref<!tpu.dma_semaphore, #tpu.memory_space<semaphore_mem>>
        %dma_start3A_237 = arith.constant 0 : i32
        %dma_start3A_238 = tpu.memref_slice %arg3[%add3A_191, %dma_start3A_237] : memref<5120x64xi32, #tpu.memory_space<hbm>> -> memref<40x64xi32, #tpu.memory_space<hbm>>
        %dma_start3A_239 = arith.constant 0 : i32
        %dma_start3A_240 = tpu.memref_slice %arg3[%add3A_191, %dma_start3A_239] : memref<5120x64xi32, #tpu.memory_space<hbm>> -> memref<40x64xi32, #tpu.memory_space<hbm>>
        tpu.enqueue_dma source(%dma_start3A_240 : memref<40x64xi32, #tpu.memory_space<hbm>>) target(%arg8 : memref<40x64xi32, #tpu.memory_space<vmem>>) target_semaphore(%run_scoped3A : memref<!tpu.dma_semaphore, #tpu.memory_space<semaphore_mem>>)
        %dma_wait3A_241 = arith.constant 0 : i32
        %dma_wait3A_242 = tpu.memref_slice %arg3[%add3A_191, %dma_wait3A_241] : memref<5120x64xi32, #tpu.memory_space<hbm>> -> memref<40x64xi32, #tpu.memory_space<hbm>>
        %dma_wait3A_243 = arith.constant 0 : i32
        %dma_wait3A_244 = tpu.memref_slice %arg3[%add3A_191, %dma_wait3A_243] : memref<5120x64xi32, #tpu.memory_space<hbm>> -> memref<40x64xi32, #tpu.memory_space<hbm>>
        tpu.wait_dma2 semaphore(%run_scoped3A : memref<!tpu.dma_semaphore, #tpu.memory_space<semaphore_mem>>) src(%dma_wait3A_244 : memref<40x64xi32, #tpu.memory_space<hbm>>) dst(%arg8 : memref<40x64xi32, #tpu.memory_space<vmem>>)
        tpu.yield
      }) : () -> ()
      %dma_start3A = arith.constant 0 : i32
      %dma_start3A_192 = arith.constant 0 : i32
      %dma_start3A_193 = tpu.memref_slice %arg7[%dma_start3A, %dma_start3A_192] : memref<40x64xi32, #tpu.memory_space<vmem>> -> memref<1x64xi32, #tpu.memory_space<vmem>>
      %dma_start3A_194 = tpu.memref_squeeze %dma_start3A_193 : memref<1x64xi32, #tpu.memory_space<vmem>> -> memref<64xi32, #tpu.memory_space<vmem>>
      %dma_start3A_195 = arith.constant 0 : i32
      %dma_start3A_196 = arith.constant 0 : i32
      %dma_start3A_197 = tpu.memref_slice %arg4[%dma_start3A_195, %dma_start3A_196] : memref<10000x128xf32, #tpu.memory_space<hbm>> -> memref<10000x128xf32, #tpu.memory_space<hbm>>
      tpu.enqueue_indirect_dma source(%dma_start3A_197 : memref<10000x128xf32, #tpu.memory_space<hbm>>) target(%arg9 : memref<64x128xf32, #tpu.memory_space<vmem>>) offsets(%dma_start3A_194 : memref<64xi32, #tpu.memory_space<vmem>>) semaphore(%arg14 : memref<!tpu.dma_semaphore, #tpu.memory_space<semaphore_mem>>)
      %dma_start3A_198 = arith.constant 1 : i32
      %dma_start3A_199 = arith.constant 0 : i32
      %dma_start3A_200 = tpu.memref_slice %arg7[%dma_start3A_198, %dma_start3A_199] : memref<40x64xi32, #tpu.memory_space<vmem>> -> memref<1x64xi32, #tpu.memory_space<vmem>>
      %dma_start3A_201 = tpu.memref_squeeze %dma_start3A_200 : memref<1x64xi32, #tpu.memory_space<vmem>> -> memref<64xi32, #tpu.memory_space<vmem>>
      %dma_start3A_202 = arith.constant 0 : i32
      %dma_start3A_203 = arith.constant 0 : i32
      %dma_start3A_204 = tpu.memref_slice %arg4[%dma_start3A_202, %dma_start3A_203] : memref<10000x128xf32, #tpu.memory_space<hbm>> -> memref<10000x128xf32, #tpu.memory_space<hbm>>
      tpu.enqueue_indirect_dma source(%dma_start3A_204 : memref<10000x128xf32, #tpu.memory_space<hbm>>) target(%arg10 : memref<64x128xf32, #tpu.memory_space<vmem>>) offsets(%dma_start3A_201 : memref<64xi32, #tpu.memory_space<vmem>>) semaphore(%arg15 : memref<!tpu.dma_semaphore, #tpu.memory_space<semaphore_mem>>)
      %scan3A = arith.constant 0 : i32
      %scan3A_205 = arith.constant 0 : i32
      %scan3A_206 = arith.constant 10 : i32
      %scan3A_207 = arith.addi %scan3A_205, %scan3A_206 : i32
      %scan3A_208 = arith.constant 1 : i32
      scf.for %scan3A_237 = %scan3A_205 to %scan3A_207 step %scan3A_208  : i32 {
        %mul3A_238 = arith.constant 4 : i32
        %mul3A_239 = arith.muli %scan3A_237, %mul3A_238 : i32
        %add3A_240 = arith.constant 0 : i32
        %add3A_241 = arith.addi %mul3A_239, %add3A_240 : i32
        %dma_wait3A_242 = arith.constant 0 : i32
        %dma_wait3A_243 = arith.constant 0 : i32
        %dma_wait3A_244 = tpu.memref_slice %arg7[%dma_wait3A_242, %dma_wait3A_243] : memref<40x64xi32, #tpu.memory_space<vmem>> -> memref<1x64xi32, #tpu.memory_space<vmem>>
        %dma_wait3A_245 = tpu.memref_squeeze %dma_wait3A_244 : memref<1x64xi32, #tpu.memory_space<vmem>> -> memref<64xi32, #tpu.memory_space<vmem>>
        %dma_wait3A_246 = arith.constant 0 : i32
        %dma_wait3A_247 = arith.constant 0 : i32
        %dma_wait3A_248 = tpu.memref_slice %arg4[%dma_wait3A_246, %dma_wait3A_247] : memref<10000x128xf32, #tpu.memory_space<hbm>> -> memref<10000x128xf32, #tpu.memory_space<hbm>>
        tpu.wait_indirect_dma semaphore(%arg14 : memref<!tpu.dma_semaphore, #tpu.memory_space<semaphore_mem>>) src(%dma_wait3A_248 : memref<10000x128xf32, #tpu.memory_space<hbm>>) dst(%arg9 : memref<64x128xf32, #tpu.memory_space<vmem>>)
        %dma_start3A_249 = arith.constant 0 : i32
        %dma_start3A_250 = tpu.memref_slice %arg8[%add3A_241, %dma_start3A_249] : memref<40x64xi32, #tpu.memory_space<vmem>> -> memref<1x64xi32, #tpu.memory_space<vmem>>
        %dma_start3A_251 = tpu.memref_squeeze %dma_start3A_250 : memref<1x64xi32, #tpu.memory_space<vmem>> -> memref<64xi32, #tpu.memory_space<vmem>>
        %dma_start3A_252 = arith.constant 0 : i32
        %dma_start3A_253 = arith.constant 0 : i32
        %dma_start3A_254 = tpu.memref_slice %arg13[%dma_start3A_252, %dma_start3A_253] : memref<10240x128xf32, #tpu.memory_space<vmem_shared>> -> memref<10240x128xf32, #tpu.memory_space<vmem_shared>>
        tpu.enqueue_indirect_dma source(%arg9 : memref<64x128xf32, #tpu.memory_space<vmem>>) target(%dma_start3A_254 : memref<10240x128xf32, #tpu.memory_space<vmem_shared>>) offsets(%dma_start3A_251 : memref<64xi32, #tpu.memory_space<vmem>>) semaphore(%arg18 : memref<!tpu.dma_semaphore, #tpu.memory_space<semaphore_mem>>) {add = true}
        %gt3A_255 = arith.constant 0 : i32
        %gt3A_256 = arith.cmpi sgt, %scan3A_237, %gt3A_255 : i32
        %convert_element_type3A_257 = arith.extui %gt3A_256 : i1 to i32
        %cond3A_258 = arith.constant 0 : i32
        %cond3A_259 = arith.cmpi ne, %convert_element_type3A_257, %cond3A_258 : i32
        scf.if %cond3A_259 {
          %dma_wait3A_341 = arith.constant 0 : i32
          %dma_wait3A_342 = arith.constant 0 : i32
          %dma_wait3A_343 = tpu.memref_slice %arg8[%dma_wait3A_341, %dma_wait3A_342] : memref<40x64xi32, #tpu.memory_space<vmem>> -> memref<1x64xi32, #tpu.memory_space<vmem>>
          %dma_wait3A_344 = tpu.memref_squeeze %dma_wait3A_343 : memref<1x64xi32, #tpu.memory_space<vmem>> -> memref<64xi32, #tpu.memory_space<vmem>>
          %dma_wait3A_345 = arith.constant 0 : i32
          %dma_wait3A_346 = arith.constant 0 : i32
          %dma_wait3A_347 = tpu.memref_slice %arg13[%dma_wait3A_345, %dma_wait3A_346] : memref<10240x128xf32, #tpu.memory_space<vmem_shared>> -> memref<10240x128xf32, #tpu.memory_space<vmem_shared>>
          tpu.wait_indirect_dma semaphore(%arg20 : memref<!tpu.dma_semaphore, #tpu.memory_space<semaphore_mem>>) src(%arg11 : memref<64x128xf32, #tpu.memory_space<vmem>>) dst(%dma_wait3A_347 : memref<10240x128xf32, #tpu.memory_space<vmem_shared>>)
        } else {
        }
        %add3A_260 = arith.constant 2 : i32
        %add3A_261 = arith.addi %add3A_241, %add3A_260 : i32
        %dma_start3A_262 = arith.constant 0 : i32
        %dma_start3A_263 = tpu.memref_slice %arg7[%add3A_261, %dma_start3A_262] : memref<40x64xi32, #tpu.memory_space<vmem>> -> memref<1x64xi32, #tpu.memory_space<vmem>>
        %dma_start3A_264 = tpu.memref_squeeze %dma_start3A_263 : memref<1x64xi32, #tpu.memory_space<vmem>> -> memref<64xi32, #tpu.memory_space<vmem>>
        %dma_start3A_265 = arith.constant 0 : i32
        %dma_start3A_266 = arith.constant 0 : i32
        %dma_start3A_267 = tpu.memref_slice %arg4[%dma_start3A_265, %dma_start3A_266] : memref<10000x128xf32, #tpu.memory_space<hbm>> -> memref<10000x128xf32, #tpu.memory_space<hbm>>
        tpu.enqueue_indirect_dma source(%dma_start3A_267 : memref<10000x128xf32, #tpu.memory_space<hbm>>) target(%arg11 : memref<64x128xf32, #tpu.memory_space<vmem>>) offsets(%dma_start3A_264 : memref<64xi32, #tpu.memory_space<vmem>>) semaphore(%arg16 : memref<!tpu.dma_semaphore, #tpu.memory_space<semaphore_mem>>)
        %mul3A_268 = arith.constant 4 : i32
        %mul3A_269 = arith.muli %scan3A_237, %mul3A_268 : i32
        %add3A_270 = arith.constant 1 : i32
        %add3A_271 = arith.addi %mul3A_269, %add3A_270 : i32
        %dma_wait3A_272 = arith.constant 0 : i32
        %dma_wait3A_273 = arith.constant 0 : i32
        %dma_wait3A_274 = tpu.memref_slice %arg7[%dma_wait3A_272, %dma_wait3A_273] : memref<40x64xi32, #tpu.memory_space<vmem>> -> memref<1x64xi32, #tpu.memory_space<vmem>>
        %dma_wait3A_275 = tpu.memref_squeeze %dma_wait3A_274 : memref<1x64xi32, #tpu.memory_space<vmem>> -> memref<64xi32, #tpu.memory_space<vmem>>
        %dma_wait3A_276 = arith.constant 0 : i32
        %dma_wait3A_277 = arith.constant 0 : i32
        %dma_wait3A_278 = tpu.memref_slice %arg4[%dma_wait3A_276, %dma_wait3A_277] : memref<10000x128xf32, #tpu.memory_space<hbm>> -> memref<10000x128xf32, #tpu.memory_space<hbm>>
        tpu.wait_indirect_dma semaphore(%arg15 : memref<!tpu.dma_semaphore, #tpu.memory_space<semaphore_mem>>) src(%dma_wait3A_278 : memref<10000x128xf32, #tpu.memory_space<hbm>>) dst(%arg10 : memref<64x128xf32, #tpu.memory_space<vmem>>)
        %dma_start3A_279 = arith.constant 0 : i32
        %dma_start3A_280 = tpu.memref_slice %arg8[%add3A_271, %dma_start3A_279] : memref<40x64xi32, #tpu.memory_space<vmem>> -> memref<1x64xi32, #tpu.memory_space<vmem>>
        %dma_start3A_281 = tpu.memref_squeeze %dma_start3A_280 : memref<1x64xi32, #tpu.memory_space<vmem>> -> memref<64xi32, #tpu.memory_space<vmem>>
        %dma_start3A_282 = arith.constant 0 : i32
        %dma_start3A_283 = arith.constant 0 : i32
        %dma_start3A_284 = tpu.memref_slice %arg13[%dma_start3A_282, %dma_start3A_283] : memref<10240x128xf32, #tpu.memory_space<vmem_shared>> -> memref<10240x128xf32, #tpu.memory_space<vmem_shared>>
        tpu.enqueue_indirect_dma source(%arg10 : memref<64x128xf32, #tpu.memory_space<vmem>>) target(%dma_start3A_284 : memref<10240x128xf32, #tpu.memory_space<vmem_shared>>) offsets(%dma_start3A_281 : memref<64xi32, #tpu.memory_space<vmem>>) semaphore(%arg19 : memref<!tpu.dma_semaphore, #tpu.memory_space<semaphore_mem>>) {add = true}
        %gt3A_285 = arith.constant 0 : i32
        %gt3A_286 = arith.cmpi sgt, %scan3A_237, %gt3A_285 : i32
        %convert_element_type3A_287 = arith.extui %gt3A_286 : i1 to i32
        %cond3A_288 = arith.constant 0 : i32
        %cond3A_289 = arith.cmpi ne, %convert_element_type3A_287, %cond3A_288 : i32
        scf.if %cond3A_289 {
          %dma_wait3A_341 = arith.constant 0 : i32
          %dma_wait3A_342 = arith.constant 0 : i32
          %dma_wait3A_343 = tpu.memref_slice %arg8[%dma_wait3A_341, %dma_wait3A_342] : memref<40x64xi32, #tpu.memory_space<vmem>> -> memref<1x64xi32, #tpu.memory_space<vmem>>
          %dma_wait3A_344 = tpu.memref_squeeze %dma_wait3A_343 : memref<1x64xi32, #tpu.memory_space<vmem>> -> memref<64xi32, #tpu.memory_space<vmem>>
          %dma_wait3A_345 = arith.constant 0 : i32
          %dma_wait3A_346 = arith.constant 0 : i32
          %dma_wait3A_347 = tpu.memref_slice %arg13[%dma_wait3A_345, %dma_wait3A_346] : memref<10240x128xf32, #tpu.memory_space<vmem_shared>> -> memref<10240x128xf32, #tpu.memory_space<vmem_shared>>
          tpu.wait_indirect_dma semaphore(%arg21 : memref<!tpu.dma_semaphore, #tpu.memory_space<semaphore_mem>>) src(%arg12 : memref<64x128xf32, #tpu.memory_space<vmem>>) dst(%dma_wait3A_347 : memref<10240x128xf32, #tpu.memory_space<vmem_shared>>)
        } else {
        }
        %add3A_290 = arith.constant 2 : i32
        %add3A_291 = arith.addi %add3A_271, %add3A_290 : i32
        %dma_start3A_292 = arith.constant 0 : i32
        %dma_start3A_293 = tpu.memref_slice %arg7[%add3A_291, %dma_start3A_292] : memref<40x64xi32, #tpu.memory_space<vmem>> -> memref<1x64xi32, #tpu.memory_space<vmem>>
        %dma_start3A_294 = tpu.memref_squeeze %dma_start3A_293 : memref<1x64xi32, #tpu.memory_space<vmem>> -> memref<64xi32, #tpu.memory_space<vmem>>
        %dma_start3A_295 = arith.constant 0 : i32
        %dma_start3A_296 = arith.constant 0 : i32
        %dma_start3A_297 = tpu.memref_slice %arg4[%dma_start3A_295, %dma_start3A_296] : memref<10000x128xf32, #tpu.memory_space<hbm>> -> memref<10000x128xf32, #tpu.memory_space<hbm>>
        tpu.enqueue_indirect_dma source(%dma_start3A_297 : memref<10000x128xf32, #tpu.memory_space<hbm>>) target(%arg12 : memref<64x128xf32, #tpu.memory_space<vmem>>) offsets(%dma_start3A_294 : memref<64xi32, #tpu.memory_space<vmem>>) semaphore(%arg17 : memref<!tpu.dma_semaphore, #tpu.memory_space<semaphore_mem>>)
        %mul3A_298 = arith.constant 4 : i32
        %mul3A_299 = arith.muli %scan3A_237, %mul3A_298 : i32
        %add3A_300 = arith.constant 2 : i32
        %add3A_301 = arith.addi %mul3A_299, %add3A_300 : i32
        %dma_wait3A_302 = arith.constant 0 : i32
        %dma_wait3A_303 = arith.constant 0 : i32
        %dma_wait3A_304 = tpu.memref_slice %arg7[%dma_wait3A_302, %dma_wait3A_303] : memref<40x64xi32, #tpu.memory_space<vmem>> -> memref<1x64xi32, #tpu.memory_space<vmem>>
        %dma_wait3A_305 = tpu.memref_squeeze %dma_wait3A_304 : memref<1x64xi32, #tpu.memory_space<vmem>> -> memref<64xi32, #tpu.memory_space<vmem>>
        %dma_wait3A_306 = arith.constant 0 : i32
        %dma_wait3A_307 = arith.constant 0 : i32
        %dma_wait3A_308 = tpu.memref_slice %arg4[%dma_wait3A_306, %dma_wait3A_307] : memref<10000x128xf32, #tpu.memory_space<hbm>> -> memref<10000x128xf32, #tpu.memory_space<hbm>>
        tpu.wait_indirect_dma semaphore(%arg16 : memref<!tpu.dma_semaphore, #tpu.memory_space<semaphore_mem>>) src(%dma_wait3A_308 : memref<10000x128xf32, #tpu.memory_space<hbm>>) dst(%arg11 : memref<64x128xf32, #tpu.memory_space<vmem>>)
        %dma_start3A_309 = arith.constant 0 : i32
        %dma_start3A_310 = tpu.memref_slice %arg8[%add3A_301, %dma_start3A_309] : memref<40x64xi32, #tpu.memory_space<vmem>> -> memref<1x64xi32, #tpu.memory_space<vmem>>
        %dma_start3A_311 = tpu.memref_squeeze %dma_start3A_310 : memref<1x64xi32, #tpu.memory_space<vmem>> -> memref<64xi32, #tpu.memory_space<vmem>>
        %dma_start3A_312 = arith.constant 0 : i32
        %dma_start3A_313 = arith.constant 0 : i32
        %dma_start3A_314 = tpu.memref_slice %arg13[%dma_start3A_312, %dma_start3A_313] : memref<10240x128xf32, #tpu.memory_space<vmem_shared>> -> memref<10240x128xf32, #tpu.memory_space<vmem_shared>>
        tpu.enqueue_indirect_dma source(%arg11 : memref<64x128xf32, #tpu.memory_space<vmem>>) target(%dma_start3A_314 : memref<10240x128xf32, #tpu.memory_space<vmem_shared>>) offsets(%dma_start3A_311 : memref<64xi32, #tpu.memory_space<vmem>>) semaphore(%arg20 : memref<!tpu.dma_semaphore, #tpu.memory_space<semaphore_mem>>) {add = true}
        %lt3A = arith.constant 9 : i32
        %lt3A_315 = arith.cmpi slt, %scan3A_237, %lt3A : i32
        %convert_element_type3A_316 = arith.extui %lt3A_315 : i1 to i32
        %cond3A_317 = arith.constant 0 : i32
        %cond3A_318 = arith.cmpi ne, %convert_element_type3A_316, %cond3A_317 : i32
        scf.if %cond3A_318 {
          %dma_wait3A_341 = arith.constant 0 : i32
          %dma_wait3A_342 = arith.constant 0 : i32
          %dma_wait3A_343 = tpu.memref_slice %arg8[%dma_wait3A_341, %dma_wait3A_342] : memref<40x64xi32, #tpu.memory_space<vmem>> -> memref<1x64xi32, #tpu.memory_space<vmem>>
          %dma_wait3A_344 = tpu.memref_squeeze %dma_wait3A_343 : memref<1x64xi32, #tpu.memory_space<vmem>> -> memref<64xi32, #tpu.memory_space<vmem>>
          %dma_wait3A_345 = arith.constant 0 : i32
          %dma_wait3A_346 = arith.constant 0 : i32
          %dma_wait3A_347 = tpu.memref_slice %arg13[%dma_wait3A_345, %dma_wait3A_346] : memref<10240x128xf32, #tpu.memory_space<vmem_shared>> -> memref<10240x128xf32, #tpu.memory_space<vmem_shared>>
          tpu.wait_indirect_dma semaphore(%arg18 : memref<!tpu.dma_semaphore, #tpu.memory_space<semaphore_mem>>) src(%arg9 : memref<64x128xf32, #tpu.memory_space<vmem>>) dst(%dma_wait3A_347 : memref<10240x128xf32, #tpu.memory_space<vmem_shared>>)
          %add3A_348 = arith.constant 2 : i32
          %add3A_349 = arith.addi %add3A_301, %add3A_348 : i32
          %dma_start3A_350 = arith.constant 0 : i32
          %dma_start3A_351 = tpu.memref_slice %arg7[%add3A_349, %dma_start3A_350] : memref<40x64xi32, #tpu.memory_space<vmem>> -> memref<1x64xi32, #tpu.memory_space<vmem>>
          %dma_start3A_352 = tpu.memref_squeeze %dma_start3A_351 : memref<1x64xi32, #tpu.memory_space<vmem>> -> memref<64xi32, #tpu.memory_space<vmem>>
          %dma_start3A_353 = arith.constant 0 : i32
          %dma_start3A_354 = arith.constant 0 : i32
          %dma_start3A_355 = tpu.memref_slice %arg4[%dma_start3A_353, %dma_start3A_354] : memref<10000x128xf32, #tpu.memory_space<hbm>> -> memref<10000x128xf32, #tpu.memory_space<hbm>>
          tpu.enqueue_indirect_dma source(%dma_start3A_355 : memref<10000x128xf32, #tpu.memory_space<hbm>>) target(%arg9 : memref<64x128xf32, #tpu.memory_space<vmem>>) offsets(%dma_start3A_352 : memref<64xi32, #tpu.memory_space<vmem>>) semaphore(%arg14 : memref<!tpu.dma_semaphore, #tpu.memory_space<semaphore_mem>>)
        } else {
        }
        %mul3A_319 = arith.constant 4 : i32
        %mul3A_320 = arith.muli %scan3A_237, %mul3A_319 : i32
        %add3A_321 = arith.constant 3 : i32
        %add3A_322 = arith.addi %mul3A_320, %add3A_321 : i32
        %dma_wait3A_323 = arith.constant 0 : i32
        %dma_wait3A_324 = arith.constant 0 : i32
        %dma_wait3A_325 = tpu.memref_slice %arg7[%dma_wait3A_323, %dma_wait3A_324] : memref<40x64xi32, #tpu.memory_space<vmem>> -> memref<1x64xi32, #tpu.memory_space<vmem>>
        %dma_wait3A_326 = tpu.memref_squeeze %dma_wait3A_325 : memref<1x64xi32, #tpu.memory_space<vmem>> -> memref<64xi32, #tpu.memory_space<vmem>>
        %dma_wait3A_327 = arith.constant 0 : i32
        %dma_wait3A_328 = arith.constant 0 : i32
        %dma_wait3A_329 = tpu.memref_slice %arg4[%dma_wait3A_327, %dma_wait3A_328] : memref<10000x128xf32, #tpu.memory_space<hbm>> -> memref<10000x128xf32, #tpu.memory_space<hbm>>
        tpu.wait_indirect_dma semaphore(%arg17 : memref<!tpu.dma_semaphore, #tpu.memory_space<semaphore_mem>>) src(%dma_wait3A_329 : memref<10000x128xf32, #tpu.memory_space<hbm>>) dst(%arg12 : memref<64x128xf32, #tpu.memory_space<vmem>>)
        %dma_start3A_330 = arith.constant 0 : i32
        %dma_start3A_331 = tpu.memref_slice %arg8[%add3A_322, %dma_start3A_330] : memref<40x64xi32, #tpu.memory_space<vmem>> -> memref<1x64xi32, #tpu.memory_space<vmem>>
        %dma_start3A_332 = tpu.memref_squeeze %dma_start3A_331 : memref<1x64xi32, #tpu.memory_space<vmem>> -> memref<64xi32, #tpu.memory_space<vmem>>
        %dma_start3A_333 = arith.constant 0 : i32
        %dma_start3A_334 = arith.constant 0 : i32
        %dma_start3A_335 = tpu.memref_slice %arg13[%dma_start3A_333, %dma_start3A_334] : memref<10240x128xf32, #tpu.memory_space<vmem_shared>> -> memref<10240x128xf32, #tpu.memory_space<vmem_shared>>
        tpu.enqueue_indirect_dma source(%arg12 : memref<64x128xf32, #tpu.memory_space<vmem>>) target(%dma_start3A_335 : memref<10240x128xf32, #tpu.memory_space<vmem_shared>>) offsets(%dma_start3A_332 : memref<64xi32, #tpu.memory_space<vmem>>) semaphore(%arg21 : memref<!tpu.dma_semaphore, #tpu.memory_space<semaphore_mem>>) {add = true}
        %lt3A_336 = arith.constant 9 : i32
        %lt3A_337 = arith.cmpi slt, %scan3A_237, %lt3A_336 : i32
        %convert_element_type3A_338 = arith.extui %lt3A_337 : i1 to i32
        %cond3A_339 = arith.constant 0 : i32
        %cond3A_340 = arith.cmpi ne, %convert_element_type3A_338, %cond3A_339 : i32
        scf.if %cond3A_340 {
          %dma_wait3A_341 = arith.constant 0 : i32
          %dma_wait3A_342 = arith.constant 0 : i32
          %dma_wait3A_343 = tpu.memref_slice %arg8[%dma_wait3A_341, %dma_wait3A_342] : memref<40x64xi32, #tpu.memory_space<vmem>> -> memref<1x64xi32, #tpu.memory_space<vmem>>
          %dma_wait3A_344 = tpu.memref_squeeze %dma_wait3A_343 : memref<1x64xi32, #tpu.memory_space<vmem>> -> memref<64xi32, #tpu.memory_space<vmem>>
          %dma_wait3A_345 = arith.constant 0 : i32
          %dma_wait3A_346 = arith.constant 0 : i32
          %dma_wait3A_347 = tpu.memref_slice %arg13[%dma_wait3A_345, %dma_wait3A_346] : memref<10240x128xf32, #tpu.memory_space<vmem_shared>> -> memref<10240x128xf32, #tpu.memory_space<vmem_shared>>
          tpu.wait_indirect_dma semaphore(%arg19 : memref<!tpu.dma_semaphore, #tpu.memory_space<semaphore_mem>>) src(%arg10 : memref<64x128xf32, #tpu.memory_space<vmem>>) dst(%dma_wait3A_347 : memref<10240x128xf32, #tpu.memory_space<vmem_shared>>)
          %add3A_348 = arith.constant 2 : i32
          %add3A_349 = arith.addi %add3A_322, %add3A_348 : i32
          %dma_start3A_350 = arith.constant 0 : i32
          %dma_start3A_351 = tpu.memref_slice %arg7[%add3A_349, %dma_start3A_350] : memref<40x64xi32, #tpu.memory_space<vmem>> -> memref<1x64xi32, #tpu.memory_space<vmem>>
          %dma_start3A_352 = tpu.memref_squeeze %dma_start3A_351 : memref<1x64xi32, #tpu.memory_space<vmem>> -> memref<64xi32, #tpu.memory_space<vmem>>
          %dma_start3A_353 = arith.constant 0 : i32
          %dma_start3A_354 = arith.constant 0 : i32
          %dma_start3A_355 = tpu.memref_slice %arg4[%dma_start3A_353, %dma_start3A_354] : memref<10000x128xf32, #tpu.memory_space<hbm>> -> memref<10000x128xf32, #tpu.memory_space<hbm>>
          tpu.enqueue_indirect_dma source(%dma_start3A_355 : memref<10000x128xf32, #tpu.memory_space<hbm>>) target(%arg10 : memref<64x128xf32, #tpu.memory_space<vmem>>) offsets(%dma_start3A_352 : memref<64xi32, #tpu.memory_space<vmem>>) semaphore(%arg15 : memref<!tpu.dma_semaphore, #tpu.memory_space<semaphore_mem>>)
        } else {
        }
      }
      %scan3A_209 = arith.constant 10 : i32
      %dma_wait3A = arith.constant 0 : i32
      %dma_wait3A_210 = arith.constant 0 : i32
      %dma_wait3A_211 = tpu.memref_slice %arg8[%dma_wait3A, %dma_wait3A_210] : memref<40x64xi32, #tpu.memory_space<vmem>> -> memref<1x64xi32, #tpu.memory_space<vmem>>
      %dma_wait3A_212 = tpu.memref_squeeze %dma_wait3A_211 : memref<1x64xi32, #tpu.memory_space<vmem>> -> memref<64xi32, #tpu.memory_space<vmem>>
      %dma_wait3A_213 = arith.constant 0 : i32
      %dma_wait3A_214 = arith.constant 0 : i32
      %dma_wait3A_215 = tpu.memref_slice %arg13[%dma_wait3A_213, %dma_wait3A_214] : memref<10240x128xf32, #tpu.memory_space<vmem_shared>> -> memref<10240x128xf32, #tpu.memory_space<vmem_shared>>
      tpu.wait_indirect_dma semaphore(%arg18 : memref<!tpu.dma_semaphore, #tpu.memory_space<semaphore_mem>>) src(%arg9 : memref<64x128xf32, #tpu.memory_space<vmem>>) dst(%dma_wait3A_215 : memref<10240x128xf32, #tpu.memory_space<vmem_shared>>)
      %dma_wait3A_216 = arith.constant 0 : i32
      %dma_wait3A_217 = arith.constant 0 : i32
      %dma_wait3A_218 = tpu.memref_slice %arg8[%dma_wait3A_216, %dma_wait3A_217] : memref<40x64xi32, #tpu.memory_space<vmem>> -> memref<1x64xi32, #tpu.memory_space<vmem>>
      %dma_wait3A_219 = tpu.memref_squeeze %dma_wait3A_218 : memref<1x64xi32, #tpu.memory_space<vmem>> -> memref<64xi32, #tpu.memory_space<vmem>>
      %dma_wait3A_220 = arith.constant 0 : i32
      %dma_wait3A_221 = arith.constant 0 : i32
      %dma_wait3A_222 = tpu.memref_slice %arg13[%dma_wait3A_220, %dma_wait3A_221] : memref<10240x128xf32, #tpu.memory_space<vmem_shared>> -> memref<10240x128xf32, #tpu.memory_space<vmem_shared>>
      tpu.wait_indirect_dma semaphore(%arg19 : memref<!tpu.dma_semaphore, #tpu.memory_space<semaphore_mem>>) src(%arg10 : memref<64x128xf32, #tpu.memory_space<vmem>>) dst(%dma_wait3A_222 : memref<10240x128xf32, #tpu.memory_space<vmem_shared>>)
      %dma_wait3A_223 = arith.constant 0 : i32
      %dma_wait3A_224 = arith.constant 0 : i32
      %dma_wait3A_225 = tpu.memref_slice %arg8[%dma_wait3A_223, %dma_wait3A_224] : memref<40x64xi32, #tpu.memory_space<vmem>> -> memref<1x64xi32, #tpu.memory_space<vmem>>
      %dma_wait3A_226 = tpu.memref_squeeze %dma_wait3A_225 : memref<1x64xi32, #tpu.memory_space<vmem>> -> memref<64xi32, #tpu.memory_space<vmem>>
      %dma_wait3A_227 = arith.constant 0 : i32
      %dma_wait3A_228 = arith.constant 0 : i32
      %dma_wait3A_229 = tpu.memref_slice %arg13[%dma_wait3A_227, %dma_wait3A_228] : memref<10240x128xf32, #tpu.memory_space<vmem_shared>> -> memref<10240x128xf32, #tpu.memory_space<vmem_shared>>
      tpu.wait_indirect_dma semaphore(%arg20 : memref<!tpu.dma_semaphore, #tpu.memory_space<semaphore_mem>>) src(%arg11 : memref<64x128xf32, #tpu.memory_space<vmem>>) dst(%dma_wait3A_229 : memref<10240x128xf32, #tpu.memory_space<vmem_shared>>)
      %dma_wait3A_230 = arith.constant 0 : i32
      %dma_wait3A_231 = arith.constant 0 : i32
      %dma_wait3A_232 = tpu.memref_slice %arg8[%dma_wait3A_230, %dma_wait3A_231] : memref<40x64xi32, #tpu.memory_space<vmem>> -> memref<1x64xi32, #tpu.memory_space<vmem>>
      %dma_wait3A_233 = tpu.memref_squeeze %dma_wait3A_232 : memref<1x64xi32, #tpu.memory_space<vmem>> -> memref<64xi32, #tpu.memory_space<vmem>>
      %dma_wait3A_234 = arith.constant 0 : i32
      %dma_wait3A_235 = arith.constant 0 : i32
      %dma_wait3A_236 = tpu.memref_slice %arg13[%dma_wait3A_234, %dma_wait3A_235] : memref<10240x128xf32, #tpu.memory_space<vmem_shared>> -> memref<10240x128xf32, #tpu.memory_space<vmem_shared>>
      tpu.wait_indirect_dma semaphore(%arg21 : memref<!tpu.dma_semaphore, #tpu.memory_space<semaphore_mem>>) src(%arg12 : memref<64x128xf32, #tpu.memory_space<vmem>>) dst(%dma_wait3A_236 : memref<10240x128xf32, #tpu.memory_space<vmem_shared>>)
    } else {
    }
    %gt3A_49 = arith.constant 1 : i32
    %gt3A_50 = arith.cmpi sgt, %select_n3A, %gt3A_49 : i32
    %convert_element_type3A_51 = arith.extui %gt3A_50 : i1 to i32
    %cond3A_52 = arith.constant 0 : i32
    %cond3A_53 = arith.cmpi ne, %convert_element_type3A_51, %cond3A_52 : i32
    scf.if %cond3A_53 {
      %add3A_190 = arith.constant 40 : i32
      %add3A_191 = arith.addi %select_n3A_6, %add3A_190 : i32
      "tpu.region"() ({
        %run_scoped3A = tpu.sem_alloc : memref<!tpu.dma_semaphore, #tpu.memory_space<semaphore_mem>>
        %dma_start3A_237 = arith.constant 0 : i32
        %dma_start3A_238 = tpu.memref_slice %arg2[%add3A_191, %dma_start3A_237] : memref<5120x64xi32, #tpu.memory_space<hbm>> -> memref<40x64xi32, #tpu.memory_space<hbm>>
        %dma_start3A_239 = arith.constant 0 : i32
        %dma_start3A_240 = tpu.memref_slice %arg2[%add3A_191, %dma_start3A_239] : memref<5120x64xi32, #tpu.memory_space<hbm>> -> memref<40x64xi32, #tpu.memory_space<hbm>>
        tpu.enqueue_dma source(%dma_start3A_240 : memref<40x64xi32, #tpu.memory_space<hbm>>) target(%arg7 : memref<40x64xi32, #tpu.memory_space<vmem>>) target_semaphore(%run_scoped3A : memref<!tpu.dma_semaphore, #tpu.memory_space<semaphore_mem>>)
        %dma_wait3A_241 = arith.constant 0 : i32
        %dma_wait3A_242 = tpu.memref_slice %arg2[%add3A_191, %dma_wait3A_241] : memref<5120x64xi32, #tpu.memory_space<hbm>> -> memref<40x64xi32, #tpu.memory_space<hbm>>
        %dma_wait3A_243 = arith.constant 0 : i32
        %dma_wait3A_244 = tpu.memref_slice %arg2[%add3A_191, %dma_wait3A_243] : memref<5120x64xi32, #tpu.memory_space<hbm>> -> memref<40x64xi32, #tpu.memory_space<hbm>>
        tpu.wait_dma2 semaphore(%run_scoped3A : memref<!tpu.dma_semaphore, #tpu.memory_space<semaphore_mem>>) src(%dma_wait3A_244 : memref<40x64xi32, #tpu.memory_space<hbm>>) dst(%arg7 : memref<40x64xi32, #tpu.memory_space<vmem>>)
        tpu.yield
      }) : () -> ()
      "tpu.region"() ({
        %run_scoped3A = tpu.sem_alloc : memref<!tpu.dma_semaphore, #tpu.memory_space<semaphore_mem>>
        %dma_start3A_237 = arith.constant 0 : i32
        %dma_start3A_238 = tpu.memref_slice %arg3[%add3A_191, %dma_start3A_237] : memref<5120x64xi32, #tpu.memory_space<hbm>> -> memref<40x64xi32, #tpu.memory_space<hbm>>
        %dma_start3A_239 = arith.constant 0 : i32
        %dma_start3A_240 = tpu.memref_slice %arg3[%add3A_191, %dma_start3A_239] : memref<5120x64xi32, #tpu.memory_space<hbm>> -> memref<40x64xi32, #tpu.memory_space<hbm>>
        tpu.enqueue_dma source(%dma_start3A_240 : memref<40x64xi32, #tpu.memory_space<hbm>>) target(%arg8 : memref<40x64xi32, #tpu.memory_space<vmem>>) target_semaphore(%run_scoped3A : memref<!tpu.dma_semaphore, #tpu.memory_space<semaphore_mem>>)
        %dma_wait3A_241 = arith.constant 0 : i32
        %dma_wait3A_242 = tpu.memref_slice %arg3[%add3A_191, %dma_wait3A_241] : memref<5120x64xi32, #tpu.memory_space<hbm>> -> memref<40x64xi32, #tpu.memory_space<hbm>>
        %dma_wait3A_243 = arith.constant 0 : i32
        %dma_wait3A_244 = tpu.memref_slice %arg3[%add3A_191, %dma_wait3A_243] : memref<5120x64xi32, #tpu.memory_space<hbm>> -> memref<40x64xi32, #tpu.memory_space<hbm>>
        tpu.wait_dma2 semaphore(%run_scoped3A : memref<!tpu.dma_semaphore, #tpu.memory_space<semaphore_mem>>) src(%dma_wait3A_244 : memref<40x64xi32, #tpu.memory_space<hbm>>) dst(%arg8 : memref<40x64xi32, #tpu.memory_space<vmem>>)
        tpu.yield
      }) : () -> ()
      %dma_start3A = arith.constant 0 : i32
      %dma_start3A_192 = arith.constant 0 : i32
      %dma_start3A_193 = tpu.memref_slice %arg7[%dma_start3A, %dma_start3A_192] : memref<40x64xi32, #tpu.memory_space<vmem>> -> memref<1x64xi32, #tpu.memory_space<vmem>>
      %dma_start3A_194 = tpu.memref_squeeze %dma_start3A_193 : memref<1x64xi32, #tpu.memory_space<vmem>> -> memref<64xi32, #tpu.memory_space<vmem>>
      %dma_start3A_195 = arith.constant 0 : i32
      %dma_start3A_196 = arith.constant 0 : i32
      %dma_start3A_197 = tpu.memref_slice %arg4[%dma_start3A_195, %dma_start3A_196] : memref<10000x128xf32, #tpu.memory_space<hbm>> -> memref<10000x128xf32, #tpu.memory_space<hbm>>
      tpu.enqueue_indirect_dma source(%dma_start3A_197 : memref<10000x128xf32, #tpu.memory_space<hbm>>) target(%arg9 : memref<64x128xf32, #tpu.memory_space<vmem>>) offsets(%dma_start3A_194 : memref<64xi32, #tpu.memory_space<vmem>>) semaphore(%arg14 : memref<!tpu.dma_semaphore, #tpu.memory_space<semaphore_mem>>)
      %dma_start3A_198 = arith.constant 1 : i32
      %dma_start3A_199 = arith.constant 0 : i32
      %dma_start3A_200 = tpu.memref_slice %arg7[%dma_start3A_198, %dma_start3A_199] : memref<40x64xi32, #tpu.memory_space<vmem>> -> memref<1x64xi32, #tpu.memory_space<vmem>>
      %dma_start3A_201 = tpu.memref_squeeze %dma_start3A_200 : memref<1x64xi32, #tpu.memory_space<vmem>> -> memref<64xi32, #tpu.memory_space<vmem>>
      %dma_start3A_202 = arith.constant 0 : i32
      %dma_start3A_203 = arith.constant 0 : i32
      %dma_start3A_204 = tpu.memref_slice %arg4[%dma_start3A_202, %dma_start3A_203] : memref<10000x128xf32, #tpu.memory_space<hbm>> -> memref<10000x128xf32, #tpu.memory_space<hbm>>
      tpu.enqueue_indirect_dma source(%dma_start3A_204 : memref<10000x128xf32, #tpu.memory_space<hbm>>) target(%arg10 : memref<64x128xf32, #tpu.memory_space<vmem>>) offsets(%dma_start3A_201 : memref<64xi32, #tpu.memory_space<vmem>>) semaphore(%arg15 : memref<!tpu.dma_semaphore, #tpu.memory_space<semaphore_mem>>)
      %scan3A = arith.constant 0 : i32
      %scan3A_205 = arith.constant 0 : i32
      %scan3A_206 = arith.constant 10 : i32
      %scan3A_207 = arith.addi %scan3A_205, %scan3A_206 : i32
      %scan3A_208 = arith.constant 1 : i32
      scf.for %scan3A_237 = %scan3A_205 to %scan3A_207 step %scan3A_208  : i32 {
        %mul3A_238 = arith.constant 4 : i32
        %mul3A_239 = arith.muli %scan3A_237, %mul3A_238 : i32
        %add3A_240 = arith.constant 0 : i32
        %add3A_241 = arith.addi %mul3A_239, %add3A_240 : i32
        %dma_wait3A_242 = arith.constant 0 : i32
        %dma_wait3A_243 = arith.constant 0 : i32
        %dma_wait3A_244 = tpu.memref_slice %arg7[%dma_wait3A_242, %dma_wait3A_243] : memref<40x64xi32, #tpu.memory_space<vmem>> -> memref<1x64xi32, #tpu.memory_space<vmem>>
        %dma_wait3A_245 = tpu.memref_squeeze %dma_wait3A_244 : memref<1x64xi32, #tpu.memory_space<vmem>> -> memref<64xi32, #tpu.memory_space<vmem>>
        %dma_wait3A_246 = arith.constant 0 : i32
        %dma_wait3A_247 = arith.constant 0 : i32
        %dma_wait3A_248 = tpu.memref_slice %arg4[%dma_wait3A_246, %dma_wait3A_247] : memref<10000x128xf32, #tpu.memory_space<hbm>> -> memref<10000x128xf32, #tpu.memory_space<hbm>>
        tpu.wait_indirect_dma semaphore(%arg14 : memref<!tpu.dma_semaphore, #tpu.memory_space<semaphore_mem>>) src(%dma_wait3A_248 : memref<10000x128xf32, #tpu.memory_space<hbm>>) dst(%arg9 : memref<64x128xf32, #tpu.memory_space<vmem>>)
        %dma_start3A_249 = arith.constant 0 : i32
        %dma_start3A_250 = tpu.memref_slice %arg8[%add3A_241, %dma_start3A_249] : memref<40x64xi32, #tpu.memory_space<vmem>> -> memref<1x64xi32, #tpu.memory_space<vmem>>
        %dma_start3A_251 = tpu.memref_squeeze %dma_start3A_250 : memref<1x64xi32, #tpu.memory_space<vmem>> -> memref<64xi32, #tpu.memory_space<vmem>>
        %dma_start3A_252 = arith.constant 0 : i32
        %dma_start3A_253 = arith.constant 0 : i32
        %dma_start3A_254 = tpu.memref_slice %arg13[%dma_start3A_252, %dma_start3A_253] : memref<10240x128xf32, #tpu.memory_space<vmem_shared>> -> memref<10240x128xf32, #tpu.memory_space<vmem_shared>>
        tpu.enqueue_indirect_dma source(%arg9 : memref<64x128xf32, #tpu.memory_space<vmem>>) target(%dma_start3A_254 : memref<10240x128xf32, #tpu.memory_space<vmem_shared>>) offsets(%dma_start3A_251 : memref<64xi32, #tpu.memory_space<vmem>>) semaphore(%arg18 : memref<!tpu.dma_semaphore, #tpu.memory_space<semaphore_mem>>) {add = true}
        %gt3A_255 = arith.constant 0 : i32
        %gt3A_256 = arith.cmpi sgt, %scan3A_237, %gt3A_255 : i32
        %convert_element_type3A_257 = arith.extui %gt3A_256 : i1 to i32
        %cond3A_258 = arith.constant 0 : i32
        %cond3A_259 = arith.cmpi ne, %convert_element_type3A_257, %cond3A_258 : i32
        scf.if %cond3A_259 {
          %dma_wait3A_341 = arith.constant 0 : i32
          %dma_wait3A_342 = arith.constant 0 : i32
          %dma_wait3A_343 = tpu.memref_slice %arg8[%dma_wait3A_341, %dma_wait3A_342] : memref<40x64xi32, #tpu.memory_space<vmem>> -> memref<1x64xi32, #tpu.memory_space<vmem>>
          %dma_wait3A_344 = tpu.memref_squeeze %dma_wait3A_343 : memref<1x64xi32, #tpu.memory_space<vmem>> -> memref<64xi32, #tpu.memory_space<vmem>>
          %dma_wait3A_345 = arith.constant 0 : i32
          %dma_wait3A_346 = arith.constant 0 : i32
          %dma_wait3A_347 = tpu.memref_slice %arg13[%dma_wait3A_345, %dma_wait3A_346] : memref<10240x128xf32, #tpu.memory_space<vmem_shared>> -> memref<10240x128xf32, #tpu.memory_space<vmem_shared>>
          tpu.wait_indirect_dma semaphore(%arg20 : memref<!tpu.dma_semaphore, #tpu.memory_space<semaphore_mem>>) src(%arg11 : memref<64x128xf32, #tpu.memory_space<vmem>>) dst(%dma_wait3A_347 : memref<10240x128xf32, #tpu.memory_space<vmem_shared>>)
        } else {
        }
        %add3A_260 = arith.constant 2 : i32
        %add3A_261 = arith.addi %add3A_241, %add3A_260 : i32
        %dma_start3A_262 = arith.constant 0 : i32
        %dma_start3A_263 = tpu.memref_slice %arg7[%add3A_261, %dma_start3A_262] : memref<40x64xi32, #tpu.memory_space<vmem>> -> memref<1x64xi32, #tpu.memory_space<vmem>>
        %dma_start3A_264 = tpu.memref_squeeze %dma_start3A_263 : memref<1x64xi32, #tpu.memory_space<vmem>> -> memref<64xi32, #tpu.memory_space<vmem>>
        %dma_start3A_265 = arith.constant 0 : i32
        %dma_start3A_266 = arith.constant 0 : i32
        %dma_start3A_267 = tpu.memref_slice %arg4[%dma_start3A_265, %dma_start3A_266] : memref<10000x128xf32, #tpu.memory_space<hbm>> -> memref<10000x128xf32, #tpu.memory_space<hbm>>
        tpu.enqueue_indirect_dma source(%dma_start3A_267 : memref<10000x128xf32, #tpu.memory_space<hbm>>) target(%arg11 : memref<64x128xf32, #tpu.memory_space<vmem>>) offsets(%dma_start3A_264 : memref<64xi32, #tpu.memory_space<vmem>>) semaphore(%arg16 : memref<!tpu.dma_semaphore, #tpu.memory_space<semaphore_mem>>)
        %mul3A_268 = arith.constant 4 : i32
        %mul3A_269 = arith.muli %scan3A_237, %mul3A_268 : i32
        %add3A_270 = arith.constant 1 : i32
        %add3A_271 = arith.addi %mul3A_269, %add3A_270 : i32
        %dma_wait3A_272 = arith.constant 0 : i32
        %dma_wait3A_273 = arith.constant 0 : i32
        %dma_wait3A_274 = tpu.memref_slice %arg7[%dma_wait3A_272, %dma_wait3A_273] : memref<40x64xi32, #tpu.memory_space<vmem>> -> memref<1x64xi32, #tpu.memory_space<vmem>>
        %dma_wait3A_275 = tpu.memref_squeeze %dma_wait3A_274 : memref<1x64xi32, #tpu.memory_space<vmem>> -> memref<64xi32, #tpu.memory_space<vmem>>
        %dma_wait3A_276 = arith.constant 0 : i32
        %dma_wait3A_277 = arith.constant 0 : i32
        %dma_wait3A_278 = tpu.memref_slice %arg4[%dma_wait3A_276, %dma_wait3A_277] : memref<10000x128xf32, #tpu.memory_space<hbm>> -> memref<10000x128xf32, #tpu.memory_space<hbm>>
        tpu.wait_indirect_dma semaphore(%arg15 : memref<!tpu.dma_semaphore, #tpu.memory_space<semaphore_mem>>) src(%dma_wait3A_278 : memref<10000x128xf32, #tpu.memory_space<hbm>>) dst(%arg10 : memref<64x128xf32, #tpu.memory_space<vmem>>)
        %dma_start3A_279 = arith.constant 0 : i32
        %dma_start3A_280 = tpu.memref_slice %arg8[%add3A_271, %dma_start3A_279] : memref<40x64xi32, #tpu.memory_space<vmem>> -> memref<1x64xi32, #tpu.memory_space<vmem>>
        %dma_start3A_281 = tpu.memref_squeeze %dma_start3A_280 : memref<1x64xi32, #tpu.memory_space<vmem>> -> memref<64xi32, #tpu.memory_space<vmem>>
        %dma_start3A_282 = arith.constant 0 : i32
        %dma_start3A_283 = arith.constant 0 : i32
        %dma_start3A_284 = tpu.memref_slice %arg13[%dma_start3A_282, %dma_start3A_283] : memref<10240x128xf32, #tpu.memory_space<vmem_shared>> -> memref<10240x128xf32, #tpu.memory_space<vmem_shared>>
        tpu.enqueue_indirect_dma source(%arg10 : memref<64x128xf32, #tpu.memory_space<vmem>>) target(%dma_start3A_284 : memref<10240x128xf32, #tpu.memory_space<vmem_shared>>) offsets(%dma_start3A_281 : memref<64xi32, #tpu.memory_space<vmem>>) semaphore(%arg19 : memref<!tpu.dma_semaphore, #tpu.memory_space<semaphore_mem>>) {add = true}
        %gt3A_285 = arith.constant 0 : i32
        %gt3A_286 = arith.cmpi sgt, %scan3A_237, %gt3A_285 : i32
        %convert_element_type3A_287 = arith.extui %gt3A_286 : i1 to i32
        %cond3A_288 = arith.constant 0 : i32
        %cond3A_289 = arith.cmpi ne, %convert_element_type3A_287, %cond3A_288 : i32
        scf.if %cond3A_289 {
          %dma_wait3A_341 = arith.constant 0 : i32
          %dma_wait3A_342 = arith.constant 0 : i32
          %dma_wait3A_343 = tpu.memref_slice %arg8[%dma_wait3A_341, %dma_wait3A_342] : memref<40x64xi32, #tpu.memory_space<vmem>> -> memref<1x64xi32, #tpu.memory_space<vmem>>
          %dma_wait3A_344 = tpu.memref_squeeze %dma_wait3A_343 : memref<1x64xi32, #tpu.memory_space<vmem>> -> memref<64xi32, #tpu.memory_space<vmem>>
          %dma_wait3A_345 = arith.constant 0 : i32
          %dma_wait3A_346 = arith.constant 0 : i32
          %dma_wait3A_347 = tpu.memref_slice %arg13[%dma_wait3A_345, %dma_wait3A_346] : memref<10240x128xf32, #tpu.memory_space<vmem_shared>> -> memref<10240x128xf32, #tpu.memory_space<vmem_shared>>
          tpu.wait_indirect_dma semaphore(%arg21 : memref<!tpu.dma_semaphore, #tpu.memory_space<semaphore_mem>>) src(%arg12 : memref<64x128xf32, #tpu.memory_space<vmem>>) dst(%dma_wait3A_347 : memref<10240x128xf32, #tpu.memory_space<vmem_shared>>)
        } else {
        }
        %add3A_290 = arith.constant 2 : i32
        %add3A_291 = arith.addi %add3A_271, %add3A_290 : i32
        %dma_start3A_292 = arith.constant 0 : i32
        %dma_start3A_293 = tpu.memref_slice %arg7[%add3A_291, %dma_start3A_292] : memref<40x64xi32, #tpu.memory_space<vmem>> -> memref<1x64xi32, #tpu.memory_space<vmem>>
        %dma_start3A_294 = tpu.memref_squeeze %dma_start3A_293 : memref<1x64xi32, #tpu.memory_space<vmem>> -> memref<64xi32, #tpu.memory_space<vmem>>
        %dma_start3A_295 = arith.constant 0 : i32
        %dma_start3A_296 = arith.constant 0 : i32
        %dma_start3A_297 = tpu.memref_slice %arg4[%dma_start3A_295, %dma_start3A_296] : memref<10000x128xf32, #tpu.memory_space<hbm>> -> memref<10000x128xf32, #tpu.memory_space<hbm>>
        tpu.enqueue_indirect_dma source(%dma_start3A_297 : memref<10000x128xf32, #tpu.memory_space<hbm>>) target(%arg12 : memref<64x128xf32, #tpu.memory_space<vmem>>) offsets(%dma_start3A_294 : memref<64xi32, #tpu.memory_space<vmem>>) semaphore(%arg17 : memref<!tpu.dma_semaphore, #tpu.memory_space<semaphore_mem>>)
        %mul3A_298 = arith.constant 4 : i32
        %mul3A_299 = arith.muli %scan3A_237, %mul3A_298 : i32
        %add3A_300 = arith.constant 2 : i32
        %add3A_301 = arith.addi %mul3A_299, %add3A_300 : i32
        %dma_wait3A_302 = arith.constant 0 : i32
        %dma_wait3A_303 = arith.constant 0 : i32
        %dma_wait3A_304 = tpu.memref_slice %arg7[%dma_wait3A_302, %dma_wait3A_303] : memref<40x64xi32, #tpu.memory_space<vmem>> -> memref<1x64xi32, #tpu.memory_space<vmem>>
        %dma_wait3A_305 = tpu.memref_squeeze %dma_wait3A_304 : memref<1x64xi32, #tpu.memory_space<vmem>> -> memref<64xi32, #tpu.memory_space<vmem>>
        %dma_wait3A_306 = arith.constant 0 : i32
        %dma_wait3A_307 = arith.constant 0 : i32
        %dma_wait3A_308 = tpu.memref_slice %arg4[%dma_wait3A_306, %dma_wait3A_307] : memref<10000x128xf32, #tpu.memory_space<hbm>> -> memref<10000x128xf32, #tpu.memory_space<hbm>>
        tpu.wait_indirect_dma semaphore(%arg16 : memref<!tpu.dma_semaphore, #tpu.memory_space<semaphore_mem>>) src(%dma_wait3A_308 : memref<10000x128xf32, #tpu.memory_space<hbm>>) dst(%arg11 : memref<64x128xf32, #tpu.memory_space<vmem>>)
        %dma_start3A_309 = arith.constant 0 : i32
        %dma_start3A_310 = tpu.memref_slice %arg8[%add3A_301, %dma_start3A_309] : memref<40x64xi32, #tpu.memory_space<vmem>> -> memref<1x64xi32, #tpu.memory_space<vmem>>
        %dma_start3A_311 = tpu.memref_squeeze %dma_start3A_310 : memref<1x64xi32, #tpu.memory_space<vmem>> -> memref<64xi32, #tpu.memory_space<vmem>>
        %dma_start3A_312 = arith.constant 0 : i32
        %dma_start3A_313 = arith.constant 0 : i32
        %dma_start3A_314 = tpu.memref_slice %arg13[%dma_start3A_312, %dma_start3A_313] : memref<10240x128xf32, #tpu.memory_space<vmem_shared>> -> memref<10240x128xf32, #tpu.memory_space<vmem_shared>>
        tpu.enqueue_indirect_dma source(%arg11 : memref<64x128xf32, #tpu.memory_space<vmem>>) target(%dma_start3A_314 : memref<10240x128xf32, #tpu.memory_space<vmem_shared>>) offsets(%dma_start3A_311 : memref<64xi32, #tpu.memory_space<vmem>>) semaphore(%arg20 : memref<!tpu.dma_semaphore, #tpu.memory_space<semaphore_mem>>) {add = true}
        %lt3A = arith.constant 9 : i32
        %lt3A_315 = arith.cmpi slt, %scan3A_237, %lt3A : i32
        %convert_element_type3A_316 = arith.extui %lt3A_315 : i1 to i32
        %cond3A_317 = arith.constant 0 : i32
        %cond3A_318 = arith.cmpi ne, %convert_element_type3A_316, %cond3A_317 : i32
        scf.if %cond3A_318 {
          %dma_wait3A_341 = arith.constant 0 : i32
          %dma_wait3A_342 = arith.constant 0 : i32
          %dma_wait3A_343 = tpu.memref_slice %arg8[%dma_wait3A_341, %dma_wait3A_342] : memref<40x64xi32, #tpu.memory_space<vmem>> -> memref<1x64xi32, #tpu.memory_space<vmem>>
          %dma_wait3A_344 = tpu.memref_squeeze %dma_wait3A_343 : memref<1x64xi32, #tpu.memory_space<vmem>> -> memref<64xi32, #tpu.memory_space<vmem>>
          %dma_wait3A_345 = arith.constant 0 : i32
          %dma_wait3A_346 = arith.constant 0 : i32
          %dma_wait3A_347 = tpu.memref_slice %arg13[%dma_wait3A_345, %dma_wait3A_346] : memref<10240x128xf32, #tpu.memory_space<vmem_shared>> -> memref<10240x128xf32, #tpu.memory_space<vmem_shared>>
          tpu.wait_indirect_dma semaphore(%arg18 : memref<!tpu.dma_semaphore, #tpu.memory_space<semaphore_mem>>) src(%arg9 : memref<64x128xf32, #tpu.memory_space<vmem>>) dst(%dma_wait3A_347 : memref<10240x128xf32, #tpu.memory_space<vmem_shared>>)
          %add3A_348 = arith.constant 2 : i32
          %add3A_349 = arith.addi %add3A_301, %add3A_348 : i32
          %dma_start3A_350 = arith.constant 0 : i32
          %dma_start3A_351 = tpu.memref_slice %arg7[%add3A_349, %dma_start3A_350] : memref<40x64xi32, #tpu.memory_space<vmem>> -> memref<1x64xi32, #tpu.memory_space<vmem>>
          %dma_start3A_352 = tpu.memref_squeeze %dma_start3A_351 : memref<1x64xi32, #tpu.memory_space<vmem>> -> memref<64xi32, #tpu.memory_space<vmem>>
          %dma_start3A_353 = arith.constant 0 : i32
          %dma_start3A_354 = arith.constant 0 : i32
          %dma_start3A_355 = tpu.memref_slice %arg4[%dma_start3A_353, %dma_start3A_354] : memref<10000x128xf32, #tpu.memory_space<hbm>> -> memref<10000x128xf32, #tpu.memory_space<hbm>>
          tpu.enqueue_indirect_dma source(%dma_start3A_355 : memref<10000x128xf32, #tpu.memory_space<hbm>>) target(%arg9 : memref<64x128xf32, #tpu.memory_space<vmem>>) offsets(%dma_start3A_352 : memref<64xi32, #tpu.memory_space<vmem>>) semaphore(%arg14 : memref<!tpu.dma_semaphore, #tpu.memory_space<semaphore_mem>>)
        } else {
        }
        %mul3A_319 = arith.constant 4 : i32
        %mul3A_320 = arith.muli %scan3A_237, %mul3A_319 : i32
        %add3A_321 = arith.constant 3 : i32
        %add3A_322 = arith.addi %mul3A_320, %add3A_321 : i32
        %dma_wait3A_323 = arith.constant 0 : i32
        %dma_wait3A_324 = arith.constant 0 : i32
        %dma_wait3A_325 = tpu.memref_slice %arg7[%dma_wait3A_323, %dma_wait3A_324] : memref<40x64xi32, #tpu.memory_space<vmem>> -> memref<1x64xi32, #tpu.memory_space<vmem>>
        %dma_wait3A_326 = tpu.memref_squeeze %dma_wait3A_325 : memref<1x64xi32, #tpu.memory_space<vmem>> -> memref<64xi32, #tpu.memory_space<vmem>>
        %dma_wait3A_327 = arith.constant 0 : i32
        %dma_wait3A_328 = arith.constant 0 : i32
        %dma_wait3A_329 = tpu.memref_slice %arg4[%dma_wait3A_327, %dma_wait3A_328] : memref<10000x128xf32, #tpu.memory_space<hbm>> -> memref<10000x128xf32, #tpu.memory_space<hbm>>
        tpu.wait_indirect_dma semaphore(%arg17 : memref<!tpu.dma_semaphore, #tpu.memory_space<semaphore_mem>>) src(%dma_wait3A_329 : memref<10000x128xf32, #tpu.memory_space<hbm>>) dst(%arg12 : memref<64x128xf32, #tpu.memory_space<vmem>>)
        %dma_start3A_330 = arith.constant 0 : i32
        %dma_start3A_331 = tpu.memref_slice %arg8[%add3A_322, %dma_start3A_330] : memref<40x64xi32, #tpu.memory_space<vmem>> -> memref<1x64xi32, #tpu.memory_space<vmem>>
        %dma_start3A_332 = tpu.memref_squeeze %dma_start3A_331 : memref<1x64xi32, #tpu.memory_space<vmem>> -> memref<64xi32, #tpu.memory_space<vmem>>
        %dma_start3A_333 = arith.constant 0 : i32
        %dma_start3A_334 = arith.constant 0 : i32
        %dma_start3A_335 = tpu.memref_slice %arg13[%dma_start3A_333, %dma_start3A_334] : memref<10240x128xf32, #tpu.memory_space<vmem_shared>> -> memref<10240x128xf32, #tpu.memory_space<vmem_shared>>
        tpu.enqueue_indirect_dma source(%arg12 : memref<64x128xf32, #tpu.memory_space<vmem>>) target(%dma_start3A_335 : memref<10240x128xf32, #tpu.memory_space<vmem_shared>>) offsets(%dma_start3A_332 : memref<64xi32, #tpu.memory_space<vmem>>) semaphore(%arg21 : memref<!tpu.dma_semaphore, #tpu.memory_space<semaphore_mem>>) {add = true}
        %lt3A_336 = arith.constant 9 : i32
        %lt3A_337 = arith.cmpi slt, %scan3A_237, %lt3A_336 : i32
        %convert_element_type3A_338 = arith.extui %lt3A_337 : i1 to i32
        %cond3A_339 = arith.constant 0 : i32
        %cond3A_340 = arith.cmpi ne, %convert_element_type3A_338, %cond3A_339 : i32
        scf.if %cond3A_340 {
          %dma_wait3A_341 = arith.constant 0 : i32
          %dma_wait3A_342 = arith.constant 0 : i32
          %dma_wait3A_343 = tpu.memref_slice %arg8[%dma_wait3A_341, %dma_wait3A_342] : memref<40x64xi32, #tpu.memory_space<vmem>> -> memref<1x64xi32, #tpu.memory_space<vmem>>
          %dma_wait3A_344 = tpu.memref_squeeze %dma_wait3A_343 : memref<1x64xi32, #tpu.memory_space<vmem>> -> memref<64xi32, #tpu.memory_space<vmem>>
          %dma_wait3A_345 = arith.constant 0 : i32
          %dma_wait3A_346 = arith.constant 0 : i32
          %dma_wait3A_347 = tpu.memref_slice %arg13[%dma_wait3A_345, %dma_wait3A_346] : memref<10240x128xf32, #tpu.memory_space<vmem_shared>> -> memref<10240x128xf32, #tpu.memory_space<vmem_shared>>
          tpu.wait_indirect_dma semaphore(%arg19 : memref<!tpu.dma_semaphore, #tpu.memory_space<semaphore_mem>>) src(%arg10 : memref<64x128xf32, #tpu.memory_space<vmem>>) dst(%dma_wait3A_347 : memref<10240x128xf32, #tpu.memory_space<vmem_shared>>)
          %add3A_348 = arith.constant 2 : i32
          %add3A_349 = arith.addi %add3A_322, %add3A_348 : i32
          %dma_start3A_350 = arith.constant 0 : i32
          %dma_start3A_351 = tpu.memref_slice %arg7[%add3A_349, %dma_start3A_350] : memref<40x64xi32, #tpu.memory_space<vmem>> -> memref<1x64xi32, #tpu.memory_space<vmem>>
          %dma_start3A_352 = tpu.memref_squeeze %dma_start3A_351 : memref<1x64xi32, #tpu.memory_space<vmem>> -> memref<64xi32, #tpu.memory_space<vmem>>
          %dma_start3A_353 = arith.constant 0 : i32
          %dma_start3A_354 = arith.constant 0 : i32
          %dma_start3A_355 = tpu.memref_slice %arg4[%dma_start3A_353, %dma_start3A_354] : memref<10000x128xf32, #tpu.memory_space<hbm>> -> memref<10000x128xf32, #tpu.memory_space<hbm>>
          tpu.enqueue_indirect_dma source(%dma_start3A_355 : memref<10000x128xf32, #tpu.memory_space<hbm>>) target(%arg10 : memref<64x128xf32, #tpu.memory_space<vmem>>) offsets(%dma_start3A_352 : memref<64xi32, #tpu.memory_space<vmem>>) semaphore(%arg15 : memref<!tpu.dma_semaphore, #tpu.memory_space<semaphore_mem>>)
        } else {
        }
      }
      %scan3A_209 = arith.constant 10 : i32
      %dma_wait3A = arith.constant 0 : i32
      %dma_wait3A_210 = arith.constant 0 : i32
      %dma_wait3A_211 = tpu.memref_slice %arg8[%dma_wait3A, %dma_wait3A_210] : memref<40x64xi32, #tpu.memory_space<vmem>> -> memref<1x64xi32, #tpu.memory_space<vmem>>
      %dma_wait3A_212 = tpu.memref_squeeze %dma_wait3A_211 : memref<1x64xi32, #tpu.memory_space<vmem>> -> memref<64xi32, #tpu.memory_space<vmem>>
      %dma_wait3A_213 = arith.constant 0 : i32
      %dma_wait3A_214 = arith.constant 0 : i32
      %dma_wait3A_215 = tpu.memref_slice %arg13[%dma_wait3A_213, %dma_wait3A_214] : memref<10240x128xf32, #tpu.memory_space<vmem_shared>> -> memref<10240x128xf32, #tpu.memory_space<vmem_shared>>
      tpu.wait_indirect_dma semaphore(%arg18 : memref<!tpu.dma_semaphore, #tpu.memory_space<semaphore_mem>>) src(%arg9 : memref<64x128xf32, #tpu.memory_space<vmem>>) dst(%dma_wait3A_215 : memref<10240x128xf32, #tpu.memory_space<vmem_shared>>)
      %dma_wait3A_216 = arith.constant 0 : i32
      %dma_wait3A_217 = arith.constant 0 : i32
      %dma_wait3A_218 = tpu.memref_slice %arg8[%dma_wait3A_216, %dma_wait3A_217] : memref<40x64xi32, #tpu.memory_space<vmem>> -> memref<1x64xi32, #tpu.memory_space<vmem>>
      %dma_wait3A_219 = tpu.memref_squeeze %dma_wait3A_218 : memref<1x64xi32, #tpu.memory_space<vmem>> -> memref<64xi32, #tpu.memory_space<vmem>>
      %dma_wait3A_220 = arith.constant 0 : i32
      %dma_wait3A_221 = arith.constant 0 : i32
      %dma_wait3A_222 = tpu.memref_slice %arg13[%dma_wait3A_220, %dma_wait3A_221] : memref<10240x128xf32, #tpu.memory_space<vmem_shared>> -> memref<10240x128xf32, #tpu.memory_space<vmem_shared>>
      tpu.wait_indirect_dma semaphore(%arg19 : memref<!tpu.dma_semaphore, #tpu.memory_space<semaphore_mem>>) src(%arg10 : memref<64x128xf32, #tpu.memory_space<vmem>>) dst(%dma_wait3A_222 : memref<10240x128xf32, #tpu.memory_space<vmem_shared>>)
      %dma_wait3A_223 = arith.constant 0 : i32
      %dma_wait3A_224 = arith.constant 0 : i32
      %dma_wait3A_225 = tpu.memref_slice %arg8[%dma_wait3A_223, %dma_wait3A_224] : memref<40x64xi32, #tpu.memory_space<vmem>> -> memref<1x64xi32, #tpu.memory_space<vmem>>
      %dma_wait3A_226 = tpu.memref_squeeze %dma_wait3A_225 : memref<1x64xi32, #tpu.memory_space<vmem>> -> memref<64xi32, #tpu.memory_space<vmem>>
      %dma_wait3A_227 = arith.constant 0 : i32
      %dma_wait3A_228 = arith.constant 0 : i32
      %dma_wait3A_229 = tpu.memref_slice %arg13[%dma_wait3A_227, %dma_wait3A_228] : memref<10240x128xf32, #tpu.memory_space<vmem_shared>> -> memref<10240x128xf32, #tpu.memory_space<vmem_shared>>
      tpu.wait_indirect_dma semaphore(%arg20 : memref<!tpu.dma_semaphore, #tpu.memory_space<semaphore_mem>>) src(%arg11 : memref<64x128xf32, #tpu.memory_space<vmem>>) dst(%dma_wait3A_229 : memref<10240x128xf32, #tpu.memory_space<vmem_shared>>)
      %dma_wait3A_230 = arith.constant 0 : i32
      %dma_wait3A_231 = arith.constant 0 : i32
      %dma_wait3A_232 = tpu.memref_slice %arg8[%dma_wait3A_230, %dma_wait3A_231] : memref<40x64xi32, #tpu.memory_space<vmem>> -> memref<1x64xi32, #tpu.memory_space<vmem>>
      %dma_wait3A_233 = tpu.memref_squeeze %dma_wait3A_232 : memref<1x64xi32, #tpu.memory_space<vmem>> -> memref<64xi32, #tpu.memory_space<vmem>>
      %dma_wait3A_234 = arith.constant 0 : i32
      %dma_wait3A_235 = arith.constant 0 : i32
      %dma_wait3A_236 = tpu.memref_slice %arg13[%dma_wait3A_234, %dma_wait3A_235] : memref<10240x128xf32, #tpu.memory_space<vmem_shared>> -> memref<10240x128xf32, #tpu.memory_space<vmem_shared>>
      tpu.wait_indirect_dma semaphore(%arg21 : memref<!tpu.dma_semaphore, #tpu.memory_space<semaphore_mem>>) src(%arg12 : memref<64x128xf32, #tpu.memory_space<vmem>>) dst(%dma_wait3A_236 : memref<10240x128xf32, #tpu.memory_space<vmem_shared>>)
    } else {
    }
    %gt3A_54 = arith.constant 2 : i32
    %gt3A_55 = arith.cmpi sgt, %select_n3A, %gt3A_54 : i32
    %convert_element_type3A_56 = arith.extui %gt3A_55 : i1 to i32
    %cond3A_57 = arith.constant 0 : i32
    %cond3A_58 = arith.cmpi ne, %convert_element_type3A_56, %cond3A_57 : i32
    scf.if %cond3A_58 {
      %add3A_190 = arith.constant 80 : i32
      %add3A_191 = arith.addi %select_n3A_6, %add3A_190 : i32
      "tpu.region"() ({
        %run_scoped3A = tpu.sem_alloc : memref<!tpu.dma_semaphore, #tpu.memory_space<semaphore_mem>>
        %dma_start3A_237 = arith.constant 0 : i32
        %dma_start3A_238 = tpu.memref_slice %arg2[%add3A_191, %dma_start3A_237] : memref<5120x64xi32, #tpu.memory_space<hbm>> -> memref<40x64xi32, #tpu.memory_space<hbm>>
        %dma_start3A_239 = arith.constant 0 : i32
        %dma_start3A_240 = tpu.memref_slice %arg2[%add3A_191, %dma_start3A_239] : memref<5120x64xi32, #tpu.memory_space<hbm>> -> memref<40x64xi32, #tpu.memory_space<hbm>>
        tpu.enqueue_dma source(%dma_start3A_240 : memref<40x64xi32, #tpu.memory_space<hbm>>) target(%arg7 : memref<40x64xi32, #tpu.memory_space<vmem>>) target_semaphore(%run_scoped3A : memref<!tpu.dma_semaphore, #tpu.memory_space<semaphore_mem>>)
        %dma_wait3A_241 = arith.constant 0 : i32
        %dma_wait3A_242 = tpu.memref_slice %arg2[%add3A_191, %dma_wait3A_241] : memref<5120x64xi32, #tpu.memory_space<hbm>> -> memref<40x64xi32, #tpu.memory_space<hbm>>
        %dma_wait3A_243 = arith.constant 0 : i32
        %dma_wait3A_244 = tpu.memref_slice %arg2[%add3A_191, %dma_wait3A_243] : memref<5120x64xi32, #tpu.memory_space<hbm>> -> memref<40x64xi32, #tpu.memory_space<hbm>>
        tpu.wait_dma2 semaphore(%run_scoped3A : memref<!tpu.dma_semaphore, #tpu.memory_space<semaphore_mem>>) src(%dma_wait3A_244 : memref<40x64xi32, #tpu.memory_space<hbm>>) dst(%arg7 : memref<40x64xi32, #tpu.memory_space<vmem>>)
        tpu.yield
      }) : () -> ()
      "tpu.region"() ({
        %run_scoped3A = tpu.sem_alloc : memref<!tpu.dma_semaphore, #tpu.memory_space<semaphore_mem>>
        %dma_start3A_237 = arith.constant 0 : i32
        %dma_start3A_238 = tpu.memref_slice %arg3[%add3A_191, %dma_start3A_237] : memref<5120x64xi32, #tpu.memory_space<hbm>> -> memref<40x64xi32, #tpu.memory_space<hbm>>
        %dma_start3A_239 = arith.constant 0 : i32
        %dma_start3A_240 = tpu.memref_slice %arg3[%add3A_191, %dma_start3A_239] : memref<5120x64xi32, #tpu.memory_space<hbm>> -> memref<40x64xi32, #tpu.memory_space<hbm>>
        tpu.enqueue_dma source(%dma_start3A_240 : memref<40x64xi32, #tpu.memory_space<hbm>>) target(%arg8 : memref<40x64xi32, #tpu.memory_space<vmem>>) target_semaphore(%run_scoped3A : memref<!tpu.dma_semaphore, #tpu.memory_space<semaphore_mem>>)
        %dma_wait3A_241 = arith.constant 0 : i32
        %dma_wait3A_242 = tpu.memref_slice %arg3[%add3A_191, %dma_wait3A_241] : memref<5120x64xi32, #tpu.memory_space<hbm>> -> memref<40x64xi32, #tpu.memory_space<hbm>>
        %dma_wait3A_243 = arith.constant 0 : i32
        %dma_wait3A_244 = tpu.memref_slice %arg3[%add3A_191, %dma_wait3A_243] : memref<5120x64xi32, #tpu.memory_space<hbm>> -> memref<40x64xi32, #tpu.memory_space<hbm>>
        tpu.wait_dma2 semaphore(%run_scoped3A : memref<!tpu.dma_semaphore, #tpu.memory_space<semaphore_mem>>) src(%dma_wait3A_244 : memref<40x64xi32, #tpu.memory_space<hbm>>) dst(%arg8 : memref<40x64xi32, #tpu.memory_space<vmem>>)
        tpu.yield
      }) : () -> ()
      %dma_start3A = arith.constant 0 : i32
      %dma_start3A_192 = arith.constant 0 : i32
      %dma_start3A_193 = tpu.memref_slice %arg7[%dma_start3A, %dma_start3A_192] : memref<40x64xi32, #tpu.memory_space<vmem>> -> memref<1x64xi32, #tpu.memory_space<vmem>>
      %dma_start3A_194 = tpu.memref_squeeze %dma_start3A_193 : memref<1x64xi32, #tpu.memory_space<vmem>> -> memref<64xi32, #tpu.memory_space<vmem>>
      %dma_start3A_195 = arith.constant 0 : i32
      %dma_start3A_196 = arith.constant 0 : i32
      %dma_start3A_197 = tpu.memref_slice %arg4[%dma_start3A_195, %dma_start3A_196] : memref<10000x128xf32, #tpu.memory_space<hbm>> -> memref<10000x128xf32, #tpu.memory_space<hbm>>
      tpu.enqueue_indirect_dma source(%dma_start3A_197 : memref<10000x128xf32, #tpu.memory_space<hbm>>) target(%arg9 : memref<64x128xf32, #tpu.memory_space<vmem>>) offsets(%dma_start3A_194 : memref<64xi32, #tpu.memory_space<vmem>>) semaphore(%arg14 : memref<!tpu.dma_semaphore, #tpu.memory_space<semaphore_mem>>)
      %dma_start3A_198 = arith.constant 1 : i32
      %dma_start3A_199 = arith.constant 0 : i32
      %dma_start3A_200 = tpu.memref_slice %arg7[%dma_start3A_198, %dma_start3A_199] : memref<40x64xi32, #tpu.memory_space<vmem>> -> memref<1x64xi32, #tpu.memory_space<vmem>>
      %dma_start3A_201 = tpu.memref_squeeze %dma_start3A_200 : memref<1x64xi32, #tpu.memory_space<vmem>> -> memref<64xi32, #tpu.memory_space<vmem>>
      %dma_start3A_202 = arith.constant 0 : i32
      %dma_start3A_203 = arith.constant 0 : i32
      %dma_start3A_204 = tpu.memref_slice %arg4[%dma_start3A_202, %dma_start3A_203] : memref<10000x128xf32, #tpu.memory_space<hbm>> -> memref<10000x128xf32, #tpu.memory_space<hbm>>
      tpu.enqueue_indirect_dma source(%dma_start3A_204 : memref<10000x128xf32, #tpu.memory_space<hbm>>) target(%arg10 : memref<64x128xf32, #tpu.memory_space<vmem>>) offsets(%dma_start3A_201 : memref<64xi32, #tpu.memory_space<vmem>>) semaphore(%arg15 : memref<!tpu.dma_semaphore, #tpu.memory_space<semaphore_mem>>)
      %scan3A = arith.constant 0 : i32
      %scan3A_205 = arith.constant 0 : i32
      %scan3A_206 = arith.constant 10 : i32
      %scan3A_207 = arith.addi %scan3A_205, %scan3A_206 : i32
      %scan3A_208 = arith.constant 1 : i32
      scf.for %scan3A_237 = %scan3A_205 to %scan3A_207 step %scan3A_208  : i32 {
        %mul3A_238 = arith.constant 4 : i32
        %mul3A_239 = arith.muli %scan3A_237, %mul3A_238 : i32
        %add3A_240 = arith.constant 0 : i32
        %add3A_241 = arith.addi %mul3A_239, %add3A_240 : i32
        %dma_wait3A_242 = arith.constant 0 : i32
        %dma_wait3A_243 = arith.constant 0 : i32
        %dma_wait3A_244 = tpu.memref_slice %arg7[%dma_wait3A_242, %dma_wait3A_243] : memref<40x64xi32, #tpu.memory_space<vmem>> -> memref<1x64xi32, #tpu.memory_space<vmem>>
        %dma_wait3A_245 = tpu.memref_squeeze %dma_wait3A_244 : memref<1x64xi32, #tpu.memory_space<vmem>> -> memref<64xi32, #tpu.memory_space<vmem>>
        %dma_wait3A_246 = arith.constant 0 : i32
        %dma_wait3A_247 = arith.constant 0 : i32
        %dma_wait3A_248 = tpu.memref_slice %arg4[%dma_wait3A_246, %dma_wait3A_247] : memref<10000x128xf32, #tpu.memory_space<hbm>> -> memref<10000x128xf32, #tpu.memory_space<hbm>>
        tpu.wait_indirect_dma semaphore(%arg14 : memref<!tpu.dma_semaphore, #tpu.memory_space<semaphore_mem>>) src(%dma_wait3A_248 : memref<10000x128xf32, #tpu.memory_space<hbm>>) dst(%arg9 : memref<64x128xf32, #tpu.memory_space<vmem>>)
        %dma_start3A_249 = arith.constant 0 : i32
        %dma_start3A_250 = tpu.memref_slice %arg8[%add3A_241, %dma_start3A_249] : memref<40x64xi32, #tpu.memory_space<vmem>> -> memref<1x64xi32, #tpu.memory_space<vmem>>
        %dma_start3A_251 = tpu.memref_squeeze %dma_start3A_250 : memref<1x64xi32, #tpu.memory_space<vmem>> -> memref<64xi32, #tpu.memory_space<vmem>>
        %dma_start3A_252 = arith.constant 0 : i32
        %dma_start3A_253 = arith.constant 0 : i32
        %dma_start3A_254 = tpu.memref_slice %arg13[%dma_start3A_252, %dma_start3A_253] : memref<10240x128xf32, #tpu.memory_space<vmem_shared>> -> memref<10240x128xf32, #tpu.memory_space<vmem_shared>>
        tpu.enqueue_indirect_dma source(%arg9 : memref<64x128xf32, #tpu.memory_space<vmem>>) target(%dma_start3A_254 : memref<10240x128xf32, #tpu.memory_space<vmem_shared>>) offsets(%dma_start3A_251 : memref<64xi32, #tpu.memory_space<vmem>>) semaphore(%arg18 : memref<!tpu.dma_semaphore, #tpu.memory_space<semaphore_mem>>) {add = true}
        %gt3A_255 = arith.constant 0 : i32
        %gt3A_256 = arith.cmpi sgt, %scan3A_237, %gt3A_255 : i32
        %convert_element_type3A_257 = arith.extui %gt3A_256 : i1 to i32
        %cond3A_258 = arith.constant 0 : i32
        %cond3A_259 = arith.cmpi ne, %convert_element_type3A_257, %cond3A_258 : i32
        scf.if %cond3A_259 {
          %dma_wait3A_341 = arith.constant 0 : i32
          %dma_wait3A_342 = arith.constant 0 : i32
          %dma_wait3A_343 = tpu.memref_slice %arg8[%dma_wait3A_341, %dma_wait3A_342] : memref<40x64xi32, #tpu.memory_space<vmem>> -> memref<1x64xi32, #tpu.memory_space<vmem>>
          %dma_wait3A_344 = tpu.memref_squeeze %dma_wait3A_343 : memref<1x64xi32, #tpu.memory_space<vmem>> -> memref<64xi32, #tpu.memory_space<vmem>>
          %dma_wait3A_345 = arith.constant 0 : i32
          %dma_wait3A_346 = arith.constant 0 : i32
          %dma_wait3A_347 = tpu.memref_slice %arg13[%dma_wait3A_345, %dma_wait3A_346] : memref<10240x128xf32, #tpu.memory_space<vmem_shared>> -> memref<10240x128xf32, #tpu.memory_space<vmem_shared>>
          tpu.wait_indirect_dma semaphore(%arg20 : memref<!tpu.dma_semaphore, #tpu.memory_space<semaphore_mem>>) src(%arg11 : memref<64x128xf32, #tpu.memory_space<vmem>>) dst(%dma_wait3A_347 : memref<10240x128xf32, #tpu.memory_space<vmem_shared>>)
        } else {
        }
        %add3A_260 = arith.constant 2 : i32
        %add3A_261 = arith.addi %add3A_241, %add3A_260 : i32
        %dma_start3A_262 = arith.constant 0 : i32
        %dma_start3A_263 = tpu.memref_slice %arg7[%add3A_261, %dma_start3A_262] : memref<40x64xi32, #tpu.memory_space<vmem>> -> memref<1x64xi32, #tpu.memory_space<vmem>>
        %dma_start3A_264 = tpu.memref_squeeze %dma_start3A_263 : memref<1x64xi32, #tpu.memory_space<vmem>> -> memref<64xi32, #tpu.memory_space<vmem>>
        %dma_start3A_265 = arith.constant 0 : i32
        %dma_start3A_266 = arith.constant 0 : i32
        %dma_start3A_267 = tpu.memref_slice %arg4[%dma_start3A_265, %dma_start3A_266] : memref<10000x128xf32, #tpu.memory_space<hbm>> -> memref<10000x128xf32, #tpu.memory_space<hbm>>
        tpu.enqueue_indirect_dma source(%dma_start3A_267 : memref<10000x128xf32, #tpu.memory_space<hbm>>) target(%arg11 : memref<64x128xf32, #tpu.memory_space<vmem>>) offsets(%dma_start3A_264 : memref<64xi32, #tpu.memory_space<vmem>>) semaphore(%arg16 : memref<!tpu.dma_semaphore, #tpu.memory_space<semaphore_mem>>)
        %mul3A_268 = arith.constant 4 : i32
        %mul3A_269 = arith.muli %scan3A_237, %mul3A_268 : i32
        %add3A_270 = arith.constant 1 : i32
        %add3A_271 = arith.addi %mul3A_269, %add3A_270 : i32
        %dma_wait3A_272 = arith.constant 0 : i32
        %dma_wait3A_273 = arith.constant 0 : i32
        %dma_wait3A_274 = tpu.memref_slice %arg7[%dma_wait3A_272, %dma_wait3A_273] : memref<40x64xi32, #tpu.memory_space<vmem>> -> memref<1x64xi32, #tpu.memory_space<vmem>>
        %dma_wait3A_275 = tpu.memref_squeeze %dma_wait3A_274 : memref<1x64xi32, #tpu.memory_space<vmem>> -> memref<64xi32, #tpu.memory_space<vmem>>
        %dma_wait3A_276 = arith.constant 0 : i32
        %dma_wait3A_277 = arith.constant 0 : i32
        %dma_wait3A_278 = tpu.memref_slice %arg4[%dma_wait3A_276, %dma_wait3A_277] : memref<10000x128xf32, #tpu.memory_space<hbm>> -> memref<10000x128xf32, #tpu.memory_space<hbm>>
        tpu.wait_indirect_dma semaphore(%arg15 : memref<!tpu.dma_semaphore, #tpu.memory_space<semaphore_mem>>) src(%dma_wait3A_278 : memref<10000x128xf32, #tpu.memory_space<hbm>>) dst(%arg10 : memref<64x128xf32, #tpu.memory_space<vmem>>)
        %dma_start3A_279 = arith.constant 0 : i32
        %dma_start3A_280 = tpu.memref_slice %arg8[%add3A_271, %dma_start3A_279] : memref<40x64xi32, #tpu.memory_space<vmem>> -> memref<1x64xi32, #tpu.memory_space<vmem>>
        %dma_start3A_281 = tpu.memref_squeeze %dma_start3A_280 : memref<1x64xi32, #tpu.memory_space<vmem>> -> memref<64xi32, #tpu.memory_space<vmem>>
        %dma_start3A_282 = arith.constant 0 : i32
        %dma_start3A_283 = arith.constant 0 : i32
        %dma_start3A_284 = tpu.memref_slice %arg13[%dma_start3A_282, %dma_start3A_283] : memref<10240x128xf32, #tpu.memory_space<vmem_shared>> -> memref<10240x128xf32, #tpu.memory_space<vmem_shared>>
        tpu.enqueue_indirect_dma source(%arg10 : memref<64x128xf32, #tpu.memory_space<vmem>>) target(%dma_start3A_284 : memref<10240x128xf32, #tpu.memory_space<vmem_shared>>) offsets(%dma_start3A_281 : memref<64xi32, #tpu.memory_space<vmem>>) semaphore(%arg19 : memref<!tpu.dma_semaphore, #tpu.memory_space<semaphore_mem>>) {add = true}
        %gt3A_285 = arith.constant 0 : i32
        %gt3A_286 = arith.cmpi sgt, %scan3A_237, %gt3A_285 : i32
        %convert_element_type3A_287 = arith.extui %gt3A_286 : i1 to i32
        %cond3A_288 = arith.constant 0 : i32
        %cond3A_289 = arith.cmpi ne, %convert_element_type3A_287, %cond3A_288 : i32
        scf.if %cond3A_289 {
          %dma_wait3A_341 = arith.constant 0 : i32
          %dma_wait3A_342 = arith.constant 0 : i32
          %dma_wait3A_343 = tpu.memref_slice %arg8[%dma_wait3A_341, %dma_wait3A_342] : memref<40x64xi32, #tpu.memory_space<vmem>> -> memref<1x64xi32, #tpu.memory_space<vmem>>
          %dma_wait3A_344 = tpu.memref_squeeze %dma_wait3A_343 : memref<1x64xi32, #tpu.memory_space<vmem>> -> memref<64xi32, #tpu.memory_space<vmem>>
          %dma_wait3A_345 = arith.constant 0 : i32
          %dma_wait3A_346 = arith.constant 0 : i32
          %dma_wait3A_347 = tpu.memref_slice %arg13[%dma_wait3A_345, %dma_wait3A_346] : memref<10240x128xf32, #tpu.memory_space<vmem_shared>> -> memref<10240x128xf32, #tpu.memory_space<vmem_shared>>
          tpu.wait_indirect_dma semaphore(%arg21 : memref<!tpu.dma_semaphore, #tpu.memory_space<semaphore_mem>>) src(%arg12 : memref<64x128xf32, #tpu.memory_space<vmem>>) dst(%dma_wait3A_347 : memref<10240x128xf32, #tpu.memory_space<vmem_shared>>)
        } else {
        }
        %add3A_290 = arith.constant 2 : i32
        %add3A_291 = arith.addi %add3A_271, %add3A_290 : i32
        %dma_start3A_292 = arith.constant 0 : i32
        %dma_start3A_293 = tpu.memref_slice %arg7[%add3A_291, %dma_start3A_292] : memref<40x64xi32, #tpu.memory_space<vmem>> -> memref<1x64xi32, #tpu.memory_space<vmem>>
        %dma_start3A_294 = tpu.memref_squeeze %dma_start3A_293 : memref<1x64xi32, #tpu.memory_space<vmem>> -> memref<64xi32, #tpu.memory_space<vmem>>
        %dma_start3A_295 = arith.constant 0 : i32
        %dma_start3A_296 = arith.constant 0 : i32
        %dma_start3A_297 = tpu.memref_slice %arg4[%dma_start3A_295, %dma_start3A_296] : memref<10000x128xf32, #tpu.memory_space<hbm>> -> memref<10000x128xf32, #tpu.memory_space<hbm>>
        tpu.enqueue_indirect_dma source(%dma_start3A_297 : memref<10000x128xf32, #tpu.memory_space<hbm>>) target(%arg12 : memref<64x128xf32, #tpu.memory_space<vmem>>) offsets(%dma_start3A_294 : memref<64xi32, #tpu.memory_space<vmem>>) semaphore(%arg17 : memref<!tpu.dma_semaphore, #tpu.memory_space<semaphore_mem>>)
        %mul3A_298 = arith.constant 4 : i32
        %mul3A_299 = arith.muli %scan3A_237, %mul3A_298 : i32
        %add3A_300 = arith.constant 2 : i32
        %add3A_301 = arith.addi %mul3A_299, %add3A_300 : i32
        %dma_wait3A_302 = arith.constant 0 : i32
        %dma_wait3A_303 = arith.constant 0 : i32
        %dma_wait3A_304 = tpu.memref_slice %arg7[%dma_wait3A_302, %dma_wait3A_303] : memref<40x64xi32, #tpu.memory_space<vmem>> -> memref<1x64xi32, #tpu.memory_space<vmem>>
        %dma_wait3A_305 = tpu.memref_squeeze %dma_wait3A_304 : memref<1x64xi32, #tpu.memory_space<vmem>> -> memref<64xi32, #tpu.memory_space<vmem>>
        %dma_wait3A_306 = arith.constant 0 : i32
        %dma_wait3A_307 = arith.constant 0 : i32
        %dma_wait3A_308 = tpu.memref_slice %arg4[%dma_wait3A_306, %dma_wait3A_307] : memref<10000x128xf32, #tpu.memory_space<hbm>> -> memref<10000x128xf32, #tpu.memory_space<hbm>>
        tpu.wait_indirect_dma semaphore(%arg16 : memref<!tpu.dma_semaphore, #tpu.memory_space<semaphore_mem>>) src(%dma_wait3A_308 : memref<10000x128xf32, #tpu.memory_space<hbm>>) dst(%arg11 : memref<64x128xf32, #tpu.memory_space<vmem>>)
        %dma_start3A_309 = arith.constant 0 : i32
        %dma_start3A_310 = tpu.memref_slice %arg8[%add3A_301, %dma_start3A_309] : memref<40x64xi32, #tpu.memory_space<vmem>> -> memref<1x64xi32, #tpu.memory_space<vmem>>
        %dma_start3A_311 = tpu.memref_squeeze %dma_start3A_310 : memref<1x64xi32, #tpu.memory_space<vmem>> -> memref<64xi32, #tpu.memory_space<vmem>>
        %dma_start3A_312 = arith.constant 0 : i32
        %dma_start3A_313 = arith.constant 0 : i32
        %dma_start3A_314 = tpu.memref_slice %arg13[%dma_start3A_312, %dma_start3A_313] : memref<10240x128xf32, #tpu.memory_space<vmem_shared>> -> memref<10240x128xf32, #tpu.memory_space<vmem_shared>>
        tpu.enqueue_indirect_dma source(%arg11 : memref<64x128xf32, #tpu.memory_space<vmem>>) target(%dma_start3A_314 : memref<10240x128xf32, #tpu.memory_space<vmem_shared>>) offsets(%dma_start3A_311 : memref<64xi32, #tpu.memory_space<vmem>>) semaphore(%arg20 : memref<!tpu.dma_semaphore, #tpu.memory_space<semaphore_mem>>) {add = true}
        %lt3A = arith.constant 9 : i32
        %lt3A_315 = arith.cmpi slt, %scan3A_237, %lt3A : i32
        %convert_element_type3A_316 = arith.extui %lt3A_315 : i1 to i32
        %cond3A_317 = arith.constant 0 : i32
        %cond3A_318 = arith.cmpi ne, %convert_element_type3A_316, %cond3A_317 : i32
        scf.if %cond3A_318 {
          %dma_wait3A_341 = arith.constant 0 : i32
          %dma_wait3A_342 = arith.constant 0 : i32
          %dma_wait3A_343 = tpu.memref_slice %arg8[%dma_wait3A_341, %dma_wait3A_342] : memref<40x64xi32, #tpu.memory_space<vmem>> -> memref<1x64xi32, #tpu.memory_space<vmem>>
          %dma_wait3A_344 = tpu.memref_squeeze %dma_wait3A_343 : memref<1x64xi32, #tpu.memory_space<vmem>> -> memref<64xi32, #tpu.memory_space<vmem>>
          %dma_wait3A_345 = arith.constant 0 : i32
          %dma_wait3A_346 = arith.constant 0 : i32
          %dma_wait3A_347 = tpu.memref_slice %arg13[%dma_wait3A_345, %dma_wait3A_346] : memref<10240x128xf32, #tpu.memory_space<vmem_shared>> -> memref<10240x128xf32, #tpu.memory_space<vmem_shared>>
          tpu.wait_indirect_dma semaphore(%arg18 : memref<!tpu.dma_semaphore, #tpu.memory_space<semaphore_mem>>) src(%arg9 : memref<64x128xf32, #tpu.memory_space<vmem>>) dst(%dma_wait3A_347 : memref<10240x128xf32, #tpu.memory_space<vmem_shared>>)
          %add3A_348 = arith.constant 2 : i32
          %add3A_349 = arith.addi %add3A_301, %add3A_348 : i32
          %dma_start3A_350 = arith.constant 0 : i32
          %dma_start3A_351 = tpu.memref_slice %arg7[%add3A_349, %dma_start3A_350] : memref<40x64xi32, #tpu.memory_space<vmem>> -> memref<1x64xi32, #tpu.memory_space<vmem>>
          %dma_start3A_352 = tpu.memref_squeeze %dma_start3A_351 : memref<1x64xi32, #tpu.memory_space<vmem>> -> memref<64xi32, #tpu.memory_space<vmem>>
          %dma_start3A_353 = arith.constant 0 : i32
          %dma_start3A_354 = arith.constant 0 : i32
          %dma_start3A_355 = tpu.memref_slice %arg4[%dma_start3A_353, %dma_start3A_354] : memref<10000x128xf32, #tpu.memory_space<hbm>> -> memref<10000x128xf32, #tpu.memory_space<hbm>>
          tpu.enqueue_indirect_dma source(%dma_start3A_355 : memref<10000x128xf32, #tpu.memory_space<hbm>>) target(%arg9 : memref<64x128xf32, #tpu.memory_space<vmem>>) offsets(%dma_start3A_352 : memref<64xi32, #tpu.memory_space<vmem>>) semaphore(%arg14 : memref<!tpu.dma_semaphore, #tpu.memory_space<semaphore_mem>>)
        } else {
        }
        %mul3A_319 = arith.constant 4 : i32
        %mul3A_320 = arith.muli %scan3A_237, %mul3A_319 : i32
        %add3A_321 = arith.constant 3 : i32
        %add3A_322 = arith.addi %mul3A_320, %add3A_321 : i32
        %dma_wait3A_323 = arith.constant 0 : i32
        %dma_wait3A_324 = arith.constant 0 : i32
        %dma_wait3A_325 = tpu.memref_slice %arg7[%dma_wait3A_323, %dma_wait3A_324] : memref<40x64xi32, #tpu.memory_space<vmem>> -> memref<1x64xi32, #tpu.memory_space<vmem>>
        %dma_wait3A_326 = tpu.memref_squeeze %dma_wait3A_325 : memref<1x64xi32, #tpu.memory_space<vmem>> -> memref<64xi32, #tpu.memory_space<vmem>>
        %dma_wait3A_327 = arith.constant 0 : i32
        %dma_wait3A_328 = arith.constant 0 : i32
        %dma_wait3A_329 = tpu.memref_slice %arg4[%dma_wait3A_327, %dma_wait3A_328] : memref<10000x128xf32, #tpu.memory_space<hbm>> -> memref<10000x128xf32, #tpu.memory_space<hbm>>
        tpu.wait_indirect_dma semaphore(%arg17 : memref<!tpu.dma_semaphore, #tpu.memory_space<semaphore_mem>>) src(%dma_wait3A_329 : memref<10000x128xf32, #tpu.memory_space<hbm>>) dst(%arg12 : memref<64x128xf32, #tpu.memory_space<vmem>>)
        %dma_start3A_330 = arith.constant 0 : i32
        %dma_start3A_331 = tpu.memref_slice %arg8[%add3A_322, %dma_start3A_330] : memref<40x64xi32, #tpu.memory_space<vmem>> -> memref<1x64xi32, #tpu.memory_space<vmem>>
        %dma_start3A_332 = tpu.memref_squeeze %dma_start3A_331 : memref<1x64xi32, #tpu.memory_space<vmem>> -> memref<64xi32, #tpu.memory_space<vmem>>
        %dma_start3A_333 = arith.constant 0 : i32
        %dma_start3A_334 = arith.constant 0 : i32
        %dma_start3A_335 = tpu.memref_slice %arg13[%dma_start3A_333, %dma_start3A_334] : memref<10240x128xf32, #tpu.memory_space<vmem_shared>> -> memref<10240x128xf32, #tpu.memory_space<vmem_shared>>
        tpu.enqueue_indirect_dma source(%arg12 : memref<64x128xf32, #tpu.memory_space<vmem>>) target(%dma_start3A_335 : memref<10240x128xf32, #tpu.memory_space<vmem_shared>>) offsets(%dma_start3A_332 : memref<64xi32, #tpu.memory_space<vmem>>) semaphore(%arg21 : memref<!tpu.dma_semaphore, #tpu.memory_space<semaphore_mem>>) {add = true}
        %lt3A_336 = arith.constant 9 : i32
        %lt3A_337 = arith.cmpi slt, %scan3A_237, %lt3A_336 : i32
        %convert_element_type3A_338 = arith.extui %lt3A_337 : i1 to i32
        %cond3A_339 = arith.constant 0 : i32
        %cond3A_340 = arith.cmpi ne, %convert_element_type3A_338, %cond3A_339 : i32
        scf.if %cond3A_340 {
          %dma_wait3A_341 = arith.constant 0 : i32
          %dma_wait3A_342 = arith.constant 0 : i32
          %dma_wait3A_343 = tpu.memref_slice %arg8[%dma_wait3A_341, %dma_wait3A_342] : memref<40x64xi32, #tpu.memory_space<vmem>> -> memref<1x64xi32, #tpu.memory_space<vmem>>
          %dma_wait3A_344 = tpu.memref_squeeze %dma_wait3A_343 : memref<1x64xi32, #tpu.memory_space<vmem>> -> memref<64xi32, #tpu.memory_space<vmem>>
          %dma_wait3A_345 = arith.constant 0 : i32
          %dma_wait3A_346 = arith.constant 0 : i32
          %dma_wait3A_347 = tpu.memref_slice %arg13[%dma_wait3A_345, %dma_wait3A_346] : memref<10240x128xf32, #tpu.memory_space<vmem_shared>> -> memref<10240x128xf32, #tpu.memory_space<vmem_shared>>
          tpu.wait_indirect_dma semaphore(%arg19 : memref<!tpu.dma_semaphore, #tpu.memory_space<semaphore_mem>>) src(%arg10 : memref<64x128xf32, #tpu.memory_space<vmem>>) dst(%dma_wait3A_347 : memref<10240x128xf32, #tpu.memory_space<vmem_shared>>)
          %add3A_348 = arith.constant 2 : i32
          %add3A_349 = arith.addi %add3A_322, %add3A_348 : i32
          %dma_start3A_350 = arith.constant 0 : i32
          %dma_start3A_351 = tpu.memref_slice %arg7[%add3A_349, %dma_start3A_350] : memref<40x64xi32, #tpu.memory_space<vmem>> -> memref<1x64xi32, #tpu.memory_space<vmem>>
          %dma_start3A_352 = tpu.memref_squeeze %dma_start3A_351 : memref<1x64xi32, #tpu.memory_space<vmem>> -> memref<64xi32, #tpu.memory_space<vmem>>
          %dma_start3A_353 = arith.constant 0 : i32
          %dma_start3A_354 = arith.constant 0 : i32
          %dma_start3A_355 = tpu.memref_slice %arg4[%dma_start3A_353, %dma_start3A_354] : memref<10000x128xf32, #tpu.memory_space<hbm>> -> memref<10000x128xf32, #tpu.memory_space<hbm>>
          tpu.enqueue_indirect_dma source(%dma_start3A_355 : memref<10000x128xf32, #tpu.memory_space<hbm>>) target(%arg10 : memref<64x128xf32, #tpu.memory_space<vmem>>) offsets(%dma_start3A_352 : memref<64xi32, #tpu.memory_space<vmem>>) semaphore(%arg15 : memref<!tpu.dma_semaphore, #tpu.memory_space<semaphore_mem>>)
        } else {
        }
      }
      %scan3A_209 = arith.constant 10 : i32
      %dma_wait3A = arith.constant 0 : i32
      %dma_wait3A_210 = arith.constant 0 : i32
      %dma_wait3A_211 = tpu.memref_slice %arg8[%dma_wait3A, %dma_wait3A_210] : memref<40x64xi32, #tpu.memory_space<vmem>> -> memref<1x64xi32, #tpu.memory_space<vmem>>
      %dma_wait3A_212 = tpu.memref_squeeze %dma_wait3A_211 : memref<1x64xi32, #tpu.memory_space<vmem>> -> memref<64xi32, #tpu.memory_space<vmem>>
      %dma_wait3A_213 = arith.constant 0 : i32
      %dma_wait3A_214 = arith.constant 0 : i32
      %dma_wait3A_215 = tpu.memref_slice %arg13[%dma_wait3A_213, %dma_wait3A_214] : memref<10240x128xf32, #tpu.memory_space<vmem_shared>> -> memref<10240x128xf32, #tpu.memory_space<vmem_shared>>
      tpu.wait_indirect_dma semaphore(%arg18 : memref<!tpu.dma_semaphore, #tpu.memory_space<semaphore_mem>>) src(%arg9 : memref<64x128xf32, #tpu.memory_space<vmem>>) dst(%dma_wait3A_215 : memref<10240x128xf32, #tpu.memory_space<vmem_shared>>)
      %dma_wait3A_216 = arith.constant 0 : i32
      %dma_wait3A_217 = arith.constant 0 : i32
      %dma_wait3A_218 = tpu.memref_slice %arg8[%dma_wait3A_216, %dma_wait3A_217] : memref<40x64xi32, #tpu.memory_space<vmem>> -> memref<1x64xi32, #tpu.memory_space<vmem>>
      %dma_wait3A_219 = tpu.memref_squeeze %dma_wait3A_218 : memref<1x64xi32, #tpu.memory_space<vmem>> -> memref<64xi32, #tpu.memory_space<vmem>>
      %dma_wait3A_220 = arith.constant 0 : i32
      %dma_wait3A_221 = arith.constant 0 : i32
      %dma_wait3A_222 = tpu.memref_slice %arg13[%dma_wait3A_220, %dma_wait3A_221] : memref<10240x128xf32, #tpu.memory_space<vmem_shared>> -> memref<10240x128xf32, #tpu.memory_space<vmem_shared>>
      tpu.wait_indirect_dma semaphore(%arg19 : memref<!tpu.dma_semaphore, #tpu.memory_space<semaphore_mem>>) src(%arg10 : memref<64x128xf32, #tpu.memory_space<vmem>>) dst(%dma_wait3A_222 : memref<10240x128xf32, #tpu.memory_space<vmem_shared>>)
      %dma_wait3A_223 = arith.constant 0 : i32
      %dma_wait3A_224 = arith.constant 0 : i32
      %dma_wait3A_225 = tpu.memref_slice %arg8[%dma_wait3A_223, %dma_wait3A_224] : memref<40x64xi32, #tpu.memory_space<vmem>> -> memref<1x64xi32, #tpu.memory_space<vmem>>
      %dma_wait3A_226 = tpu.memref_squeeze %dma_wait3A_225 : memref<1x64xi32, #tpu.memory_space<vmem>> -> memref<64xi32, #tpu.memory_space<vmem>>
      %dma_wait3A_227 = arith.constant 0 : i32
      %dma_wait3A_228 = arith.constant 0 : i32
      %dma_wait3A_229 = tpu.memref_slice %arg13[%dma_wait3A_227, %dma_wait3A_228] : memref<10240x128xf32, #tpu.memory_space<vmem_shared>> -> memref<10240x128xf32, #tpu.memory_space<vmem_shared>>
      tpu.wait_indirect_dma semaphore(%arg20 : memref<!tpu.dma_semaphore, #tpu.memory_space<semaphore_mem>>) src(%arg11 : memref<64x128xf32, #tpu.memory_space<vmem>>) dst(%dma_wait3A_229 : memref<10240x128xf32, #tpu.memory_space<vmem_shared>>)
      %dma_wait3A_230 = arith.constant 0 : i32
      %dma_wait3A_231 = arith.constant 0 : i32
      %dma_wait3A_232 = tpu.memref_slice %arg8[%dma_wait3A_230, %dma_wait3A_231] : memref<40x64xi32, #tpu.memory_space<vmem>> -> memref<1x64xi32, #tpu.memory_space<vmem>>
      %dma_wait3A_233 = tpu.memref_squeeze %dma_wait3A_232 : memref<1x64xi32, #tpu.memory_space<vmem>> -> memref<64xi32, #tpu.memory_space<vmem>>
      %dma_wait3A_234 = arith.constant 0 : i32
      %dma_wait3A_235 = arith.constant 0 : i32
      %dma_wait3A_236 = tpu.memref_slice %arg13[%dma_wait3A_234, %dma_wait3A_235] : memref<10240x128xf32, #tpu.memory_space<vmem_shared>> -> memref<10240x128xf32, #tpu.memory_space<vmem_shared>>
      tpu.wait_indirect_dma semaphore(%arg21 : memref<!tpu.dma_semaphore, #tpu.memory_space<semaphore_mem>>) src(%arg12 : memref<64x128xf32, #tpu.memory_space<vmem>>) dst(%dma_wait3A_236 : memref<10240x128xf32, #tpu.memory_space<vmem_shared>>)
    } else {
    }
    %gt3A_59 = arith.constant 3 : i32
    %gt3A_60 = arith.cmpi sgt, %select_n3A, %gt3A_59 : i32
    %convert_element_type3A_61 = arith.extui %gt3A_60 : i1 to i32
    %cond3A_62 = arith.constant 0 : i32
    %cond3A_63 = arith.cmpi ne, %convert_element_type3A_61, %cond3A_62 : i32
    scf.if %cond3A_63 {
      %add3A_190 = arith.constant 120 : i32
      %add3A_191 = arith.addi %select_n3A_6, %add3A_190 : i32
      "tpu.region"() ({
        %run_scoped3A = tpu.sem_alloc : memref<!tpu.dma_semaphore, #tpu.memory_space<semaphore_mem>>
        %dma_start3A_237 = arith.constant 0 : i32
        %dma_start3A_238 = tpu.memref_slice %arg2[%add3A_191, %dma_start3A_237] : memref<5120x64xi32, #tpu.memory_space<hbm>> -> memref<40x64xi32, #tpu.memory_space<hbm>>
        %dma_start3A_239 = arith.constant 0 : i32
        %dma_start3A_240 = tpu.memref_slice %arg2[%add3A_191, %dma_start3A_239] : memref<5120x64xi32, #tpu.memory_space<hbm>> -> memref<40x64xi32, #tpu.memory_space<hbm>>
        tpu.enqueue_dma source(%dma_start3A_240 : memref<40x64xi32, #tpu.memory_space<hbm>>) target(%arg7 : memref<40x64xi32, #tpu.memory_space<vmem>>) target_semaphore(%run_scoped3A : memref<!tpu.dma_semaphore, #tpu.memory_space<semaphore_mem>>)
        %dma_wait3A_241 = arith.constant 0 : i32
        %dma_wait3A_242 = tpu.memref_slice %arg2[%add3A_191, %dma_wait3A_241] : memref<5120x64xi32, #tpu.memory_space<hbm>> -> memref<40x64xi32, #tpu.memory_space<hbm>>
        %dma_wait3A_243 = arith.constant 0 : i32
        %dma_wait3A_244 = tpu.memref_slice %arg2[%add3A_191, %dma_wait3A_243] : memref<5120x64xi32, #tpu.memory_space<hbm>> -> memref<40x64xi32, #tpu.memory_space<hbm>>
        tpu.wait_dma2 semaphore(%run_scoped3A : memref<!tpu.dma_semaphore, #tpu.memory_space<semaphore_mem>>) src(%dma_wait3A_244 : memref<40x64xi32, #tpu.memory_space<hbm>>) dst(%arg7 : memref<40x64xi32, #tpu.memory_space<vmem>>)
        tpu.yield
      }) : () -> ()
      "tpu.region"() ({
        %run_scoped3A = tpu.sem_alloc : memref<!tpu.dma_semaphore, #tpu.memory_space<semaphore_mem>>
        %dma_start3A_237 = arith.constant 0 : i32
        %dma_start3A_238 = tpu.memref_slice %arg3[%add3A_191, %dma_start3A_237] : memref<5120x64xi32, #tpu.memory_space<hbm>> -> memref<40x64xi32, #tpu.memory_space<hbm>>
        %dma_start3A_239 = arith.constant 0 : i32
        %dma_start3A_240 = tpu.memref_slice %arg3[%add3A_191, %dma_start3A_239] : memref<5120x64xi32, #tpu.memory_space<hbm>> -> memref<40x64xi32, #tpu.memory_space<hbm>>
        tpu.enqueue_dma source(%dma_start3A_240 : memref<40x64xi32, #tpu.memory_space<hbm>>) target(%arg8 : memref<40x64xi32, #tpu.memory_space<vmem>>) target_semaphore(%run_scoped3A : memref<!tpu.dma_semaphore, #tpu.memory_space<semaphore_mem>>)
        %dma_wait3A_241 = arith.constant 0 : i32
        %dma_wait3A_242 = tpu.memref_slice %arg3[%add3A_191, %dma_wait3A_241] : memref<5120x64xi32, #tpu.memory_space<hbm>> -> memref<40x64xi32, #tpu.memory_space<hbm>>
        %dma_wait3A_243 = arith.constant 0 : i32
        %dma_wait3A_244 = tpu.memref_slice %arg3[%add3A_191, %dma_wait3A_243] : memref<5120x64xi32, #tpu.memory_space<hbm>> -> memref<40x64xi32, #tpu.memory_space<hbm>>
        tpu.wait_dma2 semaphore(%run_scoped3A : memref<!tpu.dma_semaphore, #tpu.memory_space<semaphore_mem>>) src(%dma_wait3A_244 : memref<40x64xi32, #tpu.memory_space<hbm>>) dst(%arg8 : memref<40x64xi32, #tpu.memory_space<vmem>>)
        tpu.yield
      }) : () -> ()
      %dma_start3A = arith.constant 0 : i32
      %dma_start3A_192 = arith.constant 0 : i32
      %dma_start3A_193 = tpu.memref_slice %arg7[%dma_start3A, %dma_start3A_192] : memref<40x64xi32, #tpu.memory_space<vmem>> -> memref<1x64xi32, #tpu.memory_space<vmem>>
      %dma_start3A_194 = tpu.memref_squeeze %dma_start3A_193 : memref<1x64xi32, #tpu.memory_space<vmem>> -> memref<64xi32, #tpu.memory_space<vmem>>
      %dma_start3A_195 = arith.constant 0 : i32
      %dma_start3A_196 = arith.constant 0 : i32
      %dma_start3A_197 = tpu.memref_slice %arg4[%dma_start3A_195, %dma_start3A_196] : memref<10000x128xf32, #tpu.memory_space<hbm>> -> memref<10000x128xf32, #tpu.memory_space<hbm>>
      tpu.enqueue_indirect_dma source(%dma_start3A_197 : memref<10000x128xf32, #tpu.memory_space<hbm>>) target(%arg9 : memref<64x128xf32, #tpu.memory_space<vmem>>) offsets(%dma_start3A_194 : memref<64xi32, #tpu.memory_space<vmem>>) semaphore(%arg14 : memref<!tpu.dma_semaphore, #tpu.memory_space<semaphore_mem>>)
      %dma_start3A_198 = arith.constant 1 : i32
      %dma_start3A_199 = arith.constant 0 : i32
      %dma_start3A_200 = tpu.memref_slice %arg7[%dma_start3A_198, %dma_start3A_199] : memref<40x64xi32, #tpu.memory_space<vmem>> -> memref<1x64xi32, #tpu.memory_space<vmem>>
      %dma_start3A_201 = tpu.memref_squeeze %dma_start3A_200 : memref<1x64xi32, #tpu.memory_space<vmem>> -> memref<64xi32, #tpu.memory_space<vmem>>
      %dma_start3A_202 = arith.constant 0 : i32
      %dma_start3A_203 = arith.constant 0 : i32
      %dma_start3A_204 = tpu.memref_slice %arg4[%dma_start3A_202, %dma_start3A_203] : memref<10000x128xf32, #tpu.memory_space<hbm>> -> memref<10000x128xf32, #tpu.memory_space<hbm>>
      tpu.enqueue_indirect_dma source(%dma_start3A_204 : memref<10000x128xf32, #tpu.memory_space<hbm>>) target(%arg10 : memref<64x128xf32, #tpu.memory_space<vmem>>) offsets(%dma_start3A_201 : memref<64xi32, #tpu.memory_space<vmem>>) semaphore(%arg15 : memref<!tpu.dma_semaphore, #tpu.memory_space<semaphore_mem>>)
      %scan3A = arith.constant 0 : i32
      %scan3A_205 = arith.constant 0 : i32
      %scan3A_206 = arith.constant 10 : i32
      %scan3A_207 = arith.addi %scan3A_205, %scan3A_206 : i32
      %scan3A_208 = arith.constant 1 : i32
      scf.for %scan3A_237 = %scan3A_205 to %scan3A_207 step %scan3A_208  : i32 {
        %mul3A_238 = arith.constant 4 : i32
        %mul3A_239 = arith.muli %scan3A_237, %mul3A_238 : i32
        %add3A_240 = arith.constant 0 : i32
        %add3A_241 = arith.addi %mul3A_239, %add3A_240 : i32
        %dma_wait3A_242 = arith.constant 0 : i32
        %dma_wait3A_243 = arith.constant 0 : i32
        %dma_wait3A_244 = tpu.memref_slice %arg7[%dma_wait3A_242, %dma_wait3A_243] : memref<40x64xi32, #tpu.memory_space<vmem>> -> memref<1x64xi32, #tpu.memory_space<vmem>>
        %dma_wait3A_245 = tpu.memref_squeeze %dma_wait3A_244 : memref<1x64xi32, #tpu.memory_space<vmem>> -> memref<64xi32, #tpu.memory_space<vmem>>
        %dma_wait3A_246 = arith.constant 0 : i32
        %dma_wait3A_247 = arith.constant 0 : i32
        %dma_wait3A_248 = tpu.memref_slice %arg4[%dma_wait3A_246, %dma_wait3A_247] : memref<10000x128xf32, #tpu.memory_space<hbm>> -> memref<10000x128xf32, #tpu.memory_space<hbm>>
        tpu.wait_indirect_dma semaphore(%arg14 : memref<!tpu.dma_semaphore, #tpu.memory_space<semaphore_mem>>) src(%dma_wait3A_248 : memref<10000x128xf32, #tpu.memory_space<hbm>>) dst(%arg9 : memref<64x128xf32, #tpu.memory_space<vmem>>)
        %dma_start3A_249 = arith.constant 0 : i32
        %dma_start3A_250 = tpu.memref_slice %arg8[%add3A_241, %dma_start3A_249] : memref<40x64xi32, #tpu.memory_space<vmem>> -> memref<1x64xi32, #tpu.memory_space<vmem>>
        %dma_start3A_251 = tpu.memref_squeeze %dma_start3A_250 : memref<1x64xi32, #tpu.memory_space<vmem>> -> memref<64xi32, #tpu.memory_space<vmem>>
        %dma_start3A_252 = arith.constant 0 : i32
        %dma_start3A_253 = arith.constant 0 : i32
        %dma_start3A_254 = tpu.memref_slice %arg13[%dma_start3A_252, %dma_start3A_253] : memref<10240x128xf32, #tpu.memory_space<vmem_shared>> -> memref<10240x128xf32, #tpu.memory_space<vmem_shared>>
        tpu.enqueue_indirect_dma source(%arg9 : memref<64x128xf32, #tpu.memory_space<vmem>>) target(%dma_start3A_254 : memref<10240x128xf32, #tpu.memory_space<vmem_shared>>) offsets(%dma_start3A_251 : memref<64xi32, #tpu.memory_space<vmem>>) semaphore(%arg18 : memref<!tpu.dma_semaphore, #tpu.memory_space<semaphore_mem>>) {add = true}
        %gt3A_255 = arith.constant 0 : i32
        %gt3A_256 = arith.cmpi sgt, %scan3A_237, %gt3A_255 : i32
        %convert_element_type3A_257 = arith.extui %gt3A_256 : i1 to i32
        %cond3A_258 = arith.constant 0 : i32
        %cond3A_259 = arith.cmpi ne, %convert_element_type3A_257, %cond3A_258 : i32
        scf.if %cond3A_259 {
          %dma_wait3A_341 = arith.constant 0 : i32
          %dma_wait3A_342 = arith.constant 0 : i32
          %dma_wait3A_343 = tpu.memref_slice %arg8[%dma_wait3A_341, %dma_wait3A_342] : memref<40x64xi32, #tpu.memory_space<vmem>> -> memref<1x64xi32, #tpu.memory_space<vmem>>
          %dma_wait3A_344 = tpu.memref_squeeze %dma_wait3A_343 : memref<1x64xi32, #tpu.memory_space<vmem>> -> memref<64xi32, #tpu.memory_space<vmem>>
          %dma_wait3A_345 = arith.constant 0 : i32
          %dma_wait3A_346 = arith.constant 0 : i32
          %dma_wait3A_347 = tpu.memref_slice %arg13[%dma_wait3A_345, %dma_wait3A_346] : memref<10240x128xf32, #tpu.memory_space<vmem_shared>> -> memref<10240x128xf32, #tpu.memory_space<vmem_shared>>
          tpu.wait_indirect_dma semaphore(%arg20 : memref<!tpu.dma_semaphore, #tpu.memory_space<semaphore_mem>>) src(%arg11 : memref<64x128xf32, #tpu.memory_space<vmem>>) dst(%dma_wait3A_347 : memref<10240x128xf32, #tpu.memory_space<vmem_shared>>)
        } else {
        }
        %add3A_260 = arith.constant 2 : i32
        %add3A_261 = arith.addi %add3A_241, %add3A_260 : i32
        %dma_start3A_262 = arith.constant 0 : i32
        %dma_start3A_263 = tpu.memref_slice %arg7[%add3A_261, %dma_start3A_262] : memref<40x64xi32, #tpu.memory_space<vmem>> -> memref<1x64xi32, #tpu.memory_space<vmem>>
        %dma_start3A_264 = tpu.memref_squeeze %dma_start3A_263 : memref<1x64xi32, #tpu.memory_space<vmem>> -> memref<64xi32, #tpu.memory_space<vmem>>
        %dma_start3A_265 = arith.constant 0 : i32
        %dma_start3A_266 = arith.constant 0 : i32
        %dma_start3A_267 = tpu.memref_slice %arg4[%dma_start3A_265, %dma_start3A_266] : memref<10000x128xf32, #tpu.memory_space<hbm>> -> memref<10000x128xf32, #tpu.memory_space<hbm>>
        tpu.enqueue_indirect_dma source(%dma_start3A_267 : memref<10000x128xf32, #tpu.memory_space<hbm>>) target(%arg11 : memref<64x128xf32, #tpu.memory_space<vmem>>) offsets(%dma_start3A_264 : memref<64xi32, #tpu.memory_space<vmem>>) semaphore(%arg16 : memref<!tpu.dma_semaphore, #tpu.memory_space<semaphore_mem>>)
        %mul3A_268 = arith.constant 4 : i32
        %mul3A_269 = arith.muli %scan3A_237, %mul3A_268 : i32
        %add3A_270 = arith.constant 1 : i32
        %add3A_271 = arith.addi %mul3A_269, %add3A_270 : i32
        %dma_wait3A_272 = arith.constant 0 : i32
        %dma_wait3A_273 = arith.constant 0 : i32
        %dma_wait3A_274 = tpu.memref_slice %arg7[%dma_wait3A_272, %dma_wait3A_273] : memref<40x64xi32, #tpu.memory_space<vmem>> -> memref<1x64xi32, #tpu.memory_space<vmem>>
        %dma_wait3A_275 = tpu.memref_squeeze %dma_wait3A_274 : memref<1x64xi32, #tpu.memory_space<vmem>> -> memref<64xi32, #tpu.memory_space<vmem>>
        %dma_wait3A_276 = arith.constant 0 : i32
        %dma_wait3A_277 = arith.constant 0 : i32
        %dma_wait3A_278 = tpu.memref_slice %arg4[%dma_wait3A_276, %dma_wait3A_277] : memref<10000x128xf32, #tpu.memory_space<hbm>> -> memref<10000x128xf32, #tpu.memory_space<hbm>>
        tpu.wait_indirect_dma semaphore(%arg15 : memref<!tpu.dma_semaphore, #tpu.memory_space<semaphore_mem>>) src(%dma_wait3A_278 : memref<10000x128xf32, #tpu.memory_space<hbm>>) dst(%arg10 : memref<64x128xf32, #tpu.memory_space<vmem>>)
        %dma_start3A_279 = arith.constant 0 : i32
        %dma_start3A_280 = tpu.memref_slice %arg8[%add3A_271, %dma_start3A_279] : memref<40x64xi32, #tpu.memory_space<vmem>> -> memref<1x64xi32, #tpu.memory_space<vmem>>
        %dma_start3A_281 = tpu.memref_squeeze %dma_start3A_280 : memref<1x64xi32, #tpu.memory_space<vmem>> -> memref<64xi32, #tpu.memory_space<vmem>>
        %dma_start3A_282 = arith.constant 0 : i32
        %dma_start3A_283 = arith.constant 0 : i32
        %dma_start3A_284 = tpu.memref_slice %arg13[%dma_start3A_282, %dma_start3A_283] : memref<10240x128xf32, #tpu.memory_space<vmem_shared>> -> memref<10240x128xf32, #tpu.memory_space<vmem_shared>>
        tpu.enqueue_indirect_dma source(%arg10 : memref<64x128xf32, #tpu.memory_space<vmem>>) target(%dma_start3A_284 : memref<10240x128xf32, #tpu.memory_space<vmem_shared>>) offsets(%dma_start3A_281 : memref<64xi32, #tpu.memory_space<vmem>>) semaphore(%arg19 : memref<!tpu.dma_semaphore, #tpu.memory_space<semaphore_mem>>) {add = true}
        %gt3A_285 = arith.constant 0 : i32
        %gt3A_286 = arith.cmpi sgt, %scan3A_237, %gt3A_285 : i32
        %convert_element_type3A_287 = arith.extui %gt3A_286 : i1 to i32
        %cond3A_288 = arith.constant 0 : i32
        %cond3A_289 = arith.cmpi ne, %convert_element_type3A_287, %cond3A_288 : i32
        scf.if %cond3A_289 {
          %dma_wait3A_341 = arith.constant 0 : i32
          %dma_wait3A_342 = arith.constant 0 : i32
          %dma_wait3A_343 = tpu.memref_slice %arg8[%dma_wait3A_341, %dma_wait3A_342] : memref<40x64xi32, #tpu.memory_space<vmem>> -> memref<1x64xi32, #tpu.memory_space<vmem>>
          %dma_wait3A_344 = tpu.memref_squeeze %dma_wait3A_343 : memref<1x64xi32, #tpu.memory_space<vmem>> -> memref<64xi32, #tpu.memory_space<vmem>>
          %dma_wait3A_345 = arith.constant 0 : i32
          %dma_wait3A_346 = arith.constant 0 : i32
          %dma_wait3A_347 = tpu.memref_slice %arg13[%dma_wait3A_345, %dma_wait3A_346] : memref<10240x128xf32, #tpu.memory_space<vmem_shared>> -> memref<10240x128xf32, #tpu.memory_space<vmem_shared>>
          tpu.wait_indirect_dma semaphore(%arg21 : memref<!tpu.dma_semaphore, #tpu.memory_space<semaphore_mem>>) src(%arg12 : memref<64x128xf32, #tpu.memory_space<vmem>>) dst(%dma_wait3A_347 : memref<10240x128xf32, #tpu.memory_space<vmem_shared>>)
        } else {
        }
        %add3A_290 = arith.constant 2 : i32
        %add3A_291 = arith.addi %add3A_271, %add3A_290 : i32
        %dma_start3A_292 = arith.constant 0 : i32
        %dma_start3A_293 = tpu.memref_slice %arg7[%add3A_291, %dma_start3A_292] : memref<40x64xi32, #tpu.memory_space<vmem>> -> memref<1x64xi32, #tpu.memory_space<vmem>>
        %dma_start3A_294 = tpu.memref_squeeze %dma_start3A_293 : memref<1x64xi32, #tpu.memory_space<vmem>> -> memref<64xi32, #tpu.memory_space<vmem>>
        %dma_start3A_295 = arith.constant 0 : i32
        %dma_start3A_296 = arith.constant 0 : i32
        %dma_start3A_297 = tpu.memref_slice %arg4[%dma_start3A_295, %dma_start3A_296] : memref<10000x128xf32, #tpu.memory_space<hbm>> -> memref<10000x128xf32, #tpu.memory_space<hbm>>
        tpu.enqueue_indirect_dma source(%dma_start3A_297 : memref<10000x128xf32, #tpu.memory_space<hbm>>) target(%arg12 : memref<64x128xf32, #tpu.memory_space<vmem>>) offsets(%dma_start3A_294 : memref<64xi32, #tpu.memory_space<vmem>>) semaphore(%arg17 : memref<!tpu.dma_semaphore, #tpu.memory_space<semaphore_mem>>)
        %mul3A_298 = arith.constant 4 : i32
        %mul3A_299 = arith.muli %scan3A_237, %mul3A_298 : i32
        %add3A_300 = arith.constant 2 : i32
        %add3A_301 = arith.addi %mul3A_299, %add3A_300 : i32
        %dma_wait3A_302 = arith.constant 0 : i32
        %dma_wait3A_303 = arith.constant 0 : i32
        %dma_wait3A_304 = tpu.memref_slice %arg7[%dma_wait3A_302, %dma_wait3A_303] : memref<40x64xi32, #tpu.memory_space<vmem>> -> memref<1x64xi32, #tpu.memory_space<vmem>>
        %dma_wait3A_305 = tpu.memref_squeeze %dma_wait3A_304 : memref<1x64xi32, #tpu.memory_space<vmem>> -> memref<64xi32, #tpu.memory_space<vmem>>
        %dma_wait3A_306 = arith.constant 0 : i32
        %dma_wait3A_307 = arith.constant 0 : i32
        %dma_wait3A_308 = tpu.memref_slice %arg4[%dma_wait3A_306, %dma_wait3A_307] : memref<10000x128xf32, #tpu.memory_space<hbm>> -> memref<10000x128xf32, #tpu.memory_space<hbm>>
        tpu.wait_indirect_dma semaphore(%arg16 : memref<!tpu.dma_semaphore, #tpu.memory_space<semaphore_mem>>) src(%dma_wait3A_308 : memref<10000x128xf32, #tpu.memory_space<hbm>>) dst(%arg11 : memref<64x128xf32, #tpu.memory_space<vmem>>)
        %dma_start3A_309 = arith.constant 0 : i32
        %dma_start3A_310 = tpu.memref_slice %arg8[%add3A_301, %dma_start3A_309] : memref<40x64xi32, #tpu.memory_space<vmem>> -> memref<1x64xi32, #tpu.memory_space<vmem>>
        %dma_start3A_311 = tpu.memref_squeeze %dma_start3A_310 : memref<1x64xi32, #tpu.memory_space<vmem>> -> memref<64xi32, #tpu.memory_space<vmem>>
        %dma_start3A_312 = arith.constant 0 : i32
        %dma_start3A_313 = arith.constant 0 : i32
        %dma_start3A_314 = tpu.memref_slice %arg13[%dma_start3A_312, %dma_start3A_313] : memref<10240x128xf32, #tpu.memory_space<vmem_shared>> -> memref<10240x128xf32, #tpu.memory_space<vmem_shared>>
        tpu.enqueue_indirect_dma source(%arg11 : memref<64x128xf32, #tpu.memory_space<vmem>>) target(%dma_start3A_314 : memref<10240x128xf32, #tpu.memory_space<vmem_shared>>) offsets(%dma_start3A_311 : memref<64xi32, #tpu.memory_space<vmem>>) semaphore(%arg20 : memref<!tpu.dma_semaphore, #tpu.memory_space<semaphore_mem>>) {add = true}
        %lt3A = arith.constant 9 : i32
        %lt3A_315 = arith.cmpi slt, %scan3A_237, %lt3A : i32
        %convert_element_type3A_316 = arith.extui %lt3A_315 : i1 to i32
        %cond3A_317 = arith.constant 0 : i32
        %cond3A_318 = arith.cmpi ne, %convert_element_type3A_316, %cond3A_317 : i32
        scf.if %cond3A_318 {
          %dma_wait3A_341 = arith.constant 0 : i32
          %dma_wait3A_342 = arith.constant 0 : i32
          %dma_wait3A_343 = tpu.memref_slice %arg8[%dma_wait3A_341, %dma_wait3A_342] : memref<40x64xi32, #tpu.memory_space<vmem>> -> memref<1x64xi32, #tpu.memory_space<vmem>>
          %dma_wait3A_344 = tpu.memref_squeeze %dma_wait3A_343 : memref<1x64xi32, #tpu.memory_space<vmem>> -> memref<64xi32, #tpu.memory_space<vmem>>
          %dma_wait3A_345 = arith.constant 0 : i32
          %dma_wait3A_346 = arith.constant 0 : i32
          %dma_wait3A_347 = tpu.memref_slice %arg13[%dma_wait3A_345, %dma_wait3A_346] : memref<10240x128xf32, #tpu.memory_space<vmem_shared>> -> memref<10240x128xf32, #tpu.memory_space<vmem_shared>>
          tpu.wait_indirect_dma semaphore(%arg18 : memref<!tpu.dma_semaphore, #tpu.memory_space<semaphore_mem>>) src(%arg9 : memref<64x128xf32, #tpu.memory_space<vmem>>) dst(%dma_wait3A_347 : memref<10240x128xf32, #tpu.memory_space<vmem_shared>>)
          %add3A_348 = arith.constant 2 : i32
          %add3A_349 = arith.addi %add3A_301, %add3A_348 : i32
          %dma_start3A_350 = arith.constant 0 : i32
          %dma_start3A_351 = tpu.memref_slice %arg7[%add3A_349, %dma_start3A_350] : memref<40x64xi32, #tpu.memory_space<vmem>> -> memref<1x64xi32, #tpu.memory_space<vmem>>
          %dma_start3A_352 = tpu.memref_squeeze %dma_start3A_351 : memref<1x64xi32, #tpu.memory_space<vmem>> -> memref<64xi32, #tpu.memory_space<vmem>>
          %dma_start3A_353 = arith.constant 0 : i32
          %dma_start3A_354 = arith.constant 0 : i32
          %dma_start3A_355 = tpu.memref_slice %arg4[%dma_start3A_353, %dma_start3A_354] : memref<10000x128xf32, #tpu.memory_space<hbm>> -> memref<10000x128xf32, #tpu.memory_space<hbm>>
          tpu.enqueue_indirect_dma source(%dma_start3A_355 : memref<10000x128xf32, #tpu.memory_space<hbm>>) target(%arg9 : memref<64x128xf32, #tpu.memory_space<vmem>>) offsets(%dma_start3A_352 : memref<64xi32, #tpu.memory_space<vmem>>) semaphore(%arg14 : memref<!tpu.dma_semaphore, #tpu.memory_space<semaphore_mem>>)
        } else {
        }
        %mul3A_319 = arith.constant 4 : i32
        %mul3A_320 = arith.muli %scan3A_237, %mul3A_319 : i32
        %add3A_321 = arith.constant 3 : i32
        %add3A_322 = arith.addi %mul3A_320, %add3A_321 : i32
        %dma_wait3A_323 = arith.constant 0 : i32
        %dma_wait3A_324 = arith.constant 0 : i32
        %dma_wait3A_325 = tpu.memref_slice %arg7[%dma_wait3A_323, %dma_wait3A_324] : memref<40x64xi32, #tpu.memory_space<vmem>> -> memref<1x64xi32, #tpu.memory_space<vmem>>
        %dma_wait3A_326 = tpu.memref_squeeze %dma_wait3A_325 : memref<1x64xi32, #tpu.memory_space<vmem>> -> memref<64xi32, #tpu.memory_space<vmem>>
        %dma_wait3A_327 = arith.constant 0 : i32
        %dma_wait3A_328 = arith.constant 0 : i32
        %dma_wait3A_329 = tpu.memref_slice %arg4[%dma_wait3A_327, %dma_wait3A_328] : memref<10000x128xf32, #tpu.memory_space<hbm>> -> memref<10000x128xf32, #tpu.memory_space<hbm>>
        tpu.wait_indirect_dma semaphore(%arg17 : memref<!tpu.dma_semaphore, #tpu.memory_space<semaphore_mem>>) src(%dma_wait3A_329 : memref<10000x128xf32, #tpu.memory_space<hbm>>) dst(%arg12 : memref<64x128xf32, #tpu.memory_space<vmem>>)
        %dma_start3A_330 = arith.constant 0 : i32
        %dma_start3A_331 = tpu.memref_slice %arg8[%add3A_322, %dma_start3A_330] : memref<40x64xi32, #tpu.memory_space<vmem>> -> memref<1x64xi32, #tpu.memory_space<vmem>>
        %dma_start3A_332 = tpu.memref_squeeze %dma_start3A_331 : memref<1x64xi32, #tpu.memory_space<vmem>> -> memref<64xi32, #tpu.memory_space<vmem>>
        %dma_start3A_333 = arith.constant 0 : i32
        %dma_start3A_334 = arith.constant 0 : i32
        %dma_start3A_335 = tpu.memref_slice %arg13[%dma_start3A_333, %dma_start3A_334] : memref<10240x128xf32, #tpu.memory_space<vmem_shared>> -> memref<10240x128xf32, #tpu.memory_space<vmem_shared>>
        tpu.enqueue_indirect_dma source(%arg12 : memref<64x128xf32, #tpu.memory_space<vmem>>) target(%dma_start3A_335 : memref<10240x128xf32, #tpu.memory_space<vmem_shared>>) offsets(%dma_start3A_332 : memref<64xi32, #tpu.memory_space<vmem>>) semaphore(%arg21 : memref<!tpu.dma_semaphore, #tpu.memory_space<semaphore_mem>>) {add = true}
        %lt3A_336 = arith.constant 9 : i32
        %lt3A_337 = arith.cmpi slt, %scan3A_237, %lt3A_336 : i32
        %convert_element_type3A_338 = arith.extui %lt3A_337 : i1 to i32
        %cond3A_339 = arith.constant 0 : i32
        %cond3A_340 = arith.cmpi ne, %convert_element_type3A_338, %cond3A_339 : i32
        scf.if %cond3A_340 {
          %dma_wait3A_341 = arith.constant 0 : i32
          %dma_wait3A_342 = arith.constant 0 : i32
          %dma_wait3A_343 = tpu.memref_slice %arg8[%dma_wait3A_341, %dma_wait3A_342] : memref<40x64xi32, #tpu.memory_space<vmem>> -> memref<1x64xi32, #tpu.memory_space<vmem>>
          %dma_wait3A_344 = tpu.memref_squeeze %dma_wait3A_343 : memref<1x64xi32, #tpu.memory_space<vmem>> -> memref<64xi32, #tpu.memory_space<vmem>>
          %dma_wait3A_345 = arith.constant 0 : i32
          %dma_wait3A_346 = arith.constant 0 : i32
          %dma_wait3A_347 = tpu.memref_slice %arg13[%dma_wait3A_345, %dma_wait3A_346] : memref<10240x128xf32, #tpu.memory_space<vmem_shared>> -> memref<10240x128xf32, #tpu.memory_space<vmem_shared>>
          tpu.wait_indirect_dma semaphore(%arg19 : memref<!tpu.dma_semaphore, #tpu.memory_space<semaphore_mem>>) src(%arg10 : memref<64x128xf32, #tpu.memory_space<vmem>>) dst(%dma_wait3A_347 : memref<10240x128xf32, #tpu.memory_space<vmem_shared>>)
          %add3A_348 = arith.constant 2 : i32
          %add3A_349 = arith.addi %add3A_322, %add3A_348 : i32
          %dma_start3A_350 = arith.constant 0 : i32
          %dma_start3A_351 = tpu.memref_slice %arg7[%add3A_349, %dma_start3A_350] : memref<40x64xi32, #tpu.memory_space<vmem>> -> memref<1x64xi32, #tpu.memory_space<vmem>>
          %dma_start3A_352 = tpu.memref_squeeze %dma_start3A_351 : memref<1x64xi32, #tpu.memory_space<vmem>> -> memref<64xi32, #tpu.memory_space<vmem>>
          %dma_start3A_353 = arith.constant 0 : i32
          %dma_start3A_354 = arith.constant 0 : i32
          %dma_start3A_355 = tpu.memref_slice %arg4[%dma_start3A_353, %dma_start3A_354] : memref<10000x128xf32, #tpu.memory_space<hbm>> -> memref<10000x128xf32, #tpu.memory_space<hbm>>
          tpu.enqueue_indirect_dma source(%dma_start3A_355 : memref<10000x128xf32, #tpu.memory_space<hbm>>) target(%arg10 : memref<64x128xf32, #tpu.memory_space<vmem>>) offsets(%dma_start3A_352 : memref<64xi32, #tpu.memory_space<vmem>>) semaphore(%arg15 : memref<!tpu.dma_semaphore, #tpu.memory_space<semaphore_mem>>)
        } else {
        }
      }
      %scan3A_209 = arith.constant 10 : i32
      %dma_wait3A = arith.constant 0 : i32
      %dma_wait3A_210 = arith.constant 0 : i32
      %dma_wait3A_211 = tpu.memref_slice %arg8[%dma_wait3A, %dma_wait3A_210] : memref<40x64xi32, #tpu.memory_space<vmem>> -> memref<1x64xi32, #tpu.memory_space<vmem>>
      %dma_wait3A_212 = tpu.memref_squeeze %dma_wait3A_211 : memref<1x64xi32, #tpu.memory_space<vmem>> -> memref<64xi32, #tpu.memory_space<vmem>>
      %dma_wait3A_213 = arith.constant 0 : i32
      %dma_wait3A_214 = arith.constant 0 : i32
      %dma_wait3A_215 = tpu.memref_slice %arg13[%dma_wait3A_213, %dma_wait3A_214] : memref<10240x128xf32, #tpu.memory_space<vmem_shared>> -> memref<10240x128xf32, #tpu.memory_space<vmem_shared>>
      tpu.wait_indirect_dma semaphore(%arg18 : memref<!tpu.dma_semaphore, #tpu.memory_space<semaphore_mem>>) src(%arg9 : memref<64x128xf32, #tpu.memory_space<vmem>>) dst(%dma_wait3A_215 : memref<10240x128xf32, #tpu.memory_space<vmem_shared>>)
      %dma_wait3A_216 = arith.constant 0 : i32
      %dma_wait3A_217 = arith.constant 0 : i32
      %dma_wait3A_218 = tpu.memref_slice %arg8[%dma_wait3A_216, %dma_wait3A_217] : memref<40x64xi32, #tpu.memory_space<vmem>> -> memref<1x64xi32, #tpu.memory_space<vmem>>
      %dma_wait3A_219 = tpu.memref_squeeze %dma_wait3A_218 : memref<1x64xi32, #tpu.memory_space<vmem>> -> memref<64xi32, #tpu.memory_space<vmem>>
      %dma_wait3A_220 = arith.constant 0 : i32
      %dma_wait3A_221 = arith.constant 0 : i32
      %dma_wait3A_222 = tpu.memref_slice %arg13[%dma_wait3A_220, %dma_wait3A_221] : memref<10240x128xf32, #tpu.memory_space<vmem_shared>> -> memref<10240x128xf32, #tpu.memory_space<vmem_shared>>
      tpu.wait_indirect_dma semaphore(%arg19 : memref<!tpu.dma_semaphore, #tpu.memory_space<semaphore_mem>>) src(%arg10 : memref<64x128xf32, #tpu.memory_space<vmem>>) dst(%dma_wait3A_222 : memref<10240x128xf32, #tpu.memory_space<vmem_shared>>)
      %dma_wait3A_223 = arith.constant 0 : i32
      %dma_wait3A_224 = arith.constant 0 : i32
      %dma_wait3A_225 = tpu.memref_slice %arg8[%dma_wait3A_223, %dma_wait3A_224] : memref<40x64xi32, #tpu.memory_space<vmem>> -> memref<1x64xi32, #tpu.memory_space<vmem>>
      %dma_wait3A_226 = tpu.memref_squeeze %dma_wait3A_225 : memref<1x64xi32, #tpu.memory_space<vmem>> -> memref<64xi32, #tpu.memory_space<vmem>>
      %dma_wait3A_227 = arith.constant 0 : i32
      %dma_wait3A_228 = arith.constant 0 : i32
      %dma_wait3A_229 = tpu.memref_slice %arg13[%dma_wait3A_227, %dma_wait3A_228] : memref<10240x128xf32, #tpu.memory_space<vmem_shared>> -> memref<10240x128xf32, #tpu.memory_space<vmem_shared>>
      tpu.wait_indirect_dma semaphore(%arg20 : memref<!tpu.dma_semaphore, #tpu.memory_space<semaphore_mem>>) src(%arg11 : memref<64x128xf32, #tpu.memory_space<vmem>>) dst(%dma_wait3A_229 : memref<10240x128xf32, #tpu.memory_space<vmem_shared>>)
      %dma_wait3A_230 = arith.constant 0 : i32
      %dma_wait3A_231 = arith.constant 0 : i32
      %dma_wait3A_232 = tpu.memref_slice %arg8[%dma_wait3A_230, %dma_wait3A_231] : memref<40x64xi32, #tpu.memory_space<vmem>> -> memref<1x64xi32, #tpu.memory_space<vmem>>
      %dma_wait3A_233 = tpu.memref_squeeze %dma_wait3A_232 : memref<1x64xi32, #tpu.memory_space<vmem>> -> memref<64xi32, #tpu.memory_space<vmem>>
      %dma_wait3A_234 = arith.constant 0 : i32
      %dma_wait3A_235 = arith.constant 0 : i32
      %dma_wait3A_236 = tpu.memref_slice %arg13[%dma_wait3A_234, %dma_wait3A_235] : memref<10240x128xf32, #tpu.memory_space<vmem_shared>> -> memref<10240x128xf32, #tpu.memory_space<vmem_shared>>
      tpu.wait_indirect_dma semaphore(%arg21 : memref<!tpu.dma_semaphore, #tpu.memory_space<semaphore_mem>>) src(%arg12 : memref<64x128xf32, #tpu.memory_space<vmem>>) dst(%dma_wait3A_236 : memref<10240x128xf32, #tpu.memory_space<vmem_shared>>)
    } else {
    }
    %gt3A_64 = arith.constant 4 : i32
    %gt3A_65 = arith.cmpi sgt, %select_n3A, %gt3A_64 : i32
    %convert_element_type3A_66 = arith.extui %gt3A_65 : i1 to i32
    %cond3A_67 = arith.constant 0 : i32
    %cond3A_68 = arith.cmpi ne, %convert_element_type3A_66, %cond3A_67 : i32
    scf.if %cond3A_68 {
      %add3A_190 = arith.constant 160 : i32
      %add3A_191 = arith.addi %select_n3A_6, %add3A_190 : i32
      "tpu.region"() ({
        %run_scoped3A = tpu.sem_alloc : memref<!tpu.dma_semaphore, #tpu.memory_space<semaphore_mem>>
        %dma_start3A_237 = arith.constant 0 : i32
        %dma_start3A_238 = tpu.memref_slice %arg2[%add3A_191, %dma_start3A_237] : memref<5120x64xi32, #tpu.memory_space<hbm>> -> memref<40x64xi32, #tpu.memory_space<hbm>>
        %dma_start3A_239 = arith.constant 0 : i32
        %dma_start3A_240 = tpu.memref_slice %arg2[%add3A_191, %dma_start3A_239] : memref<5120x64xi32, #tpu.memory_space<hbm>> -> memref<40x64xi32, #tpu.memory_space<hbm>>
        tpu.enqueue_dma source(%dma_start3A_240 : memref<40x64xi32, #tpu.memory_space<hbm>>) target(%arg7 : memref<40x64xi32, #tpu.memory_space<vmem>>) target_semaphore(%run_scoped3A : memref<!tpu.dma_semaphore, #tpu.memory_space<semaphore_mem>>)
        %dma_wait3A_241 = arith.constant 0 : i32
        %dma_wait3A_242 = tpu.memref_slice %arg2[%add3A_191, %dma_wait3A_241] : memref<5120x64xi32, #tpu.memory_space<hbm>> -> memref<40x64xi32, #tpu.memory_space<hbm>>
        %dma_wait3A_243 = arith.constant 0 : i32
        %dma_wait3A_244 = tpu.memref_slice %arg2[%add3A_191, %dma_wait3A_243] : memref<5120x64xi32, #tpu.memory_space<hbm>> -> memref<40x64xi32, #tpu.memory_space<hbm>>
        tpu.wait_dma2 semaphore(%run_scoped3A : memref<!tpu.dma_semaphore, #tpu.memory_space<semaphore_mem>>) src(%dma_wait3A_244 : memref<40x64xi32, #tpu.memory_space<hbm>>) dst(%arg7 : memref<40x64xi32, #tpu.memory_space<vmem>>)
        tpu.yield
      }) : () -> ()
      "tpu.region"() ({
        %run_scoped3A = tpu.sem_alloc : memref<!tpu.dma_semaphore, #tpu.memory_space<semaphore_mem>>
        %dma_start3A_237 = arith.constant 0 : i32
        %dma_start3A_238 = tpu.memref_slice %arg3[%add3A_191, %dma_start3A_237] : memref<5120x64xi32, #tpu.memory_space<hbm>> -> memref<40x64xi32, #tpu.memory_space<hbm>>
        %dma_start3A_239 = arith.constant 0 : i32
        %dma_start3A_240 = tpu.memref_slice %arg3[%add3A_191, %dma_start3A_239] : memref<5120x64xi32, #tpu.memory_space<hbm>> -> memref<40x64xi32, #tpu.memory_space<hbm>>
        tpu.enqueue_dma source(%dma_start3A_240 : memref<40x64xi32, #tpu.memory_space<hbm>>) target(%arg8 : memref<40x64xi32, #tpu.memory_space<vmem>>) target_semaphore(%run_scoped3A : memref<!tpu.dma_semaphore, #tpu.memory_space<semaphore_mem>>)
        %dma_wait3A_241 = arith.constant 0 : i32
        %dma_wait3A_242 = tpu.memref_slice %arg3[%add3A_191, %dma_wait3A_241] : memref<5120x64xi32, #tpu.memory_space<hbm>> -> memref<40x64xi32, #tpu.memory_space<hbm>>
        %dma_wait3A_243 = arith.constant 0 : i32
        %dma_wait3A_244 = tpu.memref_slice %arg3[%add3A_191, %dma_wait3A_243] : memref<5120x64xi32, #tpu.memory_space<hbm>> -> memref<40x64xi32, #tpu.memory_space<hbm>>
        tpu.wait_dma2 semaphore(%run_scoped3A : memref<!tpu.dma_semaphore, #tpu.memory_space<semaphore_mem>>) src(%dma_wait3A_244 : memref<40x64xi32, #tpu.memory_space<hbm>>) dst(%arg8 : memref<40x64xi32, #tpu.memory_space<vmem>>)
        tpu.yield
      }) : () -> ()
      %dma_start3A = arith.constant 0 : i32
      %dma_start3A_192 = arith.constant 0 : i32
      %dma_start3A_193 = tpu.memref_slice %arg7[%dma_start3A, %dma_start3A_192] : memref<40x64xi32, #tpu.memory_space<vmem>> -> memref<1x64xi32, #tpu.memory_space<vmem>>
      %dma_start3A_194 = tpu.memref_squeeze %dma_start3A_193 : memref<1x64xi32, #tpu.memory_space<vmem>> -> memref<64xi32, #tpu.memory_space<vmem>>
      %dma_start3A_195 = arith.constant 0 : i32
      %dma_start3A_196 = arith.constant 0 : i32
      %dma_start3A_197 = tpu.memref_slice %arg4[%dma_start3A_195, %dma_start3A_196] : memref<10000x128xf32, #tpu.memory_space<hbm>> -> memref<10000x128xf32, #tpu.memory_space<hbm>>
      tpu.enqueue_indirect_dma source(%dma_start3A_197 : memref<10000x128xf32, #tpu.memory_space<hbm>>) target(%arg9 : memref<64x128xf32, #tpu.memory_space<vmem>>) offsets(%dma_start3A_194 : memref<64xi32, #tpu.memory_space<vmem>>) semaphore(%arg14 : memref<!tpu.dma_semaphore, #tpu.memory_space<semaphore_mem>>)
      %dma_start3A_198 = arith.constant 1 : i32
      %dma_start3A_199 = arith.constant 0 : i32
      %dma_start3A_200 = tpu.memref_slice %arg7[%dma_start3A_198, %dma_start3A_199] : memref<40x64xi32, #tpu.memory_space<vmem>> -> memref<1x64xi32, #tpu.memory_space<vmem>>
      %dma_start3A_201 = tpu.memref_squeeze %dma_start3A_200 : memref<1x64xi32, #tpu.memory_space<vmem>> -> memref<64xi32, #tpu.memory_space<vmem>>
      %dma_start3A_202 = arith.constant 0 : i32
      %dma_start3A_203 = arith.constant 0 : i32
      %dma_start3A_204 = tpu.memref_slice %arg4[%dma_start3A_202, %dma_start3A_203] : memref<10000x128xf32, #tpu.memory_space<hbm>> -> memref<10000x128xf32, #tpu.memory_space<hbm>>
      tpu.enqueue_indirect_dma source(%dma_start3A_204 : memref<10000x128xf32, #tpu.memory_space<hbm>>) target(%arg10 : memref<64x128xf32, #tpu.memory_space<vmem>>) offsets(%dma_start3A_201 : memref<64xi32, #tpu.memory_space<vmem>>) semaphore(%arg15 : memref<!tpu.dma_semaphore, #tpu.memory_space<semaphore_mem>>)
      %scan3A = arith.constant 0 : i32
      %scan3A_205 = arith.constant 0 : i32
      %scan3A_206 = arith.constant 10 : i32
      %scan3A_207 = arith.addi %scan3A_205, %scan3A_206 : i32
      %scan3A_208 = arith.constant 1 : i32
      scf.for %scan3A_237 = %scan3A_205 to %scan3A_207 step %scan3A_208  : i32 {
        %mul3A_238 = arith.constant 4 : i32
        %mul3A_239 = arith.muli %scan3A_237, %mul3A_238 : i32
        %add3A_240 = arith.constant 0 : i32
        %add3A_241 = arith.addi %mul3A_239, %add3A_240 : i32
        %dma_wait3A_242 = arith.constant 0 : i32
        %dma_wait3A_243 = arith.constant 0 : i32
        %dma_wait3A_244 = tpu.memref_slice %arg7[%dma_wait3A_242, %dma_wait3A_243] : memref<40x64xi32, #tpu.memory_space<vmem>> -> memref<1x64xi32, #tpu.memory_space<vmem>>
        %dma_wait3A_245 = tpu.memref_squeeze %dma_wait3A_244 : memref<1x64xi32, #tpu.memory_space<vmem>> -> memref<64xi32, #tpu.memory_space<vmem>>
        %dma_wait3A_246 = arith.constant 0 : i32
        %dma_wait3A_247 = arith.constant 0 : i32
        %dma_wait3A_248 = tpu.memref_slice %arg4[%dma_wait3A_246, %dma_wait3A_247] : memref<10000x128xf32, #tpu.memory_space<hbm>> -> memref<10000x128xf32, #tpu.memory_space<hbm>>
        tpu.wait_indirect_dma semaphore(%arg14 : memref<!tpu.dma_semaphore, #tpu.memory_space<semaphore_mem>>) src(%dma_wait3A_248 : memref<10000x128xf32, #tpu.memory_space<hbm>>) dst(%arg9 : memref<64x128xf32, #tpu.memory_space<vmem>>)
        %dma_start3A_249 = arith.constant 0 : i32
        %dma_start3A_250 = tpu.memref_slice %arg8[%add3A_241, %dma_start3A_249] : memref<40x64xi32, #tpu.memory_space<vmem>> -> memref<1x64xi32, #tpu.memory_space<vmem>>
        %dma_start3A_251 = tpu.memref_squeeze %dma_start3A_250 : memref<1x64xi32, #tpu.memory_space<vmem>> -> memref<64xi32, #tpu.memory_space<vmem>>
        %dma_start3A_252 = arith.constant 0 : i32
        %dma_start3A_253 = arith.constant 0 : i32
        %dma_start3A_254 = tpu.memref_slice %arg13[%dma_start3A_252, %dma_start3A_253] : memref<10240x128xf32, #tpu.memory_space<vmem_shared>> -> memref<10240x128xf32, #tpu.memory_space<vmem_shared>>
        tpu.enqueue_indirect_dma source(%arg9 : memref<64x128xf32, #tpu.memory_space<vmem>>) target(%dma_start3A_254 : memref<10240x128xf32, #tpu.memory_space<vmem_shared>>) offsets(%dma_start3A_251 : memref<64xi32, #tpu.memory_space<vmem>>) semaphore(%arg18 : memref<!tpu.dma_semaphore, #tpu.memory_space<semaphore_mem>>) {add = true}
        %gt3A_255 = arith.constant 0 : i32
        %gt3A_256 = arith.cmpi sgt, %scan3A_237, %gt3A_255 : i32
        %convert_element_type3A_257 = arith.extui %gt3A_256 : i1 to i32
        %cond3A_258 = arith.constant 0 : i32
        %cond3A_259 = arith.cmpi ne, %convert_element_type3A_257, %cond3A_258 : i32
        scf.if %cond3A_259 {
          %dma_wait3A_341 = arith.constant 0 : i32
          %dma_wait3A_342 = arith.constant 0 : i32
          %dma_wait3A_343 = tpu.memref_slice %arg8[%dma_wait3A_341, %dma_wait3A_342] : memref<40x64xi32, #tpu.memory_space<vmem>> -> memref<1x64xi32, #tpu.memory_space<vmem>>
          %dma_wait3A_344 = tpu.memref_squeeze %dma_wait3A_343 : memref<1x64xi32, #tpu.memory_space<vmem>> -> memref<64xi32, #tpu.memory_space<vmem>>
          %dma_wait3A_345 = arith.constant 0 : i32
          %dma_wait3A_346 = arith.constant 0 : i32
          %dma_wait3A_347 = tpu.memref_slice %arg13[%dma_wait3A_345, %dma_wait3A_346] : memref<10240x128xf32, #tpu.memory_space<vmem_shared>> -> memref<10240x128xf32, #tpu.memory_space<vmem_shared>>
          tpu.wait_indirect_dma semaphore(%arg20 : memref<!tpu.dma_semaphore, #tpu.memory_space<semaphore_mem>>) src(%arg11 : memref<64x128xf32, #tpu.memory_space<vmem>>) dst(%dma_wait3A_347 : memref<10240x128xf32, #tpu.memory_space<vmem_shared>>)
        } else {
        }
        %add3A_260 = arith.constant 2 : i32
        %add3A_261 = arith.addi %add3A_241, %add3A_260 : i32
        %dma_start3A_262 = arith.constant 0 : i32
        %dma_start3A_263 = tpu.memref_slice %arg7[%add3A_261, %dma_start3A_262] : memref<40x64xi32, #tpu.memory_space<vmem>> -> memref<1x64xi32, #tpu.memory_space<vmem>>
        %dma_start3A_264 = tpu.memref_squeeze %dma_start3A_263 : memref<1x64xi32, #tpu.memory_space<vmem>> -> memref<64xi32, #tpu.memory_space<vmem>>
        %dma_start3A_265 = arith.constant 0 : i32
        %dma_start3A_266 = arith.constant 0 : i32
        %dma_start3A_267 = tpu.memref_slice %arg4[%dma_start3A_265, %dma_start3A_266] : memref<10000x128xf32, #tpu.memory_space<hbm>> -> memref<10000x128xf32, #tpu.memory_space<hbm>>
        tpu.enqueue_indirect_dma source(%dma_start3A_267 : memref<10000x128xf32, #tpu.memory_space<hbm>>) target(%arg11 : memref<64x128xf32, #tpu.memory_space<vmem>>) offsets(%dma_start3A_264 : memref<64xi32, #tpu.memory_space<vmem>>) semaphore(%arg16 : memref<!tpu.dma_semaphore, #tpu.memory_space<semaphore_mem>>)
        %mul3A_268 = arith.constant 4 : i32
        %mul3A_269 = arith.muli %scan3A_237, %mul3A_268 : i32
        %add3A_270 = arith.constant 1 : i32
        %add3A_271 = arith.addi %mul3A_269, %add3A_270 : i32
        %dma_wait3A_272 = arith.constant 0 : i32
        %dma_wait3A_273 = arith.constant 0 : i32
        %dma_wait3A_274 = tpu.memref_slice %arg7[%dma_wait3A_272, %dma_wait3A_273] : memref<40x64xi32, #tpu.memory_space<vmem>> -> memref<1x64xi32, #tpu.memory_space<vmem>>
        %dma_wait3A_275 = tpu.memref_squeeze %dma_wait3A_274 : memref<1x64xi32, #tpu.memory_space<vmem>> -> memref<64xi32, #tpu.memory_space<vmem>>
        %dma_wait3A_276 = arith.constant 0 : i32
        %dma_wait3A_277 = arith.constant 0 : i32
        %dma_wait3A_278 = tpu.memref_slice %arg4[%dma_wait3A_276, %dma_wait3A_277] : memref<10000x128xf32, #tpu.memory_space<hbm>> -> memref<10000x128xf32, #tpu.memory_space<hbm>>
        tpu.wait_indirect_dma semaphore(%arg15 : memref<!tpu.dma_semaphore, #tpu.memory_space<semaphore_mem>>) src(%dma_wait3A_278 : memref<10000x128xf32, #tpu.memory_space<hbm>>) dst(%arg10 : memref<64x128xf32, #tpu.memory_space<vmem>>)
        %dma_start3A_279 = arith.constant 0 : i32
        %dma_start3A_280 = tpu.memref_slice %arg8[%add3A_271, %dma_start3A_279] : memref<40x64xi32, #tpu.memory_space<vmem>> -> memref<1x64xi32, #tpu.memory_space<vmem>>
        %dma_start3A_281 = tpu.memref_squeeze %dma_start3A_280 : memref<1x64xi32, #tpu.memory_space<vmem>> -> memref<64xi32, #tpu.memory_space<vmem>>
        %dma_start3A_282 = arith.constant 0 : i32
        %dma_start3A_283 = arith.constant 0 : i32
        %dma_start3A_284 = tpu.memref_slice %arg13[%dma_start3A_282, %dma_start3A_283] : memref<10240x128xf32, #tpu.memory_space<vmem_shared>> -> memref<10240x128xf32, #tpu.memory_space<vmem_shared>>
        tpu.enqueue_indirect_dma source(%arg10 : memref<64x128xf32, #tpu.memory_space<vmem>>) target(%dma_start3A_284 : memref<10240x128xf32, #tpu.memory_space<vmem_shared>>) offsets(%dma_start3A_281 : memref<64xi32, #tpu.memory_space<vmem>>) semaphore(%arg19 : memref<!tpu.dma_semaphore, #tpu.memory_space<semaphore_mem>>) {add = true}
        %gt3A_285 = arith.constant 0 : i32
        %gt3A_286 = arith.cmpi sgt, %scan3A_237, %gt3A_285 : i32
        %convert_element_type3A_287 = arith.extui %gt3A_286 : i1 to i32
        %cond3A_288 = arith.constant 0 : i32
        %cond3A_289 = arith.cmpi ne, %convert_element_type3A_287, %cond3A_288 : i32
        scf.if %cond3A_289 {
          %dma_wait3A_341 = arith.constant 0 : i32
          %dma_wait3A_342 = arith.constant 0 : i32
          %dma_wait3A_343 = tpu.memref_slice %arg8[%dma_wait3A_341, %dma_wait3A_342] : memref<40x64xi32, #tpu.memory_space<vmem>> -> memref<1x64xi32, #tpu.memory_space<vmem>>
          %dma_wait3A_344 = tpu.memref_squeeze %dma_wait3A_343 : memref<1x64xi32, #tpu.memory_space<vmem>> -> memref<64xi32, #tpu.memory_space<vmem>>
          %dma_wait3A_345 = arith.constant 0 : i32
          %dma_wait3A_346 = arith.constant 0 : i32
          %dma_wait3A_347 = tpu.memref_slice %arg13[%dma_wait3A_345, %dma_wait3A_346] : memref<10240x128xf32, #tpu.memory_space<vmem_shared>> -> memref<10240x128xf32, #tpu.memory_space<vmem_shared>>
          tpu.wait_indirect_dma semaphore(%arg21 : memref<!tpu.dma_semaphore, #tpu.memory_space<semaphore_mem>>) src(%arg12 : memref<64x128xf32, #tpu.memory_space<vmem>>) dst(%dma_wait3A_347 : memref<10240x128xf32, #tpu.memory_space<vmem_shared>>)
        } else {
        }
        %add3A_290 = arith.constant 2 : i32
        %add3A_291 = arith.addi %add3A_271, %add3A_290 : i32
        %dma_start3A_292 = arith.constant 0 : i32
        %dma_start3A_293 = tpu.memref_slice %arg7[%add3A_291, %dma_start3A_292] : memref<40x64xi32, #tpu.memory_space<vmem>> -> memref<1x64xi32, #tpu.memory_space<vmem>>
        %dma_start3A_294 = tpu.memref_squeeze %dma_start3A_293 : memref<1x64xi32, #tpu.memory_space<vmem>> -> memref<64xi32, #tpu.memory_space<vmem>>
        %dma_start3A_295 = arith.constant 0 : i32
        %dma_start3A_296 = arith.constant 0 : i32
        %dma_start3A_297 = tpu.memref_slice %arg4[%dma_start3A_295, %dma_start3A_296] : memref<10000x128xf32, #tpu.memory_space<hbm>> -> memref<10000x128xf32, #tpu.memory_space<hbm>>
        tpu.enqueue_indirect_dma source(%dma_start3A_297 : memref<10000x128xf32, #tpu.memory_space<hbm>>) target(%arg12 : memref<64x128xf32, #tpu.memory_space<vmem>>) offsets(%dma_start3A_294 : memref<64xi32, #tpu.memory_space<vmem>>) semaphore(%arg17 : memref<!tpu.dma_semaphore, #tpu.memory_space<semaphore_mem>>)
        %mul3A_298 = arith.constant 4 : i32
        %mul3A_299 = arith.muli %scan3A_237, %mul3A_298 : i32
        %add3A_300 = arith.constant 2 : i32
        %add3A_301 = arith.addi %mul3A_299, %add3A_300 : i32
        %dma_wait3A_302 = arith.constant 0 : i32
        %dma_wait3A_303 = arith.constant 0 : i32
        %dma_wait3A_304 = tpu.memref_slice %arg7[%dma_wait3A_302, %dma_wait3A_303] : memref<40x64xi32, #tpu.memory_space<vmem>> -> memref<1x64xi32, #tpu.memory_space<vmem>>
        %dma_wait3A_305 = tpu.memref_squeeze %dma_wait3A_304 : memref<1x64xi32, #tpu.memory_space<vmem>> -> memref<64xi32, #tpu.memory_space<vmem>>
        %dma_wait3A_306 = arith.constant 0 : i32
        %dma_wait3A_307 = arith.constant 0 : i32
        %dma_wait3A_308 = tpu.memref_slice %arg4[%dma_wait3A_306, %dma_wait3A_307] : memref<10000x128xf32, #tpu.memory_space<hbm>> -> memref<10000x128xf32, #tpu.memory_space<hbm>>
        tpu.wait_indirect_dma semaphore(%arg16 : memref<!tpu.dma_semaphore, #tpu.memory_space<semaphore_mem>>) src(%dma_wait3A_308 : memref<10000x128xf32, #tpu.memory_space<hbm>>) dst(%arg11 : memref<64x128xf32, #tpu.memory_space<vmem>>)
        %dma_start3A_309 = arith.constant 0 : i32
        %dma_start3A_310 = tpu.memref_slice %arg8[%add3A_301, %dma_start3A_309] : memref<40x64xi32, #tpu.memory_space<vmem>> -> memref<1x64xi32, #tpu.memory_space<vmem>>
        %dma_start3A_311 = tpu.memref_squeeze %dma_start3A_310 : memref<1x64xi32, #tpu.memory_space<vmem>> -> memref<64xi32, #tpu.memory_space<vmem>>
        %dma_start3A_312 = arith.constant 0 : i32
        %dma_start3A_313 = arith.constant 0 : i32
        %dma_start3A_314 = tpu.memref_slice %arg13[%dma_start3A_312, %dma_start3A_313] : memref<10240x128xf32, #tpu.memory_space<vmem_shared>> -> memref<10240x128xf32, #tpu.memory_space<vmem_shared>>
        tpu.enqueue_indirect_dma source(%arg11 : memref<64x128xf32, #tpu.memory_space<vmem>>) target(%dma_start3A_314 : memref<10240x128xf32, #tpu.memory_space<vmem_shared>>) offsets(%dma_start3A_311 : memref<64xi32, #tpu.memory_space<vmem>>) semaphore(%arg20 : memref<!tpu.dma_semaphore, #tpu.memory_space<semaphore_mem>>) {add = true}
        %lt3A = arith.constant 9 : i32
        %lt3A_315 = arith.cmpi slt, %scan3A_237, %lt3A : i32
        %convert_element_type3A_316 = arith.extui %lt3A_315 : i1 to i32
        %cond3A_317 = arith.constant 0 : i32
        %cond3A_318 = arith.cmpi ne, %convert_element_type3A_316, %cond3A_317 : i32
        scf.if %cond3A_318 {
          %dma_wait3A_341 = arith.constant 0 : i32
          %dma_wait3A_342 = arith.constant 0 : i32
          %dma_wait3A_343 = tpu.memref_slice %arg8[%dma_wait3A_341, %dma_wait3A_342] : memref<40x64xi32, #tpu.memory_space<vmem>> -> memref<1x64xi32, #tpu.memory_space<vmem>>
          %dma_wait3A_344 = tpu.memref_squeeze %dma_wait3A_343 : memref<1x64xi32, #tpu.memory_space<vmem>> -> memref<64xi32, #tpu.memory_space<vmem>>
          %dma_wait3A_345 = arith.constant 0 : i32
          %dma_wait3A_346 = arith.constant 0 : i32
          %dma_wait3A_347 = tpu.memref_slice %arg13[%dma_wait3A_345, %dma_wait3A_346] : memref<10240x128xf32, #tpu.memory_space<vmem_shared>> -> memref<10240x128xf32, #tpu.memory_space<vmem_shared>>
          tpu.wait_indirect_dma semaphore(%arg18 : memref<!tpu.dma_semaphore, #tpu.memory_space<semaphore_mem>>) src(%arg9 : memref<64x128xf32, #tpu.memory_space<vmem>>) dst(%dma_wait3A_347 : memref<10240x128xf32, #tpu.memory_space<vmem_shared>>)
          %add3A_348 = arith.constant 2 : i32
          %add3A_349 = arith.addi %add3A_301, %add3A_348 : i32
          %dma_start3A_350 = arith.constant 0 : i32
          %dma_start3A_351 = tpu.memref_slice %arg7[%add3A_349, %dma_start3A_350] : memref<40x64xi32, #tpu.memory_space<vmem>> -> memref<1x64xi32, #tpu.memory_space<vmem>>
          %dma_start3A_352 = tpu.memref_squeeze %dma_start3A_351 : memref<1x64xi32, #tpu.memory_space<vmem>> -> memref<64xi32, #tpu.memory_space<vmem>>
          %dma_start3A_353 = arith.constant 0 : i32
          %dma_start3A_354 = arith.constant 0 : i32
          %dma_start3A_355 = tpu.memref_slice %arg4[%dma_start3A_353, %dma_start3A_354] : memref<10000x128xf32, #tpu.memory_space<hbm>> -> memref<10000x128xf32, #tpu.memory_space<hbm>>
          tpu.enqueue_indirect_dma source(%dma_start3A_355 : memref<10000x128xf32, #tpu.memory_space<hbm>>) target(%arg9 : memref<64x128xf32, #tpu.memory_space<vmem>>) offsets(%dma_start3A_352 : memref<64xi32, #tpu.memory_space<vmem>>) semaphore(%arg14 : memref<!tpu.dma_semaphore, #tpu.memory_space<semaphore_mem>>)
        } else {
        }
        %mul3A_319 = arith.constant 4 : i32
        %mul3A_320 = arith.muli %scan3A_237, %mul3A_319 : i32
        %add3A_321 = arith.constant 3 : i32
        %add3A_322 = arith.addi %mul3A_320, %add3A_321 : i32
        %dma_wait3A_323 = arith.constant 0 : i32
        %dma_wait3A_324 = arith.constant 0 : i32
        %dma_wait3A_325 = tpu.memref_slice %arg7[%dma_wait3A_323, %dma_wait3A_324] : memref<40x64xi32, #tpu.memory_space<vmem>> -> memref<1x64xi32, #tpu.memory_space<vmem>>
        %dma_wait3A_326 = tpu.memref_squeeze %dma_wait3A_325 : memref<1x64xi32, #tpu.memory_space<vmem>> -> memref<64xi32, #tpu.memory_space<vmem>>
        %dma_wait3A_327 = arith.constant 0 : i32
        %dma_wait3A_328 = arith.constant 0 : i32
        %dma_wait3A_329 = tpu.memref_slice %arg4[%dma_wait3A_327, %dma_wait3A_328] : memref<10000x128xf32, #tpu.memory_space<hbm>> -> memref<10000x128xf32, #tpu.memory_space<hbm>>
        tpu.wait_indirect_dma semaphore(%arg17 : memref<!tpu.dma_semaphore, #tpu.memory_space<semaphore_mem>>) src(%dma_wait3A_329 : memref<10000x128xf32, #tpu.memory_space<hbm>>) dst(%arg12 : memref<64x128xf32, #tpu.memory_space<vmem>>)
        %dma_start3A_330 = arith.constant 0 : i32
        %dma_start3A_331 = tpu.memref_slice %arg8[%add3A_322, %dma_start3A_330] : memref<40x64xi32, #tpu.memory_space<vmem>> -> memref<1x64xi32, #tpu.memory_space<vmem>>
        %dma_start3A_332 = tpu.memref_squeeze %dma_start3A_331 : memref<1x64xi32, #tpu.memory_space<vmem>> -> memref<64xi32, #tpu.memory_space<vmem>>
        %dma_start3A_333 = arith.constant 0 : i32
        %dma_start3A_334 = arith.constant 0 : i32
        %dma_start3A_335 = tpu.memref_slice %arg13[%dma_start3A_333, %dma_start3A_334] : memref<10240x128xf32, #tpu.memory_space<vmem_shared>> -> memref<10240x128xf32, #tpu.memory_space<vmem_shared>>
        tpu.enqueue_indirect_dma source(%arg12 : memref<64x128xf32, #tpu.memory_space<vmem>>) target(%dma_start3A_335 : memref<10240x128xf32, #tpu.memory_space<vmem_shared>>) offsets(%dma_start3A_332 : memref<64xi32, #tpu.memory_space<vmem>>) semaphore(%arg21 : memref<!tpu.dma_semaphore, #tpu.memory_space<semaphore_mem>>) {add = true}
        %lt3A_336 = arith.constant 9 : i32
        %lt3A_337 = arith.cmpi slt, %scan3A_237, %lt3A_336 : i32
        %convert_element_type3A_338 = arith.extui %lt3A_337 : i1 to i32
        %cond3A_339 = arith.constant 0 : i32
        %cond3A_340 = arith.cmpi ne, %convert_element_type3A_338, %cond3A_339 : i32
        scf.if %cond3A_340 {
          %dma_wait3A_341 = arith.constant 0 : i32
          %dma_wait3A_342 = arith.constant 0 : i32
          %dma_wait3A_343 = tpu.memref_slice %arg8[%dma_wait3A_341, %dma_wait3A_342] : memref<40x64xi32, #tpu.memory_space<vmem>> -> memref<1x64xi32, #tpu.memory_space<vmem>>
          %dma_wait3A_344 = tpu.memref_squeeze %dma_wait3A_343 : memref<1x64xi32, #tpu.memory_space<vmem>> -> memref<64xi32, #tpu.memory_space<vmem>>
          %dma_wait3A_345 = arith.constant 0 : i32
          %dma_wait3A_346 = arith.constant 0 : i32
          %dma_wait3A_347 = tpu.memref_slice %arg13[%dma_wait3A_345, %dma_wait3A_346] : memref<10240x128xf32, #tpu.memory_space<vmem_shared>> -> memref<10240x128xf32, #tpu.memory_space<vmem_shared>>
          tpu.wait_indirect_dma semaphore(%arg19 : memref<!tpu.dma_semaphore, #tpu.memory_space<semaphore_mem>>) src(%arg10 : memref<64x128xf32, #tpu.memory_space<vmem>>) dst(%dma_wait3A_347 : memref<10240x128xf32, #tpu.memory_space<vmem_shared>>)
          %add3A_348 = arith.constant 2 : i32
          %add3A_349 = arith.addi %add3A_322, %add3A_348 : i32
          %dma_start3A_350 = arith.constant 0 : i32
          %dma_start3A_351 = tpu.memref_slice %arg7[%add3A_349, %dma_start3A_350] : memref<40x64xi32, #tpu.memory_space<vmem>> -> memref<1x64xi32, #tpu.memory_space<vmem>>
          %dma_start3A_352 = tpu.memref_squeeze %dma_start3A_351 : memref<1x64xi32, #tpu.memory_space<vmem>> -> memref<64xi32, #tpu.memory_space<vmem>>
          %dma_start3A_353 = arith.constant 0 : i32
          %dma_start3A_354 = arith.constant 0 : i32
          %dma_start3A_355 = tpu.memref_slice %arg4[%dma_start3A_353, %dma_start3A_354] : memref<10000x128xf32, #tpu.memory_space<hbm>> -> memref<10000x128xf32, #tpu.memory_space<hbm>>
          tpu.enqueue_indirect_dma source(%dma_start3A_355 : memref<10000x128xf32, #tpu.memory_space<hbm>>) target(%arg10 : memref<64x128xf32, #tpu.memory_space<vmem>>) offsets(%dma_start3A_352 : memref<64xi32, #tpu.memory_space<vmem>>) semaphore(%arg15 : memref<!tpu.dma_semaphore, #tpu.memory_space<semaphore_mem>>)
        } else {
        }
      }
      %scan3A_209 = arith.constant 10 : i32
      %dma_wait3A = arith.constant 0 : i32
      %dma_wait3A_210 = arith.constant 0 : i32
      %dma_wait3A_211 = tpu.memref_slice %arg8[%dma_wait3A, %dma_wait3A_210] : memref<40x64xi32, #tpu.memory_space<vmem>> -> memref<1x64xi32, #tpu.memory_space<vmem>>
      %dma_wait3A_212 = tpu.memref_squeeze %dma_wait3A_211 : memref<1x64xi32, #tpu.memory_space<vmem>> -> memref<64xi32, #tpu.memory_space<vmem>>
      %dma_wait3A_213 = arith.constant 0 : i32
      %dma_wait3A_214 = arith.constant 0 : i32
      %dma_wait3A_215 = tpu.memref_slice %arg13[%dma_wait3A_213, %dma_wait3A_214] : memref<10240x128xf32, #tpu.memory_space<vmem_shared>> -> memref<10240x128xf32, #tpu.memory_space<vmem_shared>>
      tpu.wait_indirect_dma semaphore(%arg18 : memref<!tpu.dma_semaphore, #tpu.memory_space<semaphore_mem>>) src(%arg9 : memref<64x128xf32, #tpu.memory_space<vmem>>) dst(%dma_wait3A_215 : memref<10240x128xf32, #tpu.memory_space<vmem_shared>>)
      %dma_wait3A_216 = arith.constant 0 : i32
      %dma_wait3A_217 = arith.constant 0 : i32
      %dma_wait3A_218 = tpu.memref_slice %arg8[%dma_wait3A_216, %dma_wait3A_217] : memref<40x64xi32, #tpu.memory_space<vmem>> -> memref<1x64xi32, #tpu.memory_space<vmem>>
      %dma_wait3A_219 = tpu.memref_squeeze %dma_wait3A_218 : memref<1x64xi32, #tpu.memory_space<vmem>> -> memref<64xi32, #tpu.memory_space<vmem>>
      %dma_wait3A_220 = arith.constant 0 : i32
      %dma_wait3A_221 = arith.constant 0 : i32
      %dma_wait3A_222 = tpu.memref_slice %arg13[%dma_wait3A_220, %dma_wait3A_221] : memref<10240x128xf32, #tpu.memory_space<vmem_shared>> -> memref<10240x128xf32, #tpu.memory_space<vmem_shared>>
      tpu.wait_indirect_dma semaphore(%arg19 : memref<!tpu.dma_semaphore, #tpu.memory_space<semaphore_mem>>) src(%arg10 : memref<64x128xf32, #tpu.memory_space<vmem>>) dst(%dma_wait3A_222 : memref<10240x128xf32, #tpu.memory_space<vmem_shared>>)
      %dma_wait3A_223 = arith.constant 0 : i32
      %dma_wait3A_224 = arith.constant 0 : i32
      %dma_wait3A_225 = tpu.memref_slice %arg8[%dma_wait3A_223, %dma_wait3A_224] : memref<40x64xi32, #tpu.memory_space<vmem>> -> memref<1x64xi32, #tpu.memory_space<vmem>>
      %dma_wait3A_226 = tpu.memref_squeeze %dma_wait3A_225 : memref<1x64xi32, #tpu.memory_space<vmem>> -> memref<64xi32, #tpu.memory_space<vmem>>
      %dma_wait3A_227 = arith.constant 0 : i32
      %dma_wait3A_228 = arith.constant 0 : i32
      %dma_wait3A_229 = tpu.memref_slice %arg13[%dma_wait3A_227, %dma_wait3A_228] : memref<10240x128xf32, #tpu.memory_space<vmem_shared>> -> memref<10240x128xf32, #tpu.memory_space<vmem_shared>>
      tpu.wait_indirect_dma semaphore(%arg20 : memref<!tpu.dma_semaphore, #tpu.memory_space<semaphore_mem>>) src(%arg11 : memref<64x128xf32, #tpu.memory_space<vmem>>) dst(%dma_wait3A_229 : memref<10240x128xf32, #tpu.memory_space<vmem_shared>>)
      %dma_wait3A_230 = arith.constant 0 : i32
      %dma_wait3A_231 = arith.constant 0 : i32
      %dma_wait3A_232 = tpu.memref_slice %arg8[%dma_wait3A_230, %dma_wait3A_231] : memref<40x64xi32, #tpu.memory_space<vmem>> -> memref<1x64xi32, #tpu.memory_space<vmem>>
      %dma_wait3A_233 = tpu.memref_squeeze %dma_wait3A_232 : memref<1x64xi32, #tpu.memory_space<vmem>> -> memref<64xi32, #tpu.memory_space<vmem>>
      %dma_wait3A_234 = arith.constant 0 : i32
      %dma_wait3A_235 = arith.constant 0 : i32
      %dma_wait3A_236 = tpu.memref_slice %arg13[%dma_wait3A_234, %dma_wait3A_235] : memref<10240x128xf32, #tpu.memory_space<vmem_shared>> -> memref<10240x128xf32, #tpu.memory_space<vmem_shared>>
      tpu.wait_indirect_dma semaphore(%arg21 : memref<!tpu.dma_semaphore, #tpu.memory_space<semaphore_mem>>) src(%arg12 : memref<64x128xf32, #tpu.memory_space<vmem>>) dst(%dma_wait3A_236 : memref<10240x128xf32, #tpu.memory_space<vmem_shared>>)
    } else {
    }
    %gt3A_69 = arith.constant 5 : i32
    %gt3A_70 = arith.cmpi sgt, %select_n3A, %gt3A_69 : i32
    %convert_element_type3A_71 = arith.extui %gt3A_70 : i1 to i32
    %cond3A_72 = arith.constant 0 : i32
    %cond3A_73 = arith.cmpi ne, %convert_element_type3A_71, %cond3A_72 : i32
    scf.if %cond3A_73 {
      %add3A_190 = arith.constant 200 : i32
      %add3A_191 = arith.addi %select_n3A_6, %add3A_190 : i32
      "tpu.region"() ({
        %run_scoped3A = tpu.sem_alloc : memref<!tpu.dma_semaphore, #tpu.memory_space<semaphore_mem>>
        %dma_start3A_237 = arith.constant 0 : i32
        %dma_start3A_238 = tpu.memref_slice %arg2[%add3A_191, %dma_start3A_237] : memref<5120x64xi32, #tpu.memory_space<hbm>> -> memref<40x64xi32, #tpu.memory_space<hbm>>
        %dma_start3A_239 = arith.constant 0 : i32
        %dma_start3A_240 = tpu.memref_slice %arg2[%add3A_191, %dma_start3A_239] : memref<5120x64xi32, #tpu.memory_space<hbm>> -> memref<40x64xi32, #tpu.memory_space<hbm>>
        tpu.enqueue_dma source(%dma_start3A_240 : memref<40x64xi32, #tpu.memory_space<hbm>>) target(%arg7 : memref<40x64xi32, #tpu.memory_space<vmem>>) target_semaphore(%run_scoped3A : memref<!tpu.dma_semaphore, #tpu.memory_space<semaphore_mem>>)
        %dma_wait3A_241 = arith.constant 0 : i32
        %dma_wait3A_242 = tpu.memref_slice %arg2[%add3A_191, %dma_wait3A_241] : memref<5120x64xi32, #tpu.memory_space<hbm>> -> memref<40x64xi32, #tpu.memory_space<hbm>>
        %dma_wait3A_243 = arith.constant 0 : i32
        %dma_wait3A_244 = tpu.memref_slice %arg2[%add3A_191, %dma_wait3A_243] : memref<5120x64xi32, #tpu.memory_space<hbm>> -> memref<40x64xi32, #tpu.memory_space<hbm>>
        tpu.wait_dma2 semaphore(%run_scoped3A : memref<!tpu.dma_semaphore, #tpu.memory_space<semaphore_mem>>) src(%dma_wait3A_244 : memref<40x64xi32, #tpu.memory_space<hbm>>) dst(%arg7 : memref<40x64xi32, #tpu.memory_space<vmem>>)
        tpu.yield
      }) : () -> ()
      "tpu.region"() ({
        %run_scoped3A = tpu.sem_alloc : memref<!tpu.dma_semaphore, #tpu.memory_space<semaphore_mem>>
        %dma_start3A_237 = arith.constant 0 : i32
        %dma_start3A_238 = tpu.memref_slice %arg3[%add3A_191, %dma_start3A_237] : memref<5120x64xi32, #tpu.memory_space<hbm>> -> memref<40x64xi32, #tpu.memory_space<hbm>>
        %dma_start3A_239 = arith.constant 0 : i32
        %dma_start3A_240 = tpu.memref_slice %arg3[%add3A_191, %dma_start3A_239] : memref<5120x64xi32, #tpu.memory_space<hbm>> -> memref<40x64xi32, #tpu.memory_space<hbm>>
        tpu.enqueue_dma source(%dma_start3A_240 : memref<40x64xi32, #tpu.memory_space<hbm>>) target(%arg8 : memref<40x64xi32, #tpu.memory_space<vmem>>) target_semaphore(%run_scoped3A : memref<!tpu.dma_semaphore, #tpu.memory_space<semaphore_mem>>)
        %dma_wait3A_241 = arith.constant 0 : i32
        %dma_wait3A_242 = tpu.memref_slice %arg3[%add3A_191, %dma_wait3A_241] : memref<5120x64xi32, #tpu.memory_space<hbm>> -> memref<40x64xi32, #tpu.memory_space<hbm>>
        %dma_wait3A_243 = arith.constant 0 : i32
        %dma_wait3A_244 = tpu.memref_slice %arg3[%add3A_191, %dma_wait3A_243] : memref<5120x64xi32, #tpu.memory_space<hbm>> -> memref<40x64xi32, #tpu.memory_space<hbm>>
        tpu.wait_dma2 semaphore(%run_scoped3A : memref<!tpu.dma_semaphore, #tpu.memory_space<semaphore_mem>>) src(%dma_wait3A_244 : memref<40x64xi32, #tpu.memory_space<hbm>>) dst(%arg8 : memref<40x64xi32, #tpu.memory_space<vmem>>)
        tpu.yield
      }) : () -> ()
      %dma_start3A = arith.constant 0 : i32
      %dma_start3A_192 = arith.constant 0 : i32
      %dma_start3A_193 = tpu.memref_slice %arg7[%dma_start3A, %dma_start3A_192] : memref<40x64xi32, #tpu.memory_space<vmem>> -> memref<1x64xi32, #tpu.memory_space<vmem>>
      %dma_start3A_194 = tpu.memref_squeeze %dma_start3A_193 : memref<1x64xi32, #tpu.memory_space<vmem>> -> memref<64xi32, #tpu.memory_space<vmem>>
      %dma_start3A_195 = arith.constant 0 : i32
      %dma_start3A_196 = arith.constant 0 : i32
      %dma_start3A_197 = tpu.memref_slice %arg4[%dma_start3A_195, %dma_start3A_196] : memref<10000x128xf32, #tpu.memory_space<hbm>> -> memref<10000x128xf32, #tpu.memory_space<hbm>>
      tpu.enqueue_indirect_dma source(%dma_start3A_197 : memref<10000x128xf32, #tpu.memory_space<hbm>>) target(%arg9 : memref<64x128xf32, #tpu.memory_space<vmem>>) offsets(%dma_start3A_194 : memref<64xi32, #tpu.memory_space<vmem>>) semaphore(%arg14 : memref<!tpu.dma_semaphore, #tpu.memory_space<semaphore_mem>>)
      %dma_start3A_198 = arith.constant 1 : i32
      %dma_start3A_199 = arith.constant 0 : i32
      %dma_start3A_200 = tpu.memref_slice %arg7[%dma_start3A_198, %dma_start3A_199] : memref<40x64xi32, #tpu.memory_space<vmem>> -> memref<1x64xi32, #tpu.memory_space<vmem>>
      %dma_start3A_201 = tpu.memref_squeeze %dma_start3A_200 : memref<1x64xi32, #tpu.memory_space<vmem>> -> memref<64xi32, #tpu.memory_space<vmem>>
      %dma_start3A_202 = arith.constant 0 : i32
      %dma_start3A_203 = arith.constant 0 : i32
      %dma_start3A_204 = tpu.memref_slice %arg4[%dma_start3A_202, %dma_start3A_203] : memref<10000x128xf32, #tpu.memory_space<hbm>> -> memref<10000x128xf32, #tpu.memory_space<hbm>>
      tpu.enqueue_indirect_dma source(%dma_start3A_204 : memref<10000x128xf32, #tpu.memory_space<hbm>>) target(%arg10 : memref<64x128xf32, #tpu.memory_space<vmem>>) offsets(%dma_start3A_201 : memref<64xi32, #tpu.memory_space<vmem>>) semaphore(%arg15 : memref<!tpu.dma_semaphore, #tpu.memory_space<semaphore_mem>>)
      %scan3A = arith.constant 0 : i32
      %scan3A_205 = arith.constant 0 : i32
      %scan3A_206 = arith.constant 10 : i32
      %scan3A_207 = arith.addi %scan3A_205, %scan3A_206 : i32
      %scan3A_208 = arith.constant 1 : i32
      scf.for %scan3A_237 = %scan3A_205 to %scan3A_207 step %scan3A_208  : i32 {
        %mul3A_238 = arith.constant 4 : i32
        %mul3A_239 = arith.muli %scan3A_237, %mul3A_238 : i32
        %add3A_240 = arith.constant 0 : i32
        %add3A_241 = arith.addi %mul3A_239, %add3A_240 : i32
        %dma_wait3A_242 = arith.constant 0 : i32
        %dma_wait3A_243 = arith.constant 0 : i32
        %dma_wait3A_244 = tpu.memref_slice %arg7[%dma_wait3A_242, %dma_wait3A_243] : memref<40x64xi32, #tpu.memory_space<vmem>> -> memref<1x64xi32, #tpu.memory_space<vmem>>
        %dma_wait3A_245 = tpu.memref_squeeze %dma_wait3A_244 : memref<1x64xi32, #tpu.memory_space<vmem>> -> memref<64xi32, #tpu.memory_space<vmem>>
        %dma_wait3A_246 = arith.constant 0 : i32
        %dma_wait3A_247 = arith.constant 0 : i32
        %dma_wait3A_248 = tpu.memref_slice %arg4[%dma_wait3A_246, %dma_wait3A_247] : memref<10000x128xf32, #tpu.memory_space<hbm>> -> memref<10000x128xf32, #tpu.memory_space<hbm>>
        tpu.wait_indirect_dma semaphore(%arg14 : memref<!tpu.dma_semaphore, #tpu.memory_space<semaphore_mem>>) src(%dma_wait3A_248 : memref<10000x128xf32, #tpu.memory_space<hbm>>) dst(%arg9 : memref<64x128xf32, #tpu.memory_space<vmem>>)
        %dma_start3A_249 = arith.constant 0 : i32
        %dma_start3A_250 = tpu.memref_slice %arg8[%add3A_241, %dma_start3A_249] : memref<40x64xi32, #tpu.memory_space<vmem>> -> memref<1x64xi32, #tpu.memory_space<vmem>>
        %dma_start3A_251 = tpu.memref_squeeze %dma_start3A_250 : memref<1x64xi32, #tpu.memory_space<vmem>> -> memref<64xi32, #tpu.memory_space<vmem>>
        %dma_start3A_252 = arith.constant 0 : i32
        %dma_start3A_253 = arith.constant 0 : i32
        %dma_start3A_254 = tpu.memref_slice %arg13[%dma_start3A_252, %dma_start3A_253] : memref<10240x128xf32, #tpu.memory_space<vmem_shared>> -> memref<10240x128xf32, #tpu.memory_space<vmem_shared>>
        tpu.enqueue_indirect_dma source(%arg9 : memref<64x128xf32, #tpu.memory_space<vmem>>) target(%dma_start3A_254 : memref<10240x128xf32, #tpu.memory_space<vmem_shared>>) offsets(%dma_start3A_251 : memref<64xi32, #tpu.memory_space<vmem>>) semaphore(%arg18 : memref<!tpu.dma_semaphore, #tpu.memory_space<semaphore_mem>>) {add = true}
        %gt3A_255 = arith.constant 0 : i32
        %gt3A_256 = arith.cmpi sgt, %scan3A_237, %gt3A_255 : i32
        %convert_element_type3A_257 = arith.extui %gt3A_256 : i1 to i32
        %cond3A_258 = arith.constant 0 : i32
        %cond3A_259 = arith.cmpi ne, %convert_element_type3A_257, %cond3A_258 : i32
        scf.if %cond3A_259 {
          %dma_wait3A_341 = arith.constant 0 : i32
          %dma_wait3A_342 = arith.constant 0 : i32
          %dma_wait3A_343 = tpu.memref_slice %arg8[%dma_wait3A_341, %dma_wait3A_342] : memref<40x64xi32, #tpu.memory_space<vmem>> -> memref<1x64xi32, #tpu.memory_space<vmem>>
          %dma_wait3A_344 = tpu.memref_squeeze %dma_wait3A_343 : memref<1x64xi32, #tpu.memory_space<vmem>> -> memref<64xi32, #tpu.memory_space<vmem>>
          %dma_wait3A_345 = arith.constant 0 : i32
          %dma_wait3A_346 = arith.constant 0 : i32
          %dma_wait3A_347 = tpu.memref_slice %arg13[%dma_wait3A_345, %dma_wait3A_346] : memref<10240x128xf32, #tpu.memory_space<vmem_shared>> -> memref<10240x128xf32, #tpu.memory_space<vmem_shared>>
          tpu.wait_indirect_dma semaphore(%arg20 : memref<!tpu.dma_semaphore, #tpu.memory_space<semaphore_mem>>) src(%arg11 : memref<64x128xf32, #tpu.memory_space<vmem>>) dst(%dma_wait3A_347 : memref<10240x128xf32, #tpu.memory_space<vmem_shared>>)
        } else {
        }
        %add3A_260 = arith.constant 2 : i32
        %add3A_261 = arith.addi %add3A_241, %add3A_260 : i32
        %dma_start3A_262 = arith.constant 0 : i32
        %dma_start3A_263 = tpu.memref_slice %arg7[%add3A_261, %dma_start3A_262] : memref<40x64xi32, #tpu.memory_space<vmem>> -> memref<1x64xi32, #tpu.memory_space<vmem>>
        %dma_start3A_264 = tpu.memref_squeeze %dma_start3A_263 : memref<1x64xi32, #tpu.memory_space<vmem>> -> memref<64xi32, #tpu.memory_space<vmem>>
        %dma_start3A_265 = arith.constant 0 : i32
        %dma_start3A_266 = arith.constant 0 : i32
        %dma_start3A_267 = tpu.memref_slice %arg4[%dma_start3A_265, %dma_start3A_266] : memref<10000x128xf32, #tpu.memory_space<hbm>> -> memref<10000x128xf32, #tpu.memory_space<hbm>>
        tpu.enqueue_indirect_dma source(%dma_start3A_267 : memref<10000x128xf32, #tpu.memory_space<hbm>>) target(%arg11 : memref<64x128xf32, #tpu.memory_space<vmem>>) offsets(%dma_start3A_264 : memref<64xi32, #tpu.memory_space<vmem>>) semaphore(%arg16 : memref<!tpu.dma_semaphore, #tpu.memory_space<semaphore_mem>>)
        %mul3A_268 = arith.constant 4 : i32
        %mul3A_269 = arith.muli %scan3A_237, %mul3A_268 : i32
        %add3A_270 = arith.constant 1 : i32
        %add3A_271 = arith.addi %mul3A_269, %add3A_270 : i32
        %dma_wait3A_272 = arith.constant 0 : i32
        %dma_wait3A_273 = arith.constant 0 : i32
        %dma_wait3A_274 = tpu.memref_slice %arg7[%dma_wait3A_272, %dma_wait3A_273] : memref<40x64xi32, #tpu.memory_space<vmem>> -> memref<1x64xi32, #tpu.memory_space<vmem>>
        %dma_wait3A_275 = tpu.memref_squeeze %dma_wait3A_274 : memref<1x64xi32, #tpu.memory_space<vmem>> -> memref<64xi32, #tpu.memory_space<vmem>>
        %dma_wait3A_276 = arith.constant 0 : i32
        %dma_wait3A_277 = arith.constant 0 : i32
        %dma_wait3A_278 = tpu.memref_slice %arg4[%dma_wait3A_276, %dma_wait3A_277] : memref<10000x128xf32, #tpu.memory_space<hbm>> -> memref<10000x128xf32, #tpu.memory_space<hbm>>
        tpu.wait_indirect_dma semaphore(%arg15 : memref<!tpu.dma_semaphore, #tpu.memory_space<semaphore_mem>>) src(%dma_wait3A_278 : memref<10000x128xf32, #tpu.memory_space<hbm>>) dst(%arg10 : memref<64x128xf32, #tpu.memory_space<vmem>>)
        %dma_start3A_279 = arith.constant 0 : i32
        %dma_start3A_280 = tpu.memref_slice %arg8[%add3A_271, %dma_start3A_279] : memref<40x64xi32, #tpu.memory_space<vmem>> -> memref<1x64xi32, #tpu.memory_space<vmem>>
        %dma_start3A_281 = tpu.memref_squeeze %dma_start3A_280 : memref<1x64xi32, #tpu.memory_space<vmem>> -> memref<64xi32, #tpu.memory_space<vmem>>
        %dma_start3A_282 = arith.constant 0 : i32
        %dma_start3A_283 = arith.constant 0 : i32
        %dma_start3A_284 = tpu.memref_slice %arg13[%dma_start3A_282, %dma_start3A_283] : memref<10240x128xf32, #tpu.memory_space<vmem_shared>> -> memref<10240x128xf32, #tpu.memory_space<vmem_shared>>
        tpu.enqueue_indirect_dma source(%arg10 : memref<64x128xf32, #tpu.memory_space<vmem>>) target(%dma_start3A_284 : memref<10240x128xf32, #tpu.memory_space<vmem_shared>>) offsets(%dma_start3A_281 : memref<64xi32, #tpu.memory_space<vmem>>) semaphore(%arg19 : memref<!tpu.dma_semaphore, #tpu.memory_space<semaphore_mem>>) {add = true}
        %gt3A_285 = arith.constant 0 : i32
        %gt3A_286 = arith.cmpi sgt, %scan3A_237, %gt3A_285 : i32
        %convert_element_type3A_287 = arith.extui %gt3A_286 : i1 to i32
        %cond3A_288 = arith.constant 0 : i32
        %cond3A_289 = arith.cmpi ne, %convert_element_type3A_287, %cond3A_288 : i32
        scf.if %cond3A_289 {
          %dma_wait3A_341 = arith.constant 0 : i32
          %dma_wait3A_342 = arith.constant 0 : i32
          %dma_wait3A_343 = tpu.memref_slice %arg8[%dma_wait3A_341, %dma_wait3A_342] : memref<40x64xi32, #tpu.memory_space<vmem>> -> memref<1x64xi32, #tpu.memory_space<vmem>>
          %dma_wait3A_344 = tpu.memref_squeeze %dma_wait3A_343 : memref<1x64xi32, #tpu.memory_space<vmem>> -> memref<64xi32, #tpu.memory_space<vmem>>
          %dma_wait3A_345 = arith.constant 0 : i32
          %dma_wait3A_346 = arith.constant 0 : i32
          %dma_wait3A_347 = tpu.memref_slice %arg13[%dma_wait3A_345, %dma_wait3A_346] : memref<10240x128xf32, #tpu.memory_space<vmem_shared>> -> memref<10240x128xf32, #tpu.memory_space<vmem_shared>>
          tpu.wait_indirect_dma semaphore(%arg21 : memref<!tpu.dma_semaphore, #tpu.memory_space<semaphore_mem>>) src(%arg12 : memref<64x128xf32, #tpu.memory_space<vmem>>) dst(%dma_wait3A_347 : memref<10240x128xf32, #tpu.memory_space<vmem_shared>>)
        } else {
        }
        %add3A_290 = arith.constant 2 : i32
        %add3A_291 = arith.addi %add3A_271, %add3A_290 : i32
        %dma_start3A_292 = arith.constant 0 : i32
        %dma_start3A_293 = tpu.memref_slice %arg7[%add3A_291, %dma_start3A_292] : memref<40x64xi32, #tpu.memory_space<vmem>> -> memref<1x64xi32, #tpu.memory_space<vmem>>
        %dma_start3A_294 = tpu.memref_squeeze %dma_start3A_293 : memref<1x64xi32, #tpu.memory_space<vmem>> -> memref<64xi32, #tpu.memory_space<vmem>>
        %dma_start3A_295 = arith.constant 0 : i32
        %dma_start3A_296 = arith.constant 0 : i32
        %dma_start3A_297 = tpu.memref_slice %arg4[%dma_start3A_295, %dma_start3A_296] : memref<10000x128xf32, #tpu.memory_space<hbm>> -> memref<10000x128xf32, #tpu.memory_space<hbm>>
        tpu.enqueue_indirect_dma source(%dma_start3A_297 : memref<10000x128xf32, #tpu.memory_space<hbm>>) target(%arg12 : memref<64x128xf32, #tpu.memory_space<vmem>>) offsets(%dma_start3A_294 : memref<64xi32, #tpu.memory_space<vmem>>) semaphore(%arg17 : memref<!tpu.dma_semaphore, #tpu.memory_space<semaphore_mem>>)
        %mul3A_298 = arith.constant 4 : i32
        %mul3A_299 = arith.muli %scan3A_237, %mul3A_298 : i32
        %add3A_300 = arith.constant 2 : i32
        %add3A_301 = arith.addi %mul3A_299, %add3A_300 : i32
        %dma_wait3A_302 = arith.constant 0 : i32
        %dma_wait3A_303 = arith.constant 0 : i32
        %dma_wait3A_304 = tpu.memref_slice %arg7[%dma_wait3A_302, %dma_wait3A_303] : memref<40x64xi32, #tpu.memory_space<vmem>> -> memref<1x64xi32, #tpu.memory_space<vmem>>
        %dma_wait3A_305 = tpu.memref_squeeze %dma_wait3A_304 : memref<1x64xi32, #tpu.memory_space<vmem>> -> memref<64xi32, #tpu.memory_space<vmem>>
        %dma_wait3A_306 = arith.constant 0 : i32
        %dma_wait3A_307 = arith.constant 0 : i32
        %dma_wait3A_308 = tpu.memref_slice %arg4[%dma_wait3A_306, %dma_wait3A_307] : memref<10000x128xf32, #tpu.memory_space<hbm>> -> memref<10000x128xf32, #tpu.memory_space<hbm>>
        tpu.wait_indirect_dma semaphore(%arg16 : memref<!tpu.dma_semaphore, #tpu.memory_space<semaphore_mem>>) src(%dma_wait3A_308 : memref<10000x128xf32, #tpu.memory_space<hbm>>) dst(%arg11 : memref<64x128xf32, #tpu.memory_space<vmem>>)
        %dma_start3A_309 = arith.constant 0 : i32
        %dma_start3A_310 = tpu.memref_slice %arg8[%add3A_301, %dma_start3A_309] : memref<40x64xi32, #tpu.memory_space<vmem>> -> memref<1x64xi32, #tpu.memory_space<vmem>>
        %dma_start3A_311 = tpu.memref_squeeze %dma_start3A_310 : memref<1x64xi32, #tpu.memory_space<vmem>> -> memref<64xi32, #tpu.memory_space<vmem>>
        %dma_start3A_312 = arith.constant 0 : i32
        %dma_start3A_313 = arith.constant 0 : i32
        %dma_start3A_314 = tpu.memref_slice %arg13[%dma_start3A_312, %dma_start3A_313] : memref<10240x128xf32, #tpu.memory_space<vmem_shared>> -> memref<10240x128xf32, #tpu.memory_space<vmem_shared>>
        tpu.enqueue_indirect_dma source(%arg11 : memref<64x128xf32, #tpu.memory_space<vmem>>) target(%dma_start3A_314 : memref<10240x128xf32, #tpu.memory_space<vmem_shared>>) offsets(%dma_start3A_311 : memref<64xi32, #tpu.memory_space<vmem>>) semaphore(%arg20 : memref<!tpu.dma_semaphore, #tpu.memory_space<semaphore_mem>>) {add = true}
        %lt3A = arith.constant 9 : i32
        %lt3A_315 = arith.cmpi slt, %scan3A_237, %lt3A : i32
        %convert_element_type3A_316 = arith.extui %lt3A_315 : i1 to i32
        %cond3A_317 = arith.constant 0 : i32
        %cond3A_318 = arith.cmpi ne, %convert_element_type3A_316, %cond3A_317 : i32
        scf.if %cond3A_318 {
          %dma_wait3A_341 = arith.constant 0 : i32
          %dma_wait3A_342 = arith.constant 0 : i32
          %dma_wait3A_343 = tpu.memref_slice %arg8[%dma_wait3A_341, %dma_wait3A_342] : memref<40x64xi32, #tpu.memory_space<vmem>> -> memref<1x64xi32, #tpu.memory_space<vmem>>
          %dma_wait3A_344 = tpu.memref_squeeze %dma_wait3A_343 : memref<1x64xi32, #tpu.memory_space<vmem>> -> memref<64xi32, #tpu.memory_space<vmem>>
          %dma_wait3A_345 = arith.constant 0 : i32
          %dma_wait3A_346 = arith.constant 0 : i32
          %dma_wait3A_347 = tpu.memref_slice %arg13[%dma_wait3A_345, %dma_wait3A_346] : memref<10240x128xf32, #tpu.memory_space<vmem_shared>> -> memref<10240x128xf32, #tpu.memory_space<vmem_shared>>
          tpu.wait_indirect_dma semaphore(%arg18 : memref<!tpu.dma_semaphore, #tpu.memory_space<semaphore_mem>>) src(%arg9 : memref<64x128xf32, #tpu.memory_space<vmem>>) dst(%dma_wait3A_347 : memref<10240x128xf32, #tpu.memory_space<vmem_shared>>)
          %add3A_348 = arith.constant 2 : i32
          %add3A_349 = arith.addi %add3A_301, %add3A_348 : i32
          %dma_start3A_350 = arith.constant 0 : i32
          %dma_start3A_351 = tpu.memref_slice %arg7[%add3A_349, %dma_start3A_350] : memref<40x64xi32, #tpu.memory_space<vmem>> -> memref<1x64xi32, #tpu.memory_space<vmem>>
          %dma_start3A_352 = tpu.memref_squeeze %dma_start3A_351 : memref<1x64xi32, #tpu.memory_space<vmem>> -> memref<64xi32, #tpu.memory_space<vmem>>
          %dma_start3A_353 = arith.constant 0 : i32
          %dma_start3A_354 = arith.constant 0 : i32
          %dma_start3A_355 = tpu.memref_slice %arg4[%dma_start3A_353, %dma_start3A_354] : memref<10000x128xf32, #tpu.memory_space<hbm>> -> memref<10000x128xf32, #tpu.memory_space<hbm>>
          tpu.enqueue_indirect_dma source(%dma_start3A_355 : memref<10000x128xf32, #tpu.memory_space<hbm>>) target(%arg9 : memref<64x128xf32, #tpu.memory_space<vmem>>) offsets(%dma_start3A_352 : memref<64xi32, #tpu.memory_space<vmem>>) semaphore(%arg14 : memref<!tpu.dma_semaphore, #tpu.memory_space<semaphore_mem>>)
        } else {
        }
        %mul3A_319 = arith.constant 4 : i32
        %mul3A_320 = arith.muli %scan3A_237, %mul3A_319 : i32
        %add3A_321 = arith.constant 3 : i32
        %add3A_322 = arith.addi %mul3A_320, %add3A_321 : i32
        %dma_wait3A_323 = arith.constant 0 : i32
        %dma_wait3A_324 = arith.constant 0 : i32
        %dma_wait3A_325 = tpu.memref_slice %arg7[%dma_wait3A_323, %dma_wait3A_324] : memref<40x64xi32, #tpu.memory_space<vmem>> -> memref<1x64xi32, #tpu.memory_space<vmem>>
        %dma_wait3A_326 = tpu.memref_squeeze %dma_wait3A_325 : memref<1x64xi32, #tpu.memory_space<vmem>> -> memref<64xi32, #tpu.memory_space<vmem>>
        %dma_wait3A_327 = arith.constant 0 : i32
        %dma_wait3A_328 = arith.constant 0 : i32
        %dma_wait3A_329 = tpu.memref_slice %arg4[%dma_wait3A_327, %dma_wait3A_328] : memref<10000x128xf32, #tpu.memory_space<hbm>> -> memref<10000x128xf32, #tpu.memory_space<hbm>>
        tpu.wait_indirect_dma semaphore(%arg17 : memref<!tpu.dma_semaphore, #tpu.memory_space<semaphore_mem>>) src(%dma_wait3A_329 : memref<10000x128xf32, #tpu.memory_space<hbm>>) dst(%arg12 : memref<64x128xf32, #tpu.memory_space<vmem>>)
        %dma_start3A_330 = arith.constant 0 : i32
        %dma_start3A_331 = tpu.memref_slice %arg8[%add3A_322, %dma_start3A_330] : memref<40x64xi32, #tpu.memory_space<vmem>> -> memref<1x64xi32, #tpu.memory_space<vmem>>
        %dma_start3A_332 = tpu.memref_squeeze %dma_start3A_331 : memref<1x64xi32, #tpu.memory_space<vmem>> -> memref<64xi32, #tpu.memory_space<vmem>>
        %dma_start3A_333 = arith.constant 0 : i32
        %dma_start3A_334 = arith.constant 0 : i32
        %dma_start3A_335 = tpu.memref_slice %arg13[%dma_start3A_333, %dma_start3A_334] : memref<10240x128xf32, #tpu.memory_space<vmem_shared>> -> memref<10240x128xf32, #tpu.memory_space<vmem_shared>>
        tpu.enqueue_indirect_dma source(%arg12 : memref<64x128xf32, #tpu.memory_space<vmem>>) target(%dma_start3A_335 : memref<10240x128xf32, #tpu.memory_space<vmem_shared>>) offsets(%dma_start3A_332 : memref<64xi32, #tpu.memory_space<vmem>>) semaphore(%arg21 : memref<!tpu.dma_semaphore, #tpu.memory_space<semaphore_mem>>) {add = true}
        %lt3A_336 = arith.constant 9 : i32
        %lt3A_337 = arith.cmpi slt, %scan3A_237, %lt3A_336 : i32
        %convert_element_type3A_338 = arith.extui %lt3A_337 : i1 to i32
        %cond3A_339 = arith.constant 0 : i32
        %cond3A_340 = arith.cmpi ne, %convert_element_type3A_338, %cond3A_339 : i32
        scf.if %cond3A_340 {
          %dma_wait3A_341 = arith.constant 0 : i32
          %dma_wait3A_342 = arith.constant 0 : i32
          %dma_wait3A_343 = tpu.memref_slice %arg8[%dma_wait3A_341, %dma_wait3A_342] : memref<40x64xi32, #tpu.memory_space<vmem>> -> memref<1x64xi32, #tpu.memory_space<vmem>>
          %dma_wait3A_344 = tpu.memref_squeeze %dma_wait3A_343 : memref<1x64xi32, #tpu.memory_space<vmem>> -> memref<64xi32, #tpu.memory_space<vmem>>
          %dma_wait3A_345 = arith.constant 0 : i32
          %dma_wait3A_346 = arith.constant 0 : i32
          %dma_wait3A_347 = tpu.memref_slice %arg13[%dma_wait3A_345, %dma_wait3A_346] : memref<10240x128xf32, #tpu.memory_space<vmem_shared>> -> memref<10240x128xf32, #tpu.memory_space<vmem_shared>>
          tpu.wait_indirect_dma semaphore(%arg19 : memref<!tpu.dma_semaphore, #tpu.memory_space<semaphore_mem>>) src(%arg10 : memref<64x128xf32, #tpu.memory_space<vmem>>) dst(%dma_wait3A_347 : memref<10240x128xf32, #tpu.memory_space<vmem_shared>>)
          %add3A_348 = arith.constant 2 : i32
          %add3A_349 = arith.addi %add3A_322, %add3A_348 : i32
          %dma_start3A_350 = arith.constant 0 : i32
          %dma_start3A_351 = tpu.memref_slice %arg7[%add3A_349, %dma_start3A_350] : memref<40x64xi32, #tpu.memory_space<vmem>> -> memref<1x64xi32, #tpu.memory_space<vmem>>
          %dma_start3A_352 = tpu.memref_squeeze %dma_start3A_351 : memref<1x64xi32, #tpu.memory_space<vmem>> -> memref<64xi32, #tpu.memory_space<vmem>>
          %dma_start3A_353 = arith.constant 0 : i32
          %dma_start3A_354 = arith.constant 0 : i32
          %dma_start3A_355 = tpu.memref_slice %arg4[%dma_start3A_353, %dma_start3A_354] : memref<10000x128xf32, #tpu.memory_space<hbm>> -> memref<10000x128xf32, #tpu.memory_space<hbm>>
          tpu.enqueue_indirect_dma source(%dma_start3A_355 : memref<10000x128xf32, #tpu.memory_space<hbm>>) target(%arg10 : memref<64x128xf32, #tpu.memory_space<vmem>>) offsets(%dma_start3A_352 : memref<64xi32, #tpu.memory_space<vmem>>) semaphore(%arg15 : memref<!tpu.dma_semaphore, #tpu.memory_space<semaphore_mem>>)
        } else {
        }
      }
      %scan3A_209 = arith.constant 10 : i32
      %dma_wait3A = arith.constant 0 : i32
      %dma_wait3A_210 = arith.constant 0 : i32
      %dma_wait3A_211 = tpu.memref_slice %arg8[%dma_wait3A, %dma_wait3A_210] : memref<40x64xi32, #tpu.memory_space<vmem>> -> memref<1x64xi32, #tpu.memory_space<vmem>>
      %dma_wait3A_212 = tpu.memref_squeeze %dma_wait3A_211 : memref<1x64xi32, #tpu.memory_space<vmem>> -> memref<64xi32, #tpu.memory_space<vmem>>
      %dma_wait3A_213 = arith.constant 0 : i32
      %dma_wait3A_214 = arith.constant 0 : i32
      %dma_wait3A_215 = tpu.memref_slice %arg13[%dma_wait3A_213, %dma_wait3A_214] : memref<10240x128xf32, #tpu.memory_space<vmem_shared>> -> memref<10240x128xf32, #tpu.memory_space<vmem_shared>>
      tpu.wait_indirect_dma semaphore(%arg18 : memref<!tpu.dma_semaphore, #tpu.memory_space<semaphore_mem>>) src(%arg9 : memref<64x128xf32, #tpu.memory_space<vmem>>) dst(%dma_wait3A_215 : memref<10240x128xf32, #tpu.memory_space<vmem_shared>>)
      %dma_wait3A_216 = arith.constant 0 : i32
      %dma_wait3A_217 = arith.constant 0 : i32
      %dma_wait3A_218 = tpu.memref_slice %arg8[%dma_wait3A_216, %dma_wait3A_217] : memref<40x64xi32, #tpu.memory_space<vmem>> -> memref<1x64xi32, #tpu.memory_space<vmem>>
      %dma_wait3A_219 = tpu.memref_squeeze %dma_wait3A_218 : memref<1x64xi32, #tpu.memory_space<vmem>> -> memref<64xi32, #tpu.memory_space<vmem>>
      %dma_wait3A_220 = arith.constant 0 : i32
      %dma_wait3A_221 = arith.constant 0 : i32
      %dma_wait3A_222 = tpu.memref_slice %arg13[%dma_wait3A_220, %dma_wait3A_221] : memref<10240x128xf32, #tpu.memory_space<vmem_shared>> -> memref<10240x128xf32, #tpu.memory_space<vmem_shared>>
      tpu.wait_indirect_dma semaphore(%arg19 : memref<!tpu.dma_semaphore, #tpu.memory_space<semaphore_mem>>) src(%arg10 : memref<64x128xf32, #tpu.memory_space<vmem>>) dst(%dma_wait3A_222 : memref<10240x128xf32, #tpu.memory_space<vmem_shared>>)
      %dma_wait3A_223 = arith.constant 0 : i32
      %dma_wait3A_224 = arith.constant 0 : i32
      %dma_wait3A_225 = tpu.memref_slice %arg8[%dma_wait3A_223, %dma_wait3A_224] : memref<40x64xi32, #tpu.memory_space<vmem>> -> memref<1x64xi32, #tpu.memory_space<vmem>>
      %dma_wait3A_226 = tpu.memref_squeeze %dma_wait3A_225 : memref<1x64xi32, #tpu.memory_space<vmem>> -> memref<64xi32, #tpu.memory_space<vmem>>
      %dma_wait3A_227 = arith.constant 0 : i32
      %dma_wait3A_228 = arith.constant 0 : i32
      %dma_wait3A_229 = tpu.memref_slice %arg13[%dma_wait3A_227, %dma_wait3A_228] : memref<10240x128xf32, #tpu.memory_space<vmem_shared>> -> memref<10240x128xf32, #tpu.memory_space<vmem_shared>>
      tpu.wait_indirect_dma semaphore(%arg20 : memref<!tpu.dma_semaphore, #tpu.memory_space<semaphore_mem>>) src(%arg11 : memref<64x128xf32, #tpu.memory_space<vmem>>) dst(%dma_wait3A_229 : memref<10240x128xf32, #tpu.memory_space<vmem_shared>>)
      %dma_wait3A_230 = arith.constant 0 : i32
      %dma_wait3A_231 = arith.constant 0 : i32
      %dma_wait3A_232 = tpu.memref_slice %arg8[%dma_wait3A_230, %dma_wait3A_231] : memref<40x64xi32, #tpu.memory_space<vmem>> -> memref<1x64xi32, #tpu.memory_space<vmem>>
      %dma_wait3A_233 = tpu.memref_squeeze %dma_wait3A_232 : memref<1x64xi32, #tpu.memory_space<vmem>> -> memref<64xi32, #tpu.memory_space<vmem>>
      %dma_wait3A_234 = arith.constant 0 : i32
      %dma_wait3A_235 = arith.constant 0 : i32
      %dma_wait3A_236 = tpu.memref_slice %arg13[%dma_wait3A_234, %dma_wait3A_235] : memref<10240x128xf32, #tpu.memory_space<vmem_shared>> -> memref<10240x128xf32, #tpu.memory_space<vmem_shared>>
      tpu.wait_indirect_dma semaphore(%arg21 : memref<!tpu.dma_semaphore, #tpu.memory_space<semaphore_mem>>) src(%arg12 : memref<64x128xf32, #tpu.memory_space<vmem>>) dst(%dma_wait3A_236 : memref<10240x128xf32, #tpu.memory_space<vmem_shared>>)
    } else {
    }
    %gt3A_74 = arith.constant 6 : i32
    %gt3A_75 = arith.cmpi sgt, %select_n3A, %gt3A_74 : i32
    %convert_element_type3A_76 = arith.extui %gt3A_75 : i1 to i32
    %cond3A_77 = arith.constant 0 : i32
    %cond3A_78 = arith.cmpi ne, %convert_element_type3A_76, %cond3A_77 : i32
    scf.if %cond3A_78 {
      %add3A_190 = arith.constant 240 : i32
      %add3A_191 = arith.addi %select_n3A_6, %add3A_190 : i32
      "tpu.region"() ({
        %run_scoped3A = tpu.sem_alloc : memref<!tpu.dma_semaphore, #tpu.memory_space<semaphore_mem>>
        %dma_start3A_237 = arith.constant 0 : i32
        %dma_start3A_238 = tpu.memref_slice %arg2[%add3A_191, %dma_start3A_237] : memref<5120x64xi32, #tpu.memory_space<hbm>> -> memref<40x64xi32, #tpu.memory_space<hbm>>
        %dma_start3A_239 = arith.constant 0 : i32
        %dma_start3A_240 = tpu.memref_slice %arg2[%add3A_191, %dma_start3A_239] : memref<5120x64xi32, #tpu.memory_space<hbm>> -> memref<40x64xi32, #tpu.memory_space<hbm>>
        tpu.enqueue_dma source(%dma_start3A_240 : memref<40x64xi32, #tpu.memory_space<hbm>>) target(%arg7 : memref<40x64xi32, #tpu.memory_space<vmem>>) target_semaphore(%run_scoped3A : memref<!tpu.dma_semaphore, #tpu.memory_space<semaphore_mem>>)
        %dma_wait3A_241 = arith.constant 0 : i32
        %dma_wait3A_242 = tpu.memref_slice %arg2[%add3A_191, %dma_wait3A_241] : memref<5120x64xi32, #tpu.memory_space<hbm>> -> memref<40x64xi32, #tpu.memory_space<hbm>>
        %dma_wait3A_243 = arith.constant 0 : i32
        %dma_wait3A_244 = tpu.memref_slice %arg2[%add3A_191, %dma_wait3A_243] : memref<5120x64xi32, #tpu.memory_space<hbm>> -> memref<40x64xi32, #tpu.memory_space<hbm>>
        tpu.wait_dma2 semaphore(%run_scoped3A : memref<!tpu.dma_semaphore, #tpu.memory_space<semaphore_mem>>) src(%dma_wait3A_244 : memref<40x64xi32, #tpu.memory_space<hbm>>) dst(%arg7 : memref<40x64xi32, #tpu.memory_space<vmem>>)
        tpu.yield
      }) : () -> ()
      "tpu.region"() ({
        %run_scoped3A = tpu.sem_alloc : memref<!tpu.dma_semaphore, #tpu.memory_space<semaphore_mem>>
        %dma_start3A_237 = arith.constant 0 : i32
        %dma_start3A_238 = tpu.memref_slice %arg3[%add3A_191, %dma_start3A_237] : memref<5120x64xi32, #tpu.memory_space<hbm>> -> memref<40x64xi32, #tpu.memory_space<hbm>>
        %dma_start3A_239 = arith.constant 0 : i32
        %dma_start3A_240 = tpu.memref_slice %arg3[%add3A_191, %dma_start3A_239] : memref<5120x64xi32, #tpu.memory_space<hbm>> -> memref<40x64xi32, #tpu.memory_space<hbm>>
        tpu.enqueue_dma source(%dma_start3A_240 : memref<40x64xi32, #tpu.memory_space<hbm>>) target(%arg8 : memref<40x64xi32, #tpu.memory_space<vmem>>) target_semaphore(%run_scoped3A : memref<!tpu.dma_semaphore, #tpu.memory_space<semaphore_mem>>)
        %dma_wait3A_241 = arith.constant 0 : i32
        %dma_wait3A_242 = tpu.memref_slice %arg3[%add3A_191, %dma_wait3A_241] : memref<5120x64xi32, #tpu.memory_space<hbm>> -> memref<40x64xi32, #tpu.memory_space<hbm>>
        %dma_wait3A_243 = arith.constant 0 : i32
        %dma_wait3A_244 = tpu.memref_slice %arg3[%add3A_191, %dma_wait3A_243] : memref<5120x64xi32, #tpu.memory_space<hbm>> -> memref<40x64xi32, #tpu.memory_space<hbm>>
        tpu.wait_dma2 semaphore(%run_scoped3A : memref<!tpu.dma_semaphore, #tpu.memory_space<semaphore_mem>>) src(%dma_wait3A_244 : memref<40x64xi32, #tpu.memory_space<hbm>>) dst(%arg8 : memref<40x64xi32, #tpu.memory_space<vmem>>)
        tpu.yield
      }) : () -> ()
      %dma_start3A = arith.constant 0 : i32
      %dma_start3A_192 = arith.constant 0 : i32
      %dma_start3A_193 = tpu.memref_slice %arg7[%dma_start3A, %dma_start3A_192] : memref<40x64xi32, #tpu.memory_space<vmem>> -> memref<1x64xi32, #tpu.memory_space<vmem>>
      %dma_start3A_194 = tpu.memref_squeeze %dma_start3A_193 : memref<1x64xi32, #tpu.memory_space<vmem>> -> memref<64xi32, #tpu.memory_space<vmem>>
      %dma_start3A_195 = arith.constant 0 : i32
      %dma_start3A_196 = arith.constant 0 : i32
      %dma_start3A_197 = tpu.memref_slice %arg4[%dma_start3A_195, %dma_start3A_196] : memref<10000x128xf32, #tpu.memory_space<hbm>> -> memref<10000x128xf32, #tpu.memory_space<hbm>>
      tpu.enqueue_indirect_dma source(%dma_start3A_197 : memref<10000x128xf32, #tpu.memory_space<hbm>>) target(%arg9 : memref<64x128xf32, #tpu.memory_space<vmem>>) offsets(%dma_start3A_194 : memref<64xi32, #tpu.memory_space<vmem>>) semaphore(%arg14 : memref<!tpu.dma_semaphore, #tpu.memory_space<semaphore_mem>>)
      %dma_start3A_198 = arith.constant 1 : i32
      %dma_start3A_199 = arith.constant 0 : i32
      %dma_start3A_200 = tpu.memref_slice %arg7[%dma_start3A_198, %dma_start3A_199] : memref<40x64xi32, #tpu.memory_space<vmem>> -> memref<1x64xi32, #tpu.memory_space<vmem>>
      %dma_start3A_201 = tpu.memref_squeeze %dma_start3A_200 : memref<1x64xi32, #tpu.memory_space<vmem>> -> memref<64xi32, #tpu.memory_space<vmem>>
      %dma_start3A_202 = arith.constant 0 : i32
      %dma_start3A_203 = arith.constant 0 : i32
      %dma_start3A_204 = tpu.memref_slice %arg4[%dma_start3A_202, %dma_start3A_203] : memref<10000x128xf32, #tpu.memory_space<hbm>> -> memref<10000x128xf32, #tpu.memory_space<hbm>>
      tpu.enqueue_indirect_dma source(%dma_start3A_204 : memref<10000x128xf32, #tpu.memory_space<hbm>>) target(%arg10 : memref<64x128xf32, #tpu.memory_space<vmem>>) offsets(%dma_start3A_201 : memref<64xi32, #tpu.memory_space<vmem>>) semaphore(%arg15 : memref<!tpu.dma_semaphore, #tpu.memory_space<semaphore_mem>>)
      %scan3A = arith.constant 0 : i32
      %scan3A_205 = arith.constant 0 : i32
      %scan3A_206 = arith.constant 10 : i32
      %scan3A_207 = arith.addi %scan3A_205, %scan3A_206 : i32
      %scan3A_208 = arith.constant 1 : i32
      scf.for %scan3A_237 = %scan3A_205 to %scan3A_207 step %scan3A_208  : i32 {
        %mul3A_238 = arith.constant 4 : i32
        %mul3A_239 = arith.muli %scan3A_237, %mul3A_238 : i32
        %add3A_240 = arith.constant 0 : i32
        %add3A_241 = arith.addi %mul3A_239, %add3A_240 : i32
        %dma_wait3A_242 = arith.constant 0 : i32
        %dma_wait3A_243 = arith.constant 0 : i32
        %dma_wait3A_244 = tpu.memref_slice %arg7[%dma_wait3A_242, %dma_wait3A_243] : memref<40x64xi32, #tpu.memory_space<vmem>> -> memref<1x64xi32, #tpu.memory_space<vmem>>
        %dma_wait3A_245 = tpu.memref_squeeze %dma_wait3A_244 : memref<1x64xi32, #tpu.memory_space<vmem>> -> memref<64xi32, #tpu.memory_space<vmem>>
        %dma_wait3A_246 = arith.constant 0 : i32
        %dma_wait3A_247 = arith.constant 0 : i32
        %dma_wait3A_248 = tpu.memref_slice %arg4[%dma_wait3A_246, %dma_wait3A_247] : memref<10000x128xf32, #tpu.memory_space<hbm>> -> memref<10000x128xf32, #tpu.memory_space<hbm>>
        tpu.wait_indirect_dma semaphore(%arg14 : memref<!tpu.dma_semaphore, #tpu.memory_space<semaphore_mem>>) src(%dma_wait3A_248 : memref<10000x128xf32, #tpu.memory_space<hbm>>) dst(%arg9 : memref<64x128xf32, #tpu.memory_space<vmem>>)
        %dma_start3A_249 = arith.constant 0 : i32
        %dma_start3A_250 = tpu.memref_slice %arg8[%add3A_241, %dma_start3A_249] : memref<40x64xi32, #tpu.memory_space<vmem>> -> memref<1x64xi32, #tpu.memory_space<vmem>>
        %dma_start3A_251 = tpu.memref_squeeze %dma_start3A_250 : memref<1x64xi32, #tpu.memory_space<vmem>> -> memref<64xi32, #tpu.memory_space<vmem>>
        %dma_start3A_252 = arith.constant 0 : i32
        %dma_start3A_253 = arith.constant 0 : i32
        %dma_start3A_254 = tpu.memref_slice %arg13[%dma_start3A_252, %dma_start3A_253] : memref<10240x128xf32, #tpu.memory_space<vmem_shared>> -> memref<10240x128xf32, #tpu.memory_space<vmem_shared>>
        tpu.enqueue_indirect_dma source(%arg9 : memref<64x128xf32, #tpu.memory_space<vmem>>) target(%dma_start3A_254 : memref<10240x128xf32, #tpu.memory_space<vmem_shared>>) offsets(%dma_start3A_251 : memref<64xi32, #tpu.memory_space<vmem>>) semaphore(%arg18 : memref<!tpu.dma_semaphore, #tpu.memory_space<semaphore_mem>>) {add = true}
        %gt3A_255 = arith.constant 0 : i32
        %gt3A_256 = arith.cmpi sgt, %scan3A_237, %gt3A_255 : i32
        %convert_element_type3A_257 = arith.extui %gt3A_256 : i1 to i32
        %cond3A_258 = arith.constant 0 : i32
        %cond3A_259 = arith.cmpi ne, %convert_element_type3A_257, %cond3A_258 : i32
        scf.if %cond3A_259 {
          %dma_wait3A_341 = arith.constant 0 : i32
          %dma_wait3A_342 = arith.constant 0 : i32
          %dma_wait3A_343 = tpu.memref_slice %arg8[%dma_wait3A_341, %dma_wait3A_342] : memref<40x64xi32, #tpu.memory_space<vmem>> -> memref<1x64xi32, #tpu.memory_space<vmem>>
          %dma_wait3A_344 = tpu.memref_squeeze %dma_wait3A_343 : memref<1x64xi32, #tpu.memory_space<vmem>> -> memref<64xi32, #tpu.memory_space<vmem>>
          %dma_wait3A_345 = arith.constant 0 : i32
          %dma_wait3A_346 = arith.constant 0 : i32
          %dma_wait3A_347 = tpu.memref_slice %arg13[%dma_wait3A_345, %dma_wait3A_346] : memref<10240x128xf32, #tpu.memory_space<vmem_shared>> -> memref<10240x128xf32, #tpu.memory_space<vmem_shared>>
          tpu.wait_indirect_dma semaphore(%arg20 : memref<!tpu.dma_semaphore, #tpu.memory_space<semaphore_mem>>) src(%arg11 : memref<64x128xf32, #tpu.memory_space<vmem>>) dst(%dma_wait3A_347 : memref<10240x128xf32, #tpu.memory_space<vmem_shared>>)
        } else {
        }
        %add3A_260 = arith.constant 2 : i32
        %add3A_261 = arith.addi %add3A_241, %add3A_260 : i32
        %dma_start3A_262 = arith.constant 0 : i32
        %dma_start3A_263 = tpu.memref_slice %arg7[%add3A_261, %dma_start3A_262] : memref<40x64xi32, #tpu.memory_space<vmem>> -> memref<1x64xi32, #tpu.memory_space<vmem>>
        %dma_start3A_264 = tpu.memref_squeeze %dma_start3A_263 : memref<1x64xi32, #tpu.memory_space<vmem>> -> memref<64xi32, #tpu.memory_space<vmem>>
        %dma_start3A_265 = arith.constant 0 : i32
        %dma_start3A_266 = arith.constant 0 : i32
        %dma_start3A_267 = tpu.memref_slice %arg4[%dma_start3A_265, %dma_start3A_266] : memref<10000x128xf32, #tpu.memory_space<hbm>> -> memref<10000x128xf32, #tpu.memory_space<hbm>>
        tpu.enqueue_indirect_dma source(%dma_start3A_267 : memref<10000x128xf32, #tpu.memory_space<hbm>>) target(%arg11 : memref<64x128xf32, #tpu.memory_space<vmem>>) offsets(%dma_start3A_264 : memref<64xi32, #tpu.memory_space<vmem>>) semaphore(%arg16 : memref<!tpu.dma_semaphore, #tpu.memory_space<semaphore_mem>>)
        %mul3A_268 = arith.constant 4 : i32
        %mul3A_269 = arith.muli %scan3A_237, %mul3A_268 : i32
        %add3A_270 = arith.constant 1 : i32
        %add3A_271 = arith.addi %mul3A_269, %add3A_270 : i32
        %dma_wait3A_272 = arith.constant 0 : i32
        %dma_wait3A_273 = arith.constant 0 : i32
        %dma_wait3A_274 = tpu.memref_slice %arg7[%dma_wait3A_272, %dma_wait3A_273] : memref<40x64xi32, #tpu.memory_space<vmem>> -> memref<1x64xi32, #tpu.memory_space<vmem>>
        %dma_wait3A_275 = tpu.memref_squeeze %dma_wait3A_274 : memref<1x64xi32, #tpu.memory_space<vmem>> -> memref<64xi32, #tpu.memory_space<vmem>>
        %dma_wait3A_276 = arith.constant 0 : i32
        %dma_wait3A_277 = arith.constant 0 : i32
        %dma_wait3A_278 = tpu.memref_slice %arg4[%dma_wait3A_276, %dma_wait3A_277] : memref<10000x128xf32, #tpu.memory_space<hbm>> -> memref<10000x128xf32, #tpu.memory_space<hbm>>
        tpu.wait_indirect_dma semaphore(%arg15 : memref<!tpu.dma_semaphore, #tpu.memory_space<semaphore_mem>>) src(%dma_wait3A_278 : memref<10000x128xf32, #tpu.memory_space<hbm>>) dst(%arg10 : memref<64x128xf32, #tpu.memory_space<vmem>>)
        %dma_start3A_279 = arith.constant 0 : i32
        %dma_start3A_280 = tpu.memref_slice %arg8[%add3A_271, %dma_start3A_279] : memref<40x64xi32, #tpu.memory_space<vmem>> -> memref<1x64xi32, #tpu.memory_space<vmem>>
        %dma_start3A_281 = tpu.memref_squeeze %dma_start3A_280 : memref<1x64xi32, #tpu.memory_space<vmem>> -> memref<64xi32, #tpu.memory_space<vmem>>
        %dma_start3A_282 = arith.constant 0 : i32
        %dma_start3A_283 = arith.constant 0 : i32
        %dma_start3A_284 = tpu.memref_slice %arg13[%dma_start3A_282, %dma_start3A_283] : memref<10240x128xf32, #tpu.memory_space<vmem_shared>> -> memref<10240x128xf32, #tpu.memory_space<vmem_shared>>
        tpu.enqueue_indirect_dma source(%arg10 : memref<64x128xf32, #tpu.memory_space<vmem>>) target(%dma_start3A_284 : memref<10240x128xf32, #tpu.memory_space<vmem_shared>>) offsets(%dma_start3A_281 : memref<64xi32, #tpu.memory_space<vmem>>) semaphore(%arg19 : memref<!tpu.dma_semaphore, #tpu.memory_space<semaphore_mem>>) {add = true}
        %gt3A_285 = arith.constant 0 : i32
        %gt3A_286 = arith.cmpi sgt, %scan3A_237, %gt3A_285 : i32
        %convert_element_type3A_287 = arith.extui %gt3A_286 : i1 to i32
        %cond3A_288 = arith.constant 0 : i32
        %cond3A_289 = arith.cmpi ne, %convert_element_type3A_287, %cond3A_288 : i32
        scf.if %cond3A_289 {
          %dma_wait3A_341 = arith.constant 0 : i32
          %dma_wait3A_342 = arith.constant 0 : i32
          %dma_wait3A_343 = tpu.memref_slice %arg8[%dma_wait3A_341, %dma_wait3A_342] : memref<40x64xi32, #tpu.memory_space<vmem>> -> memref<1x64xi32, #tpu.memory_space<vmem>>
          %dma_wait3A_344 = tpu.memref_squeeze %dma_wait3A_343 : memref<1x64xi32, #tpu.memory_space<vmem>> -> memref<64xi32, #tpu.memory_space<vmem>>
          %dma_wait3A_345 = arith.constant 0 : i32
          %dma_wait3A_346 = arith.constant 0 : i32
          %dma_wait3A_347 = tpu.memref_slice %arg13[%dma_wait3A_345, %dma_wait3A_346] : memref<10240x128xf32, #tpu.memory_space<vmem_shared>> -> memref<10240x128xf32, #tpu.memory_space<vmem_shared>>
          tpu.wait_indirect_dma semaphore(%arg21 : memref<!tpu.dma_semaphore, #tpu.memory_space<semaphore_mem>>) src(%arg12 : memref<64x128xf32, #tpu.memory_space<vmem>>) dst(%dma_wait3A_347 : memref<10240x128xf32, #tpu.memory_space<vmem_shared>>)
        } else {
        }
        %add3A_290 = arith.constant 2 : i32
        %add3A_291 = arith.addi %add3A_271, %add3A_290 : i32
        %dma_start3A_292 = arith.constant 0 : i32
        %dma_start3A_293 = tpu.memref_slice %arg7[%add3A_291, %dma_start3A_292] : memref<40x64xi32, #tpu.memory_space<vmem>> -> memref<1x64xi32, #tpu.memory_space<vmem>>
        %dma_start3A_294 = tpu.memref_squeeze %dma_start3A_293 : memref<1x64xi32, #tpu.memory_space<vmem>> -> memref<64xi32, #tpu.memory_space<vmem>>
        %dma_start3A_295 = arith.constant 0 : i32
        %dma_start3A_296 = arith.constant 0 : i32
        %dma_start3A_297 = tpu.memref_slice %arg4[%dma_start3A_295, %dma_start3A_296] : memref<10000x128xf32, #tpu.memory_space<hbm>> -> memref<10000x128xf32, #tpu.memory_space<hbm>>
        tpu.enqueue_indirect_dma source(%dma_start3A_297 : memref<10000x128xf32, #tpu.memory_space<hbm>>) target(%arg12 : memref<64x128xf32, #tpu.memory_space<vmem>>) offsets(%dma_start3A_294 : memref<64xi32, #tpu.memory_space<vmem>>) semaphore(%arg17 : memref<!tpu.dma_semaphore, #tpu.memory_space<semaphore_mem>>)
        %mul3A_298 = arith.constant 4 : i32
        %mul3A_299 = arith.muli %scan3A_237, %mul3A_298 : i32
        %add3A_300 = arith.constant 2 : i32
        %add3A_301 = arith.addi %mul3A_299, %add3A_300 : i32
        %dma_wait3A_302 = arith.constant 0 : i32
        %dma_wait3A_303 = arith.constant 0 : i32
        %dma_wait3A_304 = tpu.memref_slice %arg7[%dma_wait3A_302, %dma_wait3A_303] : memref<40x64xi32, #tpu.memory_space<vmem>> -> memref<1x64xi32, #tpu.memory_space<vmem>>
        %dma_wait3A_305 = tpu.memref_squeeze %dma_wait3A_304 : memref<1x64xi32, #tpu.memory_space<vmem>> -> memref<64xi32, #tpu.memory_space<vmem>>
        %dma_wait3A_306 = arith.constant 0 : i32
        %dma_wait3A_307 = arith.constant 0 : i32
        %dma_wait3A_308 = tpu.memref_slice %arg4[%dma_wait3A_306, %dma_wait3A_307] : memref<10000x128xf32, #tpu.memory_space<hbm>> -> memref<10000x128xf32, #tpu.memory_space<hbm>>
        tpu.wait_indirect_dma semaphore(%arg16 : memref<!tpu.dma_semaphore, #tpu.memory_space<semaphore_mem>>) src(%dma_wait3A_308 : memref<10000x128xf32, #tpu.memory_space<hbm>>) dst(%arg11 : memref<64x128xf32, #tpu.memory_space<vmem>>)
        %dma_start3A_309 = arith.constant 0 : i32
        %dma_start3A_310 = tpu.memref_slice %arg8[%add3A_301, %dma_start3A_309] : memref<40x64xi32, #tpu.memory_space<vmem>> -> memref<1x64xi32, #tpu.memory_space<vmem>>
        %dma_start3A_311 = tpu.memref_squeeze %dma_start3A_310 : memref<1x64xi32, #tpu.memory_space<vmem>> -> memref<64xi32, #tpu.memory_space<vmem>>
        %dma_start3A_312 = arith.constant 0 : i32
        %dma_start3A_313 = arith.constant 0 : i32
        %dma_start3A_314 = tpu.memref_slice %arg13[%dma_start3A_312, %dma_start3A_313] : memref<10240x128xf32, #tpu.memory_space<vmem_shared>> -> memref<10240x128xf32, #tpu.memory_space<vmem_shared>>
        tpu.enqueue_indirect_dma source(%arg11 : memref<64x128xf32, #tpu.memory_space<vmem>>) target(%dma_start3A_314 : memref<10240x128xf32, #tpu.memory_space<vmem_shared>>) offsets(%dma_start3A_311 : memref<64xi32, #tpu.memory_space<vmem>>) semaphore(%arg20 : memref<!tpu.dma_semaphore, #tpu.memory_space<semaphore_mem>>) {add = true}
        %lt3A = arith.constant 9 : i32
        %lt3A_315 = arith.cmpi slt, %scan3A_237, %lt3A : i32
        %convert_element_type3A_316 = arith.extui %lt3A_315 : i1 to i32
        %cond3A_317 = arith.constant 0 : i32
        %cond3A_318 = arith.cmpi ne, %convert_element_type3A_316, %cond3A_317 : i32
        scf.if %cond3A_318 {
          %dma_wait3A_341 = arith.constant 0 : i32
          %dma_wait3A_342 = arith.constant 0 : i32
          %dma_wait3A_343 = tpu.memref_slice %arg8[%dma_wait3A_341, %dma_wait3A_342] : memref<40x64xi32, #tpu.memory_space<vmem>> -> memref<1x64xi32, #tpu.memory_space<vmem>>
          %dma_wait3A_344 = tpu.memref_squeeze %dma_wait3A_343 : memref<1x64xi32, #tpu.memory_space<vmem>> -> memref<64xi32, #tpu.memory_space<vmem>>
          %dma_wait3A_345 = arith.constant 0 : i32
          %dma_wait3A_346 = arith.constant 0 : i32
          %dma_wait3A_347 = tpu.memref_slice %arg13[%dma_wait3A_345, %dma_wait3A_346] : memref<10240x128xf32, #tpu.memory_space<vmem_shared>> -> memref<10240x128xf32, #tpu.memory_space<vmem_shared>>
          tpu.wait_indirect_dma semaphore(%arg18 : memref<!tpu.dma_semaphore, #tpu.memory_space<semaphore_mem>>) src(%arg9 : memref<64x128xf32, #tpu.memory_space<vmem>>) dst(%dma_wait3A_347 : memref<10240x128xf32, #tpu.memory_space<vmem_shared>>)
          %add3A_348 = arith.constant 2 : i32
          %add3A_349 = arith.addi %add3A_301, %add3A_348 : i32
          %dma_start3A_350 = arith.constant 0 : i32
          %dma_start3A_351 = tpu.memref_slice %arg7[%add3A_349, %dma_start3A_350] : memref<40x64xi32, #tpu.memory_space<vmem>> -> memref<1x64xi32, #tpu.memory_space<vmem>>
          %dma_start3A_352 = tpu.memref_squeeze %dma_start3A_351 : memref<1x64xi32, #tpu.memory_space<vmem>> -> memref<64xi32, #tpu.memory_space<vmem>>
          %dma_start3A_353 = arith.constant 0 : i32
          %dma_start3A_354 = arith.constant 0 : i32
          %dma_start3A_355 = tpu.memref_slice %arg4[%dma_start3A_353, %dma_start3A_354] : memref<10000x128xf32, #tpu.memory_space<hbm>> -> memref<10000x128xf32, #tpu.memory_space<hbm>>
          tpu.enqueue_indirect_dma source(%dma_start3A_355 : memref<10000x128xf32, #tpu.memory_space<hbm>>) target(%arg9 : memref<64x128xf32, #tpu.memory_space<vmem>>) offsets(%dma_start3A_352 : memref<64xi32, #tpu.memory_space<vmem>>) semaphore(%arg14 : memref<!tpu.dma_semaphore, #tpu.memory_space<semaphore_mem>>)
        } else {
        }
        %mul3A_319 = arith.constant 4 : i32
        %mul3A_320 = arith.muli %scan3A_237, %mul3A_319 : i32
        %add3A_321 = arith.constant 3 : i32
        %add3A_322 = arith.addi %mul3A_320, %add3A_321 : i32
        %dma_wait3A_323 = arith.constant 0 : i32
        %dma_wait3A_324 = arith.constant 0 : i32
        %dma_wait3A_325 = tpu.memref_slice %arg7[%dma_wait3A_323, %dma_wait3A_324] : memref<40x64xi32, #tpu.memory_space<vmem>> -> memref<1x64xi32, #tpu.memory_space<vmem>>
        %dma_wait3A_326 = tpu.memref_squeeze %dma_wait3A_325 : memref<1x64xi32, #tpu.memory_space<vmem>> -> memref<64xi32, #tpu.memory_space<vmem>>
        %dma_wait3A_327 = arith.constant 0 : i32
        %dma_wait3A_328 = arith.constant 0 : i32
        %dma_wait3A_329 = tpu.memref_slice %arg4[%dma_wait3A_327, %dma_wait3A_328] : memref<10000x128xf32, #tpu.memory_space<hbm>> -> memref<10000x128xf32, #tpu.memory_space<hbm>>
        tpu.wait_indirect_dma semaphore(%arg17 : memref<!tpu.dma_semaphore, #tpu.memory_space<semaphore_mem>>) src(%dma_wait3A_329 : memref<10000x128xf32, #tpu.memory_space<hbm>>) dst(%arg12 : memref<64x128xf32, #tpu.memory_space<vmem>>)
        %dma_start3A_330 = arith.constant 0 : i32
        %dma_start3A_331 = tpu.memref_slice %arg8[%add3A_322, %dma_start3A_330] : memref<40x64xi32, #tpu.memory_space<vmem>> -> memref<1x64xi32, #tpu.memory_space<vmem>>
        %dma_start3A_332 = tpu.memref_squeeze %dma_start3A_331 : memref<1x64xi32, #tpu.memory_space<vmem>> -> memref<64xi32, #tpu.memory_space<vmem>>
        %dma_start3A_333 = arith.constant 0 : i32
        %dma_start3A_334 = arith.constant 0 : i32
        %dma_start3A_335 = tpu.memref_slice %arg13[%dma_start3A_333, %dma_start3A_334] : memref<10240x128xf32, #tpu.memory_space<vmem_shared>> -> memref<10240x128xf32, #tpu.memory_space<vmem_shared>>
        tpu.enqueue_indirect_dma source(%arg12 : memref<64x128xf32, #tpu.memory_space<vmem>>) target(%dma_start3A_335 : memref<10240x128xf32, #tpu.memory_space<vmem_shared>>) offsets(%dma_start3A_332 : memref<64xi32, #tpu.memory_space<vmem>>) semaphore(%arg21 : memref<!tpu.dma_semaphore, #tpu.memory_space<semaphore_mem>>) {add = true}
        %lt3A_336 = arith.constant 9 : i32
        %lt3A_337 = arith.cmpi slt, %scan3A_237, %lt3A_336 : i32
        %convert_element_type3A_338 = arith.extui %lt3A_337 : i1 to i32
        %cond3A_339 = arith.constant 0 : i32
        %cond3A_340 = arith.cmpi ne, %convert_element_type3A_338, %cond3A_339 : i32
        scf.if %cond3A_340 {
          %dma_wait3A_341 = arith.constant 0 : i32
          %dma_wait3A_342 = arith.constant 0 : i32
          %dma_wait3A_343 = tpu.memref_slice %arg8[%dma_wait3A_341, %dma_wait3A_342] : memref<40x64xi32, #tpu.memory_space<vmem>> -> memref<1x64xi32, #tpu.memory_space<vmem>>
          %dma_wait3A_344 = tpu.memref_squeeze %dma_wait3A_343 : memref<1x64xi32, #tpu.memory_space<vmem>> -> memref<64xi32, #tpu.memory_space<vmem>>
          %dma_wait3A_345 = arith.constant 0 : i32
          %dma_wait3A_346 = arith.constant 0 : i32
          %dma_wait3A_347 = tpu.memref_slice %arg13[%dma_wait3A_345, %dma_wait3A_346] : memref<10240x128xf32, #tpu.memory_space<vmem_shared>> -> memref<10240x128xf32, #tpu.memory_space<vmem_shared>>
          tpu.wait_indirect_dma semaphore(%arg19 : memref<!tpu.dma_semaphore, #tpu.memory_space<semaphore_mem>>) src(%arg10 : memref<64x128xf32, #tpu.memory_space<vmem>>) dst(%dma_wait3A_347 : memref<10240x128xf32, #tpu.memory_space<vmem_shared>>)
          %add3A_348 = arith.constant 2 : i32
          %add3A_349 = arith.addi %add3A_322, %add3A_348 : i32
          %dma_start3A_350 = arith.constant 0 : i32
          %dma_start3A_351 = tpu.memref_slice %arg7[%add3A_349, %dma_start3A_350] : memref<40x64xi32, #tpu.memory_space<vmem>> -> memref<1x64xi32, #tpu.memory_space<vmem>>
          %dma_start3A_352 = tpu.memref_squeeze %dma_start3A_351 : memref<1x64xi32, #tpu.memory_space<vmem>> -> memref<64xi32, #tpu.memory_space<vmem>>
          %dma_start3A_353 = arith.constant 0 : i32
          %dma_start3A_354 = arith.constant 0 : i32
          %dma_start3A_355 = tpu.memref_slice %arg4[%dma_start3A_353, %dma_start3A_354] : memref<10000x128xf32, #tpu.memory_space<hbm>> -> memref<10000x128xf32, #tpu.memory_space<hbm>>
          tpu.enqueue_indirect_dma source(%dma_start3A_355 : memref<10000x128xf32, #tpu.memory_space<hbm>>) target(%arg10 : memref<64x128xf32, #tpu.memory_space<vmem>>) offsets(%dma_start3A_352 : memref<64xi32, #tpu.memory_space<vmem>>) semaphore(%arg15 : memref<!tpu.dma_semaphore, #tpu.memory_space<semaphore_mem>>)
        } else {
        }
      }
      %scan3A_209 = arith.constant 10 : i32
      %dma_wait3A = arith.constant 0 : i32
      %dma_wait3A_210 = arith.constant 0 : i32
      %dma_wait3A_211 = tpu.memref_slice %arg8[%dma_wait3A, %dma_wait3A_210] : memref<40x64xi32, #tpu.memory_space<vmem>> -> memref<1x64xi32, #tpu.memory_space<vmem>>
      %dma_wait3A_212 = tpu.memref_squeeze %dma_wait3A_211 : memref<1x64xi32, #tpu.memory_space<vmem>> -> memref<64xi32, #tpu.memory_space<vmem>>
      %dma_wait3A_213 = arith.constant 0 : i32
      %dma_wait3A_214 = arith.constant 0 : i32
      %dma_wait3A_215 = tpu.memref_slice %arg13[%dma_wait3A_213, %dma_wait3A_214] : memref<10240x128xf32, #tpu.memory_space<vmem_shared>> -> memref<10240x128xf32, #tpu.memory_space<vmem_shared>>
      tpu.wait_indirect_dma semaphore(%arg18 : memref<!tpu.dma_semaphore, #tpu.memory_space<semaphore_mem>>) src(%arg9 : memref<64x128xf32, #tpu.memory_space<vmem>>) dst(%dma_wait3A_215 : memref<10240x128xf32, #tpu.memory_space<vmem_shared>>)
      %dma_wait3A_216 = arith.constant 0 : i32
      %dma_wait3A_217 = arith.constant 0 : i32
      %dma_wait3A_218 = tpu.memref_slice %arg8[%dma_wait3A_216, %dma_wait3A_217] : memref<40x64xi32, #tpu.memory_space<vmem>> -> memref<1x64xi32, #tpu.memory_space<vmem>>
      %dma_wait3A_219 = tpu.memref_squeeze %dma_wait3A_218 : memref<1x64xi32, #tpu.memory_space<vmem>> -> memref<64xi32, #tpu.memory_space<vmem>>
      %dma_wait3A_220 = arith.constant 0 : i32
      %dma_wait3A_221 = arith.constant 0 : i32
      %dma_wait3A_222 = tpu.memref_slice %arg13[%dma_wait3A_220, %dma_wait3A_221] : memref<10240x128xf32, #tpu.memory_space<vmem_shared>> -> memref<10240x128xf32, #tpu.memory_space<vmem_shared>>
      tpu.wait_indirect_dma semaphore(%arg19 : memref<!tpu.dma_semaphore, #tpu.memory_space<semaphore_mem>>) src(%arg10 : memref<64x128xf32, #tpu.memory_space<vmem>>) dst(%dma_wait3A_222 : memref<10240x128xf32, #tpu.memory_space<vmem_shared>>)
      %dma_wait3A_223 = arith.constant 0 : i32
      %dma_wait3A_224 = arith.constant 0 : i32
      %dma_wait3A_225 = tpu.memref_slice %arg8[%dma_wait3A_223, %dma_wait3A_224] : memref<40x64xi32, #tpu.memory_space<vmem>> -> memref<1x64xi32, #tpu.memory_space<vmem>>
      %dma_wait3A_226 = tpu.memref_squeeze %dma_wait3A_225 : memref<1x64xi32, #tpu.memory_space<vmem>> -> memref<64xi32, #tpu.memory_space<vmem>>
      %dma_wait3A_227 = arith.constant 0 : i32
      %dma_wait3A_228 = arith.constant 0 : i32
      %dma_wait3A_229 = tpu.memref_slice %arg13[%dma_wait3A_227, %dma_wait3A_228] : memref<10240x128xf32, #tpu.memory_space<vmem_shared>> -> memref<10240x128xf32, #tpu.memory_space<vmem_shared>>
      tpu.wait_indirect_dma semaphore(%arg20 : memref<!tpu.dma_semaphore, #tpu.memory_space<semaphore_mem>>) src(%arg11 : memref<64x128xf32, #tpu.memory_space<vmem>>) dst(%dma_wait3A_229 : memref<10240x128xf32, #tpu.memory_space<vmem_shared>>)
      %dma_wait3A_230 = arith.constant 0 : i32
      %dma_wait3A_231 = arith.constant 0 : i32
      %dma_wait3A_232 = tpu.memref_slice %arg8[%dma_wait3A_230, %dma_wait3A_231] : memref<40x64xi32, #tpu.memory_space<vmem>> -> memref<1x64xi32, #tpu.memory_space<vmem>>
      %dma_wait3A_233 = tpu.memref_squeeze %dma_wait3A_232 : memref<1x64xi32, #tpu.memory_space<vmem>> -> memref<64xi32, #tpu.memory_space<vmem>>
      %dma_wait3A_234 = arith.constant 0 : i32
      %dma_wait3A_235 = arith.constant 0 : i32
      %dma_wait3A_236 = tpu.memref_slice %arg13[%dma_wait3A_234, %dma_wait3A_235] : memref<10240x128xf32, #tpu.memory_space<vmem_shared>> -> memref<10240x128xf32, #tpu.memory_space<vmem_shared>>
      tpu.wait_indirect_dma semaphore(%arg21 : memref<!tpu.dma_semaphore, #tpu.memory_space<semaphore_mem>>) src(%arg12 : memref<64x128xf32, #tpu.memory_space<vmem>>) dst(%dma_wait3A_236 : memref<10240x128xf32, #tpu.memory_space<vmem_shared>>)
    } else {
    }
    %barrier3A_79 = arith.constant 0 : index
    tpu.barrier barrier_id(%barrier3A_79)
    %mul3A_80 = arith.constant 640 : i32
    %mul3A_81 = arith.muli %arg1, %mul3A_80 : i32
    %add3A_82 = arith.constant 0 : i32
    %add3A_83 = arith.addi %mul3A_81, %add3A_82 : i32
    "tpu.region"() ({
      %run_scoped3A = tpu.sem_alloc : memref<!tpu.dma_semaphore, #tpu.memory_space<semaphore_mem>>
      %dma_start3A = arith.constant 0 : i32
      %dma_start3A_190 = tpu.memref_slice %arg13[%add3A_83, %dma_start3A] : memref<10240x128xf32, #tpu.memory_space<vmem_shared>> -> memref<64x128xf32, #tpu.memory_space<vmem_shared>>
      %dma_start3A_191 = arith.constant 0 : i32
      %dma_start3A_192 = tpu.memref_slice %arg13[%add3A_83, %dma_start3A_191] : memref<10240x128xf32, #tpu.memory_space<vmem_shared>> -> memref<64x128xf32, #tpu.memory_space<vmem_shared>>
      tpu.enqueue_dma source(%dma_start3A_192 : memref<64x128xf32, #tpu.memory_space<vmem_shared>>) target(%arg9 : memref<64x128xf32, #tpu.memory_space<vmem>>) target_semaphore(%run_scoped3A : memref<!tpu.dma_semaphore, #tpu.memory_space<semaphore_mem>>)
      %dma_wait3A = arith.constant 0 : i32
      %dma_wait3A_193 = tpu.memref_slice %arg13[%add3A_83, %dma_wait3A] : memref<10240x128xf32, #tpu.memory_space<vmem_shared>> -> memref<64x128xf32, #tpu.memory_space<vmem_shared>>
      %dma_wait3A_194 = arith.constant 0 : i32
      %dma_wait3A_195 = tpu.memref_slice %arg13[%add3A_83, %dma_wait3A_194] : memref<10240x128xf32, #tpu.memory_space<vmem_shared>> -> memref<64x128xf32, #tpu.memory_space<vmem_shared>>
      tpu.wait_dma2 semaphore(%run_scoped3A : memref<!tpu.dma_semaphore, #tpu.memory_space<semaphore_mem>>) src(%dma_wait3A_195 : memref<64x128xf32, #tpu.memory_space<vmem_shared>>) dst(%arg9 : memref<64x128xf32, #tpu.memory_space<vmem>>)
      tpu.yield
    }) : () -> ()
    %mul3A_84 = arith.constant 10240 : i32
    %mul3A_85 = arith.muli %arg0, %mul3A_84 : i32
    %mul3A_86 = arith.constant 640 : i32
    %mul3A_87 = arith.muli %arg1, %mul3A_86 : i32
    %add3A_88 = arith.addi %mul3A_85, %mul3A_87 : i32
    %add3A_89 = arith.constant 0 : i32
    %add3A_90 = arith.addi %add3A_88, %add3A_89 : i32
    "tpu.region"() ({
      %run_scoped3A = tpu.sem_alloc : memref<!tpu.dma_semaphore, #tpu.memory_space<semaphore_mem>>
      %dma_start3A = arith.constant 0 : i32
      %dma_start3A_190 = tpu.memref_slice %arg6[%add3A_90, %dma_start3A] : memref<20480x128xf32, #tpu.memory_space<hbm>> -> memref<64x128xf32, #tpu.memory_space<hbm>>
      %dma_start3A_191 = arith.constant 0 : i32
      %dma_start3A_192 = tpu.memref_slice %arg6[%add3A_90, %dma_start3A_191] : memref<20480x128xf32, #tpu.memory_space<hbm>> -> memref<64x128xf32, #tpu.memory_space<hbm>>
      tpu.enqueue_dma source(%arg9 : memref<64x128xf32, #tpu.memory_space<vmem>>) target(%dma_start3A_192 : memref<64x128xf32, #tpu.memory_space<hbm>>) target_semaphore(%run_scoped3A : memref<!tpu.dma_semaphore, #tpu.memory_space<semaphore_mem>>)
      %dma_wait3A = arith.constant 0 : i32
      %dma_wait3A_193 = tpu.memref_slice %arg6[%add3A_90, %dma_wait3A] : memref<20480x128xf32, #tpu.memory_space<hbm>> -> memref<64x128xf32, #tpu.memory_space<hbm>>
      %dma_wait3A_194 = arith.constant 0 : i32
      %dma_wait3A_195 = tpu.memref_slice %arg6[%add3A_90, %dma_wait3A_194] : memref<20480x128xf32, #tpu.memory_space<hbm>> -> memref<64x128xf32, #tpu.memory_space<hbm>>
      tpu.wait_dma2 semaphore(%run_scoped3A : memref<!tpu.dma_semaphore, #tpu.memory_space<semaphore_mem>>) src(%arg9 : memref<64x128xf32, #tpu.memory_space<vmem>>) dst(%dma_wait3A_195 : memref<64x128xf32, #tpu.memory_space<hbm>>)
      tpu.yield
    }) : () -> ()
    %mul3A_91 = arith.constant 640 : i32
    %mul3A_92 = arith.muli %arg1, %mul3A_91 : i32
    %add3A_93 = arith.constant 64 : i32
    %add3A_94 = arith.addi %mul3A_92, %add3A_93 : i32
    "tpu.region"() ({
      %run_scoped3A = tpu.sem_alloc : memref<!tpu.dma_semaphore, #tpu.memory_space<semaphore_mem>>
      %dma_start3A = arith.constant 0 : i32
      %dma_start3A_190 = tpu.memref_slice %arg13[%add3A_94, %dma_start3A] : memref<10240x128xf32, #tpu.memory_space<vmem_shared>> -> memref<64x128xf32, #tpu.memory_space<vmem_shared>>
      %dma_start3A_191 = arith.constant 0 : i32
      %dma_start3A_192 = tpu.memref_slice %arg13[%add3A_94, %dma_start3A_191] : memref<10240x128xf32, #tpu.memory_space<vmem_shared>> -> memref<64x128xf32, #tpu.memory_space<vmem_shared>>
      tpu.enqueue_dma source(%dma_start3A_192 : memref<64x128xf32, #tpu.memory_space<vmem_shared>>) target(%arg9 : memref<64x128xf32, #tpu.memory_space<vmem>>) target_semaphore(%run_scoped3A : memref<!tpu.dma_semaphore, #tpu.memory_space<semaphore_mem>>)
      %dma_wait3A = arith.constant 0 : i32
      %dma_wait3A_193 = tpu.memref_slice %arg13[%add3A_94, %dma_wait3A] : memref<10240x128xf32, #tpu.memory_space<vmem_shared>> -> memref<64x128xf32, #tpu.memory_space<vmem_shared>>
      %dma_wait3A_194 = arith.constant 0 : i32
      %dma_wait3A_195 = tpu.memref_slice %arg13[%add3A_94, %dma_wait3A_194] : memref<10240x128xf32, #tpu.memory_space<vmem_shared>> -> memref<64x128xf32, #tpu.memory_space<vmem_shared>>
      tpu.wait_dma2 semaphore(%run_scoped3A : memref<!tpu.dma_semaphore, #tpu.memory_space<semaphore_mem>>) src(%dma_wait3A_195 : memref<64x128xf32, #tpu.memory_space<vmem_shared>>) dst(%arg9 : memref<64x128xf32, #tpu.memory_space<vmem>>)
      tpu.yield
    }) : () -> ()
    %mul3A_95 = arith.constant 10240 : i32
    %mul3A_96 = arith.muli %arg0, %mul3A_95 : i32
    %mul3A_97 = arith.constant 640 : i32
    %mul3A_98 = arith.muli %arg1, %mul3A_97 : i32
    %add3A_99 = arith.addi %mul3A_96, %mul3A_98 : i32
    %add3A_100 = arith.constant 64 : i32
    %add3A_101 = arith.addi %add3A_99, %add3A_100 : i32
    "tpu.region"() ({
      %run_scoped3A = tpu.sem_alloc : memref<!tpu.dma_semaphore, #tpu.memory_space<semaphore_mem>>
      %dma_start3A = arith.constant 0 : i32
      %dma_start3A_190 = tpu.memref_slice %arg6[%add3A_101, %dma_start3A] : memref<20480x128xf32, #tpu.memory_space<hbm>> -> memref<64x128xf32, #tpu.memory_space<hbm>>
      %dma_start3A_191 = arith.constant 0 : i32
      %dma_start3A_192 = tpu.memref_slice %arg6[%add3A_101, %dma_start3A_191] : memref<20480x128xf32, #tpu.memory_space<hbm>> -> memref<64x128xf32, #tpu.memory_space<hbm>>
      tpu.enqueue_dma source(%arg9 : memref<64x128xf32, #tpu.memory_space<vmem>>) target(%dma_start3A_192 : memref<64x128xf32, #tpu.memory_space<hbm>>) target_semaphore(%run_scoped3A : memref<!tpu.dma_semaphore, #tpu.memory_space<semaphore_mem>>)
      %dma_wait3A = arith.constant 0 : i32
      %dma_wait3A_193 = tpu.memref_slice %arg6[%add3A_101, %dma_wait3A] : memref<20480x128xf32, #tpu.memory_space<hbm>> -> memref<64x128xf32, #tpu.memory_space<hbm>>
      %dma_wait3A_194 = arith.constant 0 : i32
      %dma_wait3A_195 = tpu.memref_slice %arg6[%add3A_101, %dma_wait3A_194] : memref<20480x128xf32, #tpu.memory_space<hbm>> -> memref<64x128xf32, #tpu.memory_space<hbm>>
      tpu.wait_dma2 semaphore(%run_scoped3A : memref<!tpu.dma_semaphore, #tpu.memory_space<semaphore_mem>>) src(%arg9 : memref<64x128xf32, #tpu.memory_space<vmem>>) dst(%dma_wait3A_195 : memref<64x128xf32, #tpu.memory_space<hbm>>)
      tpu.yield
    }) : () -> ()
    %mul3A_102 = arith.constant 640 : i32
    %mul3A_103 = arith.muli %arg1, %mul3A_102 : i32
    %add3A_104 = arith.constant 128 : i32
    %add3A_105 = arith.addi %mul3A_103, %add3A_104 : i32
    "tpu.region"() ({
      %run_scoped3A = tpu.sem_alloc : memref<!tpu.dma_semaphore, #tpu.memory_space<semaphore_mem>>
      %dma_start3A = arith.constant 0 : i32
      %dma_start3A_190 = tpu.memref_slice %arg13[%add3A_105, %dma_start3A] : memref<10240x128xf32, #tpu.memory_space<vmem_shared>> -> memref<64x128xf32, #tpu.memory_space<vmem_shared>>
      %dma_start3A_191 = arith.constant 0 : i32
      %dma_start3A_192 = tpu.memref_slice %arg13[%add3A_105, %dma_start3A_191] : memref<10240x128xf32, #tpu.memory_space<vmem_shared>> -> memref<64x128xf32, #tpu.memory_space<vmem_shared>>
      tpu.enqueue_dma source(%dma_start3A_192 : memref<64x128xf32, #tpu.memory_space<vmem_shared>>) target(%arg9 : memref<64x128xf32, #tpu.memory_space<vmem>>) target_semaphore(%run_scoped3A : memref<!tpu.dma_semaphore, #tpu.memory_space<semaphore_mem>>)
      %dma_wait3A = arith.constant 0 : i32
      %dma_wait3A_193 = tpu.memref_slice %arg13[%add3A_105, %dma_wait3A] : memref<10240x128xf32, #tpu.memory_space<vmem_shared>> -> memref<64x128xf32, #tpu.memory_space<vmem_shared>>
      %dma_wait3A_194 = arith.constant 0 : i32
      %dma_wait3A_195 = tpu.memref_slice %arg13[%add3A_105, %dma_wait3A_194] : memref<10240x128xf32, #tpu.memory_space<vmem_shared>> -> memref<64x128xf32, #tpu.memory_space<vmem_shared>>
      tpu.wait_dma2 semaphore(%run_scoped3A : memref<!tpu.dma_semaphore, #tpu.memory_space<semaphore_mem>>) src(%dma_wait3A_195 : memref<64x128xf32, #tpu.memory_space<vmem_shared>>) dst(%arg9 : memref<64x128xf32, #tpu.memory_space<vmem>>)
      tpu.yield
    }) : () -> ()
    %mul3A_106 = arith.constant 10240 : i32
    %mul3A_107 = arith.muli %arg0, %mul3A_106 : i32
    %mul3A_108 = arith.constant 640 : i32
    %mul3A_109 = arith.muli %arg1, %mul3A_108 : i32
    %add3A_110 = arith.addi %mul3A_107, %mul3A_109 : i32
    %add3A_111 = arith.constant 128 : i32
    %add3A_112 = arith.addi %add3A_110, %add3A_111 : i32
    "tpu.region"() ({
      %run_scoped3A = tpu.sem_alloc : memref<!tpu.dma_semaphore, #tpu.memory_space<semaphore_mem>>
      %dma_start3A = arith.constant 0 : i32
      %dma_start3A_190 = tpu.memref_slice %arg6[%add3A_112, %dma_start3A] : memref<20480x128xf32, #tpu.memory_space<hbm>> -> memref<64x128xf32, #tpu.memory_space<hbm>>
      %dma_start3A_191 = arith.constant 0 : i32
      %dma_start3A_192 = tpu.memref_slice %arg6[%add3A_112, %dma_start3A_191] : memref<20480x128xf32, #tpu.memory_space<hbm>> -> memref<64x128xf32, #tpu.memory_space<hbm>>
      tpu.enqueue_dma source(%arg9 : memref<64x128xf32, #tpu.memory_space<vmem>>) target(%dma_start3A_192 : memref<64x128xf32, #tpu.memory_space<hbm>>) target_semaphore(%run_scoped3A : memref<!tpu.dma_semaphore, #tpu.memory_space<semaphore_mem>>)
      %dma_wait3A = arith.constant 0 : i32
      %dma_wait3A_193 = tpu.memref_slice %arg6[%add3A_112, %dma_wait3A] : memref<20480x128xf32, #tpu.memory_space<hbm>> -> memref<64x128xf32, #tpu.memory_space<hbm>>
      %dma_wait3A_194 = arith.constant 0 : i32
      %dma_wait3A_195 = tpu.memref_slice %arg6[%add3A_112, %dma_wait3A_194] : memref<20480x128xf32, #tpu.memory_space<hbm>> -> memref<64x128xf32, #tpu.memory_space<hbm>>
      tpu.wait_dma2 semaphore(%run_scoped3A : memref<!tpu.dma_semaphore, #tpu.memory_space<semaphore_mem>>) src(%arg9 : memref<64x128xf32, #tpu.memory_space<vmem>>) dst(%dma_wait3A_195 : memref<64x128xf32, #tpu.memory_space<hbm>>)
      tpu.yield
    }) : () -> ()
    %mul3A_113 = arith.constant 640 : i32
    %mul3A_114 = arith.muli %arg1, %mul3A_113 : i32
    %add3A_115 = arith.constant 192 : i32
    %add3A_116 = arith.addi %mul3A_114, %add3A_115 : i32
    "tpu.region"() ({
      %run_scoped3A = tpu.sem_alloc : memref<!tpu.dma_semaphore, #tpu.memory_space<semaphore_mem>>
      %dma_start3A = arith.constant 0 : i32
      %dma_start3A_190 = tpu.memref_slice %arg13[%add3A_116, %dma_start3A] : memref<10240x128xf32, #tpu.memory_space<vmem_shared>> -> memref<64x128xf32, #tpu.memory_space<vmem_shared>>
      %dma_start3A_191 = arith.constant 0 : i32
      %dma_start3A_192 = tpu.memref_slice %arg13[%add3A_116, %dma_start3A_191] : memref<10240x128xf32, #tpu.memory_space<vmem_shared>> -> memref<64x128xf32, #tpu.memory_space<vmem_shared>>
      tpu.enqueue_dma source(%dma_start3A_192 : memref<64x128xf32, #tpu.memory_space<vmem_shared>>) target(%arg9 : memref<64x128xf32, #tpu.memory_space<vmem>>) target_semaphore(%run_scoped3A : memref<!tpu.dma_semaphore, #tpu.memory_space<semaphore_mem>>)
      %dma_wait3A = arith.constant 0 : i32
      %dma_wait3A_193 = tpu.memref_slice %arg13[%add3A_116, %dma_wait3A] : memref<10240x128xf32, #tpu.memory_space<vmem_shared>> -> memref<64x128xf32, #tpu.memory_space<vmem_shared>>
      %dma_wait3A_194 = arith.constant 0 : i32
      %dma_wait3A_195 = tpu.memref_slice %arg13[%add3A_116, %dma_wait3A_194] : memref<10240x128xf32, #tpu.memory_space<vmem_shared>> -> memref<64x128xf32, #tpu.memory_space<vmem_shared>>
      tpu.wait_dma2 semaphore(%run_scoped3A : memref<!tpu.dma_semaphore, #tpu.memory_space<semaphore_mem>>) src(%dma_wait3A_195 : memref<64x128xf32, #tpu.memory_space<vmem_shared>>) dst(%arg9 : memref<64x128xf32, #tpu.memory_space<vmem>>)
      tpu.yield
    }) : () -> ()
    %mul3A_117 = arith.constant 10240 : i32
    %mul3A_118 = arith.muli %arg0, %mul3A_117 : i32
    %mul3A_119 = arith.constant 640 : i32
    %mul3A_120 = arith.muli %arg1, %mul3A_119 : i32
    %add3A_121 = arith.addi %mul3A_118, %mul3A_120 : i32
    %add3A_122 = arith.constant 192 : i32
    %add3A_123 = arith.addi %add3A_121, %add3A_122 : i32
    "tpu.region"() ({
      %run_scoped3A = tpu.sem_alloc : memref<!tpu.dma_semaphore, #tpu.memory_space<semaphore_mem>>
      %dma_start3A = arith.constant 0 : i32
      %dma_start3A_190 = tpu.memref_slice %arg6[%add3A_123, %dma_start3A] : memref<20480x128xf32, #tpu.memory_space<hbm>> -> memref<64x128xf32, #tpu.memory_space<hbm>>
      %dma_start3A_191 = arith.constant 0 : i32
      %dma_start3A_192 = tpu.memref_slice %arg6[%add3A_123, %dma_start3A_191] : memref<20480x128xf32, #tpu.memory_space<hbm>> -> memref<64x128xf32, #tpu.memory_space<hbm>>
      tpu.enqueue_dma source(%arg9 : memref<64x128xf32, #tpu.memory_space<vmem>>) target(%dma_start3A_192 : memref<64x128xf32, #tpu.memory_space<hbm>>) target_semaphore(%run_scoped3A : memref<!tpu.dma_semaphore, #tpu.memory_space<semaphore_mem>>)
      %dma_wait3A = arith.constant 0 : i32
      %dma_wait3A_193 = tpu.memref_slice %arg6[%add3A_123, %dma_wait3A] : memref<20480x128xf32, #tpu.memory_space<hbm>> -> memref<64x128xf32, #tpu.memory_space<hbm>>
      %dma_wait3A_194 = arith.constant 0 : i32
      %dma_wait3A_195 = tpu.memref_slice %arg6[%add3A_123, %dma_wait3A_194] : memref<20480x128xf32, #tpu.memory_space<hbm>> -> memref<64x128xf32, #tpu.memory_space<hbm>>
      tpu.wait_dma2 semaphore(%run_scoped3A : memref<!tpu.dma_semaphore, #tpu.memory_space<semaphore_mem>>) src(%arg9 : memref<64x128xf32, #tpu.memory_space<vmem>>) dst(%dma_wait3A_195 : memref<64x128xf32, #tpu.memory_space<hbm>>)
      tpu.yield
    }) : () -> ()
    %mul3A_124 = arith.constant 640 : i32
    %mul3A_125 = arith.muli %arg1, %mul3A_124 : i32
    %add3A_126 = arith.constant 256 : i32
    %add3A_127 = arith.addi %mul3A_125, %add3A_126 : i32
    "tpu.region"() ({
      %run_scoped3A = tpu.sem_alloc : memref<!tpu.dma_semaphore, #tpu.memory_space<semaphore_mem>>
      %dma_start3A = arith.constant 0 : i32
      %dma_start3A_190 = tpu.memref_slice %arg13[%add3A_127, %dma_start3A] : memref<10240x128xf32, #tpu.memory_space<vmem_shared>> -> memref<64x128xf32, #tpu.memory_space<vmem_shared>>
      %dma_start3A_191 = arith.constant 0 : i32
      %dma_start3A_192 = tpu.memref_slice %arg13[%add3A_127, %dma_start3A_191] : memref<10240x128xf32, #tpu.memory_space<vmem_shared>> -> memref<64x128xf32, #tpu.memory_space<vmem_shared>>
      tpu.enqueue_dma source(%dma_start3A_192 : memref<64x128xf32, #tpu.memory_space<vmem_shared>>) target(%arg9 : memref<64x128xf32, #tpu.memory_space<vmem>>) target_semaphore(%run_scoped3A : memref<!tpu.dma_semaphore, #tpu.memory_space<semaphore_mem>>)
      %dma_wait3A = arith.constant 0 : i32
      %dma_wait3A_193 = tpu.memref_slice %arg13[%add3A_127, %dma_wait3A] : memref<10240x128xf32, #tpu.memory_space<vmem_shared>> -> memref<64x128xf32, #tpu.memory_space<vmem_shared>>
      %dma_wait3A_194 = arith.constant 0 : i32
      %dma_wait3A_195 = tpu.memref_slice %arg13[%add3A_127, %dma_wait3A_194] : memref<10240x128xf32, #tpu.memory_space<vmem_shared>> -> memref<64x128xf32, #tpu.memory_space<vmem_shared>>
      tpu.wait_dma2 semaphore(%run_scoped3A : memref<!tpu.dma_semaphore, #tpu.memory_space<semaphore_mem>>) src(%dma_wait3A_195 : memref<64x128xf32, #tpu.memory_space<vmem_shared>>) dst(%arg9 : memref<64x128xf32, #tpu.memory_space<vmem>>)
      tpu.yield
    }) : () -> ()
    %mul3A_128 = arith.constant 10240 : i32
    %mul3A_129 = arith.muli %arg0, %mul3A_128 : i32
    %mul3A_130 = arith.constant 640 : i32
    %mul3A_131 = arith.muli %arg1, %mul3A_130 : i32
    %add3A_132 = arith.addi %mul3A_129, %mul3A_131 : i32
    %add3A_133 = arith.constant 256 : i32
    %add3A_134 = arith.addi %add3A_132, %add3A_133 : i32
    "tpu.region"() ({
      %run_scoped3A = tpu.sem_alloc : memref<!tpu.dma_semaphore, #tpu.memory_space<semaphore_mem>>
      %dma_start3A = arith.constant 0 : i32
      %dma_start3A_190 = tpu.memref_slice %arg6[%add3A_134, %dma_start3A] : memref<20480x128xf32, #tpu.memory_space<hbm>> -> memref<64x128xf32, #tpu.memory_space<hbm>>
      %dma_start3A_191 = arith.constant 0 : i32
      %dma_start3A_192 = tpu.memref_slice %arg6[%add3A_134, %dma_start3A_191] : memref<20480x128xf32, #tpu.memory_space<hbm>> -> memref<64x128xf32, #tpu.memory_space<hbm>>
      tpu.enqueue_dma source(%arg9 : memref<64x128xf32, #tpu.memory_space<vmem>>) target(%dma_start3A_192 : memref<64x128xf32, #tpu.memory_space<hbm>>) target_semaphore(%run_scoped3A : memref<!tpu.dma_semaphore, #tpu.memory_space<semaphore_mem>>)
      %dma_wait3A = arith.constant 0 : i32
      %dma_wait3A_193 = tpu.memref_slice %arg6[%add3A_134, %dma_wait3A] : memref<20480x128xf32, #tpu.memory_space<hbm>> -> memref<64x128xf32, #tpu.memory_space<hbm>>
      %dma_wait3A_194 = arith.constant 0 : i32
      %dma_wait3A_195 = tpu.memref_slice %arg6[%add3A_134, %dma_wait3A_194] : memref<20480x128xf32, #tpu.memory_space<hbm>> -> memref<64x128xf32, #tpu.memory_space<hbm>>
      tpu.wait_dma2 semaphore(%run_scoped3A : memref<!tpu.dma_semaphore, #tpu.memory_space<semaphore_mem>>) src(%arg9 : memref<64x128xf32, #tpu.memory_space<vmem>>) dst(%dma_wait3A_195 : memref<64x128xf32, #tpu.memory_space<hbm>>)
      tpu.yield
    }) : () -> ()
    %mul3A_135 = arith.constant 640 : i32
    %mul3A_136 = arith.muli %arg1, %mul3A_135 : i32
    %add3A_137 = arith.constant 320 : i32
    %add3A_138 = arith.addi %mul3A_136, %add3A_137 : i32
    "tpu.region"() ({
      %run_scoped3A = tpu.sem_alloc : memref<!tpu.dma_semaphore, #tpu.memory_space<semaphore_mem>>
      %dma_start3A = arith.constant 0 : i32
      %dma_start3A_190 = tpu.memref_slice %arg13[%add3A_138, %dma_start3A] : memref<10240x128xf32, #tpu.memory_space<vmem_shared>> -> memref<64x128xf32, #tpu.memory_space<vmem_shared>>
      %dma_start3A_191 = arith.constant 0 : i32
      %dma_start3A_192 = tpu.memref_slice %arg13[%add3A_138, %dma_start3A_191] : memref<10240x128xf32, #tpu.memory_space<vmem_shared>> -> memref<64x128xf32, #tpu.memory_space<vmem_shared>>
      tpu.enqueue_dma source(%dma_start3A_192 : memref<64x128xf32, #tpu.memory_space<vmem_shared>>) target(%arg9 : memref<64x128xf32, #tpu.memory_space<vmem>>) target_semaphore(%run_scoped3A : memref<!tpu.dma_semaphore, #tpu.memory_space<semaphore_mem>>)
      %dma_wait3A = arith.constant 0 : i32
      %dma_wait3A_193 = tpu.memref_slice %arg13[%add3A_138, %dma_wait3A] : memref<10240x128xf32, #tpu.memory_space<vmem_shared>> -> memref<64x128xf32, #tpu.memory_space<vmem_shared>>
      %dma_wait3A_194 = arith.constant 0 : i32
      %dma_wait3A_195 = tpu.memref_slice %arg13[%add3A_138, %dma_wait3A_194] : memref<10240x128xf32, #tpu.memory_space<vmem_shared>> -> memref<64x128xf32, #tpu.memory_space<vmem_shared>>
      tpu.wait_dma2 semaphore(%run_scoped3A : memref<!tpu.dma_semaphore, #tpu.memory_space<semaphore_mem>>) src(%dma_wait3A_195 : memref<64x128xf32, #tpu.memory_space<vmem_shared>>) dst(%arg9 : memref<64x128xf32, #tpu.memory_space<vmem>>)
      tpu.yield
    }) : () -> ()
    %mul3A_139 = arith.constant 10240 : i32
    %mul3A_140 = arith.muli %arg0, %mul3A_139 : i32
    %mul3A_141 = arith.constant 640 : i32
    %mul3A_142 = arith.muli %arg1, %mul3A_141 : i32
    %add3A_143 = arith.addi %mul3A_140, %mul3A_142 : i32
    %add3A_144 = arith.constant 320 : i32
    %add3A_145 = arith.addi %add3A_143, %add3A_144 : i32
    "tpu.region"() ({
      %run_scoped3A = tpu.sem_alloc : memref<!tpu.dma_semaphore, #tpu.memory_space<semaphore_mem>>
      %dma_start3A = arith.constant 0 : i32
      %dma_start3A_190 = tpu.memref_slice %arg6[%add3A_145, %dma_start3A] : memref<20480x128xf32, #tpu.memory_space<hbm>> -> memref<64x128xf32, #tpu.memory_space<hbm>>
      %dma_start3A_191 = arith.constant 0 : i32
      %dma_start3A_192 = tpu.memref_slice %arg6[%add3A_145, %dma_start3A_191] : memref<20480x128xf32, #tpu.memory_space<hbm>> -> memref<64x128xf32, #tpu.memory_space<hbm>>
      tpu.enqueue_dma source(%arg9 : memref<64x128xf32, #tpu.memory_space<vmem>>) target(%dma_start3A_192 : memref<64x128xf32, #tpu.memory_space<hbm>>) target_semaphore(%run_scoped3A : memref<!tpu.dma_semaphore, #tpu.memory_space<semaphore_mem>>)
      %dma_wait3A = arith.constant 0 : i32
      %dma_wait3A_193 = tpu.memref_slice %arg6[%add3A_145, %dma_wait3A] : memref<20480x128xf32, #tpu.memory_space<hbm>> -> memref<64x128xf32, #tpu.memory_space<hbm>>
      %dma_wait3A_194 = arith.constant 0 : i32
      %dma_wait3A_195 = tpu.memref_slice %arg6[%add3A_145, %dma_wait3A_194] : memref<20480x128xf32, #tpu.memory_space<hbm>> -> memref<64x128xf32, #tpu.memory_space<hbm>>
      tpu.wait_dma2 semaphore(%run_scoped3A : memref<!tpu.dma_semaphore, #tpu.memory_space<semaphore_mem>>) src(%arg9 : memref<64x128xf32, #tpu.memory_space<vmem>>) dst(%dma_wait3A_195 : memref<64x128xf32, #tpu.memory_space<hbm>>)
      tpu.yield
    }) : () -> ()
    %mul3A_146 = arith.constant 640 : i32
    %mul3A_147 = arith.muli %arg1, %mul3A_146 : i32
    %add3A_148 = arith.constant 384 : i32
    %add3A_149 = arith.addi %mul3A_147, %add3A_148 : i32
    "tpu.region"() ({
      %run_scoped3A = tpu.sem_alloc : memref<!tpu.dma_semaphore, #tpu.memory_space<semaphore_mem>>
      %dma_start3A = arith.constant 0 : i32
      %dma_start3A_190 = tpu.memref_slice %arg13[%add3A_149, %dma_start3A] : memref<10240x128xf32, #tpu.memory_space<vmem_shared>> -> memref<64x128xf32, #tpu.memory_space<vmem_shared>>
      %dma_start3A_191 = arith.constant 0 : i32
      %dma_start3A_192 = tpu.memref_slice %arg13[%add3A_149, %dma_start3A_191] : memref<10240x128xf32, #tpu.memory_space<vmem_shared>> -> memref<64x128xf32, #tpu.memory_space<vmem_shared>>
      tpu.enqueue_dma source(%dma_start3A_192 : memref<64x128xf32, #tpu.memory_space<vmem_shared>>) target(%arg9 : memref<64x128xf32, #tpu.memory_space<vmem>>) target_semaphore(%run_scoped3A : memref<!tpu.dma_semaphore, #tpu.memory_space<semaphore_mem>>)
      %dma_wait3A = arith.constant 0 : i32
      %dma_wait3A_193 = tpu.memref_slice %arg13[%add3A_149, %dma_wait3A] : memref<10240x128xf32, #tpu.memory_space<vmem_shared>> -> memref<64x128xf32, #tpu.memory_space<vmem_shared>>
      %dma_wait3A_194 = arith.constant 0 : i32
      %dma_wait3A_195 = tpu.memref_slice %arg13[%add3A_149, %dma_wait3A_194] : memref<10240x128xf32, #tpu.memory_space<vmem_shared>> -> memref<64x128xf32, #tpu.memory_space<vmem_shared>>
      tpu.wait_dma2 semaphore(%run_scoped3A : memref<!tpu.dma_semaphore, #tpu.memory_space<semaphore_mem>>) src(%dma_wait3A_195 : memref<64x128xf32, #tpu.memory_space<vmem_shared>>) dst(%arg9 : memref<64x128xf32, #tpu.memory_space<vmem>>)
      tpu.yield
    }) : () -> ()
    %mul3A_150 = arith.constant 10240 : i32
    %mul3A_151 = arith.muli %arg0, %mul3A_150 : i32
    %mul3A_152 = arith.constant 640 : i32
    %mul3A_153 = arith.muli %arg1, %mul3A_152 : i32
    %add3A_154 = arith.addi %mul3A_151, %mul3A_153 : i32
    %add3A_155 = arith.constant 384 : i32
    %add3A_156 = arith.addi %add3A_154, %add3A_155 : i32
    "tpu.region"() ({
      %run_scoped3A = tpu.sem_alloc : memref<!tpu.dma_semaphore, #tpu.memory_space<semaphore_mem>>
      %dma_start3A = arith.constant 0 : i32
      %dma_start3A_190 = tpu.memref_slice %arg6[%add3A_156, %dma_start3A] : memref<20480x128xf32, #tpu.memory_space<hbm>> -> memref<64x128xf32, #tpu.memory_space<hbm>>
      %dma_start3A_191 = arith.constant 0 : i32
      %dma_start3A_192 = tpu.memref_slice %arg6[%add3A_156, %dma_start3A_191] : memref<20480x128xf32, #tpu.memory_space<hbm>> -> memref<64x128xf32, #tpu.memory_space<hbm>>
      tpu.enqueue_dma source(%arg9 : memref<64x128xf32, #tpu.memory_space<vmem>>) target(%dma_start3A_192 : memref<64x128xf32, #tpu.memory_space<hbm>>) target_semaphore(%run_scoped3A : memref<!tpu.dma_semaphore, #tpu.memory_space<semaphore_mem>>)
      %dma_wait3A = arith.constant 0 : i32
      %dma_wait3A_193 = tpu.memref_slice %arg6[%add3A_156, %dma_wait3A] : memref<20480x128xf32, #tpu.memory_space<hbm>> -> memref<64x128xf32, #tpu.memory_space<hbm>>
      %dma_wait3A_194 = arith.constant 0 : i32
      %dma_wait3A_195 = tpu.memref_slice %arg6[%add3A_156, %dma_wait3A_194] : memref<20480x128xf32, #tpu.memory_space<hbm>> -> memref<64x128xf32, #tpu.memory_space<hbm>>
      tpu.wait_dma2 semaphore(%run_scoped3A : memref<!tpu.dma_semaphore, #tpu.memory_space<semaphore_mem>>) src(%arg9 : memref<64x128xf32, #tpu.memory_space<vmem>>) dst(%dma_wait3A_195 : memref<64x128xf32, #tpu.memory_space<hbm>>)
      tpu.yield
    }) : () -> ()
    %mul3A_157 = arith.constant 640 : i32
    %mul3A_158 = arith.muli %arg1, %mul3A_157 : i32
    %add3A_159 = arith.constant 448 : i32
    %add3A_160 = arith.addi %mul3A_158, %add3A_159 : i32
    "tpu.region"() ({
      %run_scoped3A = tpu.sem_alloc : memref<!tpu.dma_semaphore, #tpu.memory_space<semaphore_mem>>
      %dma_start3A = arith.constant 0 : i32
      %dma_start3A_190 = tpu.memref_slice %arg13[%add3A_160, %dma_start3A] : memref<10240x128xf32, #tpu.memory_space<vmem_shared>> -> memref<64x128xf32, #tpu.memory_space<vmem_shared>>
      %dma_start3A_191 = arith.constant 0 : i32
      %dma_start3A_192 = tpu.memref_slice %arg13[%add3A_160, %dma_start3A_191] : memref<10240x128xf32, #tpu.memory_space<vmem_shared>> -> memref<64x128xf32, #tpu.memory_space<vmem_shared>>
      tpu.enqueue_dma source(%dma_start3A_192 : memref<64x128xf32, #tpu.memory_space<vmem_shared>>) target(%arg9 : memref<64x128xf32, #tpu.memory_space<vmem>>) target_semaphore(%run_scoped3A : memref<!tpu.dma_semaphore, #tpu.memory_space<semaphore_mem>>)
      %dma_wait3A = arith.constant 0 : i32
      %dma_wait3A_193 = tpu.memref_slice %arg13[%add3A_160, %dma_wait3A] : memref<10240x128xf32, #tpu.memory_space<vmem_shared>> -> memref<64x128xf32, #tpu.memory_space<vmem_shared>>
      %dma_wait3A_194 = arith.constant 0 : i32
      %dma_wait3A_195 = tpu.memref_slice %arg13[%add3A_160, %dma_wait3A_194] : memref<10240x128xf32, #tpu.memory_space<vmem_shared>> -> memref<64x128xf32, #tpu.memory_space<vmem_shared>>
      tpu.wait_dma2 semaphore(%run_scoped3A : memref<!tpu.dma_semaphore, #tpu.memory_space<semaphore_mem>>) src(%dma_wait3A_195 : memref<64x128xf32, #tpu.memory_space<vmem_shared>>) dst(%arg9 : memref<64x128xf32, #tpu.memory_space<vmem>>)
      tpu.yield
    }) : () -> ()
    %mul3A_161 = arith.constant 10240 : i32
    %mul3A_162 = arith.muli %arg0, %mul3A_161 : i32
    %mul3A_163 = arith.constant 640 : i32
    %mul3A_164 = arith.muli %arg1, %mul3A_163 : i32
    %add3A_165 = arith.addi %mul3A_162, %mul3A_164 : i32
    %add3A_166 = arith.constant 448 : i32
    %add3A_167 = arith.addi %add3A_165, %add3A_166 : i32
    "tpu.region"() ({
      %run_scoped3A = tpu.sem_alloc : memref<!tpu.dma_semaphore, #tpu.memory_space<semaphore_mem>>
      %dma_start3A = arith.constant 0 : i32
      %dma_start3A_190 = tpu.memref_slice %arg6[%add3A_167, %dma_start3A] : memref<20480x128xf32, #tpu.memory_space<hbm>> -> memref<64x128xf32, #tpu.memory_space<hbm>>
      %dma_start3A_191 = arith.constant 0 : i32
      %dma_start3A_192 = tpu.memref_slice %arg6[%add3A_167, %dma_start3A_191] : memref<20480x128xf32, #tpu.memory_space<hbm>> -> memref<64x128xf32, #tpu.memory_space<hbm>>
      tpu.enqueue_dma source(%arg9 : memref<64x128xf32, #tpu.memory_space<vmem>>) target(%dma_start3A_192 : memref<64x128xf32, #tpu.memory_space<hbm>>) target_semaphore(%run_scoped3A : memref<!tpu.dma_semaphore, #tpu.memory_space<semaphore_mem>>)
      %dma_wait3A = arith.constant 0 : i32
      %dma_wait3A_193 = tpu.memref_slice %arg6[%add3A_167, %dma_wait3A] : memref<20480x128xf32, #tpu.memory_space<hbm>> -> memref<64x128xf32, #tpu.memory_space<hbm>>
      %dma_wait3A_194 = arith.constant 0 : i32
      %dma_wait3A_195 = tpu.memref_slice %arg6[%add3A_167, %dma_wait3A_194] : memref<20480x128xf32, #tpu.memory_space<hbm>> -> memref<64x128xf32, #tpu.memory_space<hbm>>
      tpu.wait_dma2 semaphore(%run_scoped3A : memref<!tpu.dma_semaphore, #tpu.memory_space<semaphore_mem>>) src(%arg9 : memref<64x128xf32, #tpu.memory_space<vmem>>) dst(%dma_wait3A_195 : memref<64x128xf32, #tpu.memory_space<hbm>>)
      tpu.yield
    }) : () -> ()
    %mul3A_168 = arith.constant 640 : i32
    %mul3A_169 = arith.muli %arg1, %mul3A_168 : i32
    %add3A_170 = arith.constant 512 : i32
    %add3A_171 = arith.addi %mul3A_169, %add3A_170 : i32
    "tpu.region"() ({
      %run_scoped3A = tpu.sem_alloc : memref<!tpu.dma_semaphore, #tpu.memory_space<semaphore_mem>>
      %dma_start3A = arith.constant 0 : i32
      %dma_start3A_190 = tpu.memref_slice %arg13[%add3A_171, %dma_start3A] : memref<10240x128xf32, #tpu.memory_space<vmem_shared>> -> memref<64x128xf32, #tpu.memory_space<vmem_shared>>
      %dma_start3A_191 = arith.constant 0 : i32
      %dma_start3A_192 = tpu.memref_slice %arg13[%add3A_171, %dma_start3A_191] : memref<10240x128xf32, #tpu.memory_space<vmem_shared>> -> memref<64x128xf32, #tpu.memory_space<vmem_shared>>
      tpu.enqueue_dma source(%dma_start3A_192 : memref<64x128xf32, #tpu.memory_space<vmem_shared>>) target(%arg9 : memref<64x128xf32, #tpu.memory_space<vmem>>) target_semaphore(%run_scoped3A : memref<!tpu.dma_semaphore, #tpu.memory_space<semaphore_mem>>)
      %dma_wait3A = arith.constant 0 : i32
      %dma_wait3A_193 = tpu.memref_slice %arg13[%add3A_171, %dma_wait3A] : memref<10240x128xf32, #tpu.memory_space<vmem_shared>> -> memref<64x128xf32, #tpu.memory_space<vmem_shared>>
      %dma_wait3A_194 = arith.constant 0 : i32
      %dma_wait3A_195 = tpu.memref_slice %arg13[%add3A_171, %dma_wait3A_194] : memref<10240x128xf32, #tpu.memory_space<vmem_shared>> -> memref<64x128xf32, #tpu.memory_space<vmem_shared>>
      tpu.wait_dma2 semaphore(%run_scoped3A : memref<!tpu.dma_semaphore, #tpu.memory_space<semaphore_mem>>) src(%dma_wait3A_195 : memref<64x128xf32, #tpu.memory_space<vmem_shared>>) dst(%arg9 : memref<64x128xf32, #tpu.memory_space<vmem>>)
      tpu.yield
    }) : () -> ()
    %mul3A_172 = arith.constant 10240 : i32
    %mul3A_173 = arith.muli %arg0, %mul3A_172 : i32
    %mul3A_174 = arith.constant 640 : i32
    %mul3A_175 = arith.muli %arg1, %mul3A_174 : i32
    %add3A_176 = arith.addi %mul3A_173, %mul3A_175 : i32
    %add3A_177 = arith.constant 512 : i32
    %add3A_178 = arith.addi %add3A_176, %add3A_177 : i32
    "tpu.region"() ({
      %run_scoped3A = tpu.sem_alloc : memref<!tpu.dma_semaphore, #tpu.memory_space<semaphore_mem>>
      %dma_start3A = arith.constant 0 : i32
      %dma_start3A_190 = tpu.memref_slice %arg6[%add3A_178, %dma_start3A] : memref<20480x128xf32, #tpu.memory_space<hbm>> -> memref<64x128xf32, #tpu.memory_space<hbm>>
      %dma_start3A_191 = arith.constant 0 : i32
      %dma_start3A_192 = tpu.memref_slice %arg6[%add3A_178, %dma_start3A_191] : memref<20480x128xf32, #tpu.memory_space<hbm>> -> memref<64x128xf32, #tpu.memory_space<hbm>>
      tpu.enqueue_dma source(%arg9 : memref<64x128xf32, #tpu.memory_space<vmem>>) target(%dma_start3A_192 : memref<64x128xf32, #tpu.memory_space<hbm>>) target_semaphore(%run_scoped3A : memref<!tpu.dma_semaphore, #tpu.memory_space<semaphore_mem>>)
      %dma_wait3A = arith.constant 0 : i32
      %dma_wait3A_193 = tpu.memref_slice %arg6[%add3A_178, %dma_wait3A] : memref<20480x128xf32, #tpu.memory_space<hbm>> -> memref<64x128xf32, #tpu.memory_space<hbm>>
      %dma_wait3A_194 = arith.constant 0 : i32
      %dma_wait3A_195 = tpu.memref_slice %arg6[%add3A_178, %dma_wait3A_194] : memref<20480x128xf32, #tpu.memory_space<hbm>> -> memref<64x128xf32, #tpu.memory_space<hbm>>
      tpu.wait_dma2 semaphore(%run_scoped3A : memref<!tpu.dma_semaphore, #tpu.memory_space<semaphore_mem>>) src(%arg9 : memref<64x128xf32, #tpu.memory_space<vmem>>) dst(%dma_wait3A_195 : memref<64x128xf32, #tpu.memory_space<hbm>>)
      tpu.yield
    }) : () -> ()
    %mul3A_179 = arith.constant 640 : i32
    %mul3A_180 = arith.muli %arg1, %mul3A_179 : i32
    %add3A_181 = arith.constant 576 : i32
    %add3A_182 = arith.addi %mul3A_180, %add3A_181 : i32
    "tpu.region"() ({
      %run_scoped3A = tpu.sem_alloc : memref<!tpu.dma_semaphore, #tpu.memory_space<semaphore_mem>>
      %dma_start3A = arith.constant 0 : i32
      %dma_start3A_190 = tpu.memref_slice %arg13[%add3A_182, %dma_start3A] : memref<10240x128xf32, #tpu.memory_space<vmem_shared>> -> memref<64x128xf32, #tpu.memory_space<vmem_shared>>
      %dma_start3A_191 = arith.constant 0 : i32
      %dma_start3A_192 = tpu.memref_slice %arg13[%add3A_182, %dma_start3A_191] : memref<10240x128xf32, #tpu.memory_space<vmem_shared>> -> memref<64x128xf32, #tpu.memory_space<vmem_shared>>
      tpu.enqueue_dma source(%dma_start3A_192 : memref<64x128xf32, #tpu.memory_space<vmem_shared>>) target(%arg9 : memref<64x128xf32, #tpu.memory_space<vmem>>) target_semaphore(%run_scoped3A : memref<!tpu.dma_semaphore, #tpu.memory_space<semaphore_mem>>)
      %dma_wait3A = arith.constant 0 : i32
      %dma_wait3A_193 = tpu.memref_slice %arg13[%add3A_182, %dma_wait3A] : memref<10240x128xf32, #tpu.memory_space<vmem_shared>> -> memref<64x128xf32, #tpu.memory_space<vmem_shared>>
      %dma_wait3A_194 = arith.constant 0 : i32
      %dma_wait3A_195 = tpu.memref_slice %arg13[%add3A_182, %dma_wait3A_194] : memref<10240x128xf32, #tpu.memory_space<vmem_shared>> -> memref<64x128xf32, #tpu.memory_space<vmem_shared>>
      tpu.wait_dma2 semaphore(%run_scoped3A : memref<!tpu.dma_semaphore, #tpu.memory_space<semaphore_mem>>) src(%dma_wait3A_195 : memref<64x128xf32, #tpu.memory_space<vmem_shared>>) dst(%arg9 : memref<64x128xf32, #tpu.memory_space<vmem>>)
      tpu.yield
    }) : () -> ()
    %mul3A_183 = arith.constant 10240 : i32
    %mul3A_184 = arith.muli %arg0, %mul3A_183 : i32
    %mul3A_185 = arith.constant 640 : i32
    %mul3A_186 = arith.muli %arg1, %mul3A_185 : i32
    %add3A_187 = arith.addi %mul3A_184, %mul3A_186 : i32
    %add3A_188 = arith.constant 576 : i32
    %add3A_189 = arith.addi %add3A_187, %add3A_188 : i32
    "tpu.region"() ({
      %run_scoped3A = tpu.sem_alloc : memref<!tpu.dma_semaphore, #tpu.memory_space<semaphore_mem>>
      %dma_start3A = arith.constant 0 : i32
      %dma_start3A_190 = tpu.memref_slice %arg6[%add3A_189, %dma_start3A] : memref<20480x128xf32, #tpu.memory_space<hbm>> -> memref<64x128xf32, #tpu.memory_space<hbm>>
      %dma_start3A_191 = arith.constant 0 : i32
      %dma_start3A_192 = tpu.memref_slice %arg6[%add3A_189, %dma_start3A_191] : memref<20480x128xf32, #tpu.memory_space<hbm>> -> memref<64x128xf32, #tpu.memory_space<hbm>>
      tpu.enqueue_dma source(%arg9 : memref<64x128xf32, #tpu.memory_space<vmem>>) target(%dma_start3A_192 : memref<64x128xf32, #tpu.memory_space<hbm>>) target_semaphore(%run_scoped3A : memref<!tpu.dma_semaphore, #tpu.memory_space<semaphore_mem>>)
      %dma_wait3A = arith.constant 0 : i32
      %dma_wait3A_193 = tpu.memref_slice %arg6[%add3A_189, %dma_wait3A] : memref<20480x128xf32, #tpu.memory_space<hbm>> -> memref<64x128xf32, #tpu.memory_space<hbm>>
      %dma_wait3A_194 = arith.constant 0 : i32
      %dma_wait3A_195 = tpu.memref_slice %arg6[%add3A_189, %dma_wait3A_194] : memref<20480x128xf32, #tpu.memory_space<hbm>> -> memref<64x128xf32, #tpu.memory_space<hbm>>
      tpu.wait_dma2 semaphore(%run_scoped3A : memref<!tpu.dma_semaphore, #tpu.memory_space<semaphore_mem>>) src(%arg9 : memref<64x128xf32, #tpu.memory_space<vmem>>) dst(%dma_wait3A_195 : memref<64x128xf32, #tpu.memory_space<hbm>>)
      tpu.yield
    }) : () -> ()
    return
  }
}

module attributes {stable_mosaic.version = 14 : i64} {
  func.func @body(%arg0: i32, %arg1: memref<1000x128xf32, #tpu.memory_space<vmem>>, %arg2: memref<128x128xf32, #tpu.memory_space<vmem>>, %arg3: memref<1000x1xf32, #tpu.memory_space<vmem>>, %arg4: memref<1000x1xf32, #tpu.memory_space<vmem>>, %arg5: memref<1000x128xf32, #tpu.memory_space<vmem>>) attributes {dimension_semantics = [#tpu.dimension_semantics<arbitrary>], iteration_bounds = array<i64: 10>, scalar_prefetch = 0 : i64, scratch_operands = 0 : i64, tpu.core_type = #tpu.core_type<tc>, window_params = [{transform_indices = @transform_0, window_bounds = array<i64: 1000, 128>}, {pipeline_mode = #tpu.pipeline_mode<synchronous>, transform_indices = @transform_1, window_bounds = array<i64: 128, 128>}, {transform_indices = @transform_2, window_bounds = array<i64: 1000, 1>}, {transform_indices = @transform_3, window_bounds = array<i64: 1000, 1>}, {transform_indices = @transform_4, window_bounds = array<i64: 1000, 128>}]} {
    %get3A = arith.constant 0 : index
    %get3A_0 = arith.constant 0 : index
    %get3A_1 = vector.load %arg1[%get3A, %get3A_0] : memref<1000x128xf32, #tpu.memory_space<vmem>>, vector<1000x128xf32>
    %get3A_2 = arith.constant 0 : index
    %get3A_3 = arith.constant 0 : index
    %get3A_4 = vector.load %arg2[%get3A_2, %get3A_3] : memref<128x128xf32, #tpu.memory_space<vmem>>, vector<128x128xf32>
    %dot_general3A = arith.constant dense<0.000000e+00> : vector<1000x128xf32>
    %dot_general3A_5 = tpu.matmul %get3A_1, %get3A_4, %dot_general3A {dimension_numbers = #tpu.dot_dimension_numbers<[1], [0], [0], [1], [0, 0, 1, 1], [], []>, transpose_lhs_hint = false} : vector<1000x128xf32>, vector<128x128xf32>, vector<1000x128xf32> -> vector<1000x128xf32>
    %get3A_6 = arith.constant 0 : index
    %get3A_7 = arith.constant 0 : index
    %get3A_8 = vector.load %arg3[%get3A_6, %get3A_7] : memref<1000x1xf32, #tpu.memory_space<vmem>>, vector<1000x1xf32>
    %get3A_9 = arith.constant 0 : index
    %get3A_10 = arith.constant 0 : index
    %get3A_11 = vector.load %arg4[%get3A_9, %get3A_10] : memref<1000x1xf32, #tpu.memory_space<vmem>>, vector<1000x1xf32>
    %add3A = arith.addf %get3A_8, %get3A_11 : vector<1000x1xf32>
    %add3A_12 = arith.constant 1.000000e+00 : f32
    %add3A_13 = vector.broadcast %add3A_12 : f32 to vector<1000x1xf32>
    %add3A_14 = arith.addf %add3A, %add3A_13 : vector<1000x1xf32>
    %rsqrt3A = math.rsqrt %add3A_14 : vector<1000x1xf32>
    %mul3A = vector.broadcast %rsqrt3A : vector<1000x1xf32> to vector<1000x128xf32>
    %mul3A_15 = arith.mulf %dot_general3A_5, %mul3A : vector<1000x128xf32>
    %swap3A = arith.constant 0 : index
    %swap3A_16 = arith.constant 0 : index
    %swap3A_17 = vector.load %arg5[%swap3A, %swap3A_16] : memref<1000x128xf32, #tpu.memory_space<vmem>>, vector<1000x128xf32>
    tpu.vector_store %arg5[%swap3A, %swap3A_16], %mul3A_15 {strides = array<i32>} : memref<1000x128xf32, #tpu.memory_space<vmem>>, vector<1000x128xf32>,
    return
  }
  func.func @transform_0(%arg0: i32) -> (i32, i32) {
    %c0_i32 = arith.constant 0 : i32
    %c0_i32_0 = arith.constant 0 : i32
    return %arg0, %c0_i32 : i32, i32
  }
  func.func @transform_1(%arg0: i32) -> (i32, i32) {
    %c0_i32 = arith.constant 0 : i32
    %c0_i32_0 = arith.constant 0 : i32
    %c0_i32_1 = arith.constant 0 : i32
    return %c0_i32, %c0_i32_0 : i32, i32
  }
  func.func @transform_2(%arg0: i32) -> (i32, i32) {
    %c0_i32 = arith.constant 0 : i32
    %c0_i32_0 = arith.constant 0 : i32
    return %arg0, %c0_i32 : i32, i32
  }
  func.func @transform_3(%arg0: i32) -> (i32, i32) {
    %c0_i32 = arith.constant 0 : i32
    %c0_i32_0 = arith.constant 0 : i32
    return %arg0, %c0_i32 : i32, i32
  }
  func.func @transform_4(%arg0: i32) -> (i32, i32) {
    %c0_i32 = arith.constant 0 : i32
    %c0_i32_0 = arith.constant 0 : i32
    return %arg0, %c0_i32 : i32, i32
  }
}

module attributes {stable_mosaic.version = 14 : i64} {
  func.func @body(%arg0: i32, %arg1: memref<1000x128xf32, #tpu.memory_space<vmem>>, %arg2: memref<1000x128xf32, #tpu.memory_space<vmem>>, %arg3: memref<1000x128xf32, #tpu.memory_space<vmem>>, %arg4: memref<1000x1xf32, #tpu.memory_space<vmem>>, %arg5: memref<1000x1xf32, #tpu.memory_space<vmem>>, %arg6: memref<1x128xf32, #tpu.memory_space<vmem>>, %arg7: memref<1000x128xf32, #tpu.memory_space<vmem>>) attributes {dimension_semantics = [#tpu.dimension_semantics<arbitrary>], iteration_bounds = array<i64: 10>, scalar_prefetch = 0 : i64, scratch_operands = 0 : i64, tpu.core_type = #tpu.core_type<tc>, window_params = [{transform_indices = @transform_0, window_bounds = array<i64: 1000, 128>}, {transform_indices = @transform_1, window_bounds = array<i64: 1000, 128>}, {transform_indices = @transform_2, window_bounds = array<i64: 1000, 128>}, {transform_indices = @transform_3, window_bounds = array<i64: 1000, 1>}, {transform_indices = @transform_4, window_bounds = array<i64: 1000, 1>}, {pipeline_mode = #tpu.pipeline_mode<synchronous>, transform_indices = @transform_5, window_bounds = array<i64: 1, 128>}, {transform_indices = @transform_6, window_bounds = array<i64: 1000, 128>}]} {
    %get3A = arith.constant 0 : index
    %get3A_0 = arith.constant 0 : index
    %get3A_1 = vector.load %arg4[%get3A, %get3A_0] : memref<1000x1xf32, #tpu.memory_space<vmem>>, vector<1000x1xf32>
    %get3A_2 = arith.constant 0 : index
    %get3A_3 = arith.constant 0 : index
    %get3A_4 = vector.load %arg5[%get3A_2, %get3A_3] : memref<1000x1xf32, #tpu.memory_space<vmem>>, vector<1000x1xf32>
    %add3A = arith.addf %get3A_1, %get3A_4 : vector<1000x1xf32>
    %add3A_5 = arith.constant 1.000000e+00 : f32
    %add3A_6 = vector.broadcast %add3A_5 : f32 to vector<1000x1xf32>
    %add3A_7 = arith.addf %add3A, %add3A_6 : vector<1000x1xf32>
    %rsqrt3A = math.rsqrt %add3A_7 : vector<1000x1xf32>
    %get3A_8 = arith.constant 0 : index
    %get3A_9 = arith.constant 0 : index
    %get3A_10 = vector.load %arg1[%get3A_8, %get3A_9] : memref<1000x128xf32, #tpu.memory_space<vmem>>, vector<1000x128xf32>
    %get3A_11 = arith.constant 0 : index
    %get3A_12 = arith.constant 0 : index
    %get3A_13 = vector.load %arg2[%get3A_11, %get3A_12] : memref<1000x128xf32, #tpu.memory_space<vmem>>, vector<1000x128xf32>
    %add3A_14 = arith.addf %get3A_10, %get3A_13 : vector<1000x128xf32>
    %get3A_15 = arith.constant 0 : index
    %get3A_16 = arith.constant 0 : index
    %get3A_17 = vector.load %arg3[%get3A_15, %get3A_16] : memref<1000x128xf32, #tpu.memory_space<vmem>>, vector<1000x128xf32>
    %add3A_18 = arith.addf %add3A_14, %get3A_17 : vector<1000x128xf32>
    %mul3A = vector.broadcast %rsqrt3A : vector<1000x1xf32> to vector<1000x128xf32>
    %mul3A_19 = arith.mulf %add3A_18, %mul3A : vector<1000x128xf32>
    %get3A_20 = arith.constant 0 : index
    %get3A_21 = arith.constant 0 : index
    %get3A_22 = vector.load %arg6[%get3A_20, %get3A_21] : memref<1x128xf32, #tpu.memory_space<vmem>>, vector<1x128xf32>
    %add3A_23 = vector.broadcast %get3A_22 : vector<1x128xf32> to vector<1000x128xf32>
    %add3A_24 = arith.addf %mul3A_19, %add3A_23 : vector<1000x128xf32>
    %max3A = arith.constant 0.000000e+00 : f32
    %max3A_25 = vector.broadcast %max3A : f32 to vector<1000x128xf32>
    %max3A_26 = arith.maximumf %add3A_24, %max3A_25 : vector<1000x128xf32>
    %reduce_max3A = arith.constant dense<0xFF800000> : vector<1000xf32>
    %reduce_max3A_27 = vector.multi_reduction <maximumf>, %max3A_26, %reduce_max3A [1] : vector<1000x128xf32> to vector<1000xf32>
    %broadcast_in_dim3A = vector.shape_cast %reduce_max3A_27 : vector<1000xf32> to vector<1000x1xf32>
    %sub3A = vector.broadcast %broadcast_in_dim3A : vector<1000x1xf32> to vector<1000x128xf32>
    %sub3A_28 = arith.subf %max3A_26, %sub3A : vector<1000x128xf32>
    %exp3A = math.exp %sub3A_28 : vector<1000x128xf32>
    %reduce_sum3A = arith.constant dense<0.000000e+00> : vector<1000xf32>
    %reduce_sum3A_29 = vector.multi_reduction <add>, %exp3A, %reduce_sum3A [1] : vector<1000x128xf32> to vector<1000xf32>
    %broadcast_in_dim3A_30 = vector.shape_cast %reduce_sum3A_29 : vector<1000xf32> to vector<1000x1xf32>
    %div3A = vector.broadcast %broadcast_in_dim3A_30 : vector<1000x1xf32> to vector<1000x128xf32>
    %div3A_31 = arith.divf %exp3A, %div3A : vector<1000x128xf32>
    %swap3A = arith.constant 0 : index
    %swap3A_32 = arith.constant 0 : index
    %swap3A_33 = vector.load %arg7[%swap3A, %swap3A_32] : memref<1000x128xf32, #tpu.memory_space<vmem>>, vector<1000x128xf32>
    tpu.vector_store %arg7[%swap3A, %swap3A_32], %div3A_31 {strides = array<i32>} : memref<1000x128xf32, #tpu.memory_space<vmem>>, vector<1000x128xf32>,
    return
  }
  func.func @transform_0(%arg0: i32) -> (i32, i32) {
    %c0_i32 = arith.constant 0 : i32
    %c0_i32_0 = arith.constant 0 : i32
    return %arg0, %c0_i32 : i32, i32
  }
  func.func @transform_1(%arg0: i32) -> (i32, i32) {
    %c0_i32 = arith.constant 0 : i32
    %c0_i32_0 = arith.constant 0 : i32
    return %arg0, %c0_i32 : i32, i32
  }
  func.func @transform_2(%arg0: i32) -> (i32, i32) {
    %c0_i32 = arith.constant 0 : i32
    %c0_i32_0 = arith.constant 0 : i32
    return %arg0, %c0_i32 : i32, i32
  }
  func.func @transform_3(%arg0: i32) -> (i32, i32) {
    %c0_i32 = arith.constant 0 : i32
    %c0_i32_0 = arith.constant 0 : i32
    return %arg0, %c0_i32 : i32, i32
  }
  func.func @transform_4(%arg0: i32) -> (i32, i32) {
    %c0_i32 = arith.constant 0 : i32
    %c0_i32_0 = arith.constant 0 : i32
    return %arg0, %c0_i32 : i32, i32
  }
  func.func @transform_5(%arg0: i32) -> (i32, i32) {
    %c0_i32 = arith.constant 0 : i32
    %c0_i32_0 = arith.constant 0 : i32
    %c0_i32_1 = arith.constant 0 : i32
    return %c0_i32, %c0_i32_0 : i32, i32
  }
  func.func @transform_6(%arg0: i32) -> (i32, i32) {
    %c0_i32 = arith.constant 0 : i32
    %c0_i32_0 = arith.constant 0 : i32
    return %arg0, %c0_i32 : i32, i32
  }
}

</mosaic_0001>

<sc_bundles>
// kernel: kernel.6.cloned.1.call-start
scs
__scs_entry_jumppad:
0x0: {  	(pc) =	sbr.rel $0x88, $3  }
0x1: {  	(tag) =	ssettag $0x0;
	lr =	simm.s32 $0x1  }
0x2: {  	[smem:$0x3F9D] =	sst lr;
	_ =	strace $0xD0000000  }
0x3: {  	_ = 	snop  }
0x4: {  	_ = 	snop  }
0x5: {  	_ = 	snop  }
0x6: {  	_ = 	snop  }
0x7: {  	_ = 	snop  }
__scs_overlays_trampoline_lowered:
0x8: {  	[smem:$0x3FAC] =	sst s0  }
0x9: {  	[smem:$0x3FAD] =	sst s1  }
0xa: {  	[smem:$0x3FAE] =	sst s2  }
0xb: {  	[smem:$0x3FAF] =	sst s3  }
0xc: {  	[smem:$0x3FB0] =	sst s4  }
0xd: {  	[smem:$0x3FB1] =	sst s5  }
0xe: {  	[smem:$0x3FB2] =	sst s6  }
0xf: {  	[smem:$0x3FB3] =	sst s7  }
0x10: {  	[smem:$0x3FB4] =	sst s8  }
0x11: {  	[smem:$0x3FB5] =	sst s9;
	s0 =	simm.s32 @!p0 $0x0  }
0x12: {  	s1 =	sld [smem:$0x3F9B];
	s0 =	simm.s32 @p0 $0x1  }
0x13: {  	[smem:$0x3FB6] =	sst s0;
	s0 =	simm.s32 @!p1 $0x0  }
0x14: {  	s2 =	sld [smem:$0x3F9A];
	s0 =	simm.s32 @p1 $0x1  }
0x15: {  	[smem:$0x3FB7] =	sst s0;
	s0 =	simm.s32 @!p2 $0x0  }
0x16: {  	s3 =	sld [smem:$0x3FDB];
	s0 =	simm.s32 @p2 $0x1  }
0x17: {  	s4 =	simm.s32 $0x1BF5;
	[smem:$0x3FB9] =	sst s0  }
0x18: {  	s0 =	sld [smem:$0x3F9C];
	_ =	swait.ge [sflag:s4], $0x0  }
0x19: {  	s7 =	sld [smem:$0x3F9D]  }
0x1a: {  	s8 =	sadd.s32 $0xFFFFE003, lr  }
0x1b: {  	s9 =	sadd.s32 $0xFFFFFEF7, lr;
	s5 =	simm.s32 $0xFFFFFFFF;
	p2 =	slt.u32 s8, $0xFFFFF086  }
0x1c: {  	p1 =	slt.u32 s9, $0xF7A;
	s5 =	simm.s32 @!p2 $0x0  }
0x1d: {  	s5 =	simm.s32 @p1 $0x1;
	p0 =	seq.s32 s7, s2  }
0x1e: {  	s7 =	smul.u32 @!p0 $0xF7A, s2;
	p2 =	seq.s32 @!p0 s5, $0x0  }
0x1f: {  	s9 =	smul.u32 $0xF7A, s1;
	s8 =	simm.s32 @!p0 $0x1BF5;
	p2 =	por !p2, p0  }
0x20: {  	[sflag:s8] =	ssyncset.s32 @!p0 $0xFFFFF086;
	s6 =	sadd.s32 @!p0 s3, s7;
	s7 =	simm.s32 @!p0 $0x108  }
0x21: {  	s3 =	sadd.s32 s3, s9;
	s6 =	sadd.s32 @!p0 $0x88, s6;
	s7 =	simm.s32 @p2 $0x1082  }
0x22: {  	[simem:s7], [sflag:s8] =	dma.local @!p0 [hbm:s6], $0xF7A  }
0x23: {  	s9 =	sor.u32 $0xD0000000, s2;
	s6 =	simm.s32 $0x108;
	_ =	swait.ge @!p0 [sflag:s8], $0x0  }
0x24: {  	s3 =	sadd.s32 $0x88, s3;
	s6 =	simm.s32 @!p1 $0x1082;
	[sflag:s4] =	ssyncset.s32 $0xFFFFF086  }
0x25: {  	[simem:s6], [sflag:s4] =	dma.local [hbm:s3], $0xF7A  }
0x26: {  	[smem:$0x3F9D] =	sst s1;
	(tag) =	ssettag s2;
	_ =	strace s9  }
0x27: {  	s1 =	sld [smem:$0x3FAD]  }
0x28: {  	s2 =	sld [smem:$0x3FAE]  }
0x29: {  	s4 =	sld [smem:$0x3FB0]  }
0x2a: {  	p0 =	seq.s32 s5, $0x0;
	s5 =	sld [smem:$0x3FB1]  }
0x2b: {  	s6 =	sld [smem:$0x3FB2]  }
0x2c: {  	s7 =	sld [smem:$0x3FB3]  }
0x2d: {  	s3 =	simm.s32 $0x108;
	s8 =	sld [smem:$0x3FB4]  }
0x2e: {  	s3 =	simm.s32 @!p0 $0x1082;
	s9 =	sld [smem:$0x3FB5]  }
0x2f: {  	lr =	sadd.s32 s0, s3;
	s0 =	sld [smem:$0x3FAC]  }
0x30: {  	s3 =	sld [smem:$0x3FAF]  }
0x31: {  	[smem:$0x3FB8] =	sst s10  }
0x32: {  	s10 =	sld [smem:$0x3FB6];
	_ =	sdelay $0x3  }
0x33: {  	p0 =	seq.s32 s10, $0x1;
	s10 =	sld [smem:$0x3FB8];
	_ =	sdelay $0x3  }
0x34: {  	[smem:$0x3FB8] =	sst s10  }
0x35: {  	s10 =	sld [smem:$0x3FB7];
	_ =	sdelay $0x3  }
0x36: {  	p1 =	seq.s32 s10, $0x1;
	s10 =	sld [smem:$0x3FB8];
	_ =	sdelay $0x3  }
0x37: {  	[smem:$0x3FB8] =	sst s10  }
0x38: {  	s10 =	sld [smem:$0x3FB9]  }
0x39: {  	_ = 	snop;
	(pc) =	sbr.ind lr, $3  }
0x3a: {  	_ = 	snop  }
0x3b: {  	_ = 	snop  }
0x3c: {  	p2 =	seq.s32 s10, $0x1;
	s10 =	sld [smem:$0x3FB8]  }
0x3d: {  	_ =	shalt  }
0x3e: {  	_ =	shalt  }
0x3f: {  	_ =	shalt  }
0x40: {  	_ =	shalt  }
0x41: {  	_ =	shalt  }
0x42: {  	_ =	shalt  }
0x43: {  	_ =	shalt  }
0x44: {  	_ =	shalt  }
0x45: {  	_ =	shalt  }
0x46: {  	_ =	shalt  }
0x47: {  	_ =	shalt  }
0x48: {  	_ =	shalt  }
0x49: {  	_ =	shalt  }
0x4a: {  	_ =	shalt  }
0x4b: {  	_ =	shalt  }
0x4c: {  	_ =	shalt  }
0x4d: {  	_ =	shalt  }
0x4e: {  	_ =	shalt  }
0x4f: {  	_ =	shalt  }
0x50: {  	_ =	shalt  }
0x51: {  	_ =	shalt  }
0x52: {  	_ =	shalt  }
0x53: {  	_ =	shalt  }
0x54: {  	_ =	shalt  }
0x55: {  	_ =	shalt  }
0x56: {  	_ =	shalt  }
0x57: {  	_ =	shalt  }
0x58: {  	_ =	shalt  }
0x59: {  	_ =	shalt  }
0x5a: {  	_ =	shalt  }
0x5b: {  	_ =	shalt  }
0x5c: {  	_ =	shalt  }
0x5d: {  	_ =	shalt  }
0x5e: {  	_ =	shalt  }
0x5f: {  	_ =	shalt  }
0x60: {  	_ =	shalt  }
0x61: {  	_ =	shalt  }
0x62: {  	_ =	shalt  }
0x63: {  	_ =	shalt  }
0x64: {  	_ =	shalt  }
0x65: {  	_ =	shalt  }
0x66: {  	_ =	shalt  }
0x67: {  	_ =	shalt  }
0x68: {  	_ =	shalt  }
0x69: {  	_ =	shalt  }
0x6a: {  	_ =	shalt  }
0x6b: {  	_ =	shalt  }
0x6c: {  	_ =	shalt  }
0x6d: {  	_ =	shalt  }
0x6e: {  	_ =	shalt  }
0x6f: {  	_ =	shalt  }
0x70: {  	_ =	shalt  }
0x71: {  	_ =	shalt  }
0x72: {  	_ =	shalt  }
0x73: {  	_ =	shalt  }
0x74: {  	_ =	shalt  }
0x75: {  	_ =	shalt  }
0x76: {  	_ =	shalt  }
0x77: {  	_ =	shalt  }
0x78: {  	_ =	shalt  }
0x79: {  	_ =	shalt  }
0x7a: {  	_ =	shalt  }
0x7b: {  	_ =	shalt  }
0x7c: {  	_ =	shalt  }
0x7d: {  	_ =	shalt  }
0x7e: {  	_ =	shalt  }
0x7f: {  	_ =	shalt  }
0x80: {  	_ =	shalt  }
0x81: {  	_ =	shalt  }
0x82: {  	_ =	shalt  }
0x83: {  	_ =	shalt  }
0x84: {  	_ =	shalt  }
0x85: {  	_ =	shalt  }
0x86: {  	_ =	shalt  }
0x87: {  	_ =	shalt  }
.Lfunc_end0:
.L_simem_size_0:
called_computation_lowered:
.L_overlay_start_0:
0x88: {  	s2 =	sld [smem:$0x3FD9]  }
0x89: {  	s3 =	sld [smem:$0x3FFE];
	_ =	sdelay $0x1  }
0x8a: {  	s1 =	srdreg.scid  }
0x8b: {  	s0 =	sand.u32 $0x1, s1  }
0x8c: {  	s17 =	sshll.u32 s0, $0xA;
	s2 =	sadd.s32 s3, s2  }
0x8d: {  	s2 =	sadd.s32 s2, s17  }
0x8e: {  	[smem:$0x3FC4] =	sst s2  }
0x8f: {  	_ = 	snop  }
0x90: {  	s2 =	sld [smem:$0x3FD0];
	(tm) =	ssettm $0x1  }
0x91: {  	s18 =	sld [smem:$0x3FFB];
	_ =	sdelay $0x3  }
0x92: {  	_ =	strace s18  }
0x93: {  	s3 =	sld [smem:$0x3FFC];
	_ =	sdelay $0x3  }
0x94: {  	_ =	strace s3  }
0x95: {  	s3 =	sld [smem:$0x3FFD];
	_ =	sdelay $0x3  }
0x96: {  	_ =	strace s3  }
0x97: {  	_ =	strace $0x8FFFFFFF  }
0x98: {  	s19 =	sld [smem:$0x3FDB];
	_ =	sdelay $0x1  }
0x99: {  	s4 =	simm.s32 $_scs_section_size  }
0x9a: {  	s5 =	simm.s32 $_size__tile_overlayer_lowered;
	s6 =	simm.s32 $_tile_overlayer_lowered  }
0x9b: {  	s22 =	simm.s32 $0x1BFF;
	s21 =	sshll.u32 s6, $0x1;
	s3 =	sadd.s32 s4, s19  }
0x9c: {  	s7 =	simm.s32 $0x0;
	s20 =	sshll.u32 s5, $0x1;
	s5 =	sadd.s32 s21, s3  }
0x9d: {  	[timem:s7], [sflag:s22] =	dma.local [hbm:s5], s20  }
0x9e: {  	_ =	swait.ge [sflag:s22], s20  }
0x9f: {  	s4 =	ssub.s32 $0x0, s20;
	[sflag:s22] =	ssyncset.done $0x0  }
0xa0: {  	[sflag:s22] =	ssyncadd.s32 s4;
	_ =	sdelay $0x1  }
0xa1: {  	s23 =	simm.s32 $0x1B8B  }
0xa2: {  	_ =	swait.ge [sflag:s23], $0x1  }
0xa3: {  	[sflag:s23] =	ssyncset.done $0x0  }
0xa4: {  	s25 =	simm.s32 $0x1B8E;
	s24 =	sld [smem:$0x3FFE];
	[sflag:s23] =	ssyncadd.s32 $0xFFFFFFFF  }
0xa5: {  	s26 =	simm.s32 $execute0_lowered;
	[smem:$0x3FD2] =	sst s25  }
0xa6: {  	s5 =	sshll.u32 s26, $0x1;
	_ =	strace $0x80000046;
	[dreg:$0x1] =	wrdreg $0xFFFFFFFF  }
0xa7: {  	s28 =	simm.s32 $_size_execute0_lowered;
	s3 =	sadd.s32 s3, s5;
	[dreg:$0x0] =	wrdreg $0x0  }
0xa8: {  	s5 =	sshll.u32 s28, $0x1;
	[dreg:$0x2] =	wrdreg s3  }
0xa9: {  	[dreg:$0x3] =	wrdreg s5  }
0xaa: {  	[dreg:$0x4] =	wrdreg $0xC0  }
0xab: {  	_ =	task [dreg:s7], $0x5FFFF  }
0xac: {  	[dreg:$0x1] =	wrdreg $0xFFFFFFFF  }
0xad: {  	[dreg:$0x0] =	wrdreg $0x60  }
0xae: {  	[dreg:$0x2] =	wrdreg s2  }
0xaf: {  	[dreg:$0x3] =	wrdreg s24  }
0xb0: {  	[dreg:$0x4] =	wrdreg $0x2B000  }
0xb1: {  	[dreg:$0x5] =	wrdreg $0x9  }
0xb2: {  	_ =	task.clear_ibuf [dreg:s7], $0x6FFFF;
	_ =	strace $0x90000046  }
0xb3: {  	s29 =	simm.s32 $0x9;
	_ =	strace $0x80000048  }
0xb4: {  	_ =	swait.ge [sflag:s29], $0x1  }
0xb5: {  	[sflag:s29] =	ssyncadd.s32 $0xFFFFFFFF  }
0xb6: {  	_ =	strace $0x90000048  }
0xb7: {  	_ =	sfence  }
0xb8: {  	s30 =	sld [smem:$0x0];
	_ =	sdelay $0x2  }
0xb9: {  	s31 =	sshll.u32 s1, $0xD;
	s1 =	sshrl.u32 s1, $0x2  }
0xba: {  	s3 =	sand.u32 $0x4000, s31;
	s1 =	sadd.s32 s1, s30  }
0xbb: {  	s0 =	sor.u32 s3, s0;
	s1 =	sshll.u32 s1, $0x11  }
0xbc: {  	s0 =	sor.u32 s1, s0  }
0xbd: {  	s0 =	sadd.s32 $0x8F2B, s0  }
0xbe: {  	[sflag:s0] =	ssyncadd.remote.s32 $0x1  }
0xbf: {  	_ =	sfence.sel $0xFFFF  }
0xc0: {  	[dreg:$0x0] =	wrdreg $0xFFFFFFFF;
	(pc) =	sbr.abs _section_cstart, $3  }
0xc1: {  	[dreg:$0x1] =	wrdreg $0xFFFFFFFF  }
0xc2: {  	_ =	task.clear_ibuf [dreg:s7], $0x2FFFF;
	_ =	strace $0x9FFFFFFF  }
0xc3: {  	(tm) =	ssettm $0x7FFFFFFF  }
tec
execute0_lowered:
.L_overlay_start_1:
0x0: {  	(tag) =	ssettag $0x1  }
0x1: {  	s7 =	rddreg [dreg:$0x0]  }
0x2: {  	s6 =	rddreg [dreg:$0x1]  }
0x3: {  	s2 =	rddreg [dreg:$0x2]  }
0x4: {  	s0 =	rddreg [dreg:$0x3];
	s3 =	simm.s32 $0x0;
	s4 =	srdreg.scid  }
0x5: {  	s1 =	stileid.u32;
	s13 =	simm.s32 $0x80;
	s14 =	simm.s32 $0x1  }
0x6: {  	s15 =	simm.s32 $0x0;
	[smem:$0x7FF] =	sst s3;
	s8 =	sand.u32 $0x1, s4  }
0x7: {  	s9 =	smul.u32 $0x280, s1;
	s4 =	sadd.s32 $0x1A00, s6;
	s11 =	sshll.u32 s1, $0x1  }
0x8: {  	s10 =	smul.u32 $0x2800, s8;
	s12 =	ssub.s32 $0x2, s8;
	s8 =	sor.u32 s8, s11  }
0x9: {  	s5 =	sadd.s32 $0x1800, s6;
	s31 =	sshrl.u32 s12, $0x1;
	s8 =	smul.u32 $0x500, s8  }
0xa: {  	_ =	strace $0x80000047;
	s10 =	sadd.s32 s9, s10;
	s11 =	ssub.s32 s12, s31  }
0xb: {  	s12 =	simm.s32 $0x2800;
	s10 =	sshrl.u32 s10, $0x3;
	s7 =	sadd.s32 s7, s8  }
0xc: {  	s10 =	sadd.s32 s10, s6;
	s6 =	sadd.s32 s9, s2;
	s9 =	smax.u32 s11, $0x1  }
0xd: {  	s11 =	simm.s32 $0x2;
	s8 =	sadd.s32 $0x1C00, s10;
	s10 =	simm.s32 $0x2880  }
.LBB2_1:
0xe: {  	[tilespmem:s10], [sflag:$0x2] =	stream.linear.gather [hbm4b:s4+s3], $0x280, $0x38;
	[tilespmem:$0x2D80] =	vst v63  }
0xf: {  	_ =	swait.ge [sflag:s11], $0x280  }
0x10: {  	[sflag:s11] =	ssyncset.done $0x0  }
0x11: {  	[sflag:s11] =	ssyncadd.s32 $0xFFFFFD80  }
0x12: {  	[spmem:s6] =	stream.linear.scatter [tilespmem:s10], [sflag:$0x2], $0x280, $0x38;
	[tilespmem:$0x2D80] =	vst v63  }
0x13: {  	_ =	swait.ge [sflag:s11], $0x280  }
0x14: {  	[sflag:s11] =	ssyncset.done $0x0  }
0x15: {  	[sflag:s11] =	ssyncadd.s32 $0xFFFFFD80  }
0x16: {  	[tilespmem:s12], [sflag:$0x2] =	stream.linear.gather [hbm4b:s5+s3], $0x80, $0x38;
	[tilespmem:$0x2D80] =	vst v63  }
0x17: {  	_ =	swait.ge [sflag:s11], $0x80  }
0x18: {  	[sflag:s11] =	ssyncset.done $0x0  }
0x19: {  	[sflag:s11] =	ssyncadd.s32 $0xFFFFFF80  }
0x1a: {  	[tilespmem:s3], [sflag:$0x2] =	stream.linear.gather [hbm4b:s7+s3], $0x2800, $0x38;
	[tilespmem:$0x2D80] =	vst v63  }
0x1b: {  	_ =	swait.ge [sflag:s11], $0x2800  }
0x1c: {  	[sflag:s11] =	ssyncset.done $0x0  }
0x1d: {  	[sflag:s11] =	ssyncadd.s32 $0xFFFFD800  }
0x1e: {  	s16 =	simm.s32 $0x0;
	[bflag:$0x0] =	sbarrier.arrive $0xFFFF  }
0x1f: {  	[spmem:s2] =	stream.indirect.scatter.add.f32 [tilespmem:s12], [sflag:$0x1], $0x1, s16, s13, $0xb8;
	[tilespmem:$0x2D80] =	vst v63  }
0x20: {  	s24 =	simm.s32 $0x80  }
0x21: {  	[spmem:s2] =	stream.indirect.scatter.add.f32 [tilespmem:s12], [sflag:$0x1], $0x1, s24, s13, $0xb8;
	[tilespmem:$0x2D80] =	vst v63  }
0x22: {  	s25 =	simm.s32 $0x100  }
0x23: {  	[spmem:s2] =	stream.indirect.scatter.add.f32 [tilespmem:s12], [sflag:$0x1], $0x1, s25, s13, $0xb8;
	[tilespmem:$0x2D80] =	vst v63  }
0x24: {  	s26 =	simm.s32 $0x180  }
0x25: {  	[spmem:s2] =	stream.indirect.scatter.add.f32 [tilespmem:s12], [sflag:$0x1], $0x1, s26, s13, $0xb8;
	[tilespmem:$0x2D80] =	vst v63  }
0x26: {  	s28 =	simm.s32 $0x200  }
0x27: {  	[spmem:s2] =	stream.indirect.scatter.add.f32 [tilespmem:s12], [sflag:$0x1], $0x1, s28, s13, $0xb8;
	[tilespmem:$0x2D80] =	vst v63  }
0x28: {  	s29 =	simm.s32 $0x280  }
0x29: {  	[spmem:s2] =	stream.indirect.scatter.add.f32 [tilespmem:s12], [sflag:$0x1], $0x1, s29, s13, $0xb8;
	[tilespmem:$0x2D80] =	vst v63  }
0x2a: {  	s30 =	simm.s32 $0x300  }
0x2b: {  	[spmem:s2] =	stream.indirect.scatter.add.f32 [tilespmem:s12], [sflag:$0x1], $0x1, s30, s13, $0xb8;
	[tilespmem:$0x2D80] =	vst v63  }
0x2c: {  	s31 =	simm.s32 $0x380  }
0x2d: {  	[spmem:s2] =	stream.indirect.scatter.add.f32 [tilespmem:s12], [sflag:$0x1], $0x1, s31, s13, $0xb8;
	[tilespmem:$0x2D80] =	vst v63  }
0x2e: {  	_ =	swait.ge [sflag:s14], $0x80  }
0x2f: {  	[sflag:s14] =	ssyncset.done $0x0  }
0x30: {  	[sflag:s14] =	ssyncadd.s32 $0xFFFFFF80  }
0x31: {  	_ =	swait.ge [sflag:s14], $0x80  }
0x32: {  	[sflag:s14] =	ssyncset.done $0x0  }
0x33: {  	[sflag:s14] =	ssyncadd.s32 $0xFFFFFF80  }
0x34: {  	_ =	swait.ge [sflag:s14], $0x80  }
0x35: {  	[sflag:s14] =	ssyncset.done $0x0  }
0x36: {  	[sflag:s14] =	ssyncadd.s32 $0xFFFFFF80  }
0x37: {  	_ =	swait.ge [sflag:s14], $0x80  }
0x38: {  	[sflag:s14] =	ssyncset.done $0x0  }
0x39: {  	[sflag:s14] =	ssyncadd.s32 $0xFFFFFF80  }
0x3a: {  	_ =	swait.ge [sflag:s14], $0x80  }
0x3b: {  	[sflag:s14] =	ssyncset.done $0x0  }
0x3c: {  	[sflag:s14] =	ssyncadd.s32 $0xFFFFFF80  }
0x3d: {  	_ =	swait.ge [sflag:s14], $0x80  }
0x3e: {  	[sflag:s14] =	ssyncset.done $0x0  }
0x3f: {  	[sflag:s14] =	ssyncadd.s32 $0xFFFFFF80  }
0x40: {  	_ =	swait.ge [sflag:s14], $0x80  }
0x41: {  	[sflag:s14] =	ssyncset.done $0x0  }
0x42: {  	[sflag:s14] =	ssyncadd.s32 $0xFFFFFF80  }
0x43: {  	_ =	swait.ge [sflag:s14], $0x80  }
0x44: {  	s18 =	simm.s32 $0x2000;
	s16 =	simm.s32 $0x1000;
	[sflag:s14] =	ssyncset.done $0x0  }
.LBB2_2:
0x45: {  	s19 =	sshra.s32 s16, $0x2  }
0x46: {  	[sflag:s14] =	ssyncadd.s32 $0xFFFFFF80;
	s16 =	smov.u32 s18;
	s17 =	sadd.s32 $0x1000, s18  }
0x47: {  	[spmem:s2] =	stream.indirect.scatter.add.f32 [tilespmem:s12], [sflag:$0x1], $0x1, s19, s13, $0xb8;
	[tilespmem:$0x2D80] =	vst v63  }
0x48: {  	p0 =	sne.s32 s18, $0x9000;
	s18 =	sadd.s32 $0x80, s19  }
0x49: {  	[spmem:s2] =	stream.indirect.scatter.add.f32 [tilespmem:s12], [sflag:$0x1], $0x1, s18, s13, $0xb8;
	[tilespmem:$0x2D80] =	vst v63  }
0x4a: {  	s18 =	sadd.s32 $0x100, s19  }
0x4b: {  	[spmem:s2] =	stream.indirect.scatter.add.f32 [tilespmem:s12], [sflag:$0x1], $0x1, s18, s13, $0xb8;
	[tilespmem:$0x2D80] =	vst v63  }
0x4c: {  	s18 =	sadd.s32 $0x180, s19  }
0x4d: {  	[spmem:s2] =	stream.indirect.scatter.add.f32 [tilespmem:s12], [sflag:$0x1], $0x1, s18, s13, $0xb8;
	[tilespmem:$0x2D80] =	vst v63  }
0x4e: {  	s18 =	sadd.s32 $0x200, s19  }
0x4f: {  	[spmem:s2] =	stream.indirect.scatter.add.f32 [tilespmem:s12], [sflag:$0x1], $0x1, s18, s13, $0xb8;
	[tilespmem:$0x2D80] =	vst v63  }
0x50: {  	s18 =	sadd.s32 $0x280, s19  }
0x51: {  	[spmem:s2] =	stream.indirect.scatter.add.f32 [tilespmem:s12], [sflag:$0x1], $0x1, s18, s13, $0xb8;
	[tilespmem:$0x2D80] =	vst v63  }
0x52: {  	s18 =	sadd.s32 $0x300, s19  }
0x53: {  	[spmem:s2] =	stream.indirect.scatter.add.f32 [tilespmem:s12], [sflag:$0x1], $0x1, s18, s13, $0xb8;
	[tilespmem:$0x2D80] =	vst v63  }
0x54: {  	s18 =	sadd.s32 $0x380, s19  }
0x55: {  	[spmem:s2] =	stream.indirect.scatter.add.f32 [tilespmem:s12], [sflag:$0x1], $0x1, s18, s13, $0xb8;
	[tilespmem:$0x2D80] =	vst v63  }
0x56: {  	_ =	swait.ge [sflag:s14], $0x80  }
0x57: {  	[sflag:s14] =	ssyncset.done $0x0  }
0x58: {  	[sflag:s14] =	ssyncadd.s32 $0xFFFFFF80  }
0x59: {  	_ =	swait.ge [sflag:s14], $0x80  }
0x5a: {  	[sflag:s14] =	ssyncset.done $0x0  }
0x5b: {  	[sflag:s14] =	ssyncadd.s32 $0xFFFFFF80  }
0x5c: {  	_ =	swait.ge [sflag:s14], $0x80  }
0x5d: {  	[sflag:s14] =	ssyncset.done $0x0  }
0x5e: {  	[sflag:s14] =	ssyncadd.s32 $0xFFFFFF80  }
0x5f: {  	_ =	swait.ge [sflag:s14], $0x80  }
0x60: {  	[sflag:s14] =	ssyncset.done $0x0  }
0x61: {  	[sflag:s14] =	ssyncadd.s32 $0xFFFFFF80  }
0x62: {  	_ =	swait.ge [sflag:s14], $0x80  }
0x63: {  	[sflag:s14] =	ssyncset.done $0x0  }
0x64: {  	[sflag:s14] =	ssyncadd.s32 $0xFFFFFF80  }
0x65: {  	_ =	swait.ge [sflag:s14], $0x80  }
0x66: {  	[sflag:s14] =	ssyncset.done $0x0  }
0x67: {  	[sflag:s14] =	ssyncadd.s32 $0xFFFFFF80  }
.Ltmp0:
0x68: {  	_ =	swait.ge [sflag:s14], $0x80;
	(pc) =	sbr.rel @p0 .LBB2_2-.Ltmp0, $4  }
0x69: {  	[sflag:s14] =	ssyncset.done $0x0  }
0x6a: {  	[sflag:s14] =	ssyncadd.s32 $0xFFFFFF80  }
0x6b: {  	_ =	swait.ge [sflag:s14], $0x80  }
0x6c: {  	s18 =	smov.u32 s17;
	[sflag:s14] =	ssyncset.done $0x0  }
0x6d: {  	s16 =	sshra.s32 s16, $0x2;
	[sflag:s14] =	ssyncadd.s32 $0xFFFFFF80  }
0x6e: {  	[spmem:s2] =	stream.indirect.scatter.add.f32 [tilespmem:s12], [sflag:$0x1], $0x1, s16, s13, $0xb8;
	[tilespmem:$0x2D80] =	vst v63  }
0x6f: {  	s17 =	sadd.s32 $0x80, s16  }
0x70: {  	[spmem:s2] =	stream.indirect.scatter.add.f32 [tilespmem:s12], [sflag:$0x1], $0x1, s17, s13, $0xb8;
	[tilespmem:$0x2D80] =	vst v63  }
0x71: {  	s26 =	sadd.s32 $0x100, s16  }
0x72: {  	[spmem:s2] =	stream.indirect.scatter.add.f32 [tilespmem:s12], [sflag:$0x1], $0x1, s26, s13, $0xb8;
	[tilespmem:$0x2D80] =	vst v63  }
0x73: {  	s28 =	sadd.s32 $0x180, s16  }
0x74: {  	[spmem:s2] =	stream.indirect.scatter.add.f32 [tilespmem:s12], [sflag:$0x1], $0x1, s28, s13, $0xb8;
	[tilespmem:$0x2D80] =	vst v63  }
0x75: {  	s29 =	sadd.s32 $0x200, s16  }
0x76: {  	[spmem:s2] =	stream.indirect.scatter.add.f32 [tilespmem:s12], [sflag:$0x1], $0x1, s29, s13, $0xb8;
	[tilespmem:$0x2D80] =	vst v63  }
0x77: {  	s30 =	sadd.s32 $0x280, s16  }
0x78: {  	[spmem:s2] =	stream.indirect.scatter.add.f32 [tilespmem:s12], [sflag:$0x1], $0x1, s30, s13, $0xb8;
	[tilespmem:$0x2D80] =	vst v63  }
0x79: {  	s31 =	sadd.s32 $0x300, s16  }
0x7a: {  	[spmem:s2] =	stream.indirect.scatter.add.f32 [tilespmem:s12], [sflag:$0x1], $0x1, s31, s13, $0xb8;
	[tilespmem:$0x2D80] =	vst v63  }
0x7b: {  	s16 =	sadd.s32 $0x380, s16  }
0x7c: {  	[spmem:s2] =	stream.indirect.scatter.add.f32 [tilespmem:s12], [sflag:$0x1], $0x1, s16, s13, $0xb8;
	[tilespmem:$0x2D80] =	vst v63  }
0x7d: {  	_ =	swait.ge [sflag:s14], $0x80  }
0x7e: {  	[sflag:s14] =	ssyncset.done $0x0  }
0x7f: {  	[sflag:s14] =	ssyncadd.s32 $0xFFFFFF80  }
0x80: {  	_ =	swait.ge [sflag:s14], $0x80  }
0x81: {  	[sflag:s14] =	ssyncset.done $0x0  }
0x82: {  	[sflag:s14] =	ssyncadd.s32 $0xFFFFFF80  }
0x83: {  	_ =	swait.ge [sflag:s14], $0x80  }
0x84: {  	[sflag:s14] =	ssyncset.done $0x0  }
0x85: {  	[sflag:s14] =	ssyncadd.s32 $0xFFFFFF80  }
0x86: {  	_ =	swait.ge [sflag:s14], $0x80  }
0x87: {  	[sflag:s14] =	ssyncset.done $0x0  }
0x88: {  	[sflag:s14] =	ssyncadd.s32 $0xFFFFFF80  }
0x89: {  	_ =	swait.ge [sflag:s14], $0x80  }
0x8a: {  	[sflag:s14] =	ssyncset.done $0x0  }
0x8b: {  	[sflag:s14] =	ssyncadd.s32 $0xFFFFFF80  }
0x8c: {  	_ =	swait.ge [sflag:s14], $0x80  }
0x8d: {  	[sflag:s14] =	ssyncset.done $0x0  }
0x8e: {  	[sflag:s14] =	ssyncadd.s32 $0xFFFFFF80  }
0x8f: {  	_ =	swait.ge [sflag:s14], $0x80  }
0x90: {  	[sflag:s14] =	ssyncset.done $0x0  }
0x91: {  	[sflag:s14] =	ssyncadd.s32 $0xFFFFFF80  }
0x92: {  	_ =	swait.ge [sflag:s14], $0x80  }
0x93: {  	[sflag:s14] =	ssyncset.done $0x0  }
0x94: {  	[sflag:s14] =	ssyncadd.s32 $0xFFFFFF80  }
0x95: {  	[bflag:$0x0] =	sbarrier.arrive $0xFFFF  }
0x96: {  	[tilespmem:s10], [sflag:$0x2] =	stream.linear.gather [spmem:s6], $0x280, $0x38;
	[tilespmem:$0x2D80] =	vst v63  }
0x97: {  	s15 =	sadd.s32 $0x1, s15;
	_ =	swait.ge [sflag:s11], $0x280  }
0x98: {  	p0 =	sne.s32 s15, s9;
	[sflag:s11] =	ssyncset.done $0x0  }
.Ltmp1:
0x99: {  	[sflag:s11] =	ssyncadd.s32 $0xFFFFFD80;
	(pc) =	sbr.rel @p0 .LBB2_1-.Ltmp1, $4  }
0x9a: {  	[hbm4b:s8+s3] =	stream.linear.scatter [tilespmem:s10], [sflag:$0x2], $0x280, $0x38;
	[tilespmem:$0x2D80] =	vst v63  }
0x9b: {  	_ =	swait.ge [sflag:s11], $0x280  }
0x9c: {  	[sflag:s11] =	ssyncset.done $0x0  }
0x9d: {  	[sflag:s11] =	ssyncadd.s32 $0xFFFFFD80  }
0x9e: {  	_ =	sfence.sel $0x180000  }
0x9f: {  	[bflag:$0x0] =	sbarrier.arrive $0xFFFF  }
0xa0: {  	p0 =	sne.s32 s1, $0x0;
	_ =	strace $0x90000047  }
0xa1: {  	s0 =	sadd.s32 @!p0 $0x100000, s0;
	[bflag:$0x2] =	sbarrier.arrive $0xFFFF  }
0xa2: {  	[sflag:s0] =	ssyncadd.tile.s32 @!p0 $0x1;
	_ =	shalt  }
.Lfunc_end2:
_tile_overlayer_lowered:
.L_overlay_start_2:
0xa3: {  	(tag) =	ssettag $0x2  }
0xa4: {  	s0 =	rddreg [dreg:$0x0];
	s2 =	stileid.u32  }
0xa5: {  	s1 =	rddreg [dreg:$0x1];
	p0 =	sne.s32 s2, $0x0  }
0xa6: {  	s3 =	rddreg [dreg:$0x2];
	[bflag:$0x3] =	sbarrier.arrive $0xFFFF;
	s2 =	simm.s32 @!p0 $0x1C02  }
0xa7: {  	[timem:s3], [sflag:s2] =	dma.local @!p0 [hbm:s0], s1  }
0xa8: {  	s0 =	simm.s32 @!p0 $0x2  }
0xa9: {  	_ =	swait.ge @!p0 [sflag:s0], s1  }
0xaa: {  	s1 =	ssub.s32 @!p0 $0x0, s1;
	[sflag:s0] =	ssyncset.done @!p0 $0x0  }
0xab: {  	[sflag:s0] =	ssyncadd.s32 @!p0 s1  }
0xac: {  	[bflag:$0x3] =	sbarrier.arrive $0xFFFF  }
0xad: {  	_ =	shalt  }

// kernel: kernel.9.cloned.1.call-start
scs
__scs_entry_jumppad:
0x0: {  	(pc) =	sbr.rel $0x88, $3  }
0x1: {  	(tag) =	ssettag $0x0;
	lr =	simm.s32 $0x1  }
0x2: {  	[smem:$0x3F9D] =	sst lr;
	_ =	strace $0xD0000000  }
0x3: {  	_ = 	snop  }
0x4: {  	_ = 	snop  }
0x5: {  	_ = 	snop  }
0x6: {  	_ = 	snop  }
0x7: {  	_ = 	snop  }
__scs_overlays_trampoline_lowered:
0x8: {  	[smem:$0x3FAC] =	sst s0  }
0x9: {  	[smem:$0x3FAD] =	sst s1  }
0xa: {  	[smem:$0x3FAE] =	sst s2  }
0xb: {  	[smem:$0x3FAF] =	sst s3  }
0xc: {  	[smem:$0x3FB0] =	sst s4  }
0xd: {  	[smem:$0x3FB1] =	sst s5  }
0xe: {  	[smem:$0x3FB2] =	sst s6  }
0xf: {  	[smem:$0x3FB3] =	sst s7  }
0x10: {  	[smem:$0x3FB4] =	sst s8  }
0x11: {  	[smem:$0x3FB5] =	sst s9;
	s0 =	simm.s32 @!p0 $0x0  }
0x12: {  	s1 =	sld [smem:$0x3F9B];
	s0 =	simm.s32 @p0 $0x1  }
0x13: {  	[smem:$0x3FB6] =	sst s0;
	s0 =	simm.s32 @!p1 $0x0  }
0x14: {  	s2 =	sld [smem:$0x3F9A];
	s0 =	simm.s32 @p1 $0x1  }
0x15: {  	[smem:$0x3FB7] =	sst s0;
	s0 =	simm.s32 @!p2 $0x0  }
0x16: {  	s3 =	sld [smem:$0x3FDB];
	s0 =	simm.s32 @p2 $0x1  }
0x17: {  	s4 =	simm.s32 $0x1BF5;
	[smem:$0x3FB9] =	sst s0  }
0x18: {  	s0 =	sld [smem:$0x3F9C];
	_ =	swait.ge [sflag:s4], $0x0  }
0x19: {  	s7 =	sld [smem:$0x3F9D]  }
0x1a: {  	s8 =	sadd.s32 $0xFFFFE003, lr  }
0x1b: {  	s9 =	sadd.s32 $0xFFFFFEF7, lr;
	s5 =	simm.s32 $0xFFFFFFFF;
	p2 =	slt.u32 s8, $0xFFFFF086  }
0x1c: {  	p1 =	slt.u32 s9, $0xF7A;
	s5 =	simm.s32 @!p2 $0x0  }
0x1d: {  	s5 =	simm.s32 @p1 $0x1;
	p0 =	seq.s32 s7, s2  }
0x1e: {  	s7 =	smul.u32 @!p0 $0xF7A, s2;
	p2 =	seq.s32 @!p0 s5, $0x0  }
0x1f: {  	s9 =	smul.u32 $0xF7A, s1;
	s8 =	simm.s32 @!p0 $0x1BF5;
	p2 =	por !p2, p0  }
0x20: {  	[sflag:s8] =	ssyncset.s32 @!p0 $0xFFFFF086;
	s6 =	sadd.s32 @!p0 s3, s7;
	s7 =	simm.s32 @!p0 $0x108  }
0x21: {  	s3 =	sadd.s32 s3, s9;
	s6 =	sadd.s32 @!p0 $0x88, s6;
	s7 =	simm.s32 @p2 $0x1082  }
0x22: {  	[simem:s7], [sflag:s8] =	dma.local @!p0 [hbm:s6], $0xF7A  }
0x23: {  	s9 =	sor.u32 $0xD0000000, s2;
	s6 =	simm.s32 $0x108;
	_ =	swait.ge @!p0 [sflag:s8], $0x0  }
0x24: {  	s3 =	sadd.s32 $0x88, s3;
	s6 =	simm.s32 @!p1 $0x1082;
	[sflag:s4] =	ssyncset.s32 $0xFFFFF086  }
0x25: {  	[simem:s6], [sflag:s4] =	dma.local [hbm:s3], $0xF7A  }
0x26: {  	[smem:$0x3F9D] =	sst s1;
	(tag) =	ssettag s2;
	_ =	strace s9  }
0x27: {  	s1 =	sld [smem:$0x3FAD]  }
0x28: {  	s2 =	sld [smem:$0x3FAE]  }
0x29: {  	s4 =	sld [smem:$0x3FB0]  }
0x2a: {  	p0 =	seq.s32 s5, $0x0;
	s5 =	sld [smem:$0x3FB1]  }
0x2b: {  	s6 =	sld [smem:$0x3FB2]  }
0x2c: {  	s7 =	sld [smem:$0x3FB3]  }
0x2d: {  	s3 =	simm.s32 $0x108;
	s8 =	sld [smem:$0x3FB4]  }
0x2e: {  	s3 =	simm.s32 @!p0 $0x1082;
	s9 =	sld [smem:$0x3FB5]  }
0x2f: {  	lr =	sadd.s32 s0, s3;
	s0 =	sld [smem:$0x3FAC]  }
0x30: {  	s3 =	sld [smem:$0x3FAF]  }
0x31: {  	[smem:$0x3FB8] =	sst s10  }
0x32: {  	s10 =	sld [smem:$0x3FB6];
	_ =	sdelay $0x3  }
0x33: {  	p0 =	seq.s32 s10, $0x1;
	s10 =	sld [smem:$0x3FB8];
	_ =	sdelay $0x3  }
0x34: {  	[smem:$0x3FB8] =	sst s10  }
0x35: {  	s10 =	sld [smem:$0x3FB7];
	_ =	sdelay $0x3  }
0x36: {  	p1 =	seq.s32 s10, $0x1;
	s10 =	sld [smem:$0x3FB8];
	_ =	sdelay $0x3  }
0x37: {  	[smem:$0x3FB8] =	sst s10  }
0x38: {  	s10 =	sld [smem:$0x3FB9]  }
0x39: {  	_ = 	snop;
	(pc) =	sbr.ind lr, $3  }
0x3a: {  	_ = 	snop  }
0x3b: {  	_ = 	snop  }
0x3c: {  	p2 =	seq.s32 s10, $0x1;
	s10 =	sld [smem:$0x3FB8]  }
0x3d: {  	_ =	shalt  }
0x3e: {  	_ =	shalt  }
0x3f: {  	_ =	shalt  }
0x40: {  	_ =	shalt  }
0x41: {  	_ =	shalt  }
0x42: {  	_ =	shalt  }
0x43: {  	_ =	shalt  }
0x44: {  	_ =	shalt  }
0x45: {  	_ =	shalt  }
0x46: {  	_ =	shalt  }
0x47: {  	_ =	shalt  }
0x48: {  	_ =	shalt  }
0x49: {  	_ =	shalt  }
0x4a: {  	_ =	shalt  }
0x4b: {  	_ =	shalt  }
0x4c: {  	_ =	shalt  }
0x4d: {  	_ =	shalt  }
0x4e: {  	_ =	shalt  }
0x4f: {  	_ =	shalt  }
0x50: {  	_ =	shalt  }
0x51: {  	_ =	shalt  }
0x52: {  	_ =	shalt  }
0x53: {  	_ =	shalt  }
0x54: {  	_ =	shalt  }
0x55: {  	_ =	shalt  }
0x56: {  	_ =	shalt  }
0x57: {  	_ =	shalt  }
0x58: {  	_ =	shalt  }
0x59: {  	_ =	shalt  }
0x5a: {  	_ =	shalt  }
0x5b: {  	_ =	shalt  }
0x5c: {  	_ =	shalt  }
0x5d: {  	_ =	shalt  }
0x5e: {  	_ =	shalt  }
0x5f: {  	_ =	shalt  }
0x60: {  	_ =	shalt  }
0x61: {  	_ =	shalt  }
0x62: {  	_ =	shalt  }
0x63: {  	_ =	shalt  }
0x64: {  	_ =	shalt  }
0x65: {  	_ =	shalt  }
0x66: {  	_ =	shalt  }
0x67: {  	_ =	shalt  }
0x68: {  	_ =	shalt  }
0x69: {  	_ =	shalt  }
0x6a: {  	_ =	shalt  }
0x6b: {  	_ =	shalt  }
0x6c: {  	_ =	shalt  }
0x6d: {  	_ =	shalt  }
0x6e: {  	_ =	shalt  }
0x6f: {  	_ =	shalt  }
0x70: {  	_ =	shalt  }
0x71: {  	_ =	shalt  }
0x72: {  	_ =	shalt  }
0x73: {  	_ =	shalt  }
0x74: {  	_ =	shalt  }
0x75: {  	_ =	shalt  }
0x76: {  	_ =	shalt  }
0x77: {  	_ =	shalt  }
0x78: {  	_ =	shalt  }
0x79: {  	_ =	shalt  }
0x7a: {  	_ =	shalt  }
0x7b: {  	_ =	shalt  }
0x7c: {  	_ =	shalt  }
0x7d: {  	_ =	shalt  }
0x7e: {  	_ =	shalt  }
0x7f: {  	_ =	shalt  }
0x80: {  	_ =	shalt  }
0x81: {  	_ =	shalt  }
0x82: {  	_ =	shalt  }
0x83: {  	_ =	shalt  }
0x84: {  	_ =	shalt  }
0x85: {  	_ =	shalt  }
0x86: {  	_ =	shalt  }
0x87: {  	_ =	shalt  }
.Lfunc_end0:
.L_simem_size_0:
called_computation.1_lowered:
.L_overlay_start_0:
0x88: {  	s2 =	sld [smem:$0x3FD9]  }
0x89: {  	s3 =	sld [smem:$0x3FFE];
	_ =	sdelay $0x1  }
0x8a: {  	s1 =	srdreg.scid  }
0x8b: {  	s0 =	sand.u32 $0x1, s1  }
0x8c: {  	s17 =	sshll.u32 s0, $0xA;
	s2 =	sadd.s32 s3, s2  }
0x8d: {  	s2 =	sadd.s32 s2, s17  }
0x8e: {  	[smem:$0x3FC4] =	sst s2  }
0x8f: {  	_ = 	snop  }
0x90: {  	s2 =	sld [smem:$0x3FD0];
	(tm) =	ssettm $0x1  }
0x91: {  	s18 =	sld [smem:$0x3FFB];
	_ =	sdelay $0x3  }
0x92: {  	_ =	strace s18  }
0x93: {  	s3 =	sld [smem:$0x3FFC];
	_ =	sdelay $0x3  }
0x94: {  	_ =	strace s3  }
0x95: {  	s3 =	sld [smem:$0x3FFD];
	_ =	sdelay $0x3  }
0x96: {  	_ =	strace s3  }
0x97: {  	_ =	strace $0x8FFFFFFF  }
0x98: {  	s19 =	sld [smem:$0x3FDB];
	_ =	sdelay $0x1  }
0x99: {  	s4 =	simm.s32 $_scs_section_size  }
0x9a: {  	s5 =	simm.s32 $_size__tile_overlayer_lowered;
	s6 =	simm.s32 $_tile_overlayer_lowered  }
0x9b: {  	s22 =	simm.s32 $0x1BFF;
	s21 =	sshll.u32 s6, $0x1;
	s3 =	sadd.s32 s4, s19  }
0x9c: {  	s7 =	simm.s32 $0x0;
	s20 =	sshll.u32 s5, $0x1;
	s5 =	sadd.s32 s21, s3  }
0x9d: {  	[timem:s7], [sflag:s22] =	dma.local [hbm:s5], s20  }
0x9e: {  	_ =	swait.ge [sflag:s22], s20  }
0x9f: {  	s4 =	ssub.s32 $0x0, s20;
	[sflag:s22] =	ssyncset.done $0x0  }
0xa0: {  	[sflag:s22] =	ssyncadd.s32 s4;
	_ =	sdelay $0x1  }
0xa1: {  	s23 =	simm.s32 $0x1B8B  }
0xa2: {  	_ =	swait.ge [sflag:s23], $0x1  }
0xa3: {  	[sflag:s23] =	ssyncset.done $0x0  }
0xa4: {  	s25 =	simm.s32 $0x1B8E;
	s24 =	sld [smem:$0x3FFE];
	[sflag:s23] =	ssyncadd.s32 $0xFFFFFFFF  }
0xa5: {  	s26 =	simm.s32 $execute0_lowered;
	[smem:$0x3FD2] =	sst s25  }
0xa6: {  	s5 =	sshll.u32 s26, $0x1;
	_ =	strace $0x80000049;
	[dreg:$0x1] =	wrdreg $0xFFFFFFFF  }
0xa7: {  	s28 =	simm.s32 $_size_execute0_lowered;
	s3 =	sadd.s32 s3, s5;
	[dreg:$0x0] =	wrdreg $0x0  }
0xa8: {  	s5 =	sshll.u32 s28, $0x1;
	[dreg:$0x2] =	wrdreg s3  }
0xa9: {  	[dreg:$0x3] =	wrdreg s5  }
0xaa: {  	[dreg:$0x4] =	wrdreg $0xC0  }
0xab: {  	_ =	task [dreg:s7], $0x5FFFF  }
0xac: {  	[dreg:$0x1] =	wrdreg $0xFFFFFFFF  }
0xad: {  	[dreg:$0x0] =	wrdreg $0x60  }
0xae: {  	[dreg:$0x2] =	wrdreg s24  }
0xaf: {  	[dreg:$0x3] =	wrdreg s2  }
0xb0: {  	[dreg:$0x4] =	wrdreg $0xA8000  }
0xb1: {  	[dreg:$0x5] =	wrdreg $0x9  }
0xb2: {  	_ =	task.clear_ibuf [dreg:s7], $0x6FFFF;
	_ =	strace $0x90000049  }
0xb3: {  	s29 =	simm.s32 $0x9;
	_ =	strace $0x8000004B  }
0xb4: {  	_ =	swait.ge [sflag:s29], $0x1  }
0xb5: {  	[sflag:s29] =	ssyncadd.s32 $0xFFFFFFFF  }
0xb6: {  	_ =	strace $0x9000004B  }
0xb7: {  	_ =	sfence  }
0xb8: {  	s30 =	sld [smem:$0x0];
	_ =	sdelay $0x2  }
0xb9: {  	s31 =	sshll.u32 s1, $0xD;
	s1 =	sshrl.u32 s1, $0x2  }
0xba: {  	s3 =	sand.u32 $0x4000, s31;
	s1 =	sadd.s32 s1, s30  }
0xbb: {  	s0 =	sor.u32 s3, s0;
	s1 =	sshll.u32 s1, $0x11  }
0xbc: {  	s0 =	sor.u32 s1, s0  }
0xbd: {  	s0 =	sadd.s32 $0x8F2B, s0  }
0xbe: {  	[sflag:s0] =	ssyncadd.remote.s32 $0x1  }
0xbf: {  	_ =	sfence.sel $0xFFFF  }
0xc0: {  	[dreg:$0x0] =	wrdreg $0xFFFFFFFF;
	(pc) =	sbr.abs _section_cstart, $3  }
0xc1: {  	[dreg:$0x1] =	wrdreg $0xFFFFFFFF  }
0xc2: {  	_ =	task.clear_ibuf [dreg:s7], $0x2FFFF;
	_ =	strace $0x9FFFFFFF  }
0xc3: {  	(tm) =	ssettm $0x7FFFFFFF  }
tec
execute0_lowered:
.L_overlay_start_1:
0x0: {  	(tag) =	ssettag $0x1  }
0x1: {  	s0 =	rddreg [dreg:$0x0]  }
0x2: {  	s1 =	rddreg [dreg:$0x1]  }
0x3: {  	s3 =	rddreg [dreg:$0x2];
	s13 =	stileid.u32  }
0x4: {  	s4 =	simm.s32 $0x0;
	s2 =	srdreg.scid;
	s5 =	smul.u32 $0x280, s13  }
0x5: {  	[smem:$0x7FF] =	sst s4;
	s2 =	sand.u32 $0x1, s2;
	s10 =	smul.u32 $0x28, s13  }
0x6: {  	s7 =	sadd.s32 $0x2600, s0;
	s8 =	sadd.s32 $0x16600, s0;
	s12 =	smul.u32 $0x50000, s13  }
0x7: {  	s9 =	sadd.s32 $0x1800, s0;
	_ =	strace $0x8000004A;
	s6 =	smul.u32 $0x2800, s2  }
0x8: {  	[dreg:$0x4] =	wrdreg s9;
	s9 =	smul.u32 $0x118, s13;
	s15 =	ssub.s32 $0x2, s2  }
0x9: {  	p0 =	seq.s32 s2, $0x0;
	s13 =	smul.u32 $0x8C00, s13;
	s11 =	sshrl.u32 s15, $0x1  }
0xa: {  	s10 =	sadd.s32 $0x1180, s10;
	s16 =	sshrl.u32 s12, $0x2;
	s5 =	sadd.s32 s5, s6  }
0xb: {  	s10 =	smov.u32 @p0 s9;
	s17 =	sshrl.u32 s13, $0x3;
	s16 =	sadd.s32 s16, s3  }
0xc: {  	p0 =	sne.s32 s2, $0x0;
	s5 =	sshll.u32 s5, $0x4;
	s2 =	sadd.s32 $0x10000, s16  }
0xd: {  	s9 =	sshll.u32 s10, $0x4;
	s29 =	sadd.s32 $0x8000, s16;
	[dreg:$0x1f] =	wrdreg s2  }
0xe: {  	s19 =	sadd.s32 $0x280, s17;
	s18 =	sadd.s32 s7, s9;
	[smem:$0x7FB] =	sst s29  }
0xf: {  	s21 =	sadd.s32 $0x500, s17;
	s9 =	sadd.s32 s8, s9;
	[dreg:$0x5] =	wrdreg s18  }
0x10: {  	s0 =	sadd.s32 s5, s0;
	s20 =	sadd.s32 s7, s19;
	[dreg:$0x6] =	wrdreg s9  }
0x11: {  	s5 =	ssub.s32 s15, s11;
	s11 =	sadd.s32 s8, s19;
	[dreg:$0x7] =	wrdreg s20  }
0x12: {  	s23 =	sadd.s32 $0x780, s17;
	s22 =	sadd.s32 s7, s21;
	[dreg:$0x8] =	wrdreg s11  }
0x13: {  	s25 =	sadd.s32 $0xA00, s17;
	s24 =	sadd.s32 s7, s23;
	[dreg:$0x9] =	wrdreg s22  }
0x14: {  	s6 =	sadd.s32 $0xC80, s17;
	s26 =	sadd.s32 s7, s25;
	[dreg:$0xb] =	wrdreg s24  }
0x15: {  	s12 =	sadd.s32 s7, s6;
	[dreg:$0xd] =	wrdreg s26  }
0x16: {  	s13 =	sadd.s32 $0xF00, s17;
	s14 =	sadd.s32 s8, s6;
	[dreg:$0xf] =	wrdreg s12  }
0x17: {  	s7 =	sadd.s32 s7, s13;
	[dreg:$0x10] =	wrdreg s14  }
0x18: {  	s15 =	sadd.s32 s8, s13;
	[dreg:$0x11] =	wrdreg s7  }
0x19: {  	s6 =	sadd.s32 $0xE000, s16;
	[dreg:$0x12] =	wrdreg s15  }
0x1a: {  	s28 =	simm.s32 $0x3;
	s9 =	sadd.s32 s8, s21;
	[dreg:$0x1e] =	wrdreg s6  }
0x1b: {  	s30 =	simm.s32 $0x5;
	s11 =	sadd.s32 s8, s23;
	[dreg:$0xa] =	wrdreg s9  }
0x1c: {  	s31 =	sadd.s32 $0xA000, s16;
	s17 =	sadd.s32 $0x51800, s0;
	[dreg:$0xc] =	wrdreg s11  }
0x1d: {  	s10 =	sadd.s32 $0xC000, s16;
	s18 =	sadd.s32 $0x51C00, s0;
	[dreg:$0x13] =	wrdreg s17  }
0x1e: {  	s13 =	simm.s32 $0x0;
	s19 =	sadd.s32 $0x52000, s0;
	[dreg:$0x14] =	wrdreg s18  }
0x1f: {  	s20 =	sadd.s32 $0x52400, s0;
	s21 =	sadd.s32 $0x52800, s0;
	[dreg:$0x15] =	wrdreg s19  }
0x20: {  	s22 =	sadd.s32 $0x52C00, s0;
	s23 =	sadd.s32 $0x53000, s0;
	[dreg:$0x16] =	wrdreg s20  }
0x21: {  	s24 =	sadd.s32 $0x53400, s0;
	s26 =	smax.u32 s5, $0x1;
	[dreg:$0x17] =	wrdreg s21  }
0x22: {  	s14 =	sadd.s32 $0x2000, s16;
	s15 =	sadd.s32 $0x4000, s16;
	[dreg:$0x18] =	wrdreg s22  }
0x23: {  	s7 =	simm.s32 $0x4800;
	s12 =	simm.s32 $0x8;
	[dreg:$0x19] =	wrdreg s23  }
0x24: {  	s9 =	sadd.s32 s8, s25;
	[dreg:$0x1a] =	wrdreg s24;
	s25 =	sadd.s32 $0x53800, s0  }
0x25: {  	s0 =	sadd.s32 $0x53C00, s0;
	[dreg:$0x1d] =	wrdreg s26;
	s21 =	sadd.s32 $0x12000, s16  }
0x26: {  	s17 =	simm.s32 $0x2800;
	s18 =	simm.s32 $0x9;
	s19 =	simm.s32 $0x1400  }
.Ltmp0:
0x27: {  	s20 =	simm.s32 $0x40;
	[dreg:$0xe] =	wrdreg s9;
	(pc) =	sbr.rel .LBB2_1-.Ltmp0, $4  }
0x28: {  	s8 =	simm.s32 $0x1;
	s22 =	simm.s32 $0x6800;
	[dreg:$0x1b] =	wrdreg s25  }
0x29: {  	s23 =	simm.s32 $0x2;
	s26 =	simm.s32 $0x8800;
	[dreg:$0x1c] =	wrdreg s0  }
0x2a: {  	s11 =	simm.s32 $0x7;
	s25 =	sadd.s32 $0x6000, s16;
	[smem:$0x7FC] =	sst s21  }
0x2b: {  	s0 =	simm.s32 $0x4;
	s9 =	simm.s32 $0x6;
	[smem:$0x7FD] =	sst s25  }
.LBB2_23:
0x2c: {  	_ =	swait.ge [sflag:s0], $0x2000  }
0x2d: {  	[sflag:s0] =	ssyncset.done $0x0  }
0x2e: {  	[sflag:s0] =	ssyncadd.s32 $0xFFFFE000  }
0x2f: {  	[spmem:s3] =	stream.indirect.scatter.add.f32 [tilespmem:s26], [sflag:$0x8], $0x80, s15, s20, $0xb8;
	[tilespmem:$0x1E800] =	vst v63  }
0x30: {  	_ =	swait.ge [sflag:s30], $0x2000  }
0x31: {  	[sflag:s30] =	ssyncset.done $0x0  }
0x32: {  	[sflag:s30] =	ssyncadd.s32 $0xFFFFE000  }
0x33: {  	_ =	swait.ge [sflag:s9], $0x2000  }
0x34: {  	[sflag:s9] =	ssyncset.done $0x0  }
0x35: {  	[sflag:s9] =	ssyncadd.s32 $0xFFFFE000  }
0x36: {  	_ =	swait.ge [sflag:s11], $0x2000  }
0x37: {  	[sflag:s11] =	ssyncset.done $0x0  }
0x38: {  	[sflag:s11] =	ssyncadd.s32 $0xFFFFE000  }
0x39: {  	_ =	swait.ge [sflag:s12], $0x2000  }
0x3a: {  	[sflag:s12] =	ssyncset.done $0x0  }
0x3b: {  	[sflag:s12] =	ssyncadd.s32 $0xFFFFE000  }
.LBB2_24:
0x3c: {  	[bflag:$0x0] =	sbarrier.arrive $0xFFFF  }
0x3d: {  	[tilespmem:s17], [sflag:$0x9] =	stream.linear.gather [spmem:s24], $0x2000, $0x38;
	[tilespmem:$0x1E800] =	vst v63  }
0x3e: {  	_ =	swait.ge [sflag:s18], $0x2000  }
0x3f: {  	[sflag:s18] =	ssyncset.done $0x0  }
0x40: {  	s5 =	rddreg [dreg:$0x13];
	[sflag:s18] =	ssyncadd.s32 $0xFFFFE000  }
0x41: {  	[hbm4b:s5+s4] =	stream.linear.scatter [tilespmem:s17], [sflag:$0x9], $0x2000, $0x38;
	[tilespmem:$0x1E800] =	vst v63  }
0x42: {  	_ =	swait.ge [sflag:s18], $0x2000  }
0x43: {  	[sflag:s18] =	ssyncset.done $0x0  }
0x44: {  	[sflag:s18] =	ssyncadd.s32 $0xFFFFE000  }
0x45: {  	[tilespmem:s17], [sflag:$0x9] =	stream.linear.gather [spmem:s29], $0x2000, $0x38;
	[tilespmem:$0x1E800] =	vst v63  }
0x46: {  	_ =	swait.ge [sflag:s18], $0x2000  }
0x47: {  	[sflag:s18] =	ssyncset.done $0x0  }
0x48: {  	s15 =	rddreg [dreg:$0x14];
	[sflag:s18] =	ssyncadd.s32 $0xFFFFE000  }
0x49: {  	[hbm4b:s15+s4] =	stream.linear.scatter [tilespmem:s17], [sflag:$0x9], $0x2000, $0x38;
	[tilespmem:$0x1E800] =	vst v63  }
0x4a: {  	_ =	swait.ge [sflag:s18], $0x2000  }
0x4b: {  	[sflag:s18] =	ssyncset.done $0x0  }
0x4c: {  	[sflag:s18] =	ssyncadd.s32 $0xFFFFE000  }
0x4d: {  	[tilespmem:s17], [sflag:$0x9] =	stream.linear.gather [spmem:s25], $0x2000, $0x38;
	[tilespmem:$0x1E800] =	vst v63  }
0x4e: {  	_ =	swait.ge [sflag:s18], $0x2000  }
0x4f: {  	[sflag:s18] =	ssyncset.done $0x0  }
0x50: {  	s21 =	rddreg [dreg:$0x15];
	[sflag:s18] =	ssyncadd.s32 $0xFFFFE000  }
0x51: {  	[hbm4b:s21+s4] =	stream.linear.scatter [tilespmem:s17], [sflag:$0x9], $0x2000, $0x38;
	[tilespmem:$0x1E800] =	vst v63  }
0x52: {  	_ =	swait.ge [sflag:s18], $0x2000  }
0x53: {  	s15 =	smov.u32 s25;
	s25 =	sld [smem:$0x7FD]  }
0x54: {  	[sflag:s18] =	ssyncset.done $0x0  }
0x55: {  	[sflag:s18] =	ssyncadd.s32 $0xFFFFE000  }
0x56: {  	[tilespmem:s17], [sflag:$0x9] =	stream.linear.gather [spmem:s25], $0x2000, $0x38;
	[tilespmem:$0x1E800] =	vst v63  }
0x57: {  	_ =	swait.ge [sflag:s18], $0x2000  }
0x58: {  	[sflag:s18] =	ssyncset.done $0x0  }
0x59: {  	s16 =	smov.u32 s24;
	s24 =	rddreg [dreg:$0x16];
	[sflag:s18] =	ssyncadd.s32 $0xFFFFE000  }
0x5a: {  	[hbm4b:s24+s4] =	stream.linear.scatter [tilespmem:s17], [sflag:$0x9], $0x2000, $0x38;
	[tilespmem:$0x1E800] =	vst v63  }
0x5b: {  	_ =	swait.ge [sflag:s18], $0x2000  }
0x5c: {  	s14 =	smov.u32 s29;
	s29 =	sld [smem:$0x7FB]  }
0x5d: {  	[sflag:s18] =	ssyncset.done $0x0  }
0x5e: {  	[sflag:s18] =	ssyncadd.s32 $0xFFFFE000  }
0x5f: {  	[tilespmem:s17], [sflag:$0x9] =	stream.linear.gather [spmem:s29], $0x2000, $0x38;
	[tilespmem:$0x1E800] =	vst v63  }
0x60: {  	_ =	swait.ge [sflag:s18], $0x2000  }
0x61: {  	[sflag:s18] =	ssyncset.done $0x0  }
0x62: {  	s2 =	rddreg [dreg:$0x17];
	[sflag:s18] =	ssyncadd.s32 $0xFFFFE000  }
0x63: {  	[hbm4b:s2+s4] =	stream.linear.scatter [tilespmem:s17], [sflag:$0x9], $0x2000, $0x38;
	[tilespmem:$0x1E800] =	vst v63  }
0x64: {  	_ =	swait.ge [sflag:s18], $0x2000  }
0x65: {  	[sflag:s18] =	ssyncset.done $0x0  }
0x66: {  	[sflag:s18] =	ssyncadd.s32 $0xFFFFE000  }
0x67: {  	[tilespmem:s17], [sflag:$0x9] =	stream.linear.gather [spmem:s6], $0x2000, $0x38;
	[tilespmem:$0x1E800] =	vst v63  }
0x68: {  	_ =	swait.ge [sflag:s18], $0x2000  }
0x69: {  	[sflag:s18] =	ssyncset.done $0x0  }
0x6a: {  	s21 =	rddreg [dreg:$0x18];
	[sflag:s18] =	ssyncadd.s32 $0xFFFFE000  }
0x6b: {  	[hbm4b:s21+s4] =	stream.linear.scatter [tilespmem:s17], [sflag:$0x9], $0x2000, $0x38;
	[tilespmem:$0x1E800] =	vst v63  }
0x6c: {  	_ =	swait.ge [sflag:s18], $0x2000  }
0x6d: {  	[sflag:s18] =	ssyncset.done $0x0  }
0x6e: {  	[sflag:s18] =	ssyncadd.s32 $0xFFFFE000  }
0x6f: {  	[tilespmem:s17], [sflag:$0x9] =	stream.linear.gather [spmem:s10], $0x2000, $0x38;
	[tilespmem:$0x1E800] =	vst v63  }
0x70: {  	_ =	swait.ge [sflag:s18], $0x2000  }
0x71: {  	[sflag:s18] =	ssyncset.done $0x0  }
0x72: {  	s24 =	rddreg [dreg:$0x19];
	[sflag:s18] =	ssyncadd.s32 $0xFFFFE000  }
0x73: {  	[hbm4b:s24+s4] =	stream.linear.scatter [tilespmem:s17], [sflag:$0x9], $0x2000, $0x38;
	[tilespmem:$0x1E800] =	vst v63  }
0x74: {  	_ =	swait.ge [sflag:s18], $0x2000  }
0x75: {  	[sflag:s18] =	ssyncset.done $0x0  }
0x76: {  	s31 =	smov.u32 s6;
	s6 =	rddreg [dreg:$0x1e];
	[sflag:s18] =	ssyncadd.s32 $0xFFFFE000  }
0x77: {  	[tilespmem:s17], [sflag:$0x9] =	stream.linear.gather [spmem:s6], $0x2000, $0x38;
	[tilespmem:$0x1E800] =	vst v63  }
0x78: {  	_ =	swait.ge [sflag:s18], $0x2000  }
0x79: {  	[sflag:s18] =	ssyncset.done $0x0  }
0x7a: {  	s2 =	rddreg [dreg:$0x1a];
	[sflag:s18] =	ssyncadd.s32 $0xFFFFE000  }
0x7b: {  	[hbm4b:s2+s4] =	stream.linear.scatter [tilespmem:s17], [sflag:$0x9], $0x2000, $0x38;
	[tilespmem:$0x1E800] =	vst v63  }
0x7c: {  	_ =	swait.ge [sflag:s18], $0x2000  }
0x7d: {  	[sflag:s18] =	ssyncset.done $0x0  }
0x7e: {  	s2 =	rddreg [dreg:$0x1f];
	[sflag:s18] =	ssyncadd.s32 $0xFFFFE000  }
0x7f: {  	[tilespmem:s17], [sflag:$0x9] =	stream.linear.gather [spmem:s2], $0x2000, $0x38;
	[tilespmem:$0x1E800] =	vst v63  }
0x80: {  	_ =	swait.ge [sflag:s18], $0x2000  }
0x81: {  	[sflag:s18] =	ssyncset.done $0x0  }
0x82: {  	s21 =	rddreg [dreg:$0x1b];
	[sflag:s18] =	ssyncadd.s32 $0xFFFFE000  }
0x83: {  	[hbm4b:s21+s4] =	stream.linear.scatter [tilespmem:s17], [sflag:$0x9], $0x2000, $0x38;
	[tilespmem:$0x1E800] =	vst v63  }
0x84: {  	_ =	swait.ge [sflag:s18], $0x2000  }
0x85: {  	s21 =	sld [smem:$0x7FC]  }
0x86: {  	[sflag:s18] =	ssyncset.done $0x0  }
0x87: {  	[sflag:s18] =	ssyncadd.s32 $0xFFFFE000  }
0x88: {  	[tilespmem:s17], [sflag:$0x9] =	stream.linear.gather [spmem:s21], $0x2000, $0x38;
	[tilespmem:$0x1E800] =	vst v63  }
0x89: {  	_ =	swait.ge [sflag:s18], $0x2000  }
0x8a: {  	[sflag:s18] =	ssyncset.done $0x0  }
0x8b: {  	s24 =	rddreg [dreg:$0x1c];
	[sflag:s18] =	ssyncadd.s32 $0xFFFFE000  }
0x8c: {  	[hbm4b:s24+s4] =	stream.linear.scatter [tilespmem:s17], [sflag:$0x9], $0x2000, $0x38;
	[tilespmem:$0x1E800] =	vst v63  }
0x8d: {  	_ =	swait.ge [sflag:s18], $0x2000  }
0x8e: {  	s13 =	sadd.s32 $0x1, s13;
	s24 =	rddreg [dreg:$0x1d]  }
0x8f: {  	p1 =	sne.s32 s13, s24  }
.Ltmp1:
0x90: {  	_ = 	snop;
	(pc) =	sbr.rel @!p1 .LBB2_25-.Ltmp1, $3  }
0x91: {  	_ =	sdelay $0x1  }
0x92: {  	[sflag:s18] =	ssyncset.done $0x0  }
0x93: {  	[sflag:s18] =	ssyncadd.s32 $0xFFFFE000  }
.LBB2_1:
0x94: {  	s5 =	rddreg [dreg:$0x4]  }
0x95: {  	[tilespmem:s17], [sflag:$0x9] =	stream.linear.gather [hbm4b:s5+s4], $0x2000, $0x38;
	[tilespmem:$0x1E800] =	vst v63  }
0x96: {  	_ =	swait.ge [sflag:s18], $0x2000  }
0x97: {  	[sflag:s18] =	ssyncset.done $0x0  }
0x98: {  	[sflag:s18] =	ssyncadd.s32 $0xFFFFE000  }
0x99: {  	[spmem:s16] =	stream.linear.scatter [tilespmem:s17], [sflag:$0x9], $0x2000, $0x38;
	[tilespmem:$0x1E800] =	vst v63  }
0x9a: {  	_ =	swait.ge [sflag:s18], $0x2000  }
0x9b: {  	[sflag:s18] =	ssyncset.done $0x0  }
0x9c: {  	[sflag:s18] =	ssyncadd.s32 $0xFFFFE000  }
0x9d: {  	[spmem:s14] =	stream.linear.scatter [tilespmem:s17], [sflag:$0x9], $0x2000, $0x38;
	[tilespmem:$0x1E800] =	vst v63  }
0x9e: {  	_ =	swait.ge [sflag:s18], $0x2000  }
0x9f: {  	[sflag:s18] =	ssyncset.done $0x0  }
0xa0: {  	[sflag:s18] =	ssyncadd.s32 $0xFFFFE000  }
0xa1: {  	[spmem:s15] =	stream.linear.scatter [tilespmem:s17], [sflag:$0x9], $0x2000, $0x38;
	[tilespmem:$0x1E800] =	vst v63  }
0xa2: {  	_ =	swait.ge [sflag:s18], $0x2000  }
0xa3: {  	[sflag:s18] =	ssyncset.done $0x0  }
0xa4: {  	s5 =	smov.u32 s25;
	[sflag:s18] =	ssyncadd.s32 $0xFFFFE000  }
0xa5: {  	[spmem:s5] =	stream.linear.scatter [tilespmem:s17], [sflag:$0x9], $0x2000, $0x38;
	[tilespmem:$0x1E800] =	vst v63  }
0xa6: {  	_ =	swait.ge [sflag:s18], $0x2000  }
0xa7: {  	[sflag:s18] =	ssyncset.done $0x0  }
0xa8: {  	s24 =	smov.u32 s16;
	s16 =	smov.u32 s29;
	[sflag:s18] =	ssyncadd.s32 $0xFFFFE000  }
0xa9: {  	[spmem:s16] =	stream.linear.scatter [tilespmem:s17], [sflag:$0x9], $0x2000, $0x38;
	[tilespmem:$0x1E800] =	vst v63  }
0xaa: {  	_ =	swait.ge [sflag:s18], $0x2000  }
0xab: {  	[sflag:s18] =	ssyncset.done $0x0  }
0xac: {  	[sflag:s18] =	ssyncadd.s32 $0xFFFFE000  }
0xad: {  	[spmem:s31] =	stream.linear.scatter [tilespmem:s17], [sflag:$0x9], $0x2000, $0x38;
	[tilespmem:$0x1E800] =	vst v63  }
0xae: {  	_ =	swait.ge [sflag:s18], $0x2000  }
0xaf: {  	[sflag:s18] =	ssyncset.done $0x0  }
0xb0: {  	[sflag:s18] =	ssyncadd.s32 $0xFFFFE000  }
0xb1: {  	[spmem:s10] =	stream.linear.scatter [tilespmem:s17], [sflag:$0x9], $0x2000, $0x38;
	[tilespmem:$0x1E800] =	vst v63  }
0xb2: {  	_ =	swait.ge [sflag:s18], $0x2000  }
0xb3: {  	[sflag:s18] =	ssyncset.done $0x0  }
0xb4: {  	s16 =	smov.u32 s6;
	[sflag:s18] =	ssyncadd.s32 $0xFFFFE000  }
0xb5: {  	[spmem:s16] =	stream.linear.scatter [tilespmem:s17], [sflag:$0x9], $0x2000, $0x38;
	[tilespmem:$0x1E800] =	vst v63  }
0xb6: {  	_ =	swait.ge [sflag:s18], $0x2000  }
0xb7: {  	[sflag:s18] =	ssyncset.done $0x0  }
0xb8: {  	[sflag:s18] =	ssyncadd.s32 $0xFFFFE000  }
0xb9: {  	[spmem:s2] =	stream.linear.scatter [tilespmem:s17], [sflag:$0x9], $0x2000, $0x38;
	[tilespmem:$0x1E800] =	vst v63  }
0xba: {  	_ =	swait.ge [sflag:s18], $0x2000  }
0xbb: {  	[sflag:s18] =	ssyncset.done $0x0  }
0xbc: {  	[sflag:s18] =	ssyncadd.s32 $0xFFFFE000  }
0xbd: {  	[spmem:s21] =	stream.linear.scatter [tilespmem:s17], [sflag:$0x9], $0x2000, $0x38;
	[tilespmem:$0x1E800] =	vst v63  }
0xbe: {  	_ =	swait.ge [sflag:s18], $0x2000  }
0xbf: {  	[sflag:s18] =	ssyncset.done $0x0  }
0xc0: {  	[sflag:s18] =	ssyncadd.s32 $0xFFFFE000  }
0xc1: {  	[bflag:$0x0] =	sbarrier.arrive $0xFFFF  }
0xc2: {  	s2 =	rddreg [dreg:$0x5]  }
0xc3: {  	[tilespmem:s4], [sflag:$0x9] =	stream.linear.gather [hbm4b:s2+s4], $0x1400, $0x38;
	[tilespmem:$0x1E800] =	vst v63  }
0xc4: {  	_ =	swait.ge [sflag:s18], $0x1400  }
0xc5: {  	[sflag:s18] =	ssyncset.done $0x0  }
0xc6: {  	s29 =	smov.u32 s14;
	s14 =	rddreg [dreg:$0x6];
	[sflag:s18] =	ssyncadd.s32 $0xFFFFEC00  }
0xc7: {  	[tilespmem:s19], [sflag:$0x9] =	stream.linear.gather [hbm4b:s14+s4], $0x1400, $0x38;
	[tilespmem:$0x1E800] =	vst v63  }
0xc8: {  	_ =	swait.ge [sflag:s18], $0x1400  }
0xc9: {  	[sflag:s18] =	ssyncset.done $0x0  }
0xca: {  	[sflag:s18] =	ssyncadd.s32 $0xFFFFEC00  }
0xcb: {  	[tilespmem:s17], [sflag:$0x1] =	stream.indirect.gather [hbm4b:s1+s20], $0x80, s4, s20, $0xb8;
	[tilespmem:$0x1E800] =	vst v63  }
0xcc: {  	s2 =	simm.s32 $0x80  }
0xcd: {  	[tilespmem:s7], [sflag:$0x2] =	stream.indirect.gather [hbm4b:s1+s20], $0x80, s2, s20, $0xb8;
	[tilespmem:$0x1E800] =	vst v63  }
0xce: {  	_ =	swait.ge [sflag:s8], $0x2000  }
0xcf: {  	[sflag:s8] =	ssyncset.done $0x0  }
0xd0: {  	[sflag:s8] =	ssyncadd.s32 $0xFFFFE000  }
0xd1: {  	[spmem:s3] =	stream.indirect.scatter.add.f32 [tilespmem:s17], [sflag:$0x5], $0x80, s19, s20, $0xb8;
	[tilespmem:$0x1E800] =	vst v63  }
0xd2: {  	s21 =	simm.s32 $0x100  }
0xd3: {  	[tilespmem:s22], [sflag:$0x3] =	stream.indirect.gather [hbm4b:s1+s20], $0x80, s21, s20, $0xb8;
	[tilespmem:$0x1E800] =	vst v63  }
0xd4: {  	_ =	swait.ge [sflag:s23], $0x2000  }
0xd5: {  	[sflag:s23] =	ssyncset.done $0x0  }
0xd6: {  	s6 =	smov.u32 s31;
	s31 =	simm.s32 $0x1480;
	[sflag:s23] =	ssyncadd.s32 $0xFFFFE000  }
0xd7: {  	[spmem:s3] =	stream.indirect.scatter.add.f32 [tilespmem:s7], [sflag:$0x6], $0x80, s31, s20, $0xb8;
	[tilespmem:$0x1E800] =	vst v63  }
0xd8: {  	s25 =	smov.u32 s15;
	s15 =	simm.s32 $0x180  }
0xd9: {  	[tilespmem:s26], [sflag:$0x4] =	stream.indirect.gather [hbm4b:s1+s20], $0x80, s15, s20, $0xb8;
	[tilespmem:$0x1E800] =	vst v63  }
0xda: {  	_ =	swait.ge [sflag:s28], $0x2000  }
0xdb: {  	[sflag:s28] =	ssyncset.done $0x0  }
0xdc: {  	s16 =	simm.s32 $0x1500;
	[sflag:s28] =	ssyncadd.s32 $0xFFFFE000  }
0xdd: {  	[spmem:s3] =	stream.indirect.scatter.add.f32 [tilespmem:s22], [sflag:$0x7], $0x80, s16, s20, $0xb8;
	[tilespmem:$0x1E800] =	vst v63  }
0xde: {  	_ =	swait.ge [sflag:s30], $0x2000  }
0xdf: {  	[sflag:s30] =	ssyncset.done $0x0  }
0xe0: {  	s14 =	simm.s32 $0x200;
	[sflag:s30] =	ssyncadd.s32 $0xFFFFE000  }
0xe1: {  	[tilespmem:s17], [sflag:$0x1] =	stream.indirect.gather [hbm4b:s1+s20], $0x80, s14, s20, $0xb8;
	[tilespmem:$0x1E800] =	vst v63  }
0xe2: {  	_ =	swait.ge [sflag:s0], $0x2000  }
0xe3: {  	[sflag:s0] =	ssyncset.done $0x0  }
0xe4: {  	s15 =	simm.s32 $0x1580;
	[sflag:s0] =	ssyncadd.s32 $0xFFFFE000  }
0xe5: {  	[spmem:s3] =	stream.indirect.scatter.add.f32 [tilespmem:s26], [sflag:$0x8], $0x80, s15, s20, $0xb8;
	[tilespmem:$0x1E800] =	vst v63  }
0xe6: {  	_ =	swait.ge [sflag:s9], $0x2000  }
0xe7: {  	[sflag:s9] =	ssyncset.done $0x0  }
0xe8: {  	s16 =	simm.s32 $0x280;
	s14 =	simm.s32 $0x0;
	[sflag:s9] =	ssyncadd.s32 $0xFFFFE000  }
0xe9: {  	[tilespmem:s7], [sflag:$0x2] =	stream.indirect.gather [hbm4b:s1+s20], $0x80, s16, s20, $0xb8;
	[tilespmem:$0x1E800] =	vst v63  }
.LBB2_2:
0xea: {  	_ =	swait.ge [sflag:s8], $0x2000  }
0xeb: {  	s5 =	sshra.s32 s14, $0x2;
	[sflag:s8] =	ssyncset.done $0x0  }
0xec: {  	s15 =	sadd.s32 $0x1600, s5;
	[sflag:s8] =	ssyncadd.s32 $0xFFFFE000  }
0xed: {  	[spmem:s3] =	stream.indirect.scatter.add.f32 [tilespmem:s17], [sflag:$0x5], $0x80, s15, s20, $0xb8;
	[tilespmem:$0x1E800] =	vst v63  }
0xee: {  	_ =	swait.ge [sflag:s11], $0x2000  }
0xef: {  	[sflag:s11] =	ssyncset.done $0x0  }
0xf0: {  	s16 =	sadd.s32 $0x300, s5;
	[sflag:s11] =	ssyncadd.s32 $0xFFFFE000  }
0xf1: {  	[tilespmem:s22], [sflag:$0x3] =	stream.indirect.gather [hbm4b:s1+s20], $0x80, s16, s20, $0xb8;
	[tilespmem:$0x1E800] =	vst v63  }
0xf2: {  	_ =	swait.ge [sflag:s23], $0x2000  }
0xf3: {  	[sflag:s23] =	ssyncset.done $0x0  }
0xf4: {  	s16 =	sadd.s32 $0x1680, s5;
	[sflag:s23] =	ssyncadd.s32 $0xFFFFE000  }
0xf5: {  	[spmem:s3] =	stream.indirect.scatter.add.f32 [tilespmem:s7], [sflag:$0x6], $0x80, s16, s20, $0xb8;
	[tilespmem:$0x1E800] =	vst v63  }
0xf6: {  	_ =	swait.ge [sflag:s12], $0x2000  }
0xf7: {  	[sflag:s12] =	ssyncset.done $0x0  }
0xf8: {  	p1 =	seq.s32 s14, $0x4000;
	s16 =	sadd.s32 $0x380, s5;
	[sflag:s12] =	ssyncadd.s32 $0xFFFFE000  }
0xf9: {  	[tilespmem:s26], [sflag:$0x4] =	stream.indirect.gather [hbm4b:s1+s20], $0x80, s16, s20, $0xb8;
	[tilespmem:$0x1E800] =	vst v63  }
.Ltmp2:
0xfa: {  	_ = 	snop;
	(pc) =	sbr.rel @p1 .LBB2_4-.Ltmp2, $4  }
0xfb: {  	_ =	swait.ge [sflag:s28], $0x2000  }
0xfc: {  	[sflag:s28] =	ssyncset.done $0x0  }
0xfd: {  	s15 =	sadd.s32 $0x1780, s5;
	s16 =	sadd.s32 $0x1700, s5;
	[sflag:s28] =	ssyncadd.s32 $0xFFFFE000  }
0xfe: {  	[spmem:s3] =	stream.indirect.scatter.add.f32 [tilespmem:s22], [sflag:$0x7], $0x80, s16, s20, $0xb8;
	[tilespmem:$0x1E800] =	vst v63  }
0xff: {  	_ =	swait.ge [sflag:s30], $0x2000  }
0x100: {  	[sflag:s30] =	ssyncset.done $0x0  }
0x101: {  	s16 =	sadd.s32 $0x400, s5;
	[sflag:s30] =	ssyncadd.s32 $0xFFFFE000  }
0x102: {  	[tilespmem:s17], [sflag:$0x1] =	stream.indirect.gather [hbm4b:s1+s20], $0x80, s16, s20, $0xb8;
	[tilespmem:$0x1E800] =	vst v63  }
0x103: {  	_ =	swait.ge [sflag:s0], $0x2000  }
0x104: {  	[sflag:s0] =	ssyncset.done $0x0  }
0x105: {  	[sflag:s0] =	ssyncadd.s32 $0xFFFFE000  }
0x106: {  	[spmem:s3] =	stream.indirect.scatter.add.f32 [tilespmem:s26], [sflag:$0x8], $0x80, s15, s20, $0xb8;
	[tilespmem:$0x1E800] =	vst v63  }
.Ltmp3:
0x107: {  	_ = 	snop;
	(pc) =	sbr.rel .LBB2_2-.Ltmp3, $4  }
0x108: {  	_ =	swait.ge [sflag:s9], $0x2000  }
0x109: {  	[sflag:s9] =	ssyncset.done $0x0  }
0x10a: {  	s14 =	sadd.s32 $0x800, s14;
	s16 =	sadd.s32 $0x480, s5;
	[sflag:s9] =	ssyncadd.s32 $0xFFFFE000  }
0x10b: {  	[tilespmem:s7], [sflag:$0x2] =	stream.indirect.gather [hbm4b:s1+s20], $0x80, s16, s20, $0xb8;
	[tilespmem:$0x1E800] =	vst v63  }
.LBB2_4:
0x10c: {  	_ =	swait.ge [sflag:s0], $0x2000  }
0x10d: {  	[sflag:s0] =	ssyncset.done $0x0  }
0x10e: {  	[sflag:s0] =	ssyncadd.s32 $0xFFFFE000  }
0x10f: {  	[spmem:s3] =	stream.indirect.scatter.add.f32 [tilespmem:s26], [sflag:$0x8], $0x80, s15, s20, $0xb8;
	[tilespmem:$0x1E800] =	vst v63  }
0x110: {  	_ =	swait.ge [sflag:s30], $0x2000  }
0x111: {  	[sflag:s30] =	ssyncset.done $0x0  }
0x112: {  	[sflag:s30] =	ssyncadd.s32 $0xFFFFE000  }
0x113: {  	_ =	swait.ge [sflag:s9], $0x2000  }
0x114: {  	[sflag:s9] =	ssyncset.done $0x0  }
0x115: {  	[sflag:s9] =	ssyncadd.s32 $0xFFFFE000  }
0x116: {  	_ =	swait.ge [sflag:s11], $0x2000  }
.Ltmp4:
0x117: {  	[sflag:s11] =	ssyncset.done $0x0;
	(pc) =	sbr.rel @p0 .LBB2_24-.Ltmp4, $4  }
0x118: {  	[sflag:s11] =	ssyncadd.s32 $0xFFFFE000  }
0x119: {  	_ =	swait.ge [sflag:s12], $0x2000  }
0x11a: {  	[sflag:s12] =	ssyncset.done $0x0  }
0x11b: {  	[sflag:s12] =	ssyncadd.s32 $0xFFFFE000  }
0x11c: {  	s14 =	simm.s32 $0x0;
	s5 =	rddreg [dreg:$0x7]  }
0x11d: {  	[tilespmem:s14], [sflag:$0x9] =	stream.linear.gather [hbm4b:s5+s14], $0x1400, $0x38;
	[tilespmem:$0x1E800] =	vst v63  }
0x11e: {  	_ =	swait.ge [sflag:s18], $0x1400  }
0x11f: {  	[sflag:s18] =	ssyncset.done $0x0  }
0x120: {  	s15 =	rddreg [dreg:$0x8];
	[sflag:s18] =	ssyncadd.s32 $0xFFFFEC00  }
0x121: {  	[tilespmem:s19], [sflag:$0x9] =	stream.linear.gather [hbm4b:s15+s14], $0x1400, $0x38;
	[tilespmem:$0x1E800] =	vst v63  }
0x122: {  	_ =	swait.ge [sflag:s18], $0x1400  }
0x123: {  	[sflag:s18] =	ssyncset.done $0x0  }
0x124: {  	[sflag:s18] =	ssyncadd.s32 $0xFFFFEC00  }
0x125: {  	[tilespmem:s17], [sflag:$0x1] =	stream.indirect.gather [hbm4b:s1+s20], $0x80, s14, s20, $0xb8;
	[tilespmem:$0x1E800] =	vst v63  }
0x126: {  	_ = 	snop  }
0x127: {  	[tilespmem:s7], [sflag:$0x2] =	stream.indirect.gather [hbm4b:s1+s20], $0x80, s2, s20, $0xb8;
	[tilespmem:$0x1E800] =	vst v63  }
0x128: {  	_ =	swait.ge [sflag:s8], $0x2000  }
0x129: {  	[sflag:s8] =	ssyncset.done $0x0  }
0x12a: {  	[sflag:s8] =	ssyncadd.s32 $0xFFFFE000  }
0x12b: {  	[spmem:s3] =	stream.indirect.scatter.add.f32 [tilespmem:s17], [sflag:$0x5], $0x80, s19, s20, $0xb8;
	[tilespmem:$0x1E800] =	vst v63  }
0x12c: {  	_ = 	snop  }
0x12d: {  	[tilespmem:s22], [sflag:$0x3] =	stream.indirect.gather [hbm4b:s1+s20], $0x80, s21, s20, $0xb8;
	[tilespmem:$0x1E800] =	vst v63  }
0x12e: {  	_ =	swait.ge [sflag:s23], $0x2000  }
0x12f: {  	[sflag:s23] =	ssyncset.done $0x0  }
0x130: {  	[sflag:s23] =	ssyncadd.s32 $0xFFFFE000  }
0x131: {  	[spmem:s3] =	stream.indirect.scatter.add.f32 [tilespmem:s7], [sflag:$0x6], $0x80, s31, s20, $0xb8;
	[tilespmem:$0x1E800] =	vst v63  }
0x132: {  	s16 =	simm.s32 $0x180  }
0x133: {  	[tilespmem:s26], [sflag:$0x4] =	stream.indirect.gather [hbm4b:s1+s20], $0x80, s16, s20, $0xb8;
	[tilespmem:$0x1E800] =	vst v63  }
0x134: {  	_ =	swait.ge [sflag:s28], $0x2000  }
0x135: {  	[sflag:s28] =	ssyncset.done $0x0  }
0x136: {  	s15 =	simm.s32 $0x1500;
	[sflag:s28] =	ssyncadd.s32 $0xFFFFE000  }
0x137: {  	[spmem:s3] =	stream.indirect.scatter.add.f32 [tilespmem:s22], [sflag:$0x7], $0x80, s15, s20, $0xb8;
	[tilespmem:$0x1E800] =	vst v63  }
0x138: {  	_ =	swait.ge [sflag:s30], $0x2000  }
0x139: {  	[sflag:s30] =	ssyncset.done $0x0  }
0x13a: {  	s16 =	simm.s32 $0x200;
	[sflag:s30] =	ssyncadd.s32 $0xFFFFE000  }
0x13b: {  	[tilespmem:s17], [sflag:$0x1] =	stream.indirect.gather [hbm4b:s1+s20], $0x80, s16, s20, $0xb8;
	[tilespmem:$0x1E800] =	vst v63  }
0x13c: {  	_ =	swait.ge [sflag:s0], $0x2000  }
0x13d: {  	[sflag:s0] =	ssyncset.done $0x0  }
0x13e: {  	s15 =	simm.s32 $0x1580;
	[sflag:s0] =	ssyncadd.s32 $0xFFFFE000  }
0x13f: {  	[spmem:s3] =	stream.indirect.scatter.add.f32 [tilespmem:s26], [sflag:$0x8], $0x80, s15, s20, $0xb8;
	[tilespmem:$0x1E800] =	vst v63  }
0x140: {  	_ =	swait.ge [sflag:s9], $0x2000  }
0x141: {  	[sflag:s9] =	ssyncset.done $0x0  }
0x142: {  	s16 =	simm.s32 $0x280;
	[sflag:s9] =	ssyncadd.s32 $0xFFFFE000  }
0x143: {  	[tilespmem:s7], [sflag:$0x2] =	stream.indirect.gather [hbm4b:s1+s20], $0x80, s16, s20, $0xb8;
	[tilespmem:$0x1E800] =	vst v63  }
.LBB2_6:
0x144: {  	_ =	swait.ge [sflag:s8], $0x2000  }
0x145: {  	s5 =	sshra.s32 s14, $0x2;
	[sflag:s8] =	ssyncset.done $0x0  }
0x146: {  	s15 =	sadd.s32 $0x1600, s5;
	[sflag:s8] =	ssyncadd.s32 $0xFFFFE000  }
0x147: {  	[spmem:s3] =	stream.indirect.scatter.add.f32 [tilespmem:s17], [sflag:$0x5], $0x80, s15, s20, $0xb8;
	[tilespmem:$0x1E800] =	vst v63  }
0x148: {  	_ =	swait.ge [sflag:s11], $0x2000  }
0x149: {  	[sflag:s11] =	ssyncset.done $0x0  }
0x14a: {  	s16 =	sadd.s32 $0x300, s5;
	[sflag:s11] =	ssyncadd.s32 $0xFFFFE000  }
0x14b: {  	[tilespmem:s22], [sflag:$0x3] =	stream.indirect.gather [hbm4b:s1+s20], $0x80, s16, s20, $0xb8;
	[tilespmem:$0x1E800] =	vst v63  }
0x14c: {  	_ =	swait.ge [sflag:s23], $0x2000  }
0x14d: {  	[sflag:s23] =	ssyncset.done $0x0  }
0x14e: {  	s16 =	sadd.s32 $0x1680, s5;
	[sflag:s23] =	ssyncadd.s32 $0xFFFFE000  }
0x14f: {  	[spmem:s3] =	stream.indirect.scatter.add.f32 [tilespmem:s7], [sflag:$0x6], $0x80, s16, s20, $0xb8;
	[tilespmem:$0x1E800] =	vst v63  }
0x150: {  	_ =	swait.ge [sflag:s12], $0x2000  }
0x151: {  	[sflag:s12] =	ssyncset.done $0x0  }
0x152: {  	p1 =	seq.s32 s14, $0x4000;
	s16 =	sadd.s32 $0x380, s5;
	[sflag:s12] =	ssyncadd.s32 $0xFFFFE000  }
0x153: {  	[tilespmem:s26], [sflag:$0x4] =	stream.indirect.gather [hbm4b:s1+s20], $0x80, s16, s20, $0xb8;
	[tilespmem:$0x1E800] =	vst v63  }
.Ltmp5:
0x154: {  	_ = 	snop;
	(pc) =	sbr.rel @p1 .LBB2_8-.Ltmp5, $4  }
0x155: {  	_ =	swait.ge [sflag:s28], $0x2000  }
0x156: {  	[sflag:s28] =	ssyncset.done $0x0  }
0x157: {  	s15 =	sadd.s32 $0x1780, s5;
	s16 =	sadd.s32 $0x1700, s5;
	[sflag:s28] =	ssyncadd.s32 $0xFFFFE000  }
0x158: {  	[spmem:s3] =	stream.indirect.scatter.add.f32 [tilespmem:s22], [sflag:$0x7], $0x80, s16, s20, $0xb8;
	[tilespmem:$0x1E800] =	vst v63  }
0x159: {  	_ =	swait.ge [sflag:s30], $0x2000  }
0x15a: {  	[sflag:s30] =	ssyncset.done $0x0  }
0x15b: {  	s16 =	sadd.s32 $0x400, s5;
	[sflag:s30] =	ssyncadd.s32 $0xFFFFE000  }
0x15c: {  	[tilespmem:s17], [sflag:$0x1] =	stream.indirect.gather [hbm4b:s1+s20], $0x80, s16, s20, $0xb8;
	[tilespmem:$0x1E800] =	vst v63  }
0x15d: {  	_ =	swait.ge [sflag:s0], $0x2000  }
0x15e: {  	[sflag:s0] =	ssyncset.done $0x0  }
0x15f: {  	[sflag:s0] =	ssyncadd.s32 $0xFFFFE000  }
0x160: {  	[spmem:s3] =	stream.indirect.scatter.add.f32 [tilespmem:s26], [sflag:$0x8], $0x80, s15, s20, $0xb8;
	[tilespmem:$0x1E800] =	vst v63  }
.Ltmp6:
0x161: {  	_ = 	snop;
	(pc) =	sbr.rel .LBB2_6-.Ltmp6, $4  }
0x162: {  	_ =	swait.ge [sflag:s9], $0x2000  }
0x163: {  	[sflag:s9] =	ssyncset.done $0x0  }
0x164: {  	s14 =	sadd.s32 $0x800, s14;
	s16 =	sadd.s32 $0x480, s5;
	[sflag:s9] =	ssyncadd.s32 $0xFFFFE000  }
0x165: {  	[tilespmem:s7], [sflag:$0x2] =	stream.indirect.gather [hbm4b:s1+s20], $0x80, s16, s20, $0xb8;
	[tilespmem:$0x1E800] =	vst v63  }
.LBB2_8:
0x166: {  	_ =	swait.ge [sflag:s0], $0x2000  }
0x167: {  	[sflag:s0] =	ssyncset.done $0x0  }
0x168: {  	[sflag:s0] =	ssyncadd.s32 $0xFFFFE000  }
0x169: {  	[spmem:s3] =	stream.indirect.scatter.add.f32 [tilespmem:s26], [sflag:$0x8], $0x80, s15, s20, $0xb8;
	[tilespmem:$0x1E800] =	vst v63  }
0x16a: {  	_ =	swait.ge [sflag:s30], $0x2000  }
0x16b: {  	[sflag:s30] =	ssyncset.done $0x0  }
0x16c: {  	[sflag:s30] =	ssyncadd.s32 $0xFFFFE000  }
0x16d: {  	_ =	swait.ge [sflag:s9], $0x2000  }
0x16e: {  	[sflag:s9] =	ssyncset.done $0x0  }
0x16f: {  	[sflag:s9] =	ssyncadd.s32 $0xFFFFE000  }
0x170: {  	_ =	swait.ge [sflag:s11], $0x2000  }
0x171: {  	[sflag:s11] =	ssyncset.done $0x0  }
0x172: {  	[sflag:s11] =	ssyncadd.s32 $0xFFFFE000  }
0x173: {  	_ =	swait.ge [sflag:s12], $0x2000  }
0x174: {  	[sflag:s12] =	ssyncset.done $0x0  }
0x175: {  	s14 =	simm.s32 $0x0;
	s5 =	rddreg [dreg:$0x9];
	[sflag:s12] =	ssyncadd.s32 $0xFFFFE000  }
0x176: {  	[tilespmem:s14], [sflag:$0x9] =	stream.linear.gather [hbm4b:s5+s14], $0x1400, $0x38;
	[tilespmem:$0x1E800] =	vst v63  }
0x177: {  	_ =	swait.ge [sflag:s18], $0x1400  }
0x178: {  	[sflag:s18] =	ssyncset.done $0x0  }
0x179: {  	s15 =	rddreg [dreg:$0xa];
	[sflag:s18] =	ssyncadd.s32 $0xFFFFEC00  }
0x17a: {  	[tilespmem:s19], [sflag:$0x9] =	stream.linear.gather [hbm4b:s15+s14], $0x1400, $0x38;
	[tilespmem:$0x1E800] =	vst v63  }
0x17b: {  	_ =	swait.ge [sflag:s18], $0x1400  }
0x17c: {  	[sflag:s18] =	ssyncset.done $0x0  }
0x17d: {  	[sflag:s18] =	ssyncadd.s32 $0xFFFFEC00  }
0x17e: {  	[tilespmem:s17], [sflag:$0x1] =	stream.indirect.gather [hbm4b:s1+s20], $0x80, s14, s20, $0xb8;
	[tilespmem:$0x1E800] =	vst v63  }
0x17f: {  	_ = 	snop  }
0x180: {  	[tilespmem:s7], [sflag:$0x2] =	stream.indirect.gather [hbm4b:s1+s20], $0x80, s2, s20, $0xb8;
	[tilespmem:$0x1E800] =	vst v63  }
0x181: {  	_ =	swait.ge [sflag:s8], $0x2000  }
0x182: {  	[sflag:s8] =	ssyncset.done $0x0  }
0x183: {  	[sflag:s8] =	ssyncadd.s32 $0xFFFFE000  }
0x184: {  	[spmem:s3] =	stream.indirect.scatter.add.f32 [tilespmem:s17], [sflag:$0x5], $0x80, s19, s20, $0xb8;
	[tilespmem:$0x1E800] =	vst v63  }
0x185: {  	_ = 	snop  }
0x186: {  	[tilespmem:s22], [sflag:$0x3] =	stream.indirect.gather [hbm4b:s1+s20], $0x80, s21, s20, $0xb8;
	[tilespmem:$0x1E800] =	vst v63  }
0x187: {  	_ =	swait.ge [sflag:s23], $0x2000  }
0x188: {  	[sflag:s23] =	ssyncset.done $0x0  }
0x189: {  	[sflag:s23] =	ssyncadd.s32 $0xFFFFE000  }
0x18a: {  	[spmem:s3] =	stream.indirect.scatter.add.f32 [tilespmem:s7], [sflag:$0x6], $0x80, s31, s20, $0xb8;
	[tilespmem:$0x1E800] =	vst v63  }
0x18b: {  	s16 =	simm.s32 $0x180  }
0x18c: {  	[tilespmem:s26], [sflag:$0x4] =	stream.indirect.gather [hbm4b:s1+s20], $0x80, s16, s20, $0xb8;
	[tilespmem:$0x1E800] =	vst v63  }
0x18d: {  	_ =	swait.ge [sflag:s28], $0x2000  }
0x18e: {  	[sflag:s28] =	ssyncset.done $0x0  }
0x18f: {  	s15 =	simm.s32 $0x1500;
	[sflag:s28] =	ssyncadd.s32 $0xFFFFE000  }
0x190: {  	[spmem:s3] =	stream.indirect.scatter.add.f32 [tilespmem:s22], [sflag:$0x7], $0x80, s15, s20, $0xb8;
	[tilespmem:$0x1E800] =	vst v63  }
0x191: {  	_ =	swait.ge [sflag:s30], $0x2000  }
0x192: {  	[sflag:s30] =	ssyncset.done $0x0  }
0x193: {  	s16 =	simm.s32 $0x200;
	[sflag:s30] =	ssyncadd.s32 $0xFFFFE000  }
0x194: {  	[tilespmem:s17], [sflag:$0x1] =	stream.indirect.gather [hbm4b:s1+s20], $0x80, s16, s20, $0xb8;
	[tilespmem:$0x1E800] =	vst v63  }
0x195: {  	_ =	swait.ge [sflag:s0], $0x2000  }
0x196: {  	[sflag:s0] =	ssyncset.done $0x0  }
0x197: {  	s15 =	simm.s32 $0x1580;
	[sflag:s0] =	ssyncadd.s32 $0xFFFFE000  }
0x198: {  	[spmem:s3] =	stream.indirect.scatter.add.f32 [tilespmem:s26], [sflag:$0x8], $0x80, s15, s20, $0xb8;
	[tilespmem:$0x1E800] =	vst v63  }
0x199: {  	_ =	swait.ge [sflag:s9], $0x2000  }
0x19a: {  	[sflag:s9] =	ssyncset.done $0x0  }
0x19b: {  	s16 =	simm.s32 $0x280;
	[sflag:s9] =	ssyncadd.s32 $0xFFFFE000  }
0x19c: {  	[tilespmem:s7], [sflag:$0x2] =	stream.indirect.gather [hbm4b:s1+s20], $0x80, s16, s20, $0xb8;
	[tilespmem:$0x1E800] =	vst v63  }
.LBB2_9:
0x19d: {  	_ =	swait.ge [sflag:s8], $0x2000  }
0x19e: {  	s5 =	sshra.s32 s14, $0x2;
	[sflag:s8] =	ssyncset.done $0x0  }
0x19f: {  	s15 =	sadd.s32 $0x1600, s5;
	[sflag:s8] =	ssyncadd.s32 $0xFFFFE000  }
0x1a0: {  	[spmem:s3] =	stream.indirect.scatter.add.f32 [tilespmem:s17], [sflag:$0x5], $0x80, s15, s20, $0xb8;
	[tilespmem:$0x1E800] =	vst v63  }
0x1a1: {  	_ =	swait.ge [sflag:s11], $0x2000  }
0x1a2: {  	[sflag:s11] =	ssyncset.done $0x0  }
0x1a3: {  	s16 =	sadd.s32 $0x300, s5;
	[sflag:s11] =	ssyncadd.s32 $0xFFFFE000  }
0x1a4: {  	[tilespmem:s22], [sflag:$0x3] =	stream.indirect.gather [hbm4b:s1+s20], $0x80, s16, s20, $0xb8;
	[tilespmem:$0x1E800] =	vst v63  }
0x1a5: {  	_ =	swait.ge [sflag:s23], $0x2000  }
0x1a6: {  	[sflag:s23] =	ssyncset.done $0x0  }
0x1a7: {  	s16 =	sadd.s32 $0x1680, s5;
	[sflag:s23] =	ssyncadd.s32 $0xFFFFE000  }
0x1a8: {  	[spmem:s3] =	stream.indirect.scatter.add.f32 [tilespmem:s7], [sflag:$0x6], $0x80, s16, s20, $0xb8;
	[tilespmem:$0x1E800] =	vst v63  }
0x1a9: {  	_ =	swait.ge [sflag:s12], $0x2000  }
0x1aa: {  	[sflag:s12] =	ssyncset.done $0x0  }
0x1ab: {  	p1 =	seq.s32 s14, $0x4000;
	s16 =	sadd.s32 $0x380, s5;
	[sflag:s12] =	ssyncadd.s32 $0xFFFFE000  }
0x1ac: {  	[tilespmem:s26], [sflag:$0x4] =	stream.indirect.gather [hbm4b:s1+s20], $0x80, s16, s20, $0xb8;
	[tilespmem:$0x1E800] =	vst v63  }
.Ltmp7:
0x1ad: {  	_ = 	snop;
	(pc) =	sbr.rel @p1 .LBB2_11-.Ltmp7, $4  }
0x1ae: {  	_ =	swait.ge [sflag:s28], $0x2000  }
0x1af: {  	[sflag:s28] =	ssyncset.done $0x0  }
0x1b0: {  	s15 =	sadd.s32 $0x1780, s5;
	s16 =	sadd.s32 $0x1700, s5;
	[sflag:s28] =	ssyncadd.s32 $0xFFFFE000  }
0x1b1: {  	[spmem:s3] =	stream.indirect.scatter.add.f32 [tilespmem:s22], [sflag:$0x7], $0x80, s16, s20, $0xb8;
	[tilespmem:$0x1E800] =	vst v63  }
0x1b2: {  	_ =	swait.ge [sflag:s30], $0x2000  }
0x1b3: {  	[sflag:s30] =	ssyncset.done $0x0  }
0x1b4: {  	s16 =	sadd.s32 $0x400, s5;
	[sflag:s30] =	ssyncadd.s32 $0xFFFFE000  }
0x1b5: {  	[tilespmem:s17], [sflag:$0x1] =	stream.indirect.gather [hbm4b:s1+s20], $0x80, s16, s20, $0xb8;
	[tilespmem:$0x1E800] =	vst v63  }
0x1b6: {  	_ =	swait.ge [sflag:s0], $0x2000  }
0x1b7: {  	[sflag:s0] =	ssyncset.done $0x0  }
0x1b8: {  	[sflag:s0] =	ssyncadd.s32 $0xFFFFE000  }
0x1b9: {  	[spmem:s3] =	stream.indirect.scatter.add.f32 [tilespmem:s26], [sflag:$0x8], $0x80, s15, s20, $0xb8;
	[tilespmem:$0x1E800] =	vst v63  }
.Ltmp8:
0x1ba: {  	_ = 	snop;
	(pc) =	sbr.rel .LBB2_9-.Ltmp8, $4  }
0x1bb: {  	_ =	swait.ge [sflag:s9], $0x2000  }
0x1bc: {  	[sflag:s9] =	ssyncset.done $0x0  }
0x1bd: {  	s14 =	sadd.s32 $0x800, s14;
	s16 =	sadd.s32 $0x480, s5;
	[sflag:s9] =	ssyncadd.s32 $0xFFFFE000  }
0x1be: {  	[tilespmem:s7], [sflag:$0x2] =	stream.indirect.gather [hbm4b:s1+s20], $0x80, s16, s20, $0xb8;
	[tilespmem:$0x1E800] =	vst v63  }
.LBB2_11:
0x1bf: {  	_ =	swait.ge [sflag:s0], $0x2000  }
0x1c0: {  	[sflag:s0] =	ssyncset.done $0x0  }
0x1c1: {  	[sflag:s0] =	ssyncadd.s32 $0xFFFFE000  }
0x1c2: {  	[spmem:s3] =	stream.indirect.scatter.add.f32 [tilespmem:s26], [sflag:$0x8], $0x80, s15, s20, $0xb8;
	[tilespmem:$0x1E800] =	vst v63  }
0x1c3: {  	_ =	swait.ge [sflag:s30], $0x2000  }
0x1c4: {  	[sflag:s30] =	ssyncset.done $0x0  }
0x1c5: {  	[sflag:s30] =	ssyncadd.s32 $0xFFFFE000  }
0x1c6: {  	_ =	swait.ge [sflag:s9], $0x2000  }
0x1c7: {  	[sflag:s9] =	ssyncset.done $0x0  }
0x1c8: {  	[sflag:s9] =	ssyncadd.s32 $0xFFFFE000  }
0x1c9: {  	_ =	swait.ge [sflag:s11], $0x2000  }
0x1ca: {  	[sflag:s11] =	ssyncset.done $0x0  }
0x1cb: {  	[sflag:s11] =	ssyncadd.s32 $0xFFFFE000  }
0x1cc: {  	_ =	swait.ge [sflag:s12], $0x2000  }
0x1cd: {  	[sflag:s12] =	ssyncset.done $0x0  }
0x1ce: {  	s14 =	simm.s32 $0x0;
	s5 =	rddreg [dreg:$0xb];
	[sflag:s12] =	ssyncadd.s32 $0xFFFFE000  }
0x1cf: {  	[tilespmem:s14], [sflag:$0x9] =	stream.linear.gather [hbm4b:s5+s14], $0x1400, $0x38;
	[tilespmem:$0x1E800] =	vst v63  }
0x1d0: {  	_ =	swait.ge [sflag:s18], $0x1400  }
0x1d1: {  	[sflag:s18] =	ssyncset.done $0x0  }
0x1d2: {  	s15 =	rddreg [dreg:$0xc];
	[sflag:s18] =	ssyncadd.s32 $0xFFFFEC00  }
0x1d3: {  	[tilespmem:s19], [sflag:$0x9] =	stream.linear.gather [hbm4b:s15+s14], $0x1400, $0x38;
	[tilespmem:$0x1E800] =	vst v63  }
0x1d4: {  	_ =	swait.ge [sflag:s18], $0x1400  }
0x1d5: {  	[sflag:s18] =	ssyncset.done $0x0  }
0x1d6: {  	[sflag:s18] =	ssyncadd.s32 $0xFFFFEC00  }
0x1d7: {  	[tilespmem:s17], [sflag:$0x1] =	stream.indirect.gather [hbm4b:s1+s20], $0x80, s14, s20, $0xb8;
	[tilespmem:$0x1E800] =	vst v63  }
0x1d8: {  	_ = 	snop  }
0x1d9: {  	[tilespmem:s7], [sflag:$0x2] =	stream.indirect.gather [hbm4b:s1+s20], $0x80, s2, s20, $0xb8;
	[tilespmem:$0x1E800] =	vst v63  }
0x1da: {  	_ =	swait.ge [sflag:s8], $0x2000  }
0x1db: {  	[sflag:s8] =	ssyncset.done $0x0  }
0x1dc: {  	[sflag:s8] =	ssyncadd.s32 $0xFFFFE000  }
0x1dd: {  	[spmem:s3] =	stream.indirect.scatter.add.f32 [tilespmem:s17], [sflag:$0x5], $0x80, s19, s20, $0xb8;
	[tilespmem:$0x1E800] =	vst v63  }
0x1de: {  	_ = 	snop  }
0x1df: {  	[tilespmem:s22], [sflag:$0x3] =	stream.indirect.gather [hbm4b:s1+s20], $0x80, s21, s20, $0xb8;
	[tilespmem:$0x1E800] =	vst v63  }
0x1e0: {  	_ =	swait.ge [sflag:s23], $0x2000  }
0x1e1: {  	[sflag:s23] =	ssyncset.done $0x0  }
0x1e2: {  	[sflag:s23] =	ssyncadd.s32 $0xFFFFE000  }
0x1e3: {  	[spmem:s3] =	stream.indirect.scatter.add.f32 [tilespmem:s7], [sflag:$0x6], $0x80, s31, s20, $0xb8;
	[tilespmem:$0x1E800] =	vst v63  }
0x1e4: {  	s16 =	simm.s32 $0x180  }
0x1e5: {  	[tilespmem:s26], [sflag:$0x4] =	stream.indirect.gather [hbm4b:s1+s20], $0x80, s16, s20, $0xb8;
	[tilespmem:$0x1E800] =	vst v63  }
0x1e6: {  	_ =	swait.ge [sflag:s28], $0x2000  }
0x1e7: {  	[sflag:s28] =	ssyncset.done $0x0  }
0x1e8: {  	s15 =	simm.s32 $0x1500;
	[sflag:s28] =	ssyncadd.s32 $0xFFFFE000  }
0x1e9: {  	[spmem:s3] =	stream.indirect.scatter.add.f32 [tilespmem:s22], [sflag:$0x7], $0x80, s15, s20, $0xb8;
	[tilespmem:$0x1E800] =	vst v63  }
0x1ea: {  	_ =	swait.ge [sflag:s30], $0x2000  }
0x1eb: {  	[sflag:s30] =	ssyncset.done $0x0  }
0x1ec: {  	s16 =	simm.s32 $0x200;
	[sflag:s30] =	ssyncadd.s32 $0xFFFFE000  }
0x1ed: {  	[tilespmem:s17], [sflag:$0x1] =	stream.indirect.gather [hbm4b:s1+s20], $0x80, s16, s20, $0xb8;
	[tilespmem:$0x1E800] =	vst v63  }
0x1ee: {  	_ =	swait.ge [sflag:s0], $0x2000  }
0x1ef: {  	[sflag:s0] =	ssyncset.done $0x0  }
0x1f0: {  	s15 =	simm.s32 $0x1580;
	[sflag:s0] =	ssyncadd.s32 $0xFFFFE000  }
0x1f1: {  	[spmem:s3] =	stream.indirect.scatter.add.f32 [tilespmem:s26], [sflag:$0x8], $0x80, s15, s20, $0xb8;
	[tilespmem:$0x1E800] =	vst v63  }
0x1f2: {  	_ =	swait.ge [sflag:s9], $0x2000  }
0x1f3: {  	[sflag:s9] =	ssyncset.done $0x0  }
0x1f4: {  	s16 =	simm.s32 $0x280;
	[sflag:s9] =	ssyncadd.s32 $0xFFFFE000  }
0x1f5: {  	[tilespmem:s7], [sflag:$0x2] =	stream.indirect.gather [hbm4b:s1+s20], $0x80, s16, s20, $0xb8;
	[tilespmem:$0x1E800] =	vst v63  }
.LBB2_12:
0x1f6: {  	_ =	swait.ge [sflag:s8], $0x2000  }
0x1f7: {  	s5 =	sshra.s32 s14, $0x2;
	[sflag:s8] =	ssyncset.done $0x0  }
0x1f8: {  	s15 =	sadd.s32 $0x1600, s5;
	[sflag:s8] =	ssyncadd.s32 $0xFFFFE000  }
0x1f9: {  	[spmem:s3] =	stream.indirect.scatter.add.f32 [tilespmem:s17], [sflag:$0x5], $0x80, s15, s20, $0xb8;
	[tilespmem:$0x1E800] =	vst v63  }
0x1fa: {  	_ =	swait.ge [sflag:s11], $0x2000  }
0x1fb: {  	[sflag:s11] =	ssyncset.done $0x0  }
0x1fc: {  	s16 =	sadd.s32 $0x300, s5;
	[sflag:s11] =	ssyncadd.s32 $0xFFFFE000  }
0x1fd: {  	[tilespmem:s22], [sflag:$0x3] =	stream.indirect.gather [hbm4b:s1+s20], $0x80, s16, s20, $0xb8;
	[tilespmem:$0x1E800] =	vst v63  }
0x1fe: {  	_ =	swait.ge [sflag:s23], $0x2000  }
0x1ff: {  	[sflag:s23] =	ssyncset.done $0x0  }
0x200: {  	s16 =	sadd.s32 $0x1680, s5;
	[sflag:s23] =	ssyncadd.s32 $0xFFFFE000  }
0x201: {  	[spmem:s3] =	stream.indirect.scatter.add.f32 [tilespmem:s7], [sflag:$0x6], $0x80, s16, s20, $0xb8;
	[tilespmem:$0x1E800] =	vst v63  }
0x202: {  	_ =	swait.ge [sflag:s12], $0x2000  }
0x203: {  	[sflag:s12] =	ssyncset.done $0x0  }
0x204: {  	p1 =	seq.s32 s14, $0x4000;
	s16 =	sadd.s32 $0x380, s5;
	[sflag:s12] =	ssyncadd.s32 $0xFFFFE000  }
0x205: {  	[tilespmem:s26], [sflag:$0x4] =	stream.indirect.gather [hbm4b:s1+s20], $0x80, s16, s20, $0xb8;
	[tilespmem:$0x1E800] =	vst v63  }
.Ltmp9:
0x206: {  	_ = 	snop;
	(pc) =	sbr.rel @p1 .LBB2_14-.Ltmp9, $4  }
0x207: {  	_ =	swait.ge [sflag:s28], $0x2000  }
0x208: {  	[sflag:s28] =	ssyncset.done $0x0  }
0x209: {  	s15 =	sadd.s32 $0x1780, s5;
	s16 =	sadd.s32 $0x1700, s5;
	[sflag:s28] =	ssyncadd.s32 $0xFFFFE000  }
0x20a: {  	[spmem:s3] =	stream.indirect.scatter.add.f32 [tilespmem:s22], [sflag:$0x7], $0x80, s16, s20, $0xb8;
	[tilespmem:$0x1E800] =	vst v63  }
0x20b: {  	_ =	swait.ge [sflag:s30], $0x2000  }
0x20c: {  	[sflag:s30] =	ssyncset.done $0x0  }
0x20d: {  	s16 =	sadd.s32 $0x400, s5;
	[sflag:s30] =	ssyncadd.s32 $0xFFFFE000  }
0x20e: {  	[tilespmem:s17], [sflag:$0x1] =	stream.indirect.gather [hbm4b:s1+s20], $0x80, s16, s20, $0xb8;
	[tilespmem:$0x1E800] =	vst v63  }
0x20f: {  	_ =	swait.ge [sflag:s0], $0x2000  }
0x210: {  	[sflag:s0] =	ssyncset.done $0x0  }
0x211: {  	[sflag:s0] =	ssyncadd.s32 $0xFFFFE000  }
0x212: {  	[spmem:s3] =	stream.indirect.scatter.add.f32 [tilespmem:s26], [sflag:$0x8], $0x80, s15, s20, $0xb8;
	[tilespmem:$0x1E800] =	vst v63  }
.Ltmp10:
0x213: {  	_ = 	snop;
	(pc) =	sbr.rel .LBB2_12-.Ltmp10, $4  }
0x214: {  	_ =	swait.ge [sflag:s9], $0x2000  }
0x215: {  	[sflag:s9] =	ssyncset.done $0x0  }
0x216: {  	s14 =	sadd.s32 $0x800, s14;
	s16 =	sadd.s32 $0x480, s5;
	[sflag:s9] =	ssyncadd.s32 $0xFFFFE000  }
0x217: {  	[tilespmem:s7], [sflag:$0x2] =	stream.indirect.gather [hbm4b:s1+s20], $0x80, s16, s20, $0xb8;
	[tilespmem:$0x1E800] =	vst v63  }
.LBB2_14:
0x218: {  	_ =	swait.ge [sflag:s0], $0x2000  }
0x219: {  	[sflag:s0] =	ssyncset.done $0x0  }
0x21a: {  	[sflag:s0] =	ssyncadd.s32 $0xFFFFE000  }
0x21b: {  	[spmem:s3] =	stream.indirect.scatter.add.f32 [tilespmem:s26], [sflag:$0x8], $0x80, s15, s20, $0xb8;
	[tilespmem:$0x1E800] =	vst v63  }
0x21c: {  	_ =	swait.ge [sflag:s30], $0x2000  }
0x21d: {  	[sflag:s30] =	ssyncset.done $0x0  }
0x21e: {  	[sflag:s30] =	ssyncadd.s32 $0xFFFFE000  }
0x21f: {  	_ =	swait.ge [sflag:s9], $0x2000  }
0x220: {  	[sflag:s9] =	ssyncset.done $0x0  }
0x221: {  	[sflag:s9] =	ssyncadd.s32 $0xFFFFE000  }
0x222: {  	_ =	swait.ge [sflag:s11], $0x2000  }
0x223: {  	[sflag:s11] =	ssyncset.done $0x0  }
0x224: {  	[sflag:s11] =	ssyncadd.s32 $0xFFFFE000  }
0x225: {  	_ =	swait.ge [sflag:s12], $0x2000  }
0x226: {  	[sflag:s12] =	ssyncset.done $0x0  }
0x227: {  	s14 =	simm.s32 $0x0;
	s5 =	rddreg [dreg:$0xd];
	[sflag:s12] =	ssyncadd.s32 $0xFFFFE000  }
0x228: {  	[tilespmem:s14], [sflag:$0x9] =	stream.linear.gather [hbm4b:s5+s14], $0x1400, $0x38;
	[tilespmem:$0x1E800] =	vst v63  }
0x229: {  	_ =	swait.ge [sflag:s18], $0x1400  }
0x22a: {  	[sflag:s18] =	ssyncset.done $0x0  }
0x22b: {  	s15 =	rddreg [dreg:$0xe];
	[sflag:s18] =	ssyncadd.s32 $0xFFFFEC00  }
0x22c: {  	[tilespmem:s19], [sflag:$0x9] =	stream.linear.gather [hbm4b:s15+s14], $0x1400, $0x38;
	[tilespmem:$0x1E800] =	vst v63  }
0x22d: {  	_ =	swait.ge [sflag:s18], $0x1400  }
0x22e: {  	[sflag:s18] =	ssyncset.done $0x0  }
0x22f: {  	[sflag:s18] =	ssyncadd.s32 $0xFFFFEC00  }
0x230: {  	[tilespmem:s17], [sflag:$0x1] =	stream.indirect.gather [hbm4b:s1+s20], $0x80, s14, s20, $0xb8;
	[tilespmem:$0x1E800] =	vst v63  }
0x231: {  	_ = 	snop  }
0x232: {  	[tilespmem:s7], [sflag:$0x2] =	stream.indirect.gather [hbm4b:s1+s20], $0x80, s2, s20, $0xb8;
	[tilespmem:$0x1E800] =	vst v63  }
0x233: {  	_ =	swait.ge [sflag:s8], $0x2000  }
0x234: {  	[sflag:s8] =	ssyncset.done $0x0  }
0x235: {  	[sflag:s8] =	ssyncadd.s32 $0xFFFFE000  }
0x236: {  	[spmem:s3] =	stream.indirect.scatter.add.f32 [tilespmem:s17], [sflag:$0x5], $0x80, s19, s20, $0xb8;
	[tilespmem:$0x1E800] =	vst v63  }
0x237: {  	_ = 	snop  }
0x238: {  	[tilespmem:s22], [sflag:$0x3] =	stream.indirect.gather [hbm4b:s1+s20], $0x80, s21, s20, $0xb8;
	[tilespmem:$0x1E800] =	vst v63  }
0x239: {  	_ =	swait.ge [sflag:s23], $0x2000  }
0x23a: {  	[sflag:s23] =	ssyncset.done $0x0  }
0x23b: {  	[sflag:s23] =	ssyncadd.s32 $0xFFFFE000  }
0x23c: {  	[spmem:s3] =	stream.indirect.scatter.add.f32 [tilespmem:s7], [sflag:$0x6], $0x80, s31, s20, $0xb8;
	[tilespmem:$0x1E800] =	vst v63  }
0x23d: {  	s16 =	simm.s32 $0x180  }
0x23e: {  	[tilespmem:s26], [sflag:$0x4] =	stream.indirect.gather [hbm4b:s1+s20], $0x80, s16, s20, $0xb8;
	[tilespmem:$0x1E800] =	vst v63  }
0x23f: {  	_ =	swait.ge [sflag:s28], $0x2000  }
0x240: {  	[sflag:s28] =	ssyncset.done $0x0  }
0x241: {  	s15 =	simm.s32 $0x1500;
	[sflag:s28] =	ssyncadd.s32 $0xFFFFE000  }
0x242: {  	[spmem:s3] =	stream.indirect.scatter.add.f32 [tilespmem:s22], [sflag:$0x7], $0x80, s15, s20, $0xb8;
	[tilespmem:$0x1E800] =	vst v63  }
0x243: {  	_ =	swait.ge [sflag:s30], $0x2000  }
0x244: {  	[sflag:s30] =	ssyncset.done $0x0  }
0x245: {  	s16 =	simm.s32 $0x200;
	[sflag:s30] =	ssyncadd.s32 $0xFFFFE000  }
0x246: {  	[tilespmem:s17], [sflag:$0x1] =	stream.indirect.gather [hbm4b:s1+s20], $0x80, s16, s20, $0xb8;
	[tilespmem:$0x1E800] =	vst v63  }
0x247: {  	_ =	swait.ge [sflag:s0], $0x2000  }
0x248: {  	[sflag:s0] =	ssyncset.done $0x0  }
0x249: {  	s15 =	simm.s32 $0x1580;
	[sflag:s0] =	ssyncadd.s32 $0xFFFFE000  }
0x24a: {  	[spmem:s3] =	stream.indirect.scatter.add.f32 [tilespmem:s26], [sflag:$0x8], $0x80, s15, s20, $0xb8;
	[tilespmem:$0x1E800] =	vst v63  }
0x24b: {  	_ =	swait.ge [sflag:s9], $0x2000  }
0x24c: {  	[sflag:s9] =	ssyncset.done $0x0  }
0x24d: {  	s16 =	simm.s32 $0x280;
	[sflag:s9] =	ssyncadd.s32 $0xFFFFE000  }
0x24e: {  	[tilespmem:s7], [sflag:$0x2] =	stream.indirect.gather [hbm4b:s1+s20], $0x80, s16, s20, $0xb8;
	[tilespmem:$0x1E800] =	vst v63  }
.LBB2_15:
0x24f: {  	_ =	swait.ge [sflag:s8], $0x2000  }
0x250: {  	s5 =	sshra.s32 s14, $0x2;
	[sflag:s8] =	ssyncset.done $0x0  }
0x251: {  	s15 =	sadd.s32 $0x1600, s5;
	[sflag:s8] =	ssyncadd.s32 $0xFFFFE000  }
0x252: {  	[spmem:s3] =	stream.indirect.scatter.add.f32 [tilespmem:s17], [sflag:$0x5], $0x80, s15, s20, $0xb8;
	[tilespmem:$0x1E800] =	vst v63  }
0x253: {  	_ =	swait.ge [sflag:s11], $0x2000  }
0x254: {  	[sflag:s11] =	ssyncset.done $0x0  }
0x255: {  	s16 =	sadd.s32 $0x300, s5;
	[sflag:s11] =	ssyncadd.s32 $0xFFFFE000  }
0x256: {  	[tilespmem:s22], [sflag:$0x3] =	stream.indirect.gather [hbm4b:s1+s20], $0x80, s16, s20, $0xb8;
	[tilespmem:$0x1E800] =	vst v63  }
0x257: {  	_ =	swait.ge [sflag:s23], $0x2000  }
0x258: {  	[sflag:s23] =	ssyncset.done $0x0  }
0x259: {  	s16 =	sadd.s32 $0x1680, s5;
	[sflag:s23] =	ssyncadd.s32 $0xFFFFE000  }
0x25a: {  	[spmem:s3] =	stream.indirect.scatter.add.f32 [tilespmem:s7], [sflag:$0x6], $0x80, s16, s20, $0xb8;
	[tilespmem:$0x1E800] =	vst v63  }
0x25b: {  	_ =	swait.ge [sflag:s12], $0x2000  }
0x25c: {  	[sflag:s12] =	ssyncset.done $0x0  }
0x25d: {  	p1 =	seq.s32 s14, $0x4000;
	s16 =	sadd.s32 $0x380, s5;
	[sflag:s12] =	ssyncadd.s32 $0xFFFFE000  }
0x25e: {  	[tilespmem:s26], [sflag:$0x4] =	stream.indirect.gather [hbm4b:s1+s20], $0x80, s16, s20, $0xb8;
	[tilespmem:$0x1E800] =	vst v63  }
.Ltmp11:
0x25f: {  	_ = 	snop;
	(pc) =	sbr.rel @p1 .LBB2_17-.Ltmp11, $4  }
0x260: {  	_ =	swait.ge [sflag:s28], $0x2000  }
0x261: {  	[sflag:s28] =	ssyncset.done $0x0  }
0x262: {  	s15 =	sadd.s32 $0x1780, s5;
	s16 =	sadd.s32 $0x1700, s5;
	[sflag:s28] =	ssyncadd.s32 $0xFFFFE000  }
0x263: {  	[spmem:s3] =	stream.indirect.scatter.add.f32 [tilespmem:s22], [sflag:$0x7], $0x80, s16, s20, $0xb8;
	[tilespmem:$0x1E800] =	vst v63  }
0x264: {  	_ =	swait.ge [sflag:s30], $0x2000  }
0x265: {  	[sflag:s30] =	ssyncset.done $0x0  }
0x266: {  	s16 =	sadd.s32 $0x400, s5;
	[sflag:s30] =	ssyncadd.s32 $0xFFFFE000  }
0x267: {  	[tilespmem:s17], [sflag:$0x1] =	stream.indirect.gather [hbm4b:s1+s20], $0x80, s16, s20, $0xb8;
	[tilespmem:$0x1E800] =	vst v63  }
0x268: {  	_ =	swait.ge [sflag:s0], $0x2000  }
0x269: {  	[sflag:s0] =	ssyncset.done $0x0  }
0x26a: {  	[sflag:s0] =	ssyncadd.s32 $0xFFFFE000  }
0x26b: {  	[spmem:s3] =	stream.indirect.scatter.add.f32 [tilespmem:s26], [sflag:$0x8], $0x80, s15, s20, $0xb8;
	[tilespmem:$0x1E800] =	vst v63  }
.Ltmp12:
0x26c: {  	_ = 	snop;
	(pc) =	sbr.rel .LBB2_15-.Ltmp12, $4  }
0x26d: {  	_ =	swait.ge [sflag:s9], $0x2000  }
0x26e: {  	[sflag:s9] =	ssyncset.done $0x0  }
0x26f: {  	s14 =	sadd.s32 $0x800, s14;
	s16 =	sadd.s32 $0x480, s5;
	[sflag:s9] =	ssyncadd.s32 $0xFFFFE000  }
0x270: {  	[tilespmem:s7], [sflag:$0x2] =	stream.indirect.gather [hbm4b:s1+s20], $0x80, s16, s20, $0xb8;
	[tilespmem:$0x1E800] =	vst v63  }
.LBB2_17:
0x271: {  	_ =	swait.ge [sflag:s0], $0x2000  }
0x272: {  	[sflag:s0] =	ssyncset.done $0x0  }
0x273: {  	[sflag:s0] =	ssyncadd.s32 $0xFFFFE000  }
0x274: {  	[spmem:s3] =	stream.indirect.scatter.add.f32 [tilespmem:s26], [sflag:$0x8], $0x80, s15, s20, $0xb8;
	[tilespmem:$0x1E800] =	vst v63  }
0x275: {  	_ =	swait.ge [sflag:s30], $0x2000  }
0x276: {  	[sflag:s30] =	ssyncset.done $0x0  }
0x277: {  	[sflag:s30] =	ssyncadd.s32 $0xFFFFE000  }
0x278: {  	_ =	swait.ge [sflag:s9], $0x2000  }
0x279: {  	[sflag:s9] =	ssyncset.done $0x0  }
0x27a: {  	[sflag:s9] =	ssyncadd.s32 $0xFFFFE000  }
0x27b: {  	_ =	swait.ge [sflag:s11], $0x2000  }
0x27c: {  	[sflag:s11] =	ssyncset.done $0x0  }
0x27d: {  	[sflag:s11] =	ssyncadd.s32 $0xFFFFE000  }
0x27e: {  	_ =	swait.ge [sflag:s12], $0x2000  }
0x27f: {  	[sflag:s12] =	ssyncset.done $0x0  }
0x280: {  	s14 =	simm.s32 $0x0;
	s5 =	rddreg [dreg:$0xf];
	[sflag:s12] =	ssyncadd.s32 $0xFFFFE000  }
0x281: {  	[tilespmem:s14], [sflag:$0x9] =	stream.linear.gather [hbm4b:s5+s14], $0x1400, $0x38;
	[tilespmem:$0x1E800] =	vst v63  }
0x282: {  	_ =	swait.ge [sflag:s18], $0x1400  }
0x283: {  	[sflag:s18] =	ssyncset.done $0x0  }
0x284: {  	s15 =	rddreg [dreg:$0x10];
	[sflag:s18] =	ssyncadd.s32 $0xFFFFEC00  }
0x285: {  	[tilespmem:s19], [sflag:$0x9] =	stream.linear.gather [hbm4b:s15+s14], $0x1400, $0x38;
	[tilespmem:$0x1E800] =	vst v63  }
0x286: {  	_ =	swait.ge [sflag:s18], $0x1400  }
0x287: {  	[sflag:s18] =	ssyncset.done $0x0  }
0x288: {  	[sflag:s18] =	ssyncadd.s32 $0xFFFFEC00  }
0x289: {  	[tilespmem:s17], [sflag:$0x1] =	stream.indirect.gather [hbm4b:s1+s20], $0x80, s14, s20, $0xb8;
	[tilespmem:$0x1E800] =	vst v63  }
0x28a: {  	_ = 	snop  }
0x28b: {  	[tilespmem:s7], [sflag:$0x2] =	stream.indirect.gather [hbm4b:s1+s20], $0x80, s2, s20, $0xb8;
	[tilespmem:$0x1E800] =	vst v63  }
0x28c: {  	_ =	swait.ge [sflag:s8], $0x2000  }
0x28d: {  	[sflag:s8] =	ssyncset.done $0x0  }
0x28e: {  	[sflag:s8] =	ssyncadd.s32 $0xFFFFE000  }
0x28f: {  	[spmem:s3] =	stream.indirect.scatter.add.f32 [tilespmem:s17], [sflag:$0x5], $0x80, s19, s20, $0xb8;
	[tilespmem:$0x1E800] =	vst v63  }
0x290: {  	_ = 	snop  }
0x291: {  	[tilespmem:s22], [sflag:$0x3] =	stream.indirect.gather [hbm4b:s1+s20], $0x80, s21, s20, $0xb8;
	[tilespmem:$0x1E800] =	vst v63  }
0x292: {  	_ =	swait.ge [sflag:s23], $0x2000  }
0x293: {  	[sflag:s23] =	ssyncset.done $0x0  }
0x294: {  	[sflag:s23] =	ssyncadd.s32 $0xFFFFE000  }
0x295: {  	[spmem:s3] =	stream.indirect.scatter.add.f32 [tilespmem:s7], [sflag:$0x6], $0x80, s31, s20, $0xb8;
	[tilespmem:$0x1E800] =	vst v63  }
0x296: {  	s16 =	simm.s32 $0x180  }
0x297: {  	[tilespmem:s26], [sflag:$0x4] =	stream.indirect.gather [hbm4b:s1+s20], $0x80, s16, s20, $0xb8;
	[tilespmem:$0x1E800] =	vst v63  }
0x298: {  	_ =	swait.ge [sflag:s28], $0x2000  }
0x299: {  	[sflag:s28] =	ssyncset.done $0x0  }
0x29a: {  	s15 =	simm.s32 $0x1500;
	[sflag:s28] =	ssyncadd.s32 $0xFFFFE000  }
0x29b: {  	[spmem:s3] =	stream.indirect.scatter.add.f32 [tilespmem:s22], [sflag:$0x7], $0x80, s15, s20, $0xb8;
	[tilespmem:$0x1E800] =	vst v63  }
0x29c: {  	_ =	swait.ge [sflag:s30], $0x2000  }
0x29d: {  	[sflag:s30] =	ssyncset.done $0x0  }
0x29e: {  	s16 =	simm.s32 $0x200;
	[sflag:s30] =	ssyncadd.s32 $0xFFFFE000  }
0x29f: {  	[tilespmem:s17], [sflag:$0x1] =	stream.indirect.gather [hbm4b:s1+s20], $0x80, s16, s20, $0xb8;
	[tilespmem:$0x1E800] =	vst v63  }
0x2a0: {  	_ =	swait.ge [sflag:s0], $0x2000  }
0x2a1: {  	[sflag:s0] =	ssyncset.done $0x0  }
0x2a2: {  	s15 =	simm.s32 $0x1580;
	[sflag:s0] =	ssyncadd.s32 $0xFFFFE000  }
0x2a3: {  	[spmem:s3] =	stream.indirect.scatter.add.f32 [tilespmem:s26], [sflag:$0x8], $0x80, s15, s20, $0xb8;
	[tilespmem:$0x1E800] =	vst v63  }
0x2a4: {  	_ =	swait.ge [sflag:s9], $0x2000  }
0x2a5: {  	[sflag:s9] =	ssyncset.done $0x0  }
0x2a6: {  	s16 =	simm.s32 $0x280;
	[sflag:s9] =	ssyncadd.s32 $0xFFFFE000  }
0x2a7: {  	[tilespmem:s7], [sflag:$0x2] =	stream.indirect.gather [hbm4b:s1+s20], $0x80, s16, s20, $0xb8;
	[tilespmem:$0x1E800] =	vst v63  }
.LBB2_18:
0x2a8: {  	_ =	swait.ge [sflag:s8], $0x2000  }
0x2a9: {  	s5 =	sshra.s32 s14, $0x2;
	[sflag:s8] =	ssyncset.done $0x0  }
0x2aa: {  	s15 =	sadd.s32 $0x1600, s5;
	[sflag:s8] =	ssyncadd.s32 $0xFFFFE000  }
0x2ab: {  	[spmem:s3] =	stream.indirect.scatter.add.f32 [tilespmem:s17], [sflag:$0x5], $0x80, s15, s20, $0xb8;
	[tilespmem:$0x1E800] =	vst v63  }
0x2ac: {  	_ =	swait.ge [sflag:s11], $0x2000  }
0x2ad: {  	[sflag:s11] =	ssyncset.done $0x0  }
0x2ae: {  	s16 =	sadd.s32 $0x300, s5;
	[sflag:s11] =	ssyncadd.s32 $0xFFFFE000  }
0x2af: {  	[tilespmem:s22], [sflag:$0x3] =	stream.indirect.gather [hbm4b:s1+s20], $0x80, s16, s20, $0xb8;
	[tilespmem:$0x1E800] =	vst v63  }
0x2b0: {  	_ =	swait.ge [sflag:s23], $0x2000  }
0x2b1: {  	[sflag:s23] =	ssyncset.done $0x0  }
0x2b2: {  	s16 =	sadd.s32 $0x1680, s5;
	[sflag:s23] =	ssyncadd.s32 $0xFFFFE000  }
0x2b3: {  	[spmem:s3] =	stream.indirect.scatter.add.f32 [tilespmem:s7], [sflag:$0x6], $0x80, s16, s20, $0xb8;
	[tilespmem:$0x1E800] =	vst v63  }
0x2b4: {  	_ =	swait.ge [sflag:s12], $0x2000  }
0x2b5: {  	[sflag:s12] =	ssyncset.done $0x0  }
0x2b6: {  	p1 =	seq.s32 s14, $0x4000;
	s16 =	sadd.s32 $0x380, s5;
	[sflag:s12] =	ssyncadd.s32 $0xFFFFE000  }
0x2b7: {  	[tilespmem:s26], [sflag:$0x4] =	stream.indirect.gather [hbm4b:s1+s20], $0x80, s16, s20, $0xb8;
	[tilespmem:$0x1E800] =	vst v63  }
.Ltmp13:
0x2b8: {  	_ = 	snop;
	(pc) =	sbr.rel @p1 .LBB2_20-.Ltmp13, $4  }
0x2b9: {  	_ =	swait.ge [sflag:s28], $0x2000  }
0x2ba: {  	[sflag:s28] =	ssyncset.done $0x0  }
0x2bb: {  	s15 =	sadd.s32 $0x1780, s5;
	s16 =	sadd.s32 $0x1700, s5;
	[sflag:s28] =	ssyncadd.s32 $0xFFFFE000  }
0x2bc: {  	[spmem:s3] =	stream.indirect.scatter.add.f32 [tilespmem:s22], [sflag:$0x7], $0x80, s16, s20, $0xb8;
	[tilespmem:$0x1E800] =	vst v63  }
0x2bd: {  	_ =	swait.ge [sflag:s30], $0x2000  }
0x2be: {  	[sflag:s30] =	ssyncset.done $0x0  }
0x2bf: {  	s16 =	sadd.s32 $0x400, s5;
	[sflag:s30] =	ssyncadd.s32 $0xFFFFE000  }
0x2c0: {  	[tilespmem:s17], [sflag:$0x1] =	stream.indirect.gather [hbm4b:s1+s20], $0x80, s16, s20, $0xb8;
	[tilespmem:$0x1E800] =	vst v63  }
0x2c1: {  	_ =	swait.ge [sflag:s0], $0x2000  }
0x2c2: {  	[sflag:s0] =	ssyncset.done $0x0  }
0x2c3: {  	[sflag:s0] =	ssyncadd.s32 $0xFFFFE000  }
0x2c4: {  	[spmem:s3] =	stream.indirect.scatter.add.f32 [tilespmem:s26], [sflag:$0x8], $0x80, s15, s20, $0xb8;
	[tilespmem:$0x1E800] =	vst v63  }
.Ltmp14:
0x2c5: {  	_ = 	snop;
	(pc) =	sbr.rel .LBB2_18-.Ltmp14, $4  }
0x2c6: {  	_ =	swait.ge [sflag:s9], $0x2000  }
0x2c7: {  	[sflag:s9] =	ssyncset.done $0x0  }
0x2c8: {  	s14 =	sadd.s32 $0x800, s14;
	s16 =	sadd.s32 $0x480, s5;
	[sflag:s9] =	ssyncadd.s32 $0xFFFFE000  }
0x2c9: {  	[tilespmem:s7], [sflag:$0x2] =	stream.indirect.gather [hbm4b:s1+s20], $0x80, s16, s20, $0xb8;
	[tilespmem:$0x1E800] =	vst v63  }
.LBB2_20:
0x2ca: {  	_ =	swait.ge [sflag:s0], $0x2000  }
0x2cb: {  	[sflag:s0] =	ssyncset.done $0x0  }
0x2cc: {  	[sflag:s0] =	ssyncadd.s32 $0xFFFFE000  }
0x2cd: {  	[spmem:s3] =	stream.indirect.scatter.add.f32 [tilespmem:s26], [sflag:$0x8], $0x80, s15, s20, $0xb8;
	[tilespmem:$0x1E800] =	vst v63  }
0x2ce: {  	_ =	swait.ge [sflag:s30], $0x2000  }
0x2cf: {  	[sflag:s30] =	ssyncset.done $0x0  }
0x2d0: {  	[sflag:s30] =	ssyncadd.s32 $0xFFFFE000  }
0x2d1: {  	_ =	swait.ge [sflag:s9], $0x2000  }
0x2d2: {  	[sflag:s9] =	ssyncset.done $0x0  }
0x2d3: {  	[sflag:s9] =	ssyncadd.s32 $0xFFFFE000  }
0x2d4: {  	_ =	swait.ge [sflag:s11], $0x2000  }
0x2d5: {  	[sflag:s11] =	ssyncset.done $0x0  }
0x2d6: {  	[sflag:s11] =	ssyncadd.s32 $0xFFFFE000  }
0x2d7: {  	_ =	swait.ge [sflag:s12], $0x2000  }
0x2d8: {  	[sflag:s12] =	ssyncset.done $0x0  }
0x2d9: {  	s14 =	simm.s32 $0x0;
	s5 =	rddreg [dreg:$0x11];
	[sflag:s12] =	ssyncadd.s32 $0xFFFFE000  }
0x2da: {  	[tilespmem:s14], [sflag:$0x9] =	stream.linear.gather [hbm4b:s5+s14], $0x1400, $0x38;
	[tilespmem:$0x1E800] =	vst v63  }
0x2db: {  	_ =	swait.ge [sflag:s18], $0x1400  }
0x2dc: {  	[sflag:s18] =	ssyncset.done $0x0  }
0x2dd: {  	s16 =	rddreg [dreg:$0x12];
	[sflag:s18] =	ssyncadd.s32 $0xFFFFEC00  }
0x2de: {  	[tilespmem:s19], [sflag:$0x9] =	stream.linear.gather [hbm4b:s16+s14], $0x1400, $0x38;
	[tilespmem:$0x1E800] =	vst v63  }
0x2df: {  	_ =	swait.ge [sflag:s18], $0x1400  }
0x2e0: {  	[sflag:s18] =	ssyncset.done $0x0  }
0x2e1: {  	[sflag:s18] =	ssyncadd.s32 $0xFFFFEC00  }
0x2e2: {  	[tilespmem:s17], [sflag:$0x1] =	stream.indirect.gather [hbm4b:s1+s20], $0x80, s14, s20, $0xb8;
	[tilespmem:$0x1E800] =	vst v63  }
0x2e3: {  	_ = 	snop  }
0x2e4: {  	[tilespmem:s7], [sflag:$0x2] =	stream.indirect.gather [hbm4b:s1+s20], $0x80, s2, s20, $0xb8;
	[tilespmem:$0x1E800] =	vst v63  }
0x2e5: {  	_ =	swait.ge [sflag:s8], $0x2000  }
0x2e6: {  	[sflag:s8] =	ssyncset.done $0x0  }
0x2e7: {  	[sflag:s8] =	ssyncadd.s32 $0xFFFFE000  }
0x2e8: {  	[spmem:s3] =	stream.indirect.scatter.add.f32 [tilespmem:s17], [sflag:$0x5], $0x80, s19, s20, $0xb8;
	[tilespmem:$0x1E800] =	vst v63  }
0x2e9: {  	_ = 	snop  }
0x2ea: {  	[tilespmem:s22], [sflag:$0x3] =	stream.indirect.gather [hbm4b:s1+s20], $0x80, s21, s20, $0xb8;
	[tilespmem:$0x1E800] =	vst v63  }
0x2eb: {  	_ =	swait.ge [sflag:s23], $0x2000  }
0x2ec: {  	[sflag:s23] =	ssyncset.done $0x0  }
0x2ed: {  	[sflag:s23] =	ssyncadd.s32 $0xFFFFE000  }
0x2ee: {  	[spmem:s3] =	stream.indirect.scatter.add.f32 [tilespmem:s7], [sflag:$0x6], $0x80, s31, s20, $0xb8;
	[tilespmem:$0x1E800] =	vst v63  }
0x2ef: {  	s5 =	simm.s32 $0x180  }
0x2f0: {  	[tilespmem:s26], [sflag:$0x4] =	stream.indirect.gather [hbm4b:s1+s20], $0x80, s5, s20, $0xb8;
	[tilespmem:$0x1E800] =	vst v63  }
0x2f1: {  	_ =	swait.ge [sflag:s28], $0x2000  }
0x2f2: {  	[sflag:s28] =	ssyncset.done $0x0  }
0x2f3: {  	s15 =	simm.s32 $0x1500;
	[sflag:s28] =	ssyncadd.s32 $0xFFFFE000  }
0x2f4: {  	[spmem:s3] =	stream.indirect.scatter.add.f32 [tilespmem:s22], [sflag:$0x7], $0x80, s15, s20, $0xb8;
	[tilespmem:$0x1E800] =	vst v63  }
0x2f5: {  	_ =	swait.ge [sflag:s30], $0x2000  }
0x2f6: {  	[sflag:s30] =	ssyncset.done $0x0  }
0x2f7: {  	s16 =	simm.s32 $0x200;
	[sflag:s30] =	ssyncadd.s32 $0xFFFFE000  }
0x2f8: {  	[tilespmem:s17], [sflag:$0x1] =	stream.indirect.gather [hbm4b:s1+s20], $0x80, s16, s20, $0xb8;
	[tilespmem:$0x1E800] =	vst v63  }
0x2f9: {  	_ =	swait.ge [sflag:s0], $0x2000  }
0x2fa: {  	[sflag:s0] =	ssyncset.done $0x0  }
0x2fb: {  	s21 =	simm.s32 $0x1580;
	[sflag:s0] =	ssyncadd.s32 $0xFFFFE000  }
0x2fc: {  	[spmem:s3] =	stream.indirect.scatter.add.f32 [tilespmem:s26], [sflag:$0x8], $0x80, s21, s20, $0xb8;
	[tilespmem:$0x1E800] =	vst v63  }
0x2fd: {  	_ =	swait.ge [sflag:s9], $0x2000  }
0x2fe: {  	[sflag:s9] =	ssyncset.done $0x0  }
0x2ff: {  	s31 =	simm.s32 $0x280;
	[sflag:s9] =	ssyncadd.s32 $0xFFFFE000  }
0x300: {  	[tilespmem:s7], [sflag:$0x2] =	stream.indirect.gather [hbm4b:s1+s20], $0x80, s31, s20, $0xb8;
	[tilespmem:$0x1E800] =	vst v63  }
.LBB2_21:
0x301: {  	_ =	swait.ge [sflag:s8], $0x2000  }
0x302: {  	s5 =	sshra.s32 s14, $0x2;
	[sflag:s8] =	ssyncset.done $0x0  }
0x303: {  	s15 =	sadd.s32 $0x1600, s5;
	[sflag:s8] =	ssyncadd.s32 $0xFFFFE000  }
0x304: {  	[spmem:s3] =	stream.indirect.scatter.add.f32 [tilespmem:s17], [sflag:$0x5], $0x80, s15, s20, $0xb8;
	[tilespmem:$0x1E800] =	vst v63  }
0x305: {  	_ =	swait.ge [sflag:s11], $0x2000  }
0x306: {  	[sflag:s11] =	ssyncset.done $0x0  }
0x307: {  	s2 =	sadd.s32 $0x300, s5;
	[sflag:s11] =	ssyncadd.s32 $0xFFFFE000  }
0x308: {  	[tilespmem:s22], [sflag:$0x3] =	stream.indirect.gather [hbm4b:s1+s20], $0x80, s2, s20, $0xb8;
	[tilespmem:$0x1E800] =	vst v63  }
0x309: {  	_ =	swait.ge [sflag:s23], $0x2000  }
0x30a: {  	[sflag:s23] =	ssyncset.done $0x0  }
0x30b: {  	s16 =	sadd.s32 $0x1680, s5;
	[sflag:s23] =	ssyncadd.s32 $0xFFFFE000  }
0x30c: {  	[spmem:s3] =	stream.indirect.scatter.add.f32 [tilespmem:s7], [sflag:$0x6], $0x80, s16, s20, $0xb8;
	[tilespmem:$0x1E800] =	vst v63  }
0x30d: {  	_ =	swait.ge [sflag:s12], $0x2000  }
0x30e: {  	[sflag:s12] =	ssyncset.done $0x0  }
0x30f: {  	p1 =	seq.s32 s14, $0x4000;
	s21 =	sadd.s32 $0x380, s5;
	[sflag:s12] =	ssyncadd.s32 $0xFFFFE000  }
0x310: {  	[tilespmem:s26], [sflag:$0x4] =	stream.indirect.gather [hbm4b:s1+s20], $0x80, s21, s20, $0xb8;
	[tilespmem:$0x1E800] =	vst v63  }
.Ltmp15:
0x311: {  	_ = 	snop;
	(pc) =	sbr.rel @p1 .LBB2_23-.Ltmp15, $4  }
0x312: {  	_ =	swait.ge [sflag:s28], $0x2000  }
0x313: {  	[sflag:s28] =	ssyncset.done $0x0  }
0x314: {  	s31 =	sadd.s32 $0x1700, s5;
	s15 =	sadd.s32 $0x1780, s5;
	[sflag:s28] =	ssyncadd.s32 $0xFFFFE000  }
0x315: {  	[spmem:s3] =	stream.indirect.scatter.add.f32 [tilespmem:s22], [sflag:$0x7], $0x80, s31, s20, $0xb8;
	[tilespmem:$0x1E800] =	vst v63  }
0x316: {  	_ =	swait.ge [sflag:s30], $0x2000  }
0x317: {  	[sflag:s30] =	ssyncset.done $0x0  }
0x318: {  	s16 =	sadd.s32 $0x400, s5;
	[sflag:s30] =	ssyncadd.s32 $0xFFFFE000  }
0x319: {  	[tilespmem:s17], [sflag:$0x1] =	stream.indirect.gather [hbm4b:s1+s20], $0x80, s16, s20, $0xb8;
	[tilespmem:$0x1E800] =	vst v63  }
0x31a: {  	_ =	swait.ge [sflag:s0], $0x2000  }
0x31b: {  	[sflag:s0] =	ssyncset.done $0x0  }
0x31c: {  	[sflag:s0] =	ssyncadd.s32 $0xFFFFE000  }
0x31d: {  	[spmem:s3] =	stream.indirect.scatter.add.f32 [tilespmem:s26], [sflag:$0x8], $0x80, s15, s20, $0xb8;
	[tilespmem:$0x1E800] =	vst v63  }
.Ltmp16:
0x31e: {  	_ = 	snop;
	(pc) =	sbr.rel .LBB2_21-.Ltmp16, $4  }
0x31f: {  	_ =	swait.ge [sflag:s9], $0x2000  }
0x320: {  	[sflag:s9] =	ssyncset.done $0x0  }
0x321: {  	s31 =	sadd.s32 $0x480, s5;
	s14 =	sadd.s32 $0x800, s14;
	[sflag:s9] =	ssyncadd.s32 $0xFFFFE000  }
0x322: {  	[tilespmem:s7], [sflag:$0x2] =	stream.indirect.gather [hbm4b:s1+s20], $0x80, s31, s20, $0xb8;
	[tilespmem:$0x1E800] =	vst v63  }
.LBB2_25:
0x323: {  	_ =	sfence.sel $0x180000  }
0x324: {  	[bflag:$0x0] =	sbarrier.arrive $0xFFFF  }
0x325: {  	_ =	strace $0x9000004A  }
0x326: {  	s0 =	stileid.u32;
	[bflag:$0x2] =	sbarrier.arrive $0xFFFF  }
0x327: {  	p0 =	sne.s32 s0, $0x0;
	s0 =	rddreg [dreg:$0x3]  }
0x328: {  	s0 =	sadd.s32 @!p0 $0x100000, s0  }
0x329: {  	[sflag:s0] =	ssyncadd.tile.s32 @!p0 $0x1;
	_ =	shalt  }
.Lfunc_end2:
_tile_overlayer_lowered:
.L_overlay_start_2:
0x32a: {  	(tag) =	ssettag $0x2  }
0x32b: {  	s0 =	rddreg [dreg:$0x0];
	s2 =	stileid.u32  }
0x32c: {  	s1 =	rddreg [dreg:$0x1];
	p0 =	sne.s32 s2, $0x0  }
0x32d: {  	s3 =	rddreg [dreg:$0x2];
	[bflag:$0x3] =	sbarrier.arrive $0xFFFF;
	s2 =	simm.s32 @!p0 $0x1C09  }
0x32e: {  	[timem:s3], [sflag:s2] =	dma.local @!p0 [hbm:s0], s1  }
0x32f: {  	s0 =	simm.s32 @!p0 $0x9  }
0x330: {  	_ =	swait.ge @!p0 [sflag:s0], s1  }
0x331: {  	s1 =	ssub.s32 @!p0 $0x0, s1;
	[sflag:s0] =	ssyncset.done @!p0 $0x0  }
0x332: {  	[sflag:s0] =	ssyncadd.s32 @!p0 s1  }
0x333: {  	[bflag:$0x3] =	sbarrier.arrive $0xFFFF  }
0x334: {  	_ =	shalt  }

</sc_bundles>
